<compile_context>
chip_gen: v7x
topology: tpu7x:2x2x1
jax: 0.10.2.dev20260603
libtpu: 0.0.44.dev20260713+nightly
codegen_flags: <defaults>
</compile_context>

<pallas_src>
import jax
import jax.numpy as jnp
from jax import lax
from jax.experimental import pallas as pl
from jax.experimental.pallas import tpu as pltpu
from jax.experimental.pallas import tpu_sc as plsc

N_NODES = 10000
N_OPS = 5000
MAX_ARITY = 64
CUT = 32
EMB = 128

NC = 2
NS = 16
NW = NC * NS
OPS_PAD = 5120
OPT = OPS_PAD // NW
NB = 2
BM = 512


def _logits_body(e_ref, w_ref, o_ref):
    o_ref[...] = jnp.dot(e_ref[...], w_ref[...],
                         preferred_element_type=jnp.float32)


def _logits(embs, w_extra):
    return pl.pallas_call(
        _logits_body,
        out_shape=jax.ShapeDtypeStruct((N_NODES, 1), jnp.float32),
    )(embs, w_extra)


def _gather_body(embs_hbm, ci_hbm, lgt_hbm, a_hbm,
                 ci_v, lgt_v, rows_v, tab, *sems):
    gsems, osems = sems[:NB], sems[NB:]
    cid = lax.axis_index("c")
    sid = lax.axis_index("s")
    wid = sid * NC + cid
    start = wid * OPT
    @pl.when(sid == 0)
    def _():
        pltpu.sync_copy(embs_hbm, tab)

    pltpu.sync_copy(ci_hbm.at[pl.ds(start, OPT)], ci_v)
    pltpu.sync_copy(lgt_hbm, lgt_v)
    plsc.subcore_barrier()

    def issue_gather(p, b):
        pltpu.async_copy(tab.at[ci_v.at[p]], rows_v.at[b], gsems[b])

    def wait_gather(p, b):
        pltpu.make_async_copy(
            tab.at[ci_v.at[p]], rows_v.at[b], gsems[b]).wait()

    def issue_out(p, b):
        pltpu.async_copy(rows_v.at[b, pl.ds(0, CUT + 1)],
                         a_hbm.at[start + p], osems[b])

    def wait_out(p, b):
        pltpu.make_async_copy(rows_v.at[b, pl.ds(0, CUT + 1)],
                              a_hbm.at[start + p], osems[b]).wait()

    for b in range(NB - 1):
        issue_gather(b, b)

    def step(g, carry):
        for b in range(NB):
            p = g * NB + b
            wait_gather(p, b)
            q = p + NB - 1
            bq = (b + NB - 1) % NB

            @pl.when(q < OPT)
            def _():
                @pl.when(p >= 1)
                def _():
                    wait_out(p - 1, bq)
                issue_gather(q, bq)
            c1 = ci_v[p, pl.ds(CUT, 16)]
            c2 = ci_v[p, pl.ds(CUT + 16, 16)]
            l1 = plsc.load_gather(lgt_v, [c1])
            l2 = plsc.load_gather(lgt_v, [c2])
            m = jnp.max(jnp.maximum(l1, l2))
            e1 = jnp.exp(l1 - m)
            e2 = jnp.exp(l2 - m)
            s = jnp.sum(e1 + e2)
            w1 = e1 / s
            w2 = e2 / s
            acc = [jnp.zeros((16,), jnp.float32) for _ in range(8)]
            for k in range(CUT):
                wk = w1[k] if k < 16 else w2[k - 16]
                for r in range(8):
                    acc[r] = acc[r] + wk * rows_v[b, CUT + k, pl.ds(r * 16, 16)]
            for r in range(8):
                rows_v[b, CUT, pl.ds(r * 16, 16)] = acc[r]
            issue_out(p, b)
        return carry

    lax.fori_loop(0, OPT // NB, step, 0)
    for j in range(NB):
        p = OPT - NB + j
        wait_out(p, p % NB)


def _gather_aggregate(embs, ci_pad, lgt):
    mesh = plsc.VectorSubcoreMesh(core_axis_name="c", subcore_axis_name="s",
                                  num_cores=NC, num_subcores=NS)
    f = pl.kernel(
        _gather_body,
        out_type=jax.ShapeDtypeStruct((OPS_PAD, CUT + 1, EMB), jnp.float32),
        mesh=mesh,
        compiler_params=pltpu.CompilerParams(needs_layout_passes=False),
        scratch_types=[
            pltpu.VMEM((OPT, MAX_ARITY), jnp.int32),
            pltpu.VMEM((N_NODES,), jnp.float32),
            pltpu.VMEM((NB, MAX_ARITY, EMB), jnp.float32),
            pltpu.VMEM_SHARED((N_NODES, EMB), jnp.float32),
        ] + [pltpu.SemaphoreType.DMA] * (2 * NB),
    )
    return f(embs, ci_pad, lgt)


def _cell_body(scat_ref, a_ref, w_ref, b_ref, e_ref, o_ref, res_ref):
    i = pl.program_id(0)

    @pl.when(i == 0)
    def _():
        o_ref[...] = e_ref[...]

    acc = b_ref[...]
    for j in range(CUT + 1):
        acc = acc + jnp.dot(a_ref[:, j, :], w_ref[pl.ds(j * EMB, EMB), :],
                            preferred_element_type=jnp.float32)
    res_ref[...] = jnp.tanh(acc)

    base = i * BM
    nfull = (N_OPS // BM) * BM
    rem = N_OPS - nfull

    def body(p, carry):
        r = scat_ref[base + p]
        o_ref[pl.ds(r, 1), :] = res_ref[pl.ds(p, 1), :]
        return carry

    @pl.when(base < nfull)
    def _():
        lax.fori_loop(0, BM, body, 0, unroll=8)

    @pl.when(base == nfull)
    def _():
        lax.fori_loop(0, rem, body, 0, unroll=8)


def _cell_scatter(op_idx, a_mat, w_c, b_c, embs):
    grid_spec = pltpu.PrefetchScalarGridSpec(
        num_scalar_prefetch=1,
        grid=(OPS_PAD // BM,),
        in_specs=[
            pl.BlockSpec((BM, CUT + 1, EMB), lambda i, s: (i, 0, 0)),
            pl.BlockSpec(((CUT + 1) * EMB, EMB), lambda i, s: (0, 0)),
            pl.BlockSpec((1, EMB), lambda i, s: (0, 0)),
            pl.BlockSpec((N_NODES, EMB), lambda i, s: (0, 0)),
        ],
        out_specs=pl.BlockSpec((N_NODES, EMB), lambda i, s: (0, 0)),
        scratch_shapes=[pltpu.VMEM((BM, EMB), jnp.float32)],
    )
    return pl.pallas_call(
        _cell_body,
        grid_spec=grid_spec,
        out_shape=jax.ShapeDtypeStruct((N_NODES, EMB), jnp.float32),
    )(op_idx, a_mat, w_c, b_c, embs)


def kernel(embs, child_idx, op_idx, W_c, b_c, W_extra, b_extra):
    del b_extra
    ci_pad = jnp.zeros((OPS_PAD, MAX_ARITY), jnp.int32).at[:N_OPS].set(child_idx)
    lgt = _logits(embs, W_extra).reshape(N_NODES)
    a_mat = _gather_aggregate(embs, ci_pad, lgt)
    return _cell_scatter(op_idx, a_mat, W_c, b_c.reshape(1, EMB), embs)

# --- scband reference (transcript-rebuilt; emitter-appended) ---
"""Pipeline reference for scband-encoder-62199716380694 (READ-ONLY COPY).

The authoritative reference and input builder live on the scoring server;
editing this copy changes nothing except your own understanding.
"""

import jax, jax.numpy as jnp
import numpy as np

N_NODES = 10000
N_OPS = 5000
MAX_ARITY = 64
CUT_ARITY = 32
EMB = 128


def setup_inputs(seed: int = 0) -> dict:
    key = jax.random.key(seed)
    k1, k2, k3, k4, k5, k6, k7 = jax.random.split(key, 7)
    embs = jax.random.normal(k1, (N_NODES, EMB), dtype=jnp.float32)
    child_idx = jax.random.randint(k2, (N_OPS, MAX_ARITY), 0, N_NODES, dtype=jnp.int32)
    op_idx = jax.random.randint(k3, (N_OPS,), 0, N_NODES, dtype=jnp.int32)
    # Learned parameters: flat variable-arity cell C_t and extra-children attention net C_extra_t
    W_c = jax.random.normal(k4, (CUT_ARITY * EMB + EMB, EMB), dtype=jnp.float32) * 0.02
    b_c = jnp.zeros((EMB,), dtype=jnp.float32)
    W_extra = jax.random.normal(k5, (EMB, 1), dtype=jnp.float32) * 0.02
    b_extra = jnp.zeros((1,), dtype=jnp.float32)
    return {"embs": embs, "child_idx": child_idx, "op_idx": op_idx,
            "W_c": W_c, "b_c": b_c, "W_extra": W_extra, "b_extra": b_extra}


def reference(embs, child_idx, op_idx, W_c, b_c, W_extra, b_extra):
    # FLAT variable-arity 'C' step of the tree Encoder:
    # gather children embeddings for each op node
    gathered = jnp.take(embs, child_idx, axis=0)  # [N_OPS, MAX_ARITY, EMB]
    n_ops = gathered.shape[0]
    # first cut_arity children flattened as direct cell input
    inp = gathered[:, :CUT_ARITY, :].reshape(n_ops, CUT_ARITY * EMB)
    # extra children beyond cut_arity: softmax-weighted aggregation (C_extra network)
    extra_inp = gathered[:, CUT_ARITY:, :]  # [N_OPS, MAX_ARITY-CUT, EMB]
    logits = extra_inp @ W_extra + b_extra  # [N_OPS, MAX_ARITY-CUT, 1]
    weights = jax.nn.softmax(logits, axis=1)  # softmax over extra-children axis
    extra_children = jnp.sum(weights * extra_inp, axis=1)  # [N_OPS, EMB]
    # cell network on concat of first children + aggregated extra children
    full = jnp.concatenate([inp, extra_children], axis=-1)  # [N_OPS, CUT*EMB+EMB]
    res = jnp.tanh(full @ W_c + b_c)  # [N_OPS, EMB]
    # scatter_update of the batch embedding table at the op node numbers
    new_embs = embs.at[op_idx].set(res)
    return new_embs

if __name__ == "__main__":
    import jax
    _d = setup_inputs()
    print(jax.jit(kernel)(*tuple(_d.values())))

</pallas_src>

<mosaic_0001>
#map = affine_map<(d0, d1) -> (0, 0)>
#map1 = affine_map<(d0, d1) -> (0)>
#map2 = affine_map<(d0, d1) -> (0, 0, 0)>
module attributes {stable_mosaic.version = 14 : i64} {
  func.func @_gather_body(%arg0: i32, %arg1: i32, %arg2: memref<10000x128xf32, #tpu.memory_space<hbm>>, %arg3: memref<5120x64xi32, #tpu.memory_space<hbm>>, %arg4: memref<10000xf32, #tpu.memory_space<hbm>>, %arg5: memref<5120x33x128xf32, #tpu.memory_space<hbm>>, %arg6: memref<160x64xi32, #tpu.memory_space<vmem>>, %arg7: memref<10000xf32, #tpu.memory_space<vmem>>, %arg8: memref<2x64x128xf32, #tpu.memory_space<vmem>>, %arg9: memref<10000x128xf32, #tpu.memory_space<vmem_shared>>, %arg10: memref<!tpu.dma_semaphore, #tpu.memory_space<semaphore_mem>>, %arg11: memref<!tpu.dma_semaphore, #tpu.memory_space<semaphore_mem>>, %arg12: memref<!tpu.dma_semaphore, #tpu.memory_space<semaphore_mem>>, %arg13: memref<!tpu.dma_semaphore, #tpu.memory_space<semaphore_mem>>) attributes {dimension_semantics = [#tpu.dimension_semantics<core_parallel>, #tpu.dimension_semantics<subcore_parallel>], iteration_bounds = array<i64: 2, 16>, scalar_prefetch = 0 : i64, scratch_operands = 8 : i64, tpu.core_type = #tpu.core_type<sc_vector_subcore>, window_params = [{transform_indices = #map}, {transform_indices = #map}, {transform_indices = #map1}, {transform_indices = #map2}]} {
    %mul3A = arith.constant 2 : i32
    %mul3A_0 = arith.muli %arg1, %mul3A : i32
    %add3A = arith.addi %mul3A_0, %arg0 : i32
    %mul3A_1 = arith.constant 160 : i32
    %mul3A_2 = arith.muli %add3A, %mul3A_1 : i32
    %eq3A = arith.constant 0 : i32
    %eq3A_3 = arith.cmpi eq, %arg1, %eq3A : i32
    %convert_element_type3A = arith.extui %eq3A_3 : i1 to i32
    %cond3A = arith.constant 0 : i32
    %cond3A_4 = arith.cmpi ne, %convert_element_type3A, %cond3A : i32
    scf.if %cond3A_4 {
      "tpu.region"() ({
        %run_scoped3A = tpu.sem_alloc : memref<!tpu.dma_semaphore, #tpu.memory_space<semaphore_mem>>
        tpu.enqueue_dma source(%arg2 : memref<10000x128xf32, #tpu.memory_space<hbm>>) target(%arg9 : memref<10000x128xf32, #tpu.memory_space<vmem_shared>>) target_semaphore(%run_scoped3A : memref<!tpu.dma_semaphore, #tpu.memory_space<semaphore_mem>>)
        tpu.wait_dma2 semaphore(%run_scoped3A : memref<!tpu.dma_semaphore, #tpu.memory_space<semaphore_mem>>) src(%arg2 : memref<10000x128xf32, #tpu.memory_space<hbm>>) dst(%arg9 : memref<10000x128xf32, #tpu.memory_space<vmem_shared>>)
        tpu.yield
      }) : () -> ()
    } else {
    }
    "tpu.region"() ({
      %run_scoped3A = tpu.sem_alloc : memref<!tpu.dma_semaphore, #tpu.memory_space<semaphore_mem>>
      %dma_start3A_58 = arith.constant 0 : i32
      %dma_start3A_59 = tpu.memref_slice %arg3[%mul3A_2, %dma_start3A_58] : memref<5120x64xi32, #tpu.memory_space<hbm>> -> memref<160x64xi32, #tpu.memory_space<hbm>>
      %dma_start3A_60 = arith.constant 0 : i32
      %dma_start3A_61 = tpu.memref_slice %arg3[%mul3A_2, %dma_start3A_60] : memref<5120x64xi32, #tpu.memory_space<hbm>> -> memref<160x64xi32, #tpu.memory_space<hbm>>
      tpu.enqueue_dma source(%dma_start3A_61 : memref<160x64xi32, #tpu.memory_space<hbm>>) target(%arg6 : memref<160x64xi32, #tpu.memory_space<vmem>>) target_semaphore(%run_scoped3A : memref<!tpu.dma_semaphore, #tpu.memory_space<semaphore_mem>>)
      %dma_wait3A_62 = arith.constant 0 : i32
      %dma_wait3A_63 = tpu.memref_slice %arg3[%mul3A_2, %dma_wait3A_62] : memref<5120x64xi32, #tpu.memory_space<hbm>> -> memref<160x64xi32, #tpu.memory_space<hbm>>
      %dma_wait3A_64 = arith.constant 0 : i32
      %dma_wait3A_65 = tpu.memref_slice %arg3[%mul3A_2, %dma_wait3A_64] : memref<5120x64xi32, #tpu.memory_space<hbm>> -> memref<160x64xi32, #tpu.memory_space<hbm>>
      tpu.wait_dma2 semaphore(%run_scoped3A : memref<!tpu.dma_semaphore, #tpu.memory_space<semaphore_mem>>) src(%dma_wait3A_65 : memref<160x64xi32, #tpu.memory_space<hbm>>) dst(%arg6 : memref<160x64xi32, #tpu.memory_space<vmem>>)
      tpu.yield
    }) : () -> ()
    "tpu.region"() ({
      %run_scoped3A = tpu.sem_alloc : memref<!tpu.dma_semaphore, #tpu.memory_space<semaphore_mem>>
      tpu.enqueue_dma source(%arg4 : memref<10000xf32, #tpu.memory_space<hbm>>) target(%arg7 : memref<10000xf32, #tpu.memory_space<vmem>>) target_semaphore(%run_scoped3A : memref<!tpu.dma_semaphore, #tpu.memory_space<semaphore_mem>>)
      tpu.wait_dma2 semaphore(%run_scoped3A : memref<!tpu.dma_semaphore, #tpu.memory_space<semaphore_mem>>) src(%arg4 : memref<10000xf32, #tpu.memory_space<hbm>>) dst(%arg7 : memref<10000xf32, #tpu.memory_space<vmem>>)
      tpu.yield
    }) : () -> ()
    %barrier3A = arith.constant 0 : index
    tpu.barrier barrier_id(%barrier3A)
    %dma_start3A = arith.constant 0 : i32
    %dma_start3A_5 = arith.constant 0 : i32
    %dma_start3A_6 = arith.constant 0 : i32
    %dma_start3A_7 = arith.constant 0 : i32
    %dma_start3A_8 = tpu.memref_slice %arg8[%dma_start3A_5, %dma_start3A_6, %dma_start3A_7] : memref<2x64x128xf32, #tpu.memory_space<vmem>> -> memref<1x64x128xf32, #tpu.memory_space<vmem>>
    %dma_start3A_9 = tpu.memref_squeeze %dma_start3A_8 : memref<1x64x128xf32, #tpu.memory_space<vmem>> -> memref<64x128xf32, #tpu.memory_space<vmem>>
    %dma_start3A_10 = arith.constant 0 : i32
    %dma_start3A_11 = tpu.memref_slice %arg6[%dma_start3A, %dma_start3A_10] : memref<160x64xi32, #tpu.memory_space<vmem>> -> memref<1x64xi32, #tpu.memory_space<vmem>>
    %dma_start3A_12 = tpu.memref_squeeze %dma_start3A_11 : memref<1x64xi32, #tpu.memory_space<vmem>> -> memref<64xi32, #tpu.memory_space<vmem>>
    %dma_start3A_13 = arith.constant 0 : i32
    %dma_start3A_14 = arith.constant 0 : i32
    %dma_start3A_15 = tpu.memref_slice %arg9[%dma_start3A_13, %dma_start3A_14] : memref<10000x128xf32, #tpu.memory_space<vmem_shared>> -> memref<10000x128xf32, #tpu.memory_space<vmem_shared>>
    tpu.enqueue_indirect_dma source(%dma_start3A_15 : memref<10000x128xf32, #tpu.memory_space<vmem_shared>>) target(%dma_start3A_9 : memref<64x128xf32, #tpu.memory_space<vmem>>) offsets(%dma_start3A_12 : memref<64xi32, #tpu.memory_space<vmem>>) semaphore(%arg10 : memref<!tpu.dma_semaphore, #tpu.memory_space<semaphore_mem>>)
    %scan3A = arith.constant 0 : i32
    %scan3A_16 = arith.constant 0 : i32
    %scan3A_17 = arith.constant 80 : i32
    %scan3A_18 = arith.addi %scan3A_16, %scan3A_17 : i32
    %scan3A_19 = arith.constant 1 : i32
    scf.for %scan3A_58 = %scan3A_16 to %scan3A_18 step %scan3A_19  : i32 {
      %mul3A_59 = arith.constant 2 : i32
      %mul3A_60 = arith.muli %scan3A_58, %mul3A_59 : i32
      %add3A_61 = arith.constant 0 : i32
      %add3A_62 = arith.addi %mul3A_60, %add3A_61 : i32
      %dma_wait3A_63 = arith.constant 0 : i32
      %dma_wait3A_64 = arith.constant 0 : i32
      %dma_wait3A_65 = arith.constant 0 : i32
      %dma_wait3A_66 = tpu.memref_slice %arg8[%dma_wait3A_63, %dma_wait3A_64, %dma_wait3A_65] : memref<2x64x128xf32, #tpu.memory_space<vmem>> -> memref<1x64x128xf32, #tpu.memory_space<vmem>>
      %dma_wait3A_67 = tpu.memref_squeeze %dma_wait3A_66 : memref<1x64x128xf32, #tpu.memory_space<vmem>> -> memref<64x128xf32, #tpu.memory_space<vmem>>
      %dma_wait3A_68 = arith.constant 0 : i32
      %dma_wait3A_69 = tpu.memref_slice %arg6[%add3A_62, %dma_wait3A_68] : memref<160x64xi32, #tpu.memory_space<vmem>> -> memref<1x64xi32, #tpu.memory_space<vmem>>
      %dma_wait3A_70 = tpu.memref_squeeze %dma_wait3A_69 : memref<1x64xi32, #tpu.memory_space<vmem>> -> memref<64xi32, #tpu.memory_space<vmem>>
      %dma_wait3A_71 = arith.constant 0 : i32
      %dma_wait3A_72 = arith.constant 0 : i32
      %dma_wait3A_73 = tpu.memref_slice %arg9[%dma_wait3A_71, %dma_wait3A_72] : memref<10000x128xf32, #tpu.memory_space<vmem_shared>> -> memref<10000x128xf32, #tpu.memory_space<vmem_shared>>
      tpu.wait_indirect_dma semaphore(%arg10 : memref<!tpu.dma_semaphore, #tpu.memory_space<semaphore_mem>>) src(%dma_wait3A_73 : memref<10000x128xf32, #tpu.memory_space<vmem_shared>>) dst(%dma_wait3A_67 : memref<64x128xf32, #tpu.memory_space<vmem>>)
      %add3A_74 = arith.constant 2 : i32
      %add3A_75 = arith.addi %add3A_62, %add3A_74 : i32
      %sub3A = arith.constant 1 : i32
      %sub3A_76 = arith.subi %add3A_75, %sub3A : i32
      %lt3A = arith.constant 160 : i32
      %lt3A_77 = arith.cmpi slt, %sub3A_76, %lt3A : i32
      %convert_element_type3A_78 = arith.extui %lt3A_77 : i1 to i32
      %cond3A_79 = arith.constant 0 : i32
      %cond3A_80 = arith.cmpi ne, %convert_element_type3A_78, %cond3A_79 : i32
      scf.if %cond3A_80 {
        %ge3A = arith.constant 1 : i32
        %ge3A_5050 = arith.cmpi sge, %add3A_62, %ge3A : i32
        %convert_element_type3A_5051 = arith.extui %ge3A_5050 : i1 to i32
        %cond3A_5052 = arith.constant 0 : i32
        %cond3A_5053 = arith.cmpi ne, %convert_element_type3A_5051, %cond3A_5052 : i32
        scf.if %cond3A_5053 {
          %sub3A_5065 = arith.constant 1 : i32
          %sub3A_5066 = arith.subi %add3A_62, %sub3A_5065 : i32
          %add3A_5067 = arith.addi %mul3A_2, %sub3A_5066 : i32
          %dma_wait3A_5068 = arith.constant 1 : i32
          %dma_wait3A_5069 = arith.constant 0 : i32
          %dma_wait3A_5070 = arith.constant 0 : i32
          %dma_wait3A_5071 = tpu.memref_slice %arg8[%dma_wait3A_5068, %dma_wait3A_5069, %dma_wait3A_5070] : memref<2x64x128xf32, #tpu.memory_space<vmem>> -> memref<1x33x128xf32, #tpu.memory_space<vmem>>
          %dma_wait3A_5072 = tpu.memref_squeeze %dma_wait3A_5071 : memref<1x33x128xf32, #tpu.memory_space<vmem>> -> memref<33x128xf32, #tpu.memory_space<vmem>>
          %dma_wait3A_5073 = arith.constant 0 : i32
          %dma_wait3A_5074 = arith.constant 0 : i32
          %dma_wait3A_5075 = tpu.memref_slice %arg5[%add3A_5067, %dma_wait3A_5073, %dma_wait3A_5074] : memref<5120x33x128xf32, #tpu.memory_space<hbm>> -> memref<1x33x128xf32, #tpu.memory_space<hbm>>
          %dma_wait3A_5076 = tpu.memref_squeeze %dma_wait3A_5075 : memref<1x33x128xf32, #tpu.memory_space<hbm>> -> memref<33x128xf32, #tpu.memory_space<hbm>>
          %dma_wait3A_5077 = arith.constant 0 : i32
          %dma_wait3A_5078 = arith.constant 0 : i32
          %dma_wait3A_5079 = tpu.memref_slice %arg5[%add3A_5067, %dma_wait3A_5077, %dma_wait3A_5078] : memref<5120x33x128xf32, #tpu.memory_space<hbm>> -> memref<1x33x128xf32, #tpu.memory_space<hbm>>
          %dma_wait3A_5080 = tpu.memref_squeeze %dma_wait3A_5079 : memref<1x33x128xf32, #tpu.memory_space<hbm>> -> memref<33x128xf32, #tpu.memory_space<hbm>>
          %dma_wait3A_5081 = arith.constant 0 : i32
          %dma_wait3A_5082 = arith.constant 0 : i32
          %dma_wait3A_5083 = tpu.memref_slice %arg8[%dma_wait3A_5068, %dma_wait3A_5081, %dma_wait3A_5082] : memref<2x64x128xf32, #tpu.memory_space<vmem>> -> memref<1x33x128xf32, #tpu.memory_space<vmem>>
          %dma_wait3A_5084 = tpu.memref_squeeze %dma_wait3A_5083 : memref<1x33x128xf32, #tpu.memory_space<vmem>> -> memref<33x128xf32, #tpu.memory_space<vmem>>
          tpu.wait_dma2 semaphore(%arg13 : memref<!tpu.dma_semaphore, #tpu.memory_space<semaphore_mem>>) src(%dma_wait3A_5084 : memref<33x128xf32, #tpu.memory_space<vmem>>) dst(%dma_wait3A_5080 : memref<33x128xf32, #tpu.memory_space<hbm>>)
        } else {
        }
        %dma_start3A_5054 = arith.constant 1 : i32
        %dma_start3A_5055 = arith.constant 0 : i32
        %dma_start3A_5056 = arith.constant 0 : i32
        %dma_start3A_5057 = tpu.memref_slice %arg8[%dma_start3A_5054, %dma_start3A_5055, %dma_start3A_5056] : memref<2x64x128xf32, #tpu.memory_space<vmem>> -> memref<1x64x128xf32, #tpu.memory_space<vmem>>
        %dma_start3A_5058 = tpu.memref_squeeze %dma_start3A_5057 : memref<1x64x128xf32, #tpu.memory_space<vmem>> -> memref<64x128xf32, #tpu.memory_space<vmem>>
        %dma_start3A_5059 = arith.constant 0 : i32
        %dma_start3A_5060 = tpu.memref_slice %arg6[%sub3A_76, %dma_start3A_5059] : memref<160x64xi32, #tpu.memory_space<vmem>> -> memref<1x64xi32, #tpu.memory_space<vmem>>
        %dma_start3A_5061 = tpu.memref_squeeze %dma_start3A_5060 : memref<1x64xi32, #tpu.memory_space<vmem>> -> memref<64xi32, #tpu.memory_space<vmem>>
        %dma_start3A_5062 = arith.constant 0 : i32
        %dma_start3A_5063 = arith.constant 0 : i32
        %dma_start3A_5064 = tpu.memref_slice %arg9[%dma_start3A_5062, %dma_start3A_5063] : memref<10000x128xf32, #tpu.memory_space<vmem_shared>> -> memref<10000x128xf32, #tpu.memory_space<vmem_shared>>
        tpu.enqueue_indirect_dma source(%dma_start3A_5064 : memref<10000x128xf32, #tpu.memory_space<vmem_shared>>) target(%dma_start3A_5058 : memref<64x128xf32, #tpu.memory_space<vmem>>) offsets(%dma_start3A_5061 : memref<64xi32, #tpu.memory_space<vmem>>) semaphore(%arg11 : memref<!tpu.dma_semaphore, #tpu.memory_space<semaphore_mem>>)
      } else {
      }
      %get3A = arith.index_cast %add3A_62 : i32 to index
      %get3A_81 = arith.constant 32 : index
      %get3A_82 = tpu.vector_load %arg6[%get3A, %get3A_81] {strides = array<i32>} : memref<160x64xi32, #tpu.memory_space<vmem>>, vector<16xi32>,
      %get3A_83 = arith.index_cast %add3A_62 : i32 to index
      %get3A_84 = arith.constant 48 : index
      %get3A_85 = tpu.vector_load %arg6[%get3A_83, %get3A_84] {strides = array<i32>} : memref<160x64xi32, #tpu.memory_space<vmem>>, vector<16xi32>,
      %gather3A = tpu.vector_load_idx %arg7[%get3A_82] : memref<10000xf32, #tpu.memory_space<vmem>>[vector<16xi32>], vector<16xf32>,
      %gather3A_86 = tpu.vector_load_idx %arg7[%get3A_85] : memref<10000xf32, #tpu.memory_space<vmem>>[vector<16xi32>], vector<16xf32>,
      %max3A = arith.maximumf %gather3A, %gather3A_86 : vector<16xf32>
      %reduce_max3A = arith.constant true
      %reduce_max3A_87 = vector.broadcast %reduce_max3A : i1 to vector<16xi1>
      %reduce_max3A_88 = tpu.scan <max>, %max3A masked %reduce_max3A_87 : vector<16xf32>, vector<16xi1> -> vector<16xf32>
      %reduce_max3A_89 = vector.extract %reduce_max3A_88[15] : f32 from vector<16xf32>
      %sub3A_90 = vector.broadcast %reduce_max3A_89 : f32 to vector<16xf32>
      %sub3A_91 = arith.subf %gather3A, %sub3A_90 : vector<16xf32>
      %exp3A = math.exp %sub3A_91 : vector<16xf32>
      %sub3A_92 = vector.broadcast %reduce_max3A_89 : f32 to vector<16xf32>
      %sub3A_93 = arith.subf %gather3A_86, %sub3A_92 : vector<16xf32>
      %exp3A_94 = math.exp %sub3A_93 : vector<16xf32>
      %add3A_95 = arith.addf %exp3A, %exp3A_94 : vector<16xf32>
      %reduce_sum3A = arith.constant true
      %reduce_sum3A_96 = vector.broadcast %reduce_sum3A : i1 to vector<16xi1>
      %reduce_sum3A_97 = tpu.scan <sum>, %add3A_95 masked %reduce_sum3A_96 : vector<16xf32>, vector<16xi1> -> vector<16xf32>
      %reduce_sum3A_98 = vector.extract %reduce_sum3A_97[15] : f32 from vector<16xf32>
      %div3A = vector.broadcast %reduce_sum3A_98 : f32 to vector<16xf32>
      %div3A_99 = arith.divf %exp3A, %div3A : vector<16xf32>
      %div3A_100 = vector.broadcast %reduce_sum3A_98 : f32 to vector<16xf32>
      %div3A_101 = arith.divf %exp3A_94, %div3A_100 : vector<16xf32>
      %broadcast_in_dim3A = arith.constant 0.000000e+00 : f32
      %broadcast_in_dim3A_102 = vector.broadcast %broadcast_in_dim3A : f32 to vector<16xf32>
      %broadcast_in_dim3A_103 = arith.constant 0.000000e+00 : f32
      %broadcast_in_dim3A_104 = vector.broadcast %broadcast_in_dim3A_103 : f32 to vector<16xf32>
      %broadcast_in_dim3A_105 = arith.constant 0.000000e+00 : f32
      %broadcast_in_dim3A_106 = vector.broadcast %broadcast_in_dim3A_105 : f32 to vector<16xf32>
      %broadcast_in_dim3A_107 = arith.constant 0.000000e+00 : f32
      %broadcast_in_dim3A_108 = vector.broadcast %broadcast_in_dim3A_107 : f32 to vector<16xf32>
      %broadcast_in_dim3A_109 = arith.constant 0.000000e+00 : f32
      %broadcast_in_dim3A_110 = vector.broadcast %broadcast_in_dim3A_109 : f32 to vector<16xf32>
      %broadcast_in_dim3A_111 = arith.constant 0.000000e+00 : f32
      %broadcast_in_dim3A_112 = vector.broadcast %broadcast_in_dim3A_111 : f32 to vector<16xf32>
      %broadcast_in_dim3A_113 = arith.constant 0.000000e+00 : f32
      %broadcast_in_dim3A_114 = vector.broadcast %broadcast_in_dim3A_113 : f32 to vector<16xf32>
      %broadcast_in_dim3A_115 = arith.constant 0.000000e+00 : f32
      %broadcast_in_dim3A_116 = vector.broadcast %broadcast_in_dim3A_115 : f32 to vector<16xf32>
      %slice3A = vector.extract_strided_slice %div3A_99 {offsets = [0], sizes = [1], strides = [1]} : vector<16xf32> to vector<1xf32>
      %squeeze3A = vector.extract %slice3A[0] : f32 from vector<1xf32>
      %get3A_117 = arith.constant 0 : i32
      %get3A_118 = arith.constant 32 : i32
      %get3A_119 = arith.index_cast %get3A_117 : i32 to index
      %get3A_120 = arith.index_cast %get3A_118 : i32 to index
      %get3A_121 = arith.constant 0 : index
      %get3A_122 = tpu.vector_load %arg8[%get3A_119, %get3A_120, %get3A_121] {strides = array<i32>} : memref<2x64x128xf32, #tpu.memory_space<vmem>>, vector<16xf32>,
      %mul3A_123 = vector.broadcast %squeeze3A : f32 to vector<16xf32>
      %mul3A_124 = arith.mulf %mul3A_123, %get3A_122 : vector<16xf32>
      %add3A_125 = arith.addf %broadcast_in_dim3A_102, %mul3A_124 : vector<16xf32>
      %get3A_126 = arith.constant 0 : i32
      %get3A_127 = arith.constant 32 : i32
      %get3A_128 = arith.index_cast %get3A_126 : i32 to index
      %get3A_129 = arith.index_cast %get3A_127 : i32 to index
      %get3A_130 = arith.constant 16 : index
      %get3A_131 = tpu.vector_load %arg8[%get3A_128, %get3A_129, %get3A_130] {strides = array<i32>} : memref<2x64x128xf32, #tpu.memory_space<vmem>>, vector<16xf32>,
      %mul3A_132 = vector.broadcast %squeeze3A : f32 to vector<16xf32>
      %mul3A_133 = arith.mulf %mul3A_132, %get3A_131 : vector<16xf32>
      %add3A_134 = arith.addf %broadcast_in_dim3A_104, %mul3A_133 : vector<16xf32>
      %get3A_135 = arith.constant 0 : i32
      %get3A_136 = arith.constant 32 : i32
      %get3A_137 = arith.index_cast %get3A_135 : i32 to index
      %get3A_138 = arith.index_cast %get3A_136 : i32 to index
      %get3A_139 = arith.constant 32 : index
      %get3A_140 = tpu.vector_load %arg8[%get3A_137, %get3A_138, %get3A_139] {strides = array<i32>} : memref<2x64x128xf32, #tpu.memory_space<vmem>>, vector<16xf32>,
      %mul3A_141 = vector.broadcast %squeeze3A : f32 to vector<16xf32>
      %mul3A_142 = arith.mulf %mul3A_141, %get3A_140 : vector<16xf32>
      %add3A_143 = arith.addf %broadcast_in_dim3A_106, %mul3A_142 : vector<16xf32>
      %get3A_144 = arith.constant 0 : i32
      %get3A_145 = arith.constant 32 : i32
      %get3A_146 = arith.index_cast %get3A_144 : i32 to index
      %get3A_147 = arith.index_cast %get3A_145 : i32 to index
      %get3A_148 = arith.constant 48 : index
      %get3A_149 = tpu.vector_load %arg8[%get3A_146, %get3A_147, %get3A_148] {strides = array<i32>} : memref<2x64x128xf32, #tpu.memory_space<vmem>>, vector<16xf32>,
      %mul3A_150 = vector.broadcast %squeeze3A : f32 to vector<16xf32>
      %mul3A_151 = arith.mulf %mul3A_150, %get3A_149 : vector<16xf32>
      %add3A_152 = arith.addf %broadcast_in_dim3A_108, %mul3A_151 : vector<16xf32>
      %get3A_153 = arith.constant 0 : i32
      %get3A_154 = arith.constant 32 : i32
      %get3A_155 = arith.index_cast %get3A_153 : i32 to index
      %get3A_156 = arith.index_cast %get3A_154 : i32 to index
      %get3A_157 = arith.constant 64 : index
      %get3A_158 = tpu.vector_load %arg8[%get3A_155, %get3A_156, %get3A_157] {strides = array<i32>} : memref<2x64x128xf32, #tpu.memory_space<vmem>>, vector<16xf32>,
      %mul3A_159 = vector.broadcast %squeeze3A : f32 to vector<16xf32>
      %mul3A_160 = arith.mulf %mul3A_159, %get3A_158 : vector<16xf32>
      %add3A_161 = arith.addf %broadcast_in_dim3A_110, %mul3A_160 : vector<16xf32>
      %get3A_162 = arith.constant 0 : i32
      %get3A_163 = arith.constant 32 : i32
      %get3A_164 = arith.index_cast %get3A_162 : i32 to index
      %get3A_165 = arith.index_cast %get3A_163 : i32 to index
      %get3A_166 = arith.constant 80 : index
      %get3A_167 = tpu.vector_load %arg8[%get3A_164, %get3A_165, %get3A_166] {strides = array<i32>} : memref<2x64x128xf32, #tpu.memory_space<vmem>>, vector<16xf32>,
      %mul3A_168 = vector.broadcast %squeeze3A : f32 to vector<16xf32>
      %mul3A_169 = arith.mulf %mul3A_168, %get3A_167 : vector<16xf32>
      %add3A_170 = arith.addf %broadcast_in_dim3A_112, %mul3A_169 : vector<16xf32>
      %get3A_171 = arith.constant 0 : i32
      %get3A_172 = arith.constant 32 : i32
      %get3A_173 = arith.index_cast %get3A_171 : i32 to index
      %get3A_174 = arith.index_cast %get3A_172 : i32 to index
      %get3A_175 = arith.constant 96 : index
      %get3A_176 = tpu.vector_load %arg8[%get3A_173, %get3A_174, %get3A_175] {strides = array<i32>} : memref<2x64x128xf32, #tpu.memory_space<vmem>>, vector<16xf32>,
      %mul3A_177 = vector.broadcast %squeeze3A : f32 to vector<16xf32>
      %mul3A_178 = arith.mulf %mul3A_177, %get3A_176 : vector<16xf32>
      %add3A_179 = arith.addf %broadcast_in_dim3A_114, %mul3A_178 : vector<16xf32>
      %get3A_180 = arith.constant 0 : i32
      %get3A_181 = arith.constant 32 : i32
      %get3A_182 = arith.index_cast %get3A_180 : i32 to index
      %get3A_183 = arith.index_cast %get3A_181 : i32 to index
      %get3A_184 = arith.constant 112 : index
      %get3A_185 = tpu.vector_load %arg8[%get3A_182, %get3A_183, %get3A_184] {strides = array<i32>} : memref<2x64x128xf32, #tpu.memory_space<vmem>>, vector<16xf32>,
      %mul3A_186 = vector.broadcast %squeeze3A : f32 to vector<16xf32>
      %mul3A_187 = arith.mulf %mul3A_186, %get3A_185 : vector<16xf32>
      %add3A_188 = arith.addf %broadcast_in_dim3A_116, %mul3A_187 : vector<16xf32>
      %slice3A_189 = vector.extract_strided_slice %div3A_99 {offsets = [1], sizes = [1], strides = [1]} : vector<16xf32> to vector<1xf32>
      %squeeze3A_190 = vector.extract %slice3A_189[0] : f32 from vector<1xf32>
      %get3A_191 = arith.constant 0 : i32
      %get3A_192 = arith.constant 33 : i32
      %get3A_193 = arith.index_cast %get3A_191 : i32 to index
      %get3A_194 = arith.index_cast %get3A_192 : i32 to index
      %get3A_195 = arith.constant 0 : index
      %get3A_196 = tpu.vector_load %arg8[%get3A_193, %get3A_194, %get3A_195] {strides = array<i32>} : memref<2x64x128xf32, #tpu.memory_space<vmem>>, vector<16xf32>,
      %mul3A_197 = vector.broadcast %squeeze3A_190 : f32 to vector<16xf32>
      %mul3A_198 = arith.mulf %mul3A_197, %get3A_196 : vector<16xf32>
      %add3A_199 = arith.addf %add3A_125, %mul3A_198 : vector<16xf32>
      %get3A_200 = arith.constant 0 : i32
      %get3A_201 = arith.constant 33 : i32
      %get3A_202 = arith.index_cast %get3A_200 : i32 to index
      %get3A_203 = arith.index_cast %get3A_201 : i32 to index
      %get3A_204 = arith.constant 16 : index
      %get3A_205 = tpu.vector_load %arg8[%get3A_202, %get3A_203, %get3A_204] {strides = array<i32>} : memref<2x64x128xf32, #tpu.memory_space<vmem>>, vector<16xf32>,
      %mul3A_206 = vector.broadcast %squeeze3A_190 : f32 to vector<16xf32>
      %mul3A_207 = arith.mulf %mul3A_206, %get3A_205 : vector<16xf32>
      %add3A_208 = arith.addf %add3A_134, %mul3A_207 : vector<16xf32>
      %get3A_209 = arith.constant 0 : i32
      %get3A_210 = arith.constant 33 : i32
      %get3A_211 = arith.index_cast %get3A_209 : i32 to index
      %get3A_212 = arith.index_cast %get3A_210 : i32 to index
      %get3A_213 = arith.constant 32 : index
      %get3A_214 = tpu.vector_load %arg8[%get3A_211, %get3A_212, %get3A_213] {strides = array<i32>} : memref<2x64x128xf32, #tpu.memory_space<vmem>>, vector<16xf32>,
      %mul3A_215 = vector.broadcast %squeeze3A_190 : f32 to vector<16xf32>
      %mul3A_216 = arith.mulf %mul3A_215, %get3A_214 : vector<16xf32>
      %add3A_217 = arith.addf %add3A_143, %mul3A_216 : vector<16xf32>
      %get3A_218 = arith.constant 0 : i32
      %get3A_219 = arith.constant 33 : i32
      %get3A_220 = arith.index_cast %get3A_218 : i32 to index
      %get3A_221 = arith.index_cast %get3A_219 : i32 to index
      %get3A_222 = arith.constant 48 : index
      %get3A_223 = tpu.vector_load %arg8[%get3A_220, %get3A_221, %get3A_222] {strides = array<i32>} : memref<2x64x128xf32, #tpu.memory_space<vmem>>, vector<16xf32>,
      %mul3A_224 = vector.broadcast %squeeze3A_190 : f32 to vector<16xf32>
      %mul3A_225 = arith.mulf %mul3A_224, %get3A_223 : vector<16xf32>
      %add3A_226 = arith.addf %add3A_152, %mul3A_225 : vector<16xf32>
      %get3A_227 = arith.constant 0 : i32
      %get3A_228 = arith.constant 33 : i32
      %get3A_229 = arith.index_cast %get3A_227 : i32 to index
      %get3A_230 = arith.index_cast %get3A_228 : i32 to index
      %get3A_231 = arith.constant 64 : index
      %get3A_232 = tpu.vector_load %arg8[%get3A_229, %get3A_230, %get3A_231] {strides = array<i32>} : memref<2x64x128xf32, #tpu.memory_space<vmem>>, vector<16xf32>,
      %mul3A_233 = vector.broadcast %squeeze3A_190 : f32 to vector<16xf32>
      %mul3A_234 = arith.mulf %mul3A_233, %get3A_232 : vector<16xf32>
      %add3A_235 = arith.addf %add3A_161, %mul3A_234 : vector<16xf32>
      %get3A_236 = arith.constant 0 : i32
      %get3A_237 = arith.constant 33 : i32
      %get3A_238 = arith.index_cast %get3A_236 : i32 to index
      %get3A_239 = arith.index_cast %get3A_237 : i32 to index
      %get3A_240 = arith.constant 80 : index
      %get3A_241 = tpu.vector_load %arg8[%get3A_238, %get3A_239, %get3A_240] {strides = array<i32>} : memref<2x64x128xf32, #tpu.memory_space<vmem>>, vector<16xf32>,
      %mul3A_242 = vector.broadcast %squeeze3A_190 : f32 to vector<16xf32>
      %mul3A_243 = arith.mulf %mul3A_242, %get3A_241 : vector<16xf32>
      %add3A_244 = arith.addf %add3A_170, %mul3A_243 : vector<16xf32>
      %get3A_245 = arith.constant 0 : i32
      %get3A_246 = arith.constant 33 : i32
      %get3A_247 = arith.index_cast %get3A_245 : i32 to index
      %get3A_248 = arith.index_cast %get3A_246 : i32 to index
      %get3A_249 = arith.constant 96 : index
      %get3A_250 = tpu.vector_load %arg8[%get3A_247, %get3A_248, %get3A_249] {strides = array<i32>} : memref<2x64x128xf32, #tpu.memory_space<vmem>>, vector<16xf32>,
      %mul3A_251 = vector.broadcast %squeeze3A_190 : f32 to vector<16xf32>
      %mul3A_252 = arith.mulf %mul3A_251, %get3A_250 : vector<16xf32>
      %add3A_253 = arith.addf %add3A_179, %mul3A_252 : vector<16xf32>
      %get3A_254 = arith.constant 0 : i32
      %get3A_255 = arith.constant 33 : i32
      %get3A_256 = arith.index_cast %get3A_254 : i32 to index
      %get3A_257 = arith.index_cast %get3A_255 : i32 to index
      %get3A_258 = arith.constant 112 : index
      %get3A_259 = tpu.vector_load %arg8[%get3A_256, %get3A_257, %get3A_258] {strides = array<i32>} : memref<2x64x128xf32, #tpu.memory_space<vmem>>, vector<16xf32>,
      %mul3A_260 = vector.broadcast %squeeze3A_190 : f32 to vector<16xf32>
      %mul3A_261 = arith.mulf %mul3A_260, %get3A_259 : vector<16xf32>
      %add3A_262 = arith.addf %add3A_188, %mul3A_261 : vector<16xf32>
      %slice3A_263 = vector.extract_strided_slice %div3A_99 {offsets = [2], sizes = [1], strides = [1]} : vector<16xf32> to vector<1xf32>
      %squeeze3A_264 = vector.extract %slice3A_263[0] : f32 from vector<1xf32>
      %get3A_265 = arith.constant 0 : i32
      %get3A_266 = arith.constant 34 : i32
      %get3A_267 = arith.index_cast %get3A_265 : i32 to index
      %get3A_268 = arith.index_cast %get3A_266 : i32 to index
      %get3A_269 = arith.constant 0 : index
      %get3A_270 = tpu.vector_load %arg8[%get3A_267, %get3A_268, %get3A_269] {strides = array<i32>} : memref<2x64x128xf32, #tpu.memory_space<vmem>>, vector<16xf32>,
      %mul3A_271 = vector.broadcast %squeeze3A_264 : f32 to vector<16xf32>
      %mul3A_272 = arith.mulf %mul3A_271, %get3A_270 : vector<16xf32>
      %add3A_273 = arith.addf %add3A_199, %mul3A_272 : vector<16xf32>
      %get3A_274 = arith.constant 0 : i32
      %get3A_275 = arith.constant 34 : i32
      %get3A_276 = arith.index_cast %get3A_274 : i32 to index
      %get3A_277 = arith.index_cast %get3A_275 : i32 to index
      %get3A_278 = arith.constant 16 : index
      %get3A_279 = tpu.vector_load %arg8[%get3A_276, %get3A_277, %get3A_278] {strides = array<i32>} : memref<2x64x128xf32, #tpu.memory_space<vmem>>, vector<16xf32>,
      %mul3A_280 = vector.broadcast %squeeze3A_264 : f32 to vector<16xf32>
      %mul3A_281 = arith.mulf %mul3A_280, %get3A_279 : vector<16xf32>
      %add3A_282 = arith.addf %add3A_208, %mul3A_281 : vector<16xf32>
      %get3A_283 = arith.constant 0 : i32
      %get3A_284 = arith.constant 34 : i32
      %get3A_285 = arith.index_cast %get3A_283 : i32 to index
      %get3A_286 = arith.index_cast %get3A_284 : i32 to index
      %get3A_287 = arith.constant 32 : index
      %get3A_288 = tpu.vector_load %arg8[%get3A_285, %get3A_286, %get3A_287] {strides = array<i32>} : memref<2x64x128xf32, #tpu.memory_space<vmem>>, vector<16xf32>,
      %mul3A_289 = vector.broadcast %squeeze3A_264 : f32 to vector<16xf32>
      %mul3A_290 = arith.mulf %mul3A_289, %get3A_288 : vector<16xf32>
      %add3A_291 = arith.addf %add3A_217, %mul3A_290 : vector<16xf32>
      %get3A_292 = arith.constant 0 : i32
      %get3A_293 = arith.constant 34 : i32
      %get3A_294 = arith.index_cast %get3A_292 : i32 to index
      %get3A_295 = arith.index_cast %get3A_293 : i32 to index
      %get3A_296 = arith.constant 48 : index
      %get3A_297 = tpu.vector_load %arg8[%get3A_294, %get3A_295, %get3A_296] {strides = array<i32>} : memref<2x64x128xf32, #tpu.memory_space<vmem>>, vector<16xf32>,
      %mul3A_298 = vector.broadcast %squeeze3A_264 : f32 to vector<16xf32>
      %mul3A_299 = arith.mulf %mul3A_298, %get3A_297 : vector<16xf32>
      %add3A_300 = arith.addf %add3A_226, %mul3A_299 : vector<16xf32>
      %get3A_301 = arith.constant 0 : i32
      %get3A_302 = arith.constant 34 : i32
      %get3A_303 = arith.index_cast %get3A_301 : i32 to index
      %get3A_304 = arith.index_cast %get3A_302 : i32 to index
      %get3A_305 = arith.constant 64 : index
      %get3A_306 = tpu.vector_load %arg8[%get3A_303, %get3A_304, %get3A_305] {strides = array<i32>} : memref<2x64x128xf32, #tpu.memory_space<vmem>>, vector<16xf32>,
      %mul3A_307 = vector.broadcast %squeeze3A_264 : f32 to vector<16xf32>
      %mul3A_308 = arith.mulf %mul3A_307, %get3A_306 : vector<16xf32>
      %add3A_309 = arith.addf %add3A_235, %mul3A_308 : vector<16xf32>
      %get3A_310 = arith.constant 0 : i32
      %get3A_311 = arith.constant 34 : i32
      %get3A_312 = arith.index_cast %get3A_310 : i32 to index
      %get3A_313 = arith.index_cast %get3A_311 : i32 to index
      %get3A_314 = arith.constant 80 : index
      %get3A_315 = tpu.vector_load %arg8[%get3A_312, %get3A_313, %get3A_314] {strides = array<i32>} : memref<2x64x128xf32, #tpu.memory_space<vmem>>, vector<16xf32>,
      %mul3A_316 = vector.broadcast %squeeze3A_264 : f32 to vector<16xf32>
      %mul3A_317 = arith.mulf %mul3A_316, %get3A_315 : vector<16xf32>
      %add3A_318 = arith.addf %add3A_244, %mul3A_317 : vector<16xf32>
      %get3A_319 = arith.constant 0 : i32
      %get3A_320 = arith.constant 34 : i32
      %get3A_321 = arith.index_cast %get3A_319 : i32 to index
      %get3A_322 = arith.index_cast %get3A_320 : i32 to index
      %get3A_323 = arith.constant 96 : index
      %get3A_324 = tpu.vector_load %arg8[%get3A_321, %get3A_322, %get3A_323] {strides = array<i32>} : memref<2x64x128xf32, #tpu.memory_space<vmem>>, vector<16xf32>,
      %mul3A_325 = vector.broadcast %squeeze3A_264 : f32 to vector<16xf32>
      %mul3A_326 = arith.mulf %mul3A_325, %get3A_324 : vector<16xf32>
      %add3A_327 = arith.addf %add3A_253, %mul3A_326 : vector<16xf32>
      %get3A_328 = arith.constant 0 : i32
      %get3A_329 = arith.constant 34 : i32
      %get3A_330 = arith.index_cast %get3A_328 : i32 to index
      %get3A_331 = arith.index_cast %get3A_329 : i32 to index
      %get3A_332 = arith.constant 112 : index
      %get3A_333 = tpu.vector_load %arg8[%get3A_330, %get3A_331, %get3A_332] {strides = array<i32>} : memref<2x64x128xf32, #tpu.memory_space<vmem>>, vector<16xf32>,
      %mul3A_334 = vector.broadcast %squeeze3A_264 : f32 to vector<16xf32>
      %mul3A_335 = arith.mulf %mul3A_334, %get3A_333 : vector<16xf32>
      %add3A_336 = arith.addf %add3A_262, %mul3A_335 : vector<16xf32>
      %slice3A_337 = vector.extract_strided_slice %div3A_99 {offsets = [3], sizes = [1], strides = [1]} : vector<16xf32> to vector<1xf32>
      %squeeze3A_338 = vector.extract %slice3A_337[0] : f32 from vector<1xf32>
      %get3A_339 = arith.constant 0 : i32
      %get3A_340 = arith.constant 35 : i32
      %get3A_341 = arith.index_cast %get3A_339 : i32 to index
      %get3A_342 = arith.index_cast %get3A_340 : i32 to index
      %get3A_343 = arith.constant 0 : index
      %get3A_344 = tpu.vector_load %arg8[%get3A_341, %get3A_342, %get3A_343] {strides = array<i32>} : memref<2x64x128xf32, #tpu.memory_space<vmem>>, vector<16xf32>,
      %mul3A_345 = vector.broadcast %squeeze3A_338 : f32 to vector<16xf32>
      %mul3A_346 = arith.mulf %mul3A_345, %get3A_344 : vector<16xf32>
      %add3A_347 = arith.addf %add3A_273, %mul3A_346 : vector<16xf32>
      %get3A_348 = arith.constant 0 : i32
      %get3A_349 = arith.constant 35 : i32
      %get3A_350 = arith.index_cast %get3A_348 : i32 to index
      %get3A_351 = arith.index_cast %get3A_349 : i32 to index
      %get3A_352 = arith.constant 16 : index
      %get3A_353 = tpu.vector_load %arg8[%get3A_350, %get3A_351, %get3A_352] {strides = array<i32>} : memref<2x64x128xf32, #tpu.memory_space<vmem>>, vector<16xf32>,
      %mul3A_354 = vector.broadcast %squeeze3A_338 : f32 to vector<16xf32>
      %mul3A_355 = arith.mulf %mul3A_354, %get3A_353 : vector<16xf32>
      %add3A_356 = arith.addf %add3A_282, %mul3A_355 : vector<16xf32>
      %get3A_357 = arith.constant 0 : i32
      %get3A_358 = arith.constant 35 : i32
      %get3A_359 = arith.index_cast %get3A_357 : i32 to index
      %get3A_360 = arith.index_cast %get3A_358 : i32 to index
      %get3A_361 = arith.constant 32 : index
      %get3A_362 = tpu.vector_load %arg8[%get3A_359, %get3A_360, %get3A_361] {strides = array<i32>} : memref<2x64x128xf32, #tpu.memory_space<vmem>>, vector<16xf32>,
      %mul3A_363 = vector.broadcast %squeeze3A_338 : f32 to vector<16xf32>
      %mul3A_364 = arith.mulf %mul3A_363, %get3A_362 : vector<16xf32>
      %add3A_365 = arith.addf %add3A_291, %mul3A_364 : vector<16xf32>
      %get3A_366 = arith.constant 0 : i32
      %get3A_367 = arith.constant 35 : i32
      %get3A_368 = arith.index_cast %get3A_366 : i32 to index
      %get3A_369 = arith.index_cast %get3A_367 : i32 to index
      %get3A_370 = arith.constant 48 : index
      %get3A_371 = tpu.vector_load %arg8[%get3A_368, %get3A_369, %get3A_370] {strides = array<i32>} : memref<2x64x128xf32, #tpu.memory_space<vmem>>, vector<16xf32>,
      %mul3A_372 = vector.broadcast %squeeze3A_338 : f32 to vector<16xf32>
      %mul3A_373 = arith.mulf %mul3A_372, %get3A_371 : vector<16xf32>
      %add3A_374 = arith.addf %add3A_300, %mul3A_373 : vector<16xf32>
      %get3A_375 = arith.constant 0 : i32
      %get3A_376 = arith.constant 35 : i32
      %get3A_377 = arith.index_cast %get3A_375 : i32 to index
      %get3A_378 = arith.index_cast %get3A_376 : i32 to index
      %get3A_379 = arith.constant 64 : index
      %get3A_380 = tpu.vector_load %arg8[%get3A_377, %get3A_378, %get3A_379] {strides = array<i32>} : memref<2x64x128xf32, #tpu.memory_space<vmem>>, vector<16xf32>,
      %mul3A_381 = vector.broadcast %squeeze3A_338 : f32 to vector<16xf32>
      %mul3A_382 = arith.mulf %mul3A_381, %get3A_380 : vector<16xf32>
      %add3A_383 = arith.addf %add3A_309, %mul3A_382 : vector<16xf32>
      %get3A_384 = arith.constant 0 : i32
      %get3A_385 = arith.constant 35 : i32
      %get3A_386 = arith.index_cast %get3A_384 : i32 to index
      %get3A_387 = arith.index_cast %get3A_385 : i32 to index
      %get3A_388 = arith.constant 80 : index
      %get3A_389 = tpu.vector_load %arg8[%get3A_386, %get3A_387, %get3A_388] {strides = array<i32>} : memref<2x64x128xf32, #tpu.memory_space<vmem>>, vector<16xf32>,
      %mul3A_390 = vector.broadcast %squeeze3A_338 : f32 to vector<16xf32>
      %mul3A_391 = arith.mulf %mul3A_390, %get3A_389 : vector<16xf32>
      %add3A_392 = arith.addf %add3A_318, %mul3A_391 : vector<16xf32>
      %get3A_393 = arith.constant 0 : i32
      %get3A_394 = arith.constant 35 : i32
      %get3A_395 = arith.index_cast %get3A_393 : i32 to index
      %get3A_396 = arith.index_cast %get3A_394 : i32 to index
      %get3A_397 = arith.constant 96 : index
      %get3A_398 = tpu.vector_load %arg8[%get3A_395, %get3A_396, %get3A_397] {strides = array<i32>} : memref<2x64x128xf32, #tpu.memory_space<vmem>>, vector<16xf32>,
      %mul3A_399 = vector.broadcast %squeeze3A_338 : f32 to vector<16xf32>
      %mul3A_400 = arith.mulf %mul3A_399, %get3A_398 : vector<16xf32>
      %add3A_401 = arith.addf %add3A_327, %mul3A_400 : vector<16xf32>
      %get3A_402 = arith.constant 0 : i32
      %get3A_403 = arith.constant 35 : i32
      %get3A_404 = arith.index_cast %get3A_402 : i32 to index
      %get3A_405 = arith.index_cast %get3A_403 : i32 to index
      %get3A_406 = arith.constant 112 : index
      %get3A_407 = tpu.vector_load %arg8[%get3A_404, %get3A_405, %get3A_406] {strides = array<i32>} : memref<2x64x128xf32, #tpu.memory_space<vmem>>, vector<16xf32>,
      %mul3A_408 = vector.broadcast %squeeze3A_338 : f32 to vector<16xf32>
      %mul3A_409 = arith.mulf %mul3A_408, %get3A_407 : vector<16xf32>
      %add3A_410 = arith.addf %add3A_336, %mul3A_409 : vector<16xf32>
      %slice3A_411 = vector.extract_strided_slice %div3A_99 {offsets = [4], sizes = [1], strides = [1]} : vector<16xf32> to vector<1xf32>
      %squeeze3A_412 = vector.extract %slice3A_411[0] : f32 from vector<1xf32>
      %get3A_413 = arith.constant 0 : i32
      %get3A_414 = arith.constant 36 : i32
      %get3A_415 = arith.index_cast %get3A_413 : i32 to index
      %get3A_416 = arith.index_cast %get3A_414 : i32 to index
      %get3A_417 = arith.constant 0 : index
      %get3A_418 = tpu.vector_load %arg8[%get3A_415, %get3A_416, %get3A_417] {strides = array<i32>} : memref<2x64x128xf32, #tpu.memory_space<vmem>>, vector<16xf32>,
      %mul3A_419 = vector.broadcast %squeeze3A_412 : f32 to vector<16xf32>
      %mul3A_420 = arith.mulf %mul3A_419, %get3A_418 : vector<16xf32>
      %add3A_421 = arith.addf %add3A_347, %mul3A_420 : vector<16xf32>
      %get3A_422 = arith.constant 0 : i32
      %get3A_423 = arith.constant 36 : i32
      %get3A_424 = arith.index_cast %get3A_422 : i32 to index
      %get3A_425 = arith.index_cast %get3A_423 : i32 to index
      %get3A_426 = arith.constant 16 : index
      %get3A_427 = tpu.vector_load %arg8[%get3A_424, %get3A_425, %get3A_426] {strides = array<i32>} : memref<2x64x128xf32, #tpu.memory_space<vmem>>, vector<16xf32>,
      %mul3A_428 = vector.broadcast %squeeze3A_412 : f32 to vector<16xf32>
      %mul3A_429 = arith.mulf %mul3A_428, %get3A_427 : vector<16xf32>
      %add3A_430 = arith.addf %add3A_356, %mul3A_429 : vector<16xf32>
      %get3A_431 = arith.constant 0 : i32
      %get3A_432 = arith.constant 36 : i32
      %get3A_433 = arith.index_cast %get3A_431 : i32 to index
      %get3A_434 = arith.index_cast %get3A_432 : i32 to index
      %get3A_435 = arith.constant 32 : index
      %get3A_436 = tpu.vector_load %arg8[%get3A_433, %get3A_434, %get3A_435] {strides = array<i32>} : memref<2x64x128xf32, #tpu.memory_space<vmem>>, vector<16xf32>,
      %mul3A_437 = vector.broadcast %squeeze3A_412 : f32 to vector<16xf32>
      %mul3A_438 = arith.mulf %mul3A_437, %get3A_436 : vector<16xf32>
      %add3A_439 = arith.addf %add3A_365, %mul3A_438 : vector<16xf32>
      %get3A_440 = arith.constant 0 : i32
      %get3A_441 = arith.constant 36 : i32
      %get3A_442 = arith.index_cast %get3A_440 : i32 to index
      %get3A_443 = arith.index_cast %get3A_441 : i32 to index
      %get3A_444 = arith.constant 48 : index
      %get3A_445 = tpu.vector_load %arg8[%get3A_442, %get3A_443, %get3A_444] {strides = array<i32>} : memref<2x64x128xf32, #tpu.memory_space<vmem>>, vector<16xf32>,
      %mul3A_446 = vector.broadcast %squeeze3A_412 : f32 to vector<16xf32>
      %mul3A_447 = arith.mulf %mul3A_446, %get3A_445 : vector<16xf32>
      %add3A_448 = arith.addf %add3A_374, %mul3A_447 : vector<16xf32>
      %get3A_449 = arith.constant 0 : i32
      %get3A_450 = arith.constant 36 : i32
      %get3A_451 = arith.index_cast %get3A_449 : i32 to index
      %get3A_452 = arith.index_cast %get3A_450 : i32 to index
      %get3A_453 = arith.constant 64 : index
      %get3A_454 = tpu.vector_load %arg8[%get3A_451, %get3A_452, %get3A_453] {strides = array<i32>} : memref<2x64x128xf32, #tpu.memory_space<vmem>>, vector<16xf32>,
      %mul3A_455 = vector.broadcast %squeeze3A_412 : f32 to vector<16xf32>
      %mul3A_456 = arith.mulf %mul3A_455, %get3A_454 : vector<16xf32>
      %add3A_457 = arith.addf %add3A_383, %mul3A_456 : vector<16xf32>
      %get3A_458 = arith.constant 0 : i32
      %get3A_459 = arith.constant 36 : i32
      %get3A_460 = arith.index_cast %get3A_458 : i32 to index
      %get3A_461 = arith.index_cast %get3A_459 : i32 to index
      %get3A_462 = arith.constant 80 : index
      %get3A_463 = tpu.vector_load %arg8[%get3A_460, %get3A_461, %get3A_462] {strides = array<i32>} : memref<2x64x128xf32, #tpu.memory_space<vmem>>, vector<16xf32>,
      %mul3A_464 = vector.broadcast %squeeze3A_412 : f32 to vector<16xf32>
      %mul3A_465 = arith.mulf %mul3A_464, %get3A_463 : vector<16xf32>
      %add3A_466 = arith.addf %add3A_392, %mul3A_465 : vector<16xf32>
      %get3A_467 = arith.constant 0 : i32
      %get3A_468 = arith.constant 36 : i32
      %get3A_469 = arith.index_cast %get3A_467 : i32 to index
      %get3A_470 = arith.index_cast %get3A_468 : i32 to index
      %get3A_471 = arith.constant 96 : index
      %get3A_472 = tpu.vector_load %arg8[%get3A_469, %get3A_470, %get3A_471] {strides = array<i32>} : memref<2x64x128xf32, #tpu.memory_space<vmem>>, vector<16xf32>,
      %mul3A_473 = vector.broadcast %squeeze3A_412 : f32 to vector<16xf32>
      %mul3A_474 = arith.mulf %mul3A_473, %get3A_472 : vector<16xf32>
      %add3A_475 = arith.addf %add3A_401, %mul3A_474 : vector<16xf32>
      %get3A_476 = arith.constant 0 : i32
      %get3A_477 = arith.constant 36 : i32
      %get3A_478 = arith.index_cast %get3A_476 : i32 to index
      %get3A_479 = arith.index_cast %get3A_477 : i32 to index
      %get3A_480 = arith.constant 112 : index
      %get3A_481 = tpu.vector_load %arg8[%get3A_478, %get3A_479, %get3A_480] {strides = array<i32>} : memref<2x64x128xf32, #tpu.memory_space<vmem>>, vector<16xf32>,
      %mul3A_482 = vector.broadcast %squeeze3A_412 : f32 to vector<16xf32>
      %mul3A_483 = arith.mulf %mul3A_482, %get3A_481 : vector<16xf32>
      %add3A_484 = arith.addf %add3A_410, %mul3A_483 : vector<16xf32>
      %slice3A_485 = vector.extract_strided_slice %div3A_99 {offsets = [5], sizes = [1], strides = [1]} : vector<16xf32> to vector<1xf32>
      %squeeze3A_486 = vector.extract %slice3A_485[0] : f32 from vector<1xf32>
      %get3A_487 = arith.constant 0 : i32
      %get3A_488 = arith.constant 37 : i32
      %get3A_489 = arith.index_cast %get3A_487 : i32 to index
      %get3A_490 = arith.index_cast %get3A_488 : i32 to index
      %get3A_491 = arith.constant 0 : index
      %get3A_492 = tpu.vector_load %arg8[%get3A_489, %get3A_490, %get3A_491] {strides = array<i32>} : memref<2x64x128xf32, #tpu.memory_space<vmem>>, vector<16xf32>,
      %mul3A_493 = vector.broadcast %squeeze3A_486 : f32 to vector<16xf32>
      %mul3A_494 = arith.mulf %mul3A_493, %get3A_492 : vector<16xf32>
      %add3A_495 = arith.addf %add3A_421, %mul3A_494 : vector<16xf32>
      %get3A_496 = arith.constant 0 : i32
      %get3A_497 = arith.constant 37 : i32
      %get3A_498 = arith.index_cast %get3A_496 : i32 to index
      %get3A_499 = arith.index_cast %get3A_497 : i32 to index
      %get3A_500 = arith.constant 16 : index
      %get3A_501 = tpu.vector_load %arg8[%get3A_498, %get3A_499, %get3A_500] {strides = array<i32>} : memref<2x64x128xf32, #tpu.memory_space<vmem>>, vector<16xf32>,
      %mul3A_502 = vector.broadcast %squeeze3A_486 : f32 to vector<16xf32>
      %mul3A_503 = arith.mulf %mul3A_502, %get3A_501 : vector<16xf32>
      %add3A_504 = arith.addf %add3A_430, %mul3A_503 : vector<16xf32>
      %get3A_505 = arith.constant 0 : i32
      %get3A_506 = arith.constant 37 : i32
      %get3A_507 = arith.index_cast %get3A_505 : i32 to index
      %get3A_508 = arith.index_cast %get3A_506 : i32 to index
      %get3A_509 = arith.constant 32 : index
      %get3A_510 = tpu.vector_load %arg8[%get3A_507, %get3A_508, %get3A_509] {strides = array<i32>} : memref<2x64x128xf32, #tpu.memory_space<vmem>>, vector<16xf32>,
      %mul3A_511 = vector.broadcast %squeeze3A_486 : f32 to vector<16xf32>
      %mul3A_512 = arith.mulf %mul3A_511, %get3A_510 : vector<16xf32>
      %add3A_513 = arith.addf %add3A_439, %mul3A_512 : vector<16xf32>
      %get3A_514 = arith.constant 0 : i32
      %get3A_515 = arith.constant 37 : i32
      %get3A_516 = arith.index_cast %get3A_514 : i32 to index
      %get3A_517 = arith.index_cast %get3A_515 : i32 to index
      %get3A_518 = arith.constant 48 : index
      %get3A_519 = tpu.vector_load %arg8[%get3A_516, %get3A_517, %get3A_518] {strides = array<i32>} : memref<2x64x128xf32, #tpu.memory_space<vmem>>, vector<16xf32>,
      %mul3A_520 = vector.broadcast %squeeze3A_486 : f32 to vector<16xf32>
      %mul3A_521 = arith.mulf %mul3A_520, %get3A_519 : vector<16xf32>
      %add3A_522 = arith.addf %add3A_448, %mul3A_521 : vector<16xf32>
      %get3A_523 = arith.constant 0 : i32
      %get3A_524 = arith.constant 37 : i32
      %get3A_525 = arith.index_cast %get3A_523 : i32 to index
      %get3A_526 = arith.index_cast %get3A_524 : i32 to index
      %get3A_527 = arith.constant 64 : index
      %get3A_528 = tpu.vector_load %arg8[%get3A_525, %get3A_526, %get3A_527] {strides = array<i32>} : memref<2x64x128xf32, #tpu.memory_space<vmem>>, vector<16xf32>,
      %mul3A_529 = vector.broadcast %squeeze3A_486 : f32 to vector<16xf32>
      %mul3A_530 = arith.mulf %mul3A_529, %get3A_528 : vector<16xf32>
      %add3A_531 = arith.addf %add3A_457, %mul3A_530 : vector<16xf32>
      %get3A_532 = arith.constant 0 : i32
      %get3A_533 = arith.constant 37 : i32
      %get3A_534 = arith.index_cast %get3A_532 : i32 to index
      %get3A_535 = arith.index_cast %get3A_533 : i32 to index
      %get3A_536 = arith.constant 80 : index
      %get3A_537 = tpu.vector_load %arg8[%get3A_534, %get3A_535, %get3A_536] {strides = array<i32>} : memref<2x64x128xf32, #tpu.memory_space<vmem>>, vector<16xf32>,
      %mul3A_538 = vector.broadcast %squeeze3A_486 : f32 to vector<16xf32>
      %mul3A_539 = arith.mulf %mul3A_538, %get3A_537 : vector<16xf32>
      %add3A_540 = arith.addf %add3A_466, %mul3A_539 : vector<16xf32>
      %get3A_541 = arith.constant 0 : i32
      %get3A_542 = arith.constant 37 : i32
      %get3A_543 = arith.index_cast %get3A_541 : i32 to index
      %get3A_544 = arith.index_cast %get3A_542 : i32 to index
      %get3A_545 = arith.constant 96 : index
      %get3A_546 = tpu.vector_load %arg8[%get3A_543, %get3A_544, %get3A_545] {strides = array<i32>} : memref<2x64x128xf32, #tpu.memory_space<vmem>>, vector<16xf32>,
      %mul3A_547 = vector.broadcast %squeeze3A_486 : f32 to vector<16xf32>
      %mul3A_548 = arith.mulf %mul3A_547, %get3A_546 : vector<16xf32>
      %add3A_549 = arith.addf %add3A_475, %mul3A_548 : vector<16xf32>
      %get3A_550 = arith.constant 0 : i32
      %get3A_551 = arith.constant 37 : i32
      %get3A_552 = arith.index_cast %get3A_550 : i32 to index
      %get3A_553 = arith.index_cast %get3A_551 : i32 to index
      %get3A_554 = arith.constant 112 : index
      %get3A_555 = tpu.vector_load %arg8[%get3A_552, %get3A_553, %get3A_554] {strides = array<i32>} : memref<2x64x128xf32, #tpu.memory_space<vmem>>, vector<16xf32>,
      %mul3A_556 = vector.broadcast %squeeze3A_486 : f32 to vector<16xf32>
      %mul3A_557 = arith.mulf %mul3A_556, %get3A_555 : vector<16xf32>
      %add3A_558 = arith.addf %add3A_484, %mul3A_557 : vector<16xf32>
      %slice3A_559 = vector.extract_strided_slice %div3A_99 {offsets = [6], sizes = [1], strides = [1]} : vector<16xf32> to vector<1xf32>
      %squeeze3A_560 = vector.extract %slice3A_559[0] : f32 from vector<1xf32>
      %get3A_561 = arith.constant 0 : i32
      %get3A_562 = arith.constant 38 : i32
      %get3A_563 = arith.index_cast %get3A_561 : i32 to index
      %get3A_564 = arith.index_cast %get3A_562 : i32 to index
      %get3A_565 = arith.constant 0 : index
      %get3A_566 = tpu.vector_load %arg8[%get3A_563, %get3A_564, %get3A_565] {strides = array<i32>} : memref<2x64x128xf32, #tpu.memory_space<vmem>>, vector<16xf32>,
      %mul3A_567 = vector.broadcast %squeeze3A_560 : f32 to vector<16xf32>
      %mul3A_568 = arith.mulf %mul3A_567, %get3A_566 : vector<16xf32>
      %add3A_569 = arith.addf %add3A_495, %mul3A_568 : vector<16xf32>
      %get3A_570 = arith.constant 0 : i32
      %get3A_571 = arith.constant 38 : i32
      %get3A_572 = arith.index_cast %get3A_570 : i32 to index
      %get3A_573 = arith.index_cast %get3A_571 : i32 to index
      %get3A_574 = arith.constant 16 : index
      %get3A_575 = tpu.vector_load %arg8[%get3A_572, %get3A_573, %get3A_574] {strides = array<i32>} : memref<2x64x128xf32, #tpu.memory_space<vmem>>, vector<16xf32>,
      %mul3A_576 = vector.broadcast %squeeze3A_560 : f32 to vector<16xf32>
      %mul3A_577 = arith.mulf %mul3A_576, %get3A_575 : vector<16xf32>
      %add3A_578 = arith.addf %add3A_504, %mul3A_577 : vector<16xf32>
      %get3A_579 = arith.constant 0 : i32
      %get3A_580 = arith.constant 38 : i32
      %get3A_581 = arith.index_cast %get3A_579 : i32 to index
      %get3A_582 = arith.index_cast %get3A_580 : i32 to index
      %get3A_583 = arith.constant 32 : index
      %get3A_584 = tpu.vector_load %arg8[%get3A_581, %get3A_582, %get3A_583] {strides = array<i32>} : memref<2x64x128xf32, #tpu.memory_space<vmem>>, vector<16xf32>,
      %mul3A_585 = vector.broadcast %squeeze3A_560 : f32 to vector<16xf32>
      %mul3A_586 = arith.mulf %mul3A_585, %get3A_584 : vector<16xf32>
      %add3A_587 = arith.addf %add3A_513, %mul3A_586 : vector<16xf32>
      %get3A_588 = arith.constant 0 : i32
      %get3A_589 = arith.constant 38 : i32
      %get3A_590 = arith.index_cast %get3A_588 : i32 to index
      %get3A_591 = arith.index_cast %get3A_589 : i32 to index
      %get3A_592 = arith.constant 48 : index
      %get3A_593 = tpu.vector_load %arg8[%get3A_590, %get3A_591, %get3A_592] {strides = array<i32>} : memref<2x64x128xf32, #tpu.memory_space<vmem>>, vector<16xf32>,
      %mul3A_594 = vector.broadcast %squeeze3A_560 : f32 to vector<16xf32>
      %mul3A_595 = arith.mulf %mul3A_594, %get3A_593 : vector<16xf32>
      %add3A_596 = arith.addf %add3A_522, %mul3A_595 : vector<16xf32>
      %get3A_597 = arith.constant 0 : i32
      %get3A_598 = arith.constant 38 : i32
      %get3A_599 = arith.index_cast %get3A_597 : i32 to index
      %get3A_600 = arith.index_cast %get3A_598 : i32 to index
      %get3A_601 = arith.constant 64 : index
      %get3A_602 = tpu.vector_load %arg8[%get3A_599, %get3A_600, %get3A_601] {strides = array<i32>} : memref<2x64x128xf32, #tpu.memory_space<vmem>>, vector<16xf32>,
      %mul3A_603 = vector.broadcast %squeeze3A_560 : f32 to vector<16xf32>
      %mul3A_604 = arith.mulf %mul3A_603, %get3A_602 : vector<16xf32>
      %add3A_605 = arith.addf %add3A_531, %mul3A_604 : vector<16xf32>
      %get3A_606 = arith.constant 0 : i32
      %get3A_607 = arith.constant 38 : i32
      %get3A_608 = arith.index_cast %get3A_606 : i32 to index
      %get3A_609 = arith.index_cast %get3A_607 : i32 to index
      %get3A_610 = arith.constant 80 : index
      %get3A_611 = tpu.vector_load %arg8[%get3A_608, %get3A_609, %get3A_610] {strides = array<i32>} : memref<2x64x128xf32, #tpu.memory_space<vmem>>, vector<16xf32>,
      %mul3A_612 = vector.broadcast %squeeze3A_560 : f32 to vector<16xf32>
      %mul3A_613 = arith.mulf %mul3A_612, %get3A_611 : vector<16xf32>
      %add3A_614 = arith.addf %add3A_540, %mul3A_613 : vector<16xf32>
      %get3A_615 = arith.constant 0 : i32
      %get3A_616 = arith.constant 38 : i32
      %get3A_617 = arith.index_cast %get3A_615 : i32 to index
      %get3A_618 = arith.index_cast %get3A_616 : i32 to index
      %get3A_619 = arith.constant 96 : index
      %get3A_620 = tpu.vector_load %arg8[%get3A_617, %get3A_618, %get3A_619] {strides = array<i32>} : memref<2x64x128xf32, #tpu.memory_space<vmem>>, vector<16xf32>,
      %mul3A_621 = vector.broadcast %squeeze3A_560 : f32 to vector<16xf32>
      %mul3A_622 = arith.mulf %mul3A_621, %get3A_620 : vector<16xf32>
      %add3A_623 = arith.addf %add3A_549, %mul3A_622 : vector<16xf32>
      %get3A_624 = arith.constant 0 : i32
      %get3A_625 = arith.constant 38 : i32
      %get3A_626 = arith.index_cast %get3A_624 : i32 to index
      %get3A_627 = arith.index_cast %get3A_625 : i32 to index
      %get3A_628 = arith.constant 112 : index
      %get3A_629 = tpu.vector_load %arg8[%get3A_626, %get3A_627, %get3A_628] {strides = array<i32>} : memref<2x64x128xf32, #tpu.memory_space<vmem>>, vector<16xf32>,
      %mul3A_630 = vector.broadcast %squeeze3A_560 : f32 to vector<16xf32>
      %mul3A_631 = arith.mulf %mul3A_630, %get3A_629 : vector<16xf32>
      %add3A_632 = arith.addf %add3A_558, %mul3A_631 : vector<16xf32>
      %slice3A_633 = vector.extract_strided_slice %div3A_99 {offsets = [7], sizes = [1], strides = [1]} : vector<16xf32> to vector<1xf32>
      %squeeze3A_634 = vector.extract %slice3A_633[0] : f32 from vector<1xf32>
      %get3A_635 = arith.constant 0 : i32
      %get3A_636 = arith.constant 39 : i32
      %get3A_637 = arith.index_cast %get3A_635 : i32 to index
      %get3A_638 = arith.index_cast %get3A_636 : i32 to index
      %get3A_639 = arith.constant 0 : index
      %get3A_640 = tpu.vector_load %arg8[%get3A_637, %get3A_638, %get3A_639] {strides = array<i32>} : memref<2x64x128xf32, #tpu.memory_space<vmem>>, vector<16xf32>,
      %mul3A_641 = vector.broadcast %squeeze3A_634 : f32 to vector<16xf32>
      %mul3A_642 = arith.mulf %mul3A_641, %get3A_640 : vector<16xf32>
      %add3A_643 = arith.addf %add3A_569, %mul3A_642 : vector<16xf32>
      %get3A_644 = arith.constant 0 : i32
      %get3A_645 = arith.constant 39 : i32
      %get3A_646 = arith.index_cast %get3A_644 : i32 to index
      %get3A_647 = arith.index_cast %get3A_645 : i32 to index
      %get3A_648 = arith.constant 16 : index
      %get3A_649 = tpu.vector_load %arg8[%get3A_646, %get3A_647, %get3A_648] {strides = array<i32>} : memref<2x64x128xf32, #tpu.memory_space<vmem>>, vector<16xf32>,
      %mul3A_650 = vector.broadcast %squeeze3A_634 : f32 to vector<16xf32>
      %mul3A_651 = arith.mulf %mul3A_650, %get3A_649 : vector<16xf32>
      %add3A_652 = arith.addf %add3A_578, %mul3A_651 : vector<16xf32>
      %get3A_653 = arith.constant 0 : i32
      %get3A_654 = arith.constant 39 : i32
      %get3A_655 = arith.index_cast %get3A_653 : i32 to index
      %get3A_656 = arith.index_cast %get3A_654 : i32 to index
      %get3A_657 = arith.constant 32 : index
      %get3A_658 = tpu.vector_load %arg8[%get3A_655, %get3A_656, %get3A_657] {strides = array<i32>} : memref<2x64x128xf32, #tpu.memory_space<vmem>>, vector<16xf32>,
      %mul3A_659 = vector.broadcast %squeeze3A_634 : f32 to vector<16xf32>
      %mul3A_660 = arith.mulf %mul3A_659, %get3A_658 : vector<16xf32>
      %add3A_661 = arith.addf %add3A_587, %mul3A_660 : vector<16xf32>
      %get3A_662 = arith.constant 0 : i32
      %get3A_663 = arith.constant 39 : i32
      %get3A_664 = arith.index_cast %get3A_662 : i32 to index
      %get3A_665 = arith.index_cast %get3A_663 : i32 to index
      %get3A_666 = arith.constant 48 : index
      %get3A_667 = tpu.vector_load %arg8[%get3A_664, %get3A_665, %get3A_666] {strides = array<i32>} : memref<2x64x128xf32, #tpu.memory_space<vmem>>, vector<16xf32>,
      %mul3A_668 = vector.broadcast %squeeze3A_634 : f32 to vector<16xf32>
      %mul3A_669 = arith.mulf %mul3A_668, %get3A_667 : vector<16xf32>
      %add3A_670 = arith.addf %add3A_596, %mul3A_669 : vector<16xf32>
      %get3A_671 = arith.constant 0 : i32
      %get3A_672 = arith.constant 39 : i32
      %get3A_673 = arith.index_cast %get3A_671 : i32 to index
      %get3A_674 = arith.index_cast %get3A_672 : i32 to index
      %get3A_675 = arith.constant 64 : index
      %get3A_676 = tpu.vector_load %arg8[%get3A_673, %get3A_674, %get3A_675] {strides = array<i32>} : memref<2x64x128xf32, #tpu.memory_space<vmem>>, vector<16xf32>,
      %mul3A_677 = vector.broadcast %squeeze3A_634 : f32 to vector<16xf32>
      %mul3A_678 = arith.mulf %mul3A_677, %get3A_676 : vector<16xf32>
      %add3A_679 = arith.addf %add3A_605, %mul3A_678 : vector<16xf32>
      %get3A_680 = arith.constant 0 : i32
      %get3A_681 = arith.constant 39 : i32
      %get3A_682 = arith.index_cast %get3A_680 : i32 to index
      %get3A_683 = arith.index_cast %get3A_681 : i32 to index
      %get3A_684 = arith.constant 80 : index
      %get3A_685 = tpu.vector_load %arg8[%get3A_682, %get3A_683, %get3A_684] {strides = array<i32>} : memref<2x64x128xf32, #tpu.memory_space<vmem>>, vector<16xf32>,
      %mul3A_686 = vector.broadcast %squeeze3A_634 : f32 to vector<16xf32>
      %mul3A_687 = arith.mulf %mul3A_686, %get3A_685 : vector<16xf32>
      %add3A_688 = arith.addf %add3A_614, %mul3A_687 : vector<16xf32>
      %get3A_689 = arith.constant 0 : i32
      %get3A_690 = arith.constant 39 : i32
      %get3A_691 = arith.index_cast %get3A_689 : i32 to index
      %get3A_692 = arith.index_cast %get3A_690 : i32 to index
      %get3A_693 = arith.constant 96 : index
      %get3A_694 = tpu.vector_load %arg8[%get3A_691, %get3A_692, %get3A_693] {strides = array<i32>} : memref<2x64x128xf32, #tpu.memory_space<vmem>>, vector<16xf32>,
      %mul3A_695 = vector.broadcast %squeeze3A_634 : f32 to vector<16xf32>
      %mul3A_696 = arith.mulf %mul3A_695, %get3A_694 : vector<16xf32>
      %add3A_697 = arith.addf %add3A_623, %mul3A_696 : vector<16xf32>
      %get3A_698 = arith.constant 0 : i32
      %get3A_699 = arith.constant 39 : i32
      %get3A_700 = arith.index_cast %get3A_698 : i32 to index
      %get3A_701 = arith.index_cast %get3A_699 : i32 to index
      %get3A_702 = arith.constant 112 : index
      %get3A_703 = tpu.vector_load %arg8[%get3A_700, %get3A_701, %get3A_702] {strides = array<i32>} : memref<2x64x128xf32, #tpu.memory_space<vmem>>, vector<16xf32>,
      %mul3A_704 = vector.broadcast %squeeze3A_634 : f32 to vector<16xf32>
      %mul3A_705 = arith.mulf %mul3A_704, %get3A_703 : vector<16xf32>
      %add3A_706 = arith.addf %add3A_632, %mul3A_705 : vector<16xf32>
      %slice3A_707 = vector.extract_strided_slice %div3A_99 {offsets = [8], sizes = [1], strides = [1]} : vector<16xf32> to vector<1xf32>
      %squeeze3A_708 = vector.extract %slice3A_707[0] : f32 from vector<1xf32>
      %get3A_709 = arith.constant 0 : i32
      %get3A_710 = arith.constant 40 : i32
      %get3A_711 = arith.index_cast %get3A_709 : i32 to index
      %get3A_712 = arith.index_cast %get3A_710 : i32 to index
      %get3A_713 = arith.constant 0 : index
      %get3A_714 = tpu.vector_load %arg8[%get3A_711, %get3A_712, %get3A_713] {strides = array<i32>} : memref<2x64x128xf32, #tpu.memory_space<vmem>>, vector<16xf32>,
      %mul3A_715 = vector.broadcast %squeeze3A_708 : f32 to vector<16xf32>
      %mul3A_716 = arith.mulf %mul3A_715, %get3A_714 : vector<16xf32>
      %add3A_717 = arith.addf %add3A_643, %mul3A_716 : vector<16xf32>
      %get3A_718 = arith.constant 0 : i32
      %get3A_719 = arith.constant 40 : i32
      %get3A_720 = arith.index_cast %get3A_718 : i32 to index
      %get3A_721 = arith.index_cast %get3A_719 : i32 to index
      %get3A_722 = arith.constant 16 : index
      %get3A_723 = tpu.vector_load %arg8[%get3A_720, %get3A_721, %get3A_722] {strides = array<i32>} : memref<2x64x128xf32, #tpu.memory_space<vmem>>, vector<16xf32>,
      %mul3A_724 = vector.broadcast %squeeze3A_708 : f32 to vector<16xf32>
      %mul3A_725 = arith.mulf %mul3A_724, %get3A_723 : vector<16xf32>
      %add3A_726 = arith.addf %add3A_652, %mul3A_725 : vector<16xf32>
      %get3A_727 = arith.constant 0 : i32
      %get3A_728 = arith.constant 40 : i32
      %get3A_729 = arith.index_cast %get3A_727 : i32 to index
      %get3A_730 = arith.index_cast %get3A_728 : i32 to index
      %get3A_731 = arith.constant 32 : index
      %get3A_732 = tpu.vector_load %arg8[%get3A_729, %get3A_730, %get3A_731] {strides = array<i32>} : memref<2x64x128xf32, #tpu.memory_space<vmem>>, vector<16xf32>,
      %mul3A_733 = vector.broadcast %squeeze3A_708 : f32 to vector<16xf32>
      %mul3A_734 = arith.mulf %mul3A_733, %get3A_732 : vector<16xf32>
      %add3A_735 = arith.addf %add3A_661, %mul3A_734 : vector<16xf32>
      %get3A_736 = arith.constant 0 : i32
      %get3A_737 = arith.constant 40 : i32
      %get3A_738 = arith.index_cast %get3A_736 : i32 to index
      %get3A_739 = arith.index_cast %get3A_737 : i32 to index
      %get3A_740 = arith.constant 48 : index
      %get3A_741 = tpu.vector_load %arg8[%get3A_738, %get3A_739, %get3A_740] {strides = array<i32>} : memref<2x64x128xf32, #tpu.memory_space<vmem>>, vector<16xf32>,
      %mul3A_742 = vector.broadcast %squeeze3A_708 : f32 to vector<16xf32>
      %mul3A_743 = arith.mulf %mul3A_742, %get3A_741 : vector<16xf32>
      %add3A_744 = arith.addf %add3A_670, %mul3A_743 : vector<16xf32>
      %get3A_745 = arith.constant 0 : i32
      %get3A_746 = arith.constant 40 : i32
      %get3A_747 = arith.index_cast %get3A_745 : i32 to index
      %get3A_748 = arith.index_cast %get3A_746 : i32 to index
      %get3A_749 = arith.constant 64 : index
      %get3A_750 = tpu.vector_load %arg8[%get3A_747, %get3A_748, %get3A_749] {strides = array<i32>} : memref<2x64x128xf32, #tpu.memory_space<vmem>>, vector<16xf32>,
      %mul3A_751 = vector.broadcast %squeeze3A_708 : f32 to vector<16xf32>
      %mul3A_752 = arith.mulf %mul3A_751, %get3A_750 : vector<16xf32>
      %add3A_753 = arith.addf %add3A_679, %mul3A_752 : vector<16xf32>
      %get3A_754 = arith.constant 0 : i32
      %get3A_755 = arith.constant 40 : i32
      %get3A_756 = arith.index_cast %get3A_754 : i32 to index
      %get3A_757 = arith.index_cast %get3A_755 : i32 to index
      %get3A_758 = arith.constant 80 : index
      %get3A_759 = tpu.vector_load %arg8[%get3A_756, %get3A_757, %get3A_758] {strides = array<i32>} : memref<2x64x128xf32, #tpu.memory_space<vmem>>, vector<16xf32>,
      %mul3A_760 = vector.broadcast %squeeze3A_708 : f32 to vector<16xf32>
      %mul3A_761 = arith.mulf %mul3A_760, %get3A_759 : vector<16xf32>
      %add3A_762 = arith.addf %add3A_688, %mul3A_761 : vector<16xf32>
      %get3A_763 = arith.constant 0 : i32
      %get3A_764 = arith.constant 40 : i32
      %get3A_765 = arith.index_cast %get3A_763 : i32 to index
      %get3A_766 = arith.index_cast %get3A_764 : i32 to index
      %get3A_767 = arith.constant 96 : index
      %get3A_768 = tpu.vector_load %arg8[%get3A_765, %get3A_766, %get3A_767] {strides = array<i32>} : memref<2x64x128xf32, #tpu.memory_space<vmem>>, vector<16xf32>,
      %mul3A_769 = vector.broadcast %squeeze3A_708 : f32 to vector<16xf32>
      %mul3A_770 = arith.mulf %mul3A_769, %get3A_768 : vector<16xf32>
      %add3A_771 = arith.addf %add3A_697, %mul3A_770 : vector<16xf32>
      %get3A_772 = arith.constant 0 : i32
      %get3A_773 = arith.constant 40 : i32
      %get3A_774 = arith.index_cast %get3A_772 : i32 to index
      %get3A_775 = arith.index_cast %get3A_773 : i32 to index
      %get3A_776 = arith.constant 112 : index
      %get3A_777 = tpu.vector_load %arg8[%get3A_774, %get3A_775, %get3A_776] {strides = array<i32>} : memref<2x64x128xf32, #tpu.memory_space<vmem>>, vector<16xf32>,
      %mul3A_778 = vector.broadcast %squeeze3A_708 : f32 to vector<16xf32>
      %mul3A_779 = arith.mulf %mul3A_778, %get3A_777 : vector<16xf32>
      %add3A_780 = arith.addf %add3A_706, %mul3A_779 : vector<16xf32>
      %slice3A_781 = vector.extract_strided_slice %div3A_99 {offsets = [9], sizes = [1], strides = [1]} : vector<16xf32> to vector<1xf32>
      %squeeze3A_782 = vector.extract %slice3A_781[0] : f32 from vector<1xf32>
      %get3A_783 = arith.constant 0 : i32
      %get3A_784 = arith.constant 41 : i32
      %get3A_785 = arith.index_cast %get3A_783 : i32 to index
      %get3A_786 = arith.index_cast %get3A_784 : i32 to index
      %get3A_787 = arith.constant 0 : index
      %get3A_788 = tpu.vector_load %arg8[%get3A_785, %get3A_786, %get3A_787] {strides = array<i32>} : memref<2x64x128xf32, #tpu.memory_space<vmem>>, vector<16xf32>,
      %mul3A_789 = vector.broadcast %squeeze3A_782 : f32 to vector<16xf32>
      %mul3A_790 = arith.mulf %mul3A_789, %get3A_788 : vector<16xf32>
      %add3A_791 = arith.addf %add3A_717, %mul3A_790 : vector<16xf32>
      %get3A_792 = arith.constant 0 : i32
      %get3A_793 = arith.constant 41 : i32
      %get3A_794 = arith.index_cast %get3A_792 : i32 to index
      %get3A_795 = arith.index_cast %get3A_793 : i32 to index
      %get3A_796 = arith.constant 16 : index
      %get3A_797 = tpu.vector_load %arg8[%get3A_794, %get3A_795, %get3A_796] {strides = array<i32>} : memref<2x64x128xf32, #tpu.memory_space<vmem>>, vector<16xf32>,
      %mul3A_798 = vector.broadcast %squeeze3A_782 : f32 to vector<16xf32>
      %mul3A_799 = arith.mulf %mul3A_798, %get3A_797 : vector<16xf32>
      %add3A_800 = arith.addf %add3A_726, %mul3A_799 : vector<16xf32>
      %get3A_801 = arith.constant 0 : i32
      %get3A_802 = arith.constant 41 : i32
      %get3A_803 = arith.index_cast %get3A_801 : i32 to index
      %get3A_804 = arith.index_cast %get3A_802 : i32 to index
      %get3A_805 = arith.constant 32 : index
      %get3A_806 = tpu.vector_load %arg8[%get3A_803, %get3A_804, %get3A_805] {strides = array<i32>} : memref<2x64x128xf32, #tpu.memory_space<vmem>>, vector<16xf32>,
      %mul3A_807 = vector.broadcast %squeeze3A_782 : f32 to vector<16xf32>
      %mul3A_808 = arith.mulf %mul3A_807, %get3A_806 : vector<16xf32>
      %add3A_809 = arith.addf %add3A_735, %mul3A_808 : vector<16xf32>
      %get3A_810 = arith.constant 0 : i32
      %get3A_811 = arith.constant 41 : i32
      %get3A_812 = arith.index_cast %get3A_810 : i32 to index
      %get3A_813 = arith.index_cast %get3A_811 : i32 to index
      %get3A_814 = arith.constant 48 : index
      %get3A_815 = tpu.vector_load %arg8[%get3A_812, %get3A_813, %get3A_814] {strides = array<i32>} : memref<2x64x128xf32, #tpu.memory_space<vmem>>, vector<16xf32>,
      %mul3A_816 = vector.broadcast %squeeze3A_782 : f32 to vector<16xf32>
      %mul3A_817 = arith.mulf %mul3A_816, %get3A_815 : vector<16xf32>
      %add3A_818 = arith.addf %add3A_744, %mul3A_817 : vector<16xf32>
      %get3A_819 = arith.constant 0 : i32
      %get3A_820 = arith.constant 41 : i32
      %get3A_821 = arith.index_cast %get3A_819 : i32 to index
      %get3A_822 = arith.index_cast %get3A_820 : i32 to index
      %get3A_823 = arith.constant 64 : index
      %get3A_824 = tpu.vector_load %arg8[%get3A_821, %get3A_822, %get3A_823] {strides = array<i32>} : memref<2x64x128xf32, #tpu.memory_space<vmem>>, vector<16xf32>,
      %mul3A_825 = vector.broadcast %squeeze3A_782 : f32 to vector<16xf32>
      %mul3A_826 = arith.mulf %mul3A_825, %get3A_824 : vector<16xf32>
      %add3A_827 = arith.addf %add3A_753, %mul3A_826 : vector<16xf32>
      %get3A_828 = arith.constant 0 : i32
      %get3A_829 = arith.constant 41 : i32
      %get3A_830 = arith.index_cast %get3A_828 : i32 to index
      %get3A_831 = arith.index_cast %get3A_829 : i32 to index
      %get3A_832 = arith.constant 80 : index
      %get3A_833 = tpu.vector_load %arg8[%get3A_830, %get3A_831, %get3A_832] {strides = array<i32>} : memref<2x64x128xf32, #tpu.memory_space<vmem>>, vector<16xf32>,
      %mul3A_834 = vector.broadcast %squeeze3A_782 : f32 to vector<16xf32>
      %mul3A_835 = arith.mulf %mul3A_834, %get3A_833 : vector<16xf32>
      %add3A_836 = arith.addf %add3A_762, %mul3A_835 : vector<16xf32>
      %get3A_837 = arith.constant 0 : i32
      %get3A_838 = arith.constant 41 : i32
      %get3A_839 = arith.index_cast %get3A_837 : i32 to index
      %get3A_840 = arith.index_cast %get3A_838 : i32 to index
      %get3A_841 = arith.constant 96 : index
      %get3A_842 = tpu.vector_load %arg8[%get3A_839, %get3A_840, %get3A_841] {strides = array<i32>} : memref<2x64x128xf32, #tpu.memory_space<vmem>>, vector<16xf32>,
      %mul3A_843 = vector.broadcast %squeeze3A_782 : f32 to vector<16xf32>
      %mul3A_844 = arith.mulf %mul3A_843, %get3A_842 : vector<16xf32>
      %add3A_845 = arith.addf %add3A_771, %mul3A_844 : vector<16xf32>
      %get3A_846 = arith.constant 0 : i32
      %get3A_847 = arith.constant 41 : i32
      %get3A_848 = arith.index_cast %get3A_846 : i32 to index
      %get3A_849 = arith.index_cast %get3A_847 : i32 to index
      %get3A_850 = arith.constant 112 : index
      %get3A_851 = tpu.vector_load %arg8[%get3A_848, %get3A_849, %get3A_850] {strides = array<i32>} : memref<2x64x128xf32, #tpu.memory_space<vmem>>, vector<16xf32>,
      %mul3A_852 = vector.broadcast %squeeze3A_782 : f32 to vector<16xf32>
      %mul3A_853 = arith.mulf %mul3A_852, %get3A_851 : vector<16xf32>
      %add3A_854 = arith.addf %add3A_780, %mul3A_853 : vector<16xf32>
      %slice3A_855 = vector.extract_strided_slice %div3A_99 {offsets = [10], sizes = [1], strides = [1]} : vector<16xf32> to vector<1xf32>
      %squeeze3A_856 = vector.extract %slice3A_855[0] : f32 from vector<1xf32>
      %get3A_857 = arith.constant 0 : i32
      %get3A_858 = arith.constant 42 : i32
      %get3A_859 = arith.index_cast %get3A_857 : i32 to index
      %get3A_860 = arith.index_cast %get3A_858 : i32 to index
      %get3A_861 = arith.constant 0 : index
      %get3A_862 = tpu.vector_load %arg8[%get3A_859, %get3A_860, %get3A_861] {strides = array<i32>} : memref<2x64x128xf32, #tpu.memory_space<vmem>>, vector<16xf32>,
      %mul3A_863 = vector.broadcast %squeeze3A_856 : f32 to vector<16xf32>
      %mul3A_864 = arith.mulf %mul3A_863, %get3A_862 : vector<16xf32>
      %add3A_865 = arith.addf %add3A_791, %mul3A_864 : vector<16xf32>
      %get3A_866 = arith.constant 0 : i32
      %get3A_867 = arith.constant 42 : i32
      %get3A_868 = arith.index_cast %get3A_866 : i32 to index
      %get3A_869 = arith.index_cast %get3A_867 : i32 to index
      %get3A_870 = arith.constant 16 : index
      %get3A_871 = tpu.vector_load %arg8[%get3A_868, %get3A_869, %get3A_870] {strides = array<i32>} : memref<2x64x128xf32, #tpu.memory_space<vmem>>, vector<16xf32>,
      %mul3A_872 = vector.broadcast %squeeze3A_856 : f32 to vector<16xf32>
      %mul3A_873 = arith.mulf %mul3A_872, %get3A_871 : vector<16xf32>
      %add3A_874 = arith.addf %add3A_800, %mul3A_873 : vector<16xf32>
      %get3A_875 = arith.constant 0 : i32
      %get3A_876 = arith.constant 42 : i32
      %get3A_877 = arith.index_cast %get3A_875 : i32 to index
      %get3A_878 = arith.index_cast %get3A_876 : i32 to index
      %get3A_879 = arith.constant 32 : index
      %get3A_880 = tpu.vector_load %arg8[%get3A_877, %get3A_878, %get3A_879] {strides = array<i32>} : memref<2x64x128xf32, #tpu.memory_space<vmem>>, vector<16xf32>,
      %mul3A_881 = vector.broadcast %squeeze3A_856 : f32 to vector<16xf32>
      %mul3A_882 = arith.mulf %mul3A_881, %get3A_880 : vector<16xf32>
      %add3A_883 = arith.addf %add3A_809, %mul3A_882 : vector<16xf32>
      %get3A_884 = arith.constant 0 : i32
      %get3A_885 = arith.constant 42 : i32
      %get3A_886 = arith.index_cast %get3A_884 : i32 to index
      %get3A_887 = arith.index_cast %get3A_885 : i32 to index
      %get3A_888 = arith.constant 48 : index
      %get3A_889 = tpu.vector_load %arg8[%get3A_886, %get3A_887, %get3A_888] {strides = array<i32>} : memref<2x64x128xf32, #tpu.memory_space<vmem>>, vector<16xf32>,
      %mul3A_890 = vector.broadcast %squeeze3A_856 : f32 to vector<16xf32>
      %mul3A_891 = arith.mulf %mul3A_890, %get3A_889 : vector<16xf32>
      %add3A_892 = arith.addf %add3A_818, %mul3A_891 : vector<16xf32>
      %get3A_893 = arith.constant 0 : i32
      %get3A_894 = arith.constant 42 : i32
      %get3A_895 = arith.index_cast %get3A_893 : i32 to index
      %get3A_896 = arith.index_cast %get3A_894 : i32 to index
      %get3A_897 = arith.constant 64 : index
      %get3A_898 = tpu.vector_load %arg8[%get3A_895, %get3A_896, %get3A_897] {strides = array<i32>} : memref<2x64x128xf32, #tpu.memory_space<vmem>>, vector<16xf32>,
      %mul3A_899 = vector.broadcast %squeeze3A_856 : f32 to vector<16xf32>
      %mul3A_900 = arith.mulf %mul3A_899, %get3A_898 : vector<16xf32>
      %add3A_901 = arith.addf %add3A_827, %mul3A_900 : vector<16xf32>
      %get3A_902 = arith.constant 0 : i32
      %get3A_903 = arith.constant 42 : i32
      %get3A_904 = arith.index_cast %get3A_902 : i32 to index
      %get3A_905 = arith.index_cast %get3A_903 : i32 to index
      %get3A_906 = arith.constant 80 : index
      %get3A_907 = tpu.vector_load %arg8[%get3A_904, %get3A_905, %get3A_906] {strides = array<i32>} : memref<2x64x128xf32, #tpu.memory_space<vmem>>, vector<16xf32>,
      %mul3A_908 = vector.broadcast %squeeze3A_856 : f32 to vector<16xf32>
      %mul3A_909 = arith.mulf %mul3A_908, %get3A_907 : vector<16xf32>
      %add3A_910 = arith.addf %add3A_836, %mul3A_909 : vector<16xf32>
      %get3A_911 = arith.constant 0 : i32
      %get3A_912 = arith.constant 42 : i32
      %get3A_913 = arith.index_cast %get3A_911 : i32 to index
      %get3A_914 = arith.index_cast %get3A_912 : i32 to index
      %get3A_915 = arith.constant 96 : index
      %get3A_916 = tpu.vector_load %arg8[%get3A_913, %get3A_914, %get3A_915] {strides = array<i32>} : memref<2x64x128xf32, #tpu.memory_space<vmem>>, vector<16xf32>,
      %mul3A_917 = vector.broadcast %squeeze3A_856 : f32 to vector<16xf32>
      %mul3A_918 = arith.mulf %mul3A_917, %get3A_916 : vector<16xf32>
      %add3A_919 = arith.addf %add3A_845, %mul3A_918 : vector<16xf32>
      %get3A_920 = arith.constant 0 : i32
      %get3A_921 = arith.constant 42 : i32
      %get3A_922 = arith.index_cast %get3A_920 : i32 to index
      %get3A_923 = arith.index_cast %get3A_921 : i32 to index
      %get3A_924 = arith.constant 112 : index
      %get3A_925 = tpu.vector_load %arg8[%get3A_922, %get3A_923, %get3A_924] {strides = array<i32>} : memref<2x64x128xf32, #tpu.memory_space<vmem>>, vector<16xf32>,
      %mul3A_926 = vector.broadcast %squeeze3A_856 : f32 to vector<16xf32>
      %mul3A_927 = arith.mulf %mul3A_926, %get3A_925 : vector<16xf32>
      %add3A_928 = arith.addf %add3A_854, %mul3A_927 : vector<16xf32>
      %slice3A_929 = vector.extract_strided_slice %div3A_99 {offsets = [11], sizes = [1], strides = [1]} : vector<16xf32> to vector<1xf32>
      %squeeze3A_930 = vector.extract %slice3A_929[0] : f32 from vector<1xf32>
      %get3A_931 = arith.constant 0 : i32
      %get3A_932 = arith.constant 43 : i32
      %get3A_933 = arith.index_cast %get3A_931 : i32 to index
      %get3A_934 = arith.index_cast %get3A_932 : i32 to index
      %get3A_935 = arith.constant 0 : index
      %get3A_936 = tpu.vector_load %arg8[%get3A_933, %get3A_934, %get3A_935] {strides = array<i32>} : memref<2x64x128xf32, #tpu.memory_space<vmem>>, vector<16xf32>,
      %mul3A_937 = vector.broadcast %squeeze3A_930 : f32 to vector<16xf32>
      %mul3A_938 = arith.mulf %mul3A_937, %get3A_936 : vector<16xf32>
      %add3A_939 = arith.addf %add3A_865, %mul3A_938 : vector<16xf32>
      %get3A_940 = arith.constant 0 : i32
      %get3A_941 = arith.constant 43 : i32
      %get3A_942 = arith.index_cast %get3A_940 : i32 to index
      %get3A_943 = arith.index_cast %get3A_941 : i32 to index
      %get3A_944 = arith.constant 16 : index
      %get3A_945 = tpu.vector_load %arg8[%get3A_942, %get3A_943, %get3A_944] {strides = array<i32>} : memref<2x64x128xf32, #tpu.memory_space<vmem>>, vector<16xf32>,
      %mul3A_946 = vector.broadcast %squeeze3A_930 : f32 to vector<16xf32>
      %mul3A_947 = arith.mulf %mul3A_946, %get3A_945 : vector<16xf32>
      %add3A_948 = arith.addf %add3A_874, %mul3A_947 : vector<16xf32>
      %get3A_949 = arith.constant 0 : i32
      %get3A_950 = arith.constant 43 : i32
      %get3A_951 = arith.index_cast %get3A_949 : i32 to index
      %get3A_952 = arith.index_cast %get3A_950 : i32 to index
      %get3A_953 = arith.constant 32 : index
      %get3A_954 = tpu.vector_load %arg8[%get3A_951, %get3A_952, %get3A_953] {strides = array<i32>} : memref<2x64x128xf32, #tpu.memory_space<vmem>>, vector<16xf32>,
      %mul3A_955 = vector.broadcast %squeeze3A_930 : f32 to vector<16xf32>
      %mul3A_956 = arith.mulf %mul3A_955, %get3A_954 : vector<16xf32>
      %add3A_957 = arith.addf %add3A_883, %mul3A_956 : vector<16xf32>
      %get3A_958 = arith.constant 0 : i32
      %get3A_959 = arith.constant 43 : i32
      %get3A_960 = arith.index_cast %get3A_958 : i32 to index
      %get3A_961 = arith.index_cast %get3A_959 : i32 to index
      %get3A_962 = arith.constant 48 : index
      %get3A_963 = tpu.vector_load %arg8[%get3A_960, %get3A_961, %get3A_962] {strides = array<i32>} : memref<2x64x128xf32, #tpu.memory_space<vmem>>, vector<16xf32>,
      %mul3A_964 = vector.broadcast %squeeze3A_930 : f32 to vector<16xf32>
      %mul3A_965 = arith.mulf %mul3A_964, %get3A_963 : vector<16xf32>
      %add3A_966 = arith.addf %add3A_892, %mul3A_965 : vector<16xf32>
      %get3A_967 = arith.constant 0 : i32
      %get3A_968 = arith.constant 43 : i32
      %get3A_969 = arith.index_cast %get3A_967 : i32 to index
      %get3A_970 = arith.index_cast %get3A_968 : i32 to index
      %get3A_971 = arith.constant 64 : index
      %get3A_972 = tpu.vector_load %arg8[%get3A_969, %get3A_970, %get3A_971] {strides = array<i32>} : memref<2x64x128xf32, #tpu.memory_space<vmem>>, vector<16xf32>,
      %mul3A_973 = vector.broadcast %squeeze3A_930 : f32 to vector<16xf32>
      %mul3A_974 = arith.mulf %mul3A_973, %get3A_972 : vector<16xf32>
      %add3A_975 = arith.addf %add3A_901, %mul3A_974 : vector<16xf32>
      %get3A_976 = arith.constant 0 : i32
      %get3A_977 = arith.constant 43 : i32
      %get3A_978 = arith.index_cast %get3A_976 : i32 to index
      %get3A_979 = arith.index_cast %get3A_977 : i32 to index
      %get3A_980 = arith.constant 80 : index
      %get3A_981 = tpu.vector_load %arg8[%get3A_978, %get3A_979, %get3A_980] {strides = array<i32>} : memref<2x64x128xf32, #tpu.memory_space<vmem>>, vector<16xf32>,
      %mul3A_982 = vector.broadcast %squeeze3A_930 : f32 to vector<16xf32>
      %mul3A_983 = arith.mulf %mul3A_982, %get3A_981 : vector<16xf32>
      %add3A_984 = arith.addf %add3A_910, %mul3A_983 : vector<16xf32>
      %get3A_985 = arith.constant 0 : i32
      %get3A_986 = arith.constant 43 : i32
      %get3A_987 = arith.index_cast %get3A_985 : i32 to index
      %get3A_988 = arith.index_cast %get3A_986 : i32 to index
      %get3A_989 = arith.constant 96 : index
      %get3A_990 = tpu.vector_load %arg8[%get3A_987, %get3A_988, %get3A_989] {strides = array<i32>} : memref<2x64x128xf32, #tpu.memory_space<vmem>>, vector<16xf32>,
      %mul3A_991 = vector.broadcast %squeeze3A_930 : f32 to vector<16xf32>
      %mul3A_992 = arith.mulf %mul3A_991, %get3A_990 : vector<16xf32>
      %add3A_993 = arith.addf %add3A_919, %mul3A_992 : vector<16xf32>
      %get3A_994 = arith.constant 0 : i32
      %get3A_995 = arith.constant 43 : i32
      %get3A_996 = arith.index_cast %get3A_994 : i32 to index
      %get3A_997 = arith.index_cast %get3A_995 : i32 to index
      %get3A_998 = arith.constant 112 : index
      %get3A_999 = tpu.vector_load %arg8[%get3A_996, %get3A_997, %get3A_998] {strides = array<i32>} : memref<2x64x128xf32, #tpu.memory_space<vmem>>, vector<16xf32>,
      %mul3A_1000 = vector.broadcast %squeeze3A_930 : f32 to vector<16xf32>
      %mul3A_1001 = arith.mulf %mul3A_1000, %get3A_999 : vector<16xf32>
      %add3A_1002 = arith.addf %add3A_928, %mul3A_1001 : vector<16xf32>
      %slice3A_1003 = vector.extract_strided_slice %div3A_99 {offsets = [12], sizes = [1], strides = [1]} : vector<16xf32> to vector<1xf32>
      %squeeze3A_1004 = vector.extract %slice3A_1003[0] : f32 from vector<1xf32>
      %get3A_1005 = arith.constant 0 : i32
      %get3A_1006 = arith.constant 44 : i32
      %get3A_1007 = arith.index_cast %get3A_1005 : i32 to index
      %get3A_1008 = arith.index_cast %get3A_1006 : i32 to index
      %get3A_1009 = arith.constant 0 : index
      %get3A_1010 = tpu.vector_load %arg8[%get3A_1007, %get3A_1008, %get3A_1009] {strides = array<i32>} : memref<2x64x128xf32, #tpu.memory_space<vmem>>, vector<16xf32>,
      %mul3A_1011 = vector.broadcast %squeeze3A_1004 : f32 to vector<16xf32>
      %mul3A_1012 = arith.mulf %mul3A_1011, %get3A_1010 : vector<16xf32>
      %add3A_1013 = arith.addf %add3A_939, %mul3A_1012 : vector<16xf32>
      %get3A_1014 = arith.constant 0 : i32
      %get3A_1015 = arith.constant 44 : i32
      %get3A_1016 = arith.index_cast %get3A_1014 : i32 to index
      %get3A_1017 = arith.index_cast %get3A_1015 : i32 to index
      %get3A_1018 = arith.constant 16 : index
      %get3A_1019 = tpu.vector_load %arg8[%get3A_1016, %get3A_1017, %get3A_1018] {strides = array<i32>} : memref<2x64x128xf32, #tpu.memory_space<vmem>>, vector<16xf32>,
      %mul3A_1020 = vector.broadcast %squeeze3A_1004 : f32 to vector<16xf32>
      %mul3A_1021 = arith.mulf %mul3A_1020, %get3A_1019 : vector<16xf32>
      %add3A_1022 = arith.addf %add3A_948, %mul3A_1021 : vector<16xf32>
      %get3A_1023 = arith.constant 0 : i32
      %get3A_1024 = arith.constant 44 : i32
      %get3A_1025 = arith.index_cast %get3A_1023 : i32 to index
      %get3A_1026 = arith.index_cast %get3A_1024 : i32 to index
      %get3A_1027 = arith.constant 32 : index
      %get3A_1028 = tpu.vector_load %arg8[%get3A_1025, %get3A_1026, %get3A_1027] {strides = array<i32>} : memref<2x64x128xf32, #tpu.memory_space<vmem>>, vector<16xf32>,
      %mul3A_1029 = vector.broadcast %squeeze3A_1004 : f32 to vector<16xf32>
      %mul3A_1030 = arith.mulf %mul3A_1029, %get3A_1028 : vector<16xf32>
      %add3A_1031 = arith.addf %add3A_957, %mul3A_1030 : vector<16xf32>
      %get3A_1032 = arith.constant 0 : i32
      %get3A_1033 = arith.constant 44 : i32
      %get3A_1034 = arith.index_cast %get3A_1032 : i32 to index
      %get3A_1035 = arith.index_cast %get3A_1033 : i32 to index
      %get3A_1036 = arith.constant 48 : index
      %get3A_1037 = tpu.vector_load %arg8[%get3A_1034, %get3A_1035, %get3A_1036] {strides = array<i32>} : memref<2x64x128xf32, #tpu.memory_space<vmem>>, vector<16xf32>,
      %mul3A_1038 = vector.broadcast %squeeze3A_1004 : f32 to vector<16xf32>
      %mul3A_1039 = arith.mulf %mul3A_1038, %get3A_1037 : vector<16xf32>
      %add3A_1040 = arith.addf %add3A_966, %mul3A_1039 : vector<16xf32>
      %get3A_1041 = arith.constant 0 : i32
      %get3A_1042 = arith.constant 44 : i32
      %get3A_1043 = arith.index_cast %get3A_1041 : i32 to index
      %get3A_1044 = arith.index_cast %get3A_1042 : i32 to index
      %get3A_1045 = arith.constant 64 : index
      %get3A_1046 = tpu.vector_load %arg8[%get3A_1043, %get3A_1044, %get3A_1045] {strides = array<i32>} : memref<2x64x128xf32, #tpu.memory_space<vmem>>, vector<16xf32>,
      %mul3A_1047 = vector.broadcast %squeeze3A_1004 : f32 to vector<16xf32>
      %mul3A_1048 = arith.mulf %mul3A_1047, %get3A_1046 : vector<16xf32>
      %add3A_1049 = arith.addf %add3A_975, %mul3A_1048 : vector<16xf32>
      %get3A_1050 = arith.constant 0 : i32
      %get3A_1051 = arith.constant 44 : i32
      %get3A_1052 = arith.index_cast %get3A_1050 : i32 to index
      %get3A_1053 = arith.index_cast %get3A_1051 : i32 to index
      %get3A_1054 = arith.constant 80 : index
      %get3A_1055 = tpu.vector_load %arg8[%get3A_1052, %get3A_1053, %get3A_1054] {strides = array<i32>} : memref<2x64x128xf32, #tpu.memory_space<vmem>>, vector<16xf32>,
      %mul3A_1056 = vector.broadcast %squeeze3A_1004 : f32 to vector<16xf32>
      %mul3A_1057 = arith.mulf %mul3A_1056, %get3A_1055 : vector<16xf32>
      %add3A_1058 = arith.addf %add3A_984, %mul3A_1057 : vector<16xf32>
      %get3A_1059 = arith.constant 0 : i32
      %get3A_1060 = arith.constant 44 : i32
      %get3A_1061 = arith.index_cast %get3A_1059 : i32 to index
      %get3A_1062 = arith.index_cast %get3A_1060 : i32 to index
      %get3A_1063 = arith.constant 96 : index
      %get3A_1064 = tpu.vector_load %arg8[%get3A_1061, %get3A_1062, %get3A_1063] {strides = array<i32>} : memref<2x64x128xf32, #tpu.memory_space<vmem>>, vector<16xf32>,
      %mul3A_1065 = vector.broadcast %squeeze3A_1004 : f32 to vector<16xf32>
      %mul3A_1066 = arith.mulf %mul3A_1065, %get3A_1064 : vector<16xf32>
      %add3A_1067 = arith.addf %add3A_993, %mul3A_1066 : vector<16xf32>
      %get3A_1068 = arith.constant 0 : i32
      %get3A_1069 = arith.constant 44 : i32
      %get3A_1070 = arith.index_cast %get3A_1068 : i32 to index
      %get3A_1071 = arith.index_cast %get3A_1069 : i32 to index
      %get3A_1072 = arith.constant 112 : index
      %get3A_1073 = tpu.vector_load %arg8[%get3A_1070, %get3A_1071, %get3A_1072] {strides = array<i32>} : memref<2x64x128xf32, #tpu.memory_space<vmem>>, vector<16xf32>,
      %mul3A_1074 = vector.broadcast %squeeze3A_1004 : f32 to vector<16xf32>
      %mul3A_1075 = arith.mulf %mul3A_1074, %get3A_1073 : vector<16xf32>
      %add3A_1076 = arith.addf %add3A_1002, %mul3A_1075 : vector<16xf32>
      %slice3A_1077 = vector.extract_strided_slice %div3A_99 {offsets = [13], sizes = [1], strides = [1]} : vector<16xf32> to vector<1xf32>
      %squeeze3A_1078 = vector.extract %slice3A_1077[0] : f32 from vector<1xf32>
      %get3A_1079 = arith.constant 0 : i32
      %get3A_1080 = arith.constant 45 : i32
      %get3A_1081 = arith.index_cast %get3A_1079 : i32 to index
      %get3A_1082 = arith.index_cast %get3A_1080 : i32 to index
      %get3A_1083 = arith.constant 0 : index
      %get3A_1084 = tpu.vector_load %arg8[%get3A_1081, %get3A_1082, %get3A_1083] {strides = array<i32>} : memref<2x64x128xf32, #tpu.memory_space<vmem>>, vector<16xf32>,
      %mul3A_1085 = vector.broadcast %squeeze3A_1078 : f32 to vector<16xf32>
      %mul3A_1086 = arith.mulf %mul3A_1085, %get3A_1084 : vector<16xf32>
      %add3A_1087 = arith.addf %add3A_1013, %mul3A_1086 : vector<16xf32>
      %get3A_1088 = arith.constant 0 : i32
      %get3A_1089 = arith.constant 45 : i32
      %get3A_1090 = arith.index_cast %get3A_1088 : i32 to index
      %get3A_1091 = arith.index_cast %get3A_1089 : i32 to index
      %get3A_1092 = arith.constant 16 : index
      %get3A_1093 = tpu.vector_load %arg8[%get3A_1090, %get3A_1091, %get3A_1092] {strides = array<i32>} : memref<2x64x128xf32, #tpu.memory_space<vmem>>, vector<16xf32>,
      %mul3A_1094 = vector.broadcast %squeeze3A_1078 : f32 to vector<16xf32>
      %mul3A_1095 = arith.mulf %mul3A_1094, %get3A_1093 : vector<16xf32>
      %add3A_1096 = arith.addf %add3A_1022, %mul3A_1095 : vector<16xf32>
      %get3A_1097 = arith.constant 0 : i32
      %get3A_1098 = arith.constant 45 : i32
      %get3A_1099 = arith.index_cast %get3A_1097 : i32 to index
      %get3A_1100 = arith.index_cast %get3A_1098 : i32 to index
      %get3A_1101 = arith.constant 32 : index
      %get3A_1102 = tpu.vector_load %arg8[%get3A_1099, %get3A_1100, %get3A_1101] {strides = array<i32>} : memref<2x64x128xf32, #tpu.memory_space<vmem>>, vector<16xf32>,
      %mul3A_1103 = vector.broadcast %squeeze3A_1078 : f32 to vector<16xf32>
      %mul3A_1104 = arith.mulf %mul3A_1103, %get3A_1102 : vector<16xf32>
      %add3A_1105 = arith.addf %add3A_1031, %mul3A_1104 : vector<16xf32>
      %get3A_1106 = arith.constant 0 : i32
      %get3A_1107 = arith.constant 45 : i32
      %get3A_1108 = arith.index_cast %get3A_1106 : i32 to index
      %get3A_1109 = arith.index_cast %get3A_1107 : i32 to index
      %get3A_1110 = arith.constant 48 : index
      %get3A_1111 = tpu.vector_load %arg8[%get3A_1108, %get3A_1109, %get3A_1110] {strides = array<i32>} : memref<2x64x128xf32, #tpu.memory_space<vmem>>, vector<16xf32>,
      %mul3A_1112 = vector.broadcast %squeeze3A_1078 : f32 to vector<16xf32>
      %mul3A_1113 = arith.mulf %mul3A_1112, %get3A_1111 : vector<16xf32>
      %add3A_1114 = arith.addf %add3A_1040, %mul3A_1113 : vector<16xf32>
      %get3A_1115 = arith.constant 0 : i32
      %get3A_1116 = arith.constant 45 : i32
      %get3A_1117 = arith.index_cast %get3A_1115 : i32 to index
      %get3A_1118 = arith.index_cast %get3A_1116 : i32 to index
      %get3A_1119 = arith.constant 64 : index
      %get3A_1120 = tpu.vector_load %arg8[%get3A_1117, %get3A_1118, %get3A_1119] {strides = array<i32>} : memref<2x64x128xf32, #tpu.memory_space<vmem>>, vector<16xf32>,
      %mul3A_1121 = vector.broadcast %squeeze3A_1078 : f32 to vector<16xf32>
      %mul3A_1122 = arith.mulf %mul3A_1121, %get3A_1120 : vector<16xf32>
      %add3A_1123 = arith.addf %add3A_1049, %mul3A_1122 : vector<16xf32>
      %get3A_1124 = arith.constant 0 : i32
      %get3A_1125 = arith.constant 45 : i32
      %get3A_1126 = arith.index_cast %get3A_1124 : i32 to index
      %get3A_1127 = arith.index_cast %get3A_1125 : i32 to index
      %get3A_1128 = arith.constant 80 : index
      %get3A_1129 = tpu.vector_load %arg8[%get3A_1126, %get3A_1127, %get3A_1128] {strides = array<i32>} : memref<2x64x128xf32, #tpu.memory_space<vmem>>, vector<16xf32>,
      %mul3A_1130 = vector.broadcast %squeeze3A_1078 : f32 to vector<16xf32>
      %mul3A_1131 = arith.mulf %mul3A_1130, %get3A_1129 : vector<16xf32>
      %add3A_1132 = arith.addf %add3A_1058, %mul3A_1131 : vector<16xf32>
      %get3A_1133 = arith.constant 0 : i32
      %get3A_1134 = arith.constant 45 : i32
      %get3A_1135 = arith.index_cast %get3A_1133 : i32 to index
      %get3A_1136 = arith.index_cast %get3A_1134 : i32 to index
      %get3A_1137 = arith.constant 96 : index
      %get3A_1138 = tpu.vector_load %arg8[%get3A_1135, %get3A_1136, %get3A_1137] {strides = array<i32>} : memref<2x64x128xf32, #tpu.memory_space<vmem>>, vector<16xf32>,
      %mul3A_1139 = vector.broadcast %squeeze3A_1078 : f32 to vector<16xf32>
      %mul3A_1140 = arith.mulf %mul3A_1139, %get3A_1138 : vector<16xf32>
      %add3A_1141 = arith.addf %add3A_1067, %mul3A_1140 : vector<16xf32>
      %get3A_1142 = arith.constant 0 : i32
      %get3A_1143 = arith.constant 45 : i32
      %get3A_1144 = arith.index_cast %get3A_1142 : i32 to index
      %get3A_1145 = arith.index_cast %get3A_1143 : i32 to index
      %get3A_1146 = arith.constant 112 : index
      %get3A_1147 = tpu.vector_load %arg8[%get3A_1144, %get3A_1145, %get3A_1146] {strides = array<i32>} : memref<2x64x128xf32, #tpu.memory_space<vmem>>, vector<16xf32>,
      %mul3A_1148 = vector.broadcast %squeeze3A_1078 : f32 to vector<16xf32>
      %mul3A_1149 = arith.mulf %mul3A_1148, %get3A_1147 : vector<16xf32>
      %add3A_1150 = arith.addf %add3A_1076, %mul3A_1149 : vector<16xf32>
      %slice3A_1151 = vector.extract_strided_slice %div3A_99 {offsets = [14], sizes = [1], strides = [1]} : vector<16xf32> to vector<1xf32>
      %squeeze3A_1152 = vector.extract %slice3A_1151[0] : f32 from vector<1xf32>
      %get3A_1153 = arith.constant 0 : i32
      %get3A_1154 = arith.constant 46 : i32
      %get3A_1155 = arith.index_cast %get3A_1153 : i32 to index
      %get3A_1156 = arith.index_cast %get3A_1154 : i32 to index
      %get3A_1157 = arith.constant 0 : index
      %get3A_1158 = tpu.vector_load %arg8[%get3A_1155, %get3A_1156, %get3A_1157] {strides = array<i32>} : memref<2x64x128xf32, #tpu.memory_space<vmem>>, vector<16xf32>,
      %mul3A_1159 = vector.broadcast %squeeze3A_1152 : f32 to vector<16xf32>
      %mul3A_1160 = arith.mulf %mul3A_1159, %get3A_1158 : vector<16xf32>
      %add3A_1161 = arith.addf %add3A_1087, %mul3A_1160 : vector<16xf32>
      %get3A_1162 = arith.constant 0 : i32
      %get3A_1163 = arith.constant 46 : i32
      %get3A_1164 = arith.index_cast %get3A_1162 : i32 to index
      %get3A_1165 = arith.index_cast %get3A_1163 : i32 to index
      %get3A_1166 = arith.constant 16 : index
      %get3A_1167 = tpu.vector_load %arg8[%get3A_1164, %get3A_1165, %get3A_1166] {strides = array<i32>} : memref<2x64x128xf32, #tpu.memory_space<vmem>>, vector<16xf32>,
      %mul3A_1168 = vector.broadcast %squeeze3A_1152 : f32 to vector<16xf32>
      %mul3A_1169 = arith.mulf %mul3A_1168, %get3A_1167 : vector<16xf32>
      %add3A_1170 = arith.addf %add3A_1096, %mul3A_1169 : vector<16xf32>
      %get3A_1171 = arith.constant 0 : i32
      %get3A_1172 = arith.constant 46 : i32
      %get3A_1173 = arith.index_cast %get3A_1171 : i32 to index
      %get3A_1174 = arith.index_cast %get3A_1172 : i32 to index
      %get3A_1175 = arith.constant 32 : index
      %get3A_1176 = tpu.vector_load %arg8[%get3A_1173, %get3A_1174, %get3A_1175] {strides = array<i32>} : memref<2x64x128xf32, #tpu.memory_space<vmem>>, vector<16xf32>,
      %mul3A_1177 = vector.broadcast %squeeze3A_1152 : f32 to vector<16xf32>
      %mul3A_1178 = arith.mulf %mul3A_1177, %get3A_1176 : vector<16xf32>
      %add3A_1179 = arith.addf %add3A_1105, %mul3A_1178 : vector<16xf32>
      %get3A_1180 = arith.constant 0 : i32
      %get3A_1181 = arith.constant 46 : i32
      %get3A_1182 = arith.index_cast %get3A_1180 : i32 to index
      %get3A_1183 = arith.index_cast %get3A_1181 : i32 to index
      %get3A_1184 = arith.constant 48 : index
      %get3A_1185 = tpu.vector_load %arg8[%get3A_1182, %get3A_1183, %get3A_1184] {strides = array<i32>} : memref<2x64x128xf32, #tpu.memory_space<vmem>>, vector<16xf32>,
      %mul3A_1186 = vector.broadcast %squeeze3A_1152 : f32 to vector<16xf32>
      %mul3A_1187 = arith.mulf %mul3A_1186, %get3A_1185 : vector<16xf32>
      %add3A_1188 = arith.addf %add3A_1114, %mul3A_1187 : vector<16xf32>
      %get3A_1189 = arith.constant 0 : i32
      %get3A_1190 = arith.constant 46 : i32
      %get3A_1191 = arith.index_cast %get3A_1189 : i32 to index
      %get3A_1192 = arith.index_cast %get3A_1190 : i32 to index
      %get3A_1193 = arith.constant 64 : index
      %get3A_1194 = tpu.vector_load %arg8[%get3A_1191, %get3A_1192, %get3A_1193] {strides = array<i32>} : memref<2x64x128xf32, #tpu.memory_space<vmem>>, vector<16xf32>,
      %mul3A_1195 = vector.broadcast %squeeze3A_1152 : f32 to vector<16xf32>
      %mul3A_1196 = arith.mulf %mul3A_1195, %get3A_1194 : vector<16xf32>
      %add3A_1197 = arith.addf %add3A_1123, %mul3A_1196 : vector<16xf32>
      %get3A_1198 = arith.constant 0 : i32
      %get3A_1199 = arith.constant 46 : i32
      %get3A_1200 = arith.index_cast %get3A_1198 : i32 to index
      %get3A_1201 = arith.index_cast %get3A_1199 : i32 to index
      %get3A_1202 = arith.constant 80 : index
      %get3A_1203 = tpu.vector_load %arg8[%get3A_1200, %get3A_1201, %get3A_1202] {strides = array<i32>} : memref<2x64x128xf32, #tpu.memory_space<vmem>>, vector<16xf32>,
      %mul3A_1204 = vector.broadcast %squeeze3A_1152 : f32 to vector<16xf32>
      %mul3A_1205 = arith.mulf %mul3A_1204, %get3A_1203 : vector<16xf32>
      %add3A_1206 = arith.addf %add3A_1132, %mul3A_1205 : vector<16xf32>
      %get3A_1207 = arith.constant 0 : i32
      %get3A_1208 = arith.constant 46 : i32
      %get3A_1209 = arith.index_cast %get3A_1207 : i32 to index
      %get3A_1210 = arith.index_cast %get3A_1208 : i32 to index
      %get3A_1211 = arith.constant 96 : index
      %get3A_1212 = tpu.vector_load %arg8[%get3A_1209, %get3A_1210, %get3A_1211] {strides = array<i32>} : memref<2x64x128xf32, #tpu.memory_space<vmem>>, vector<16xf32>,
      %mul3A_1213 = vector.broadcast %squeeze3A_1152 : f32 to vector<16xf32>
      %mul3A_1214 = arith.mulf %mul3A_1213, %get3A_1212 : vector<16xf32>
      %add3A_1215 = arith.addf %add3A_1141, %mul3A_1214 : vector<16xf32>
      %get3A_1216 = arith.constant 0 : i32
      %get3A_1217 = arith.constant 46 : i32
      %get3A_1218 = arith.index_cast %get3A_1216 : i32 to index
      %get3A_1219 = arith.index_cast %get3A_1217 : i32 to index
      %get3A_1220 = arith.constant 112 : index
      %get3A_1221 = tpu.vector_load %arg8[%get3A_1218, %get3A_1219, %get3A_1220] {strides = array<i32>} : memref<2x64x128xf32, #tpu.memory_space<vmem>>, vector<16xf32>,
      %mul3A_1222 = vector.broadcast %squeeze3A_1152 : f32 to vector<16xf32>
      %mul3A_1223 = arith.mulf %mul3A_1222, %get3A_1221 : vector<16xf32>
      %add3A_1224 = arith.addf %add3A_1150, %mul3A_1223 : vector<16xf32>
      %slice3A_1225 = vector.extract_strided_slice %div3A_99 {offsets = [15], sizes = [1], strides = [1]} : vector<16xf32> to vector<1xf32>
      %squeeze3A_1226 = vector.extract %slice3A_1225[0] : f32 from vector<1xf32>
      %get3A_1227 = arith.constant 0 : i32
      %get3A_1228 = arith.constant 47 : i32
      %get3A_1229 = arith.index_cast %get3A_1227 : i32 to index
      %get3A_1230 = arith.index_cast %get3A_1228 : i32 to index
      %get3A_1231 = arith.constant 0 : index
      %get3A_1232 = tpu.vector_load %arg8[%get3A_1229, %get3A_1230, %get3A_1231] {strides = array<i32>} : memref<2x64x128xf32, #tpu.memory_space<vmem>>, vector<16xf32>,
      %mul3A_1233 = vector.broadcast %squeeze3A_1226 : f32 to vector<16xf32>
      %mul3A_1234 = arith.mulf %mul3A_1233, %get3A_1232 : vector<16xf32>
      %add3A_1235 = arith.addf %add3A_1161, %mul3A_1234 : vector<16xf32>
      %get3A_1236 = arith.constant 0 : i32
      %get3A_1237 = arith.constant 47 : i32
      %get3A_1238 = arith.index_cast %get3A_1236 : i32 to index
      %get3A_1239 = arith.index_cast %get3A_1237 : i32 to index
      %get3A_1240 = arith.constant 16 : index
      %get3A_1241 = tpu.vector_load %arg8[%get3A_1238, %get3A_1239, %get3A_1240] {strides = array<i32>} : memref<2x64x128xf32, #tpu.memory_space<vmem>>, vector<16xf32>,
      %mul3A_1242 = vector.broadcast %squeeze3A_1226 : f32 to vector<16xf32>
      %mul3A_1243 = arith.mulf %mul3A_1242, %get3A_1241 : vector<16xf32>
      %add3A_1244 = arith.addf %add3A_1170, %mul3A_1243 : vector<16xf32>
      %get3A_1245 = arith.constant 0 : i32
      %get3A_1246 = arith.constant 47 : i32
      %get3A_1247 = arith.index_cast %get3A_1245 : i32 to index
      %get3A_1248 = arith.index_cast %get3A_1246 : i32 to index
      %get3A_1249 = arith.constant 32 : index
      %get3A_1250 = tpu.vector_load %arg8[%get3A_1247, %get3A_1248, %get3A_1249] {strides = array<i32>} : memref<2x64x128xf32, #tpu.memory_space<vmem>>, vector<16xf32>,
      %mul3A_1251 = vector.broadcast %squeeze3A_1226 : f32 to vector<16xf32>
      %mul3A_1252 = arith.mulf %mul3A_1251, %get3A_1250 : vector<16xf32>
      %add3A_1253 = arith.addf %add3A_1179, %mul3A_1252 : vector<16xf32>
      %get3A_1254 = arith.constant 0 : i32
      %get3A_1255 = arith.constant 47 : i32
      %get3A_1256 = arith.index_cast %get3A_1254 : i32 to index
      %get3A_1257 = arith.index_cast %get3A_1255 : i32 to index
      %get3A_1258 = arith.constant 48 : index
      %get3A_1259 = tpu.vector_load %arg8[%get3A_1256, %get3A_1257, %get3A_1258] {strides = array<i32>} : memref<2x64x128xf32, #tpu.memory_space<vmem>>, vector<16xf32>,
      %mul3A_1260 = vector.broadcast %squeeze3A_1226 : f32 to vector<16xf32>
      %mul3A_1261 = arith.mulf %mul3A_1260, %get3A_1259 : vector<16xf32>
      %add3A_1262 = arith.addf %add3A_1188, %mul3A_1261 : vector<16xf32>
      %get3A_1263 = arith.constant 0 : i32
      %get3A_1264 = arith.constant 47 : i32
      %get3A_1265 = arith.index_cast %get3A_1263 : i32 to index
      %get3A_1266 = arith.index_cast %get3A_1264 : i32 to index
      %get3A_1267 = arith.constant 64 : index
      %get3A_1268 = tpu.vector_load %arg8[%get3A_1265, %get3A_1266, %get3A_1267] {strides = array<i32>} : memref<2x64x128xf32, #tpu.memory_space<vmem>>, vector<16xf32>,
      %mul3A_1269 = vector.broadcast %squeeze3A_1226 : f32 to vector<16xf32>
      %mul3A_1270 = arith.mulf %mul3A_1269, %get3A_1268 : vector<16xf32>
      %add3A_1271 = arith.addf %add3A_1197, %mul3A_1270 : vector<16xf32>
      %get3A_1272 = arith.constant 0 : i32
      %get3A_1273 = arith.constant 47 : i32
      %get3A_1274 = arith.index_cast %get3A_1272 : i32 to index
      %get3A_1275 = arith.index_cast %get3A_1273 : i32 to index
      %get3A_1276 = arith.constant 80 : index
      %get3A_1277 = tpu.vector_load %arg8[%get3A_1274, %get3A_1275, %get3A_1276] {strides = array<i32>} : memref<2x64x128xf32, #tpu.memory_space<vmem>>, vector<16xf32>,
      %mul3A_1278 = vector.broadcast %squeeze3A_1226 : f32 to vector<16xf32>
      %mul3A_1279 = arith.mulf %mul3A_1278, %get3A_1277 : vector<16xf32>
      %add3A_1280 = arith.addf %add3A_1206, %mul3A_1279 : vector<16xf32>
      %get3A_1281 = arith.constant 0 : i32
      %get3A_1282 = arith.constant 47 : i32
      %get3A_1283 = arith.index_cast %get3A_1281 : i32 to index
      %get3A_1284 = arith.index_cast %get3A_1282 : i32 to index
      %get3A_1285 = arith.constant 96 : index
      %get3A_1286 = tpu.vector_load %arg8[%get3A_1283, %get3A_1284, %get3A_1285] {strides = array<i32>} : memref<2x64x128xf32, #tpu.memory_space<vmem>>, vector<16xf32>,
      %mul3A_1287 = vector.broadcast %squeeze3A_1226 : f32 to vector<16xf32>
      %mul3A_1288 = arith.mulf %mul3A_1287, %get3A_1286 : vector<16xf32>
      %add3A_1289 = arith.addf %add3A_1215, %mul3A_1288 : vector<16xf32>
      %get3A_1290 = arith.constant 0 : i32
      %get3A_1291 = arith.constant 47 : i32
      %get3A_1292 = arith.index_cast %get3A_1290 : i32 to index
      %get3A_1293 = arith.index_cast %get3A_1291 : i32 to index
      %get3A_1294 = arith.constant 112 : index
      %get3A_1295 = tpu.vector_load %arg8[%get3A_1292, %get3A_1293, %get3A_1294] {strides = array<i32>} : memref<2x64x128xf32, #tpu.memory_space<vmem>>, vector<16xf32>,
      %mul3A_1296 = vector.broadcast %squeeze3A_1226 : f32 to vector<16xf32>
      %mul3A_1297 = arith.mulf %mul3A_1296, %get3A_1295 : vector<16xf32>
      %add3A_1298 = arith.addf %add3A_1224, %mul3A_1297 : vector<16xf32>
      %slice3A_1299 = vector.extract_strided_slice %div3A_101 {offsets = [0], sizes = [1], strides = [1]} : vector<16xf32> to vector<1xf32>
      %squeeze3A_1300 = vector.extract %slice3A_1299[0] : f32 from vector<1xf32>
      %get3A_1301 = arith.constant 0 : i32
      %get3A_1302 = arith.constant 48 : i32
      %get3A_1303 = arith.index_cast %get3A_1301 : i32 to index
      %get3A_1304 = arith.index_cast %get3A_1302 : i32 to index
      %get3A_1305 = arith.constant 0 : index
      %get3A_1306 = tpu.vector_load %arg8[%get3A_1303, %get3A_1304, %get3A_1305] {strides = array<i32>} : memref<2x64x128xf32, #tpu.memory_space<vmem>>, vector<16xf32>,
      %mul3A_1307 = vector.broadcast %squeeze3A_1300 : f32 to vector<16xf32>
      %mul3A_1308 = arith.mulf %mul3A_1307, %get3A_1306 : vector<16xf32>
      %add3A_1309 = arith.addf %add3A_1235, %mul3A_1308 : vector<16xf32>
      %get3A_1310 = arith.constant 0 : i32
      %get3A_1311 = arith.constant 48 : i32
      %get3A_1312 = arith.index_cast %get3A_1310 : i32 to index
      %get3A_1313 = arith.index_cast %get3A_1311 : i32 to index
      %get3A_1314 = arith.constant 16 : index
      %get3A_1315 = tpu.vector_load %arg8[%get3A_1312, %get3A_1313, %get3A_1314] {strides = array<i32>} : memref<2x64x128xf32, #tpu.memory_space<vmem>>, vector<16xf32>,
      %mul3A_1316 = vector.broadcast %squeeze3A_1300 : f32 to vector<16xf32>
      %mul3A_1317 = arith.mulf %mul3A_1316, %get3A_1315 : vector<16xf32>
      %add3A_1318 = arith.addf %add3A_1244, %mul3A_1317 : vector<16xf32>
      %get3A_1319 = arith.constant 0 : i32
      %get3A_1320 = arith.constant 48 : i32
      %get3A_1321 = arith.index_cast %get3A_1319 : i32 to index
      %get3A_1322 = arith.index_cast %get3A_1320 : i32 to index
      %get3A_1323 = arith.constant 32 : index
      %get3A_1324 = tpu.vector_load %arg8[%get3A_1321, %get3A_1322, %get3A_1323] {strides = array<i32>} : memref<2x64x128xf32, #tpu.memory_space<vmem>>, vector<16xf32>,
      %mul3A_1325 = vector.broadcast %squeeze3A_1300 : f32 to vector<16xf32>
      %mul3A_1326 = arith.mulf %mul3A_1325, %get3A_1324 : vector<16xf32>
      %add3A_1327 = arith.addf %add3A_1253, %mul3A_1326 : vector<16xf32>
      %get3A_1328 = arith.constant 0 : i32
      %get3A_1329 = arith.constant 48 : i32
      %get3A_1330 = arith.index_cast %get3A_1328 : i32 to index
      %get3A_1331 = arith.index_cast %get3A_1329 : i32 to index
      %get3A_1332 = arith.constant 48 : index
      %get3A_1333 = tpu.vector_load %arg8[%get3A_1330, %get3A_1331, %get3A_1332] {strides = array<i32>} : memref<2x64x128xf32, #tpu.memory_space<vmem>>, vector<16xf32>,
      %mul3A_1334 = vector.broadcast %squeeze3A_1300 : f32 to vector<16xf32>
      %mul3A_1335 = arith.mulf %mul3A_1334, %get3A_1333 : vector<16xf32>
      %add3A_1336 = arith.addf %add3A_1262, %mul3A_1335 : vector<16xf32>
      %get3A_1337 = arith.constant 0 : i32
      %get3A_1338 = arith.constant 48 : i32
      %get3A_1339 = arith.index_cast %get3A_1337 : i32 to index
      %get3A_1340 = arith.index_cast %get3A_1338 : i32 to index
      %get3A_1341 = arith.constant 64 : index
      %get3A_1342 = tpu.vector_load %arg8[%get3A_1339, %get3A_1340, %get3A_1341] {strides = array<i32>} : memref<2x64x128xf32, #tpu.memory_space<vmem>>, vector<16xf32>,
      %mul3A_1343 = vector.broadcast %squeeze3A_1300 : f32 to vector<16xf32>
      %mul3A_1344 = arith.mulf %mul3A_1343, %get3A_1342 : vector<16xf32>
      %add3A_1345 = arith.addf %add3A_1271, %mul3A_1344 : vector<16xf32>
      %get3A_1346 = arith.constant 0 : i32
      %get3A_1347 = arith.constant 48 : i32
      %get3A_1348 = arith.index_cast %get3A_1346 : i32 to index
      %get3A_1349 = arith.index_cast %get3A_1347 : i32 to index
      %get3A_1350 = arith.constant 80 : index
      %get3A_1351 = tpu.vector_load %arg8[%get3A_1348, %get3A_1349, %get3A_1350] {strides = array<i32>} : memref<2x64x128xf32, #tpu.memory_space<vmem>>, vector<16xf32>,
      %mul3A_1352 = vector.broadcast %squeeze3A_1300 : f32 to vector<16xf32>
      %mul3A_1353 = arith.mulf %mul3A_1352, %get3A_1351 : vector<16xf32>
      %add3A_1354 = arith.addf %add3A_1280, %mul3A_1353 : vector<16xf32>
      %get3A_1355 = arith.constant 0 : i32
      %get3A_1356 = arith.constant 48 : i32
      %get3A_1357 = arith.index_cast %get3A_1355 : i32 to index
      %get3A_1358 = arith.index_cast %get3A_1356 : i32 to index
      %get3A_1359 = arith.constant 96 : index
      %get3A_1360 = tpu.vector_load %arg8[%get3A_1357, %get3A_1358, %get3A_1359] {strides = array<i32>} : memref<2x64x128xf32, #tpu.memory_space<vmem>>, vector<16xf32>,
      %mul3A_1361 = vector.broadcast %squeeze3A_1300 : f32 to vector<16xf32>
      %mul3A_1362 = arith.mulf %mul3A_1361, %get3A_1360 : vector<16xf32>
      %add3A_1363 = arith.addf %add3A_1289, %mul3A_1362 : vector<16xf32>
      %get3A_1364 = arith.constant 0 : i32
      %get3A_1365 = arith.constant 48 : i32
      %get3A_1366 = arith.index_cast %get3A_1364 : i32 to index
      %get3A_1367 = arith.index_cast %get3A_1365 : i32 to index
      %get3A_1368 = arith.constant 112 : index
      %get3A_1369 = tpu.vector_load %arg8[%get3A_1366, %get3A_1367, %get3A_1368] {strides = array<i32>} : memref<2x64x128xf32, #tpu.memory_space<vmem>>, vector<16xf32>,
      %mul3A_1370 = vector.broadcast %squeeze3A_1300 : f32 to vector<16xf32>
      %mul3A_1371 = arith.mulf %mul3A_1370, %get3A_1369 : vector<16xf32>
      %add3A_1372 = arith.addf %add3A_1298, %mul3A_1371 : vector<16xf32>
      %slice3A_1373 = vector.extract_strided_slice %div3A_101 {offsets = [1], sizes = [1], strides = [1]} : vector<16xf32> to vector<1xf32>
      %squeeze3A_1374 = vector.extract %slice3A_1373[0] : f32 from vector<1xf32>
      %get3A_1375 = arith.constant 0 : i32
      %get3A_1376 = arith.constant 49 : i32
      %get3A_1377 = arith.index_cast %get3A_1375 : i32 to index
      %get3A_1378 = arith.index_cast %get3A_1376 : i32 to index
      %get3A_1379 = arith.constant 0 : index
      %get3A_1380 = tpu.vector_load %arg8[%get3A_1377, %get3A_1378, %get3A_1379] {strides = array<i32>} : memref<2x64x128xf32, #tpu.memory_space<vmem>>, vector<16xf32>,
      %mul3A_1381 = vector.broadcast %squeeze3A_1374 : f32 to vector<16xf32>
      %mul3A_1382 = arith.mulf %mul3A_1381, %get3A_1380 : vector<16xf32>
      %add3A_1383 = arith.addf %add3A_1309, %mul3A_1382 : vector<16xf32>
      %get3A_1384 = arith.constant 0 : i32
      %get3A_1385 = arith.constant 49 : i32
      %get3A_1386 = arith.index_cast %get3A_1384 : i32 to index
      %get3A_1387 = arith.index_cast %get3A_1385 : i32 to index
      %get3A_1388 = arith.constant 16 : index
      %get3A_1389 = tpu.vector_load %arg8[%get3A_1386, %get3A_1387, %get3A_1388] {strides = array<i32>} : memref<2x64x128xf32, #tpu.memory_space<vmem>>, vector<16xf32>,
      %mul3A_1390 = vector.broadcast %squeeze3A_1374 : f32 to vector<16xf32>
      %mul3A_1391 = arith.mulf %mul3A_1390, %get3A_1389 : vector<16xf32>
      %add3A_1392 = arith.addf %add3A_1318, %mul3A_1391 : vector<16xf32>
      %get3A_1393 = arith.constant 0 : i32
      %get3A_1394 = arith.constant 49 : i32
      %get3A_1395 = arith.index_cast %get3A_1393 : i32 to index
      %get3A_1396 = arith.index_cast %get3A_1394 : i32 to index
      %get3A_1397 = arith.constant 32 : index
      %get3A_1398 = tpu.vector_load %arg8[%get3A_1395, %get3A_1396, %get3A_1397] {strides = array<i32>} : memref<2x64x128xf32, #tpu.memory_space<vmem>>, vector<16xf32>,
      %mul3A_1399 = vector.broadcast %squeeze3A_1374 : f32 to vector<16xf32>
      %mul3A_1400 = arith.mulf %mul3A_1399, %get3A_1398 : vector<16xf32>
      %add3A_1401 = arith.addf %add3A_1327, %mul3A_1400 : vector<16xf32>
      %get3A_1402 = arith.constant 0 : i32
      %get3A_1403 = arith.constant 49 : i32
      %get3A_1404 = arith.index_cast %get3A_1402 : i32 to index
      %get3A_1405 = arith.index_cast %get3A_1403 : i32 to index
      %get3A_1406 = arith.constant 48 : index
      %get3A_1407 = tpu.vector_load %arg8[%get3A_1404, %get3A_1405, %get3A_1406] {strides = array<i32>} : memref<2x64x128xf32, #tpu.memory_space<vmem>>, vector<16xf32>,
      %mul3A_1408 = vector.broadcast %squeeze3A_1374 : f32 to vector<16xf32>
      %mul3A_1409 = arith.mulf %mul3A_1408, %get3A_1407 : vector<16xf32>
      %add3A_1410 = arith.addf %add3A_1336, %mul3A_1409 : vector<16xf32>
      %get3A_1411 = arith.constant 0 : i32
      %get3A_1412 = arith.constant 49 : i32
      %get3A_1413 = arith.index_cast %get3A_1411 : i32 to index
      %get3A_1414 = arith.index_cast %get3A_1412 : i32 to index
      %get3A_1415 = arith.constant 64 : index
      %get3A_1416 = tpu.vector_load %arg8[%get3A_1413, %get3A_1414, %get3A_1415] {strides = array<i32>} : memref<2x64x128xf32, #tpu.memory_space<vmem>>, vector<16xf32>,
      %mul3A_1417 = vector.broadcast %squeeze3A_1374 : f32 to vector<16xf32>
      %mul3A_1418 = arith.mulf %mul3A_1417, %get3A_1416 : vector<16xf32>
      %add3A_1419 = arith.addf %add3A_1345, %mul3A_1418 : vector<16xf32>
      %get3A_1420 = arith.constant 0 : i32
      %get3A_1421 = arith.constant 49 : i32
      %get3A_1422 = arith.index_cast %get3A_1420 : i32 to index
      %get3A_1423 = arith.index_cast %get3A_1421 : i32 to index
      %get3A_1424 = arith.constant 80 : index
      %get3A_1425 = tpu.vector_load %arg8[%get3A_1422, %get3A_1423, %get3A_1424] {strides = array<i32>} : memref<2x64x128xf32, #tpu.memory_space<vmem>>, vector<16xf32>,
      %mul3A_1426 = vector.broadcast %squeeze3A_1374 : f32 to vector<16xf32>
      %mul3A_1427 = arith.mulf %mul3A_1426, %get3A_1425 : vector<16xf32>
      %add3A_1428 = arith.addf %add3A_1354, %mul3A_1427 : vector<16xf32>
      %get3A_1429 = arith.constant 0 : i32
      %get3A_1430 = arith.constant 49 : i32
      %get3A_1431 = arith.index_cast %get3A_1429 : i32 to index
      %get3A_1432 = arith.index_cast %get3A_1430 : i32 to index
      %get3A_1433 = arith.constant 96 : index
      %get3A_1434 = tpu.vector_load %arg8[%get3A_1431, %get3A_1432, %get3A_1433] {strides = array<i32>} : memref<2x64x128xf32, #tpu.memory_space<vmem>>, vector<16xf32>,
      %mul3A_1435 = vector.broadcast %squeeze3A_1374 : f32 to vector<16xf32>
      %mul3A_1436 = arith.mulf %mul3A_1435, %get3A_1434 : vector<16xf32>
      %add3A_1437 = arith.addf %add3A_1363, %mul3A_1436 : vector<16xf32>
      %get3A_1438 = arith.constant 0 : i32
      %get3A_1439 = arith.constant 49 : i32
      %get3A_1440 = arith.index_cast %get3A_1438 : i32 to index
      %get3A_1441 = arith.index_cast %get3A_1439 : i32 to index
      %get3A_1442 = arith.constant 112 : index
      %get3A_1443 = tpu.vector_load %arg8[%get3A_1440, %get3A_1441, %get3A_1442] {strides = array<i32>} : memref<2x64x128xf32, #tpu.memory_space<vmem>>, vector<16xf32>,
      %mul3A_1444 = vector.broadcast %squeeze3A_1374 : f32 to vector<16xf32>
      %mul3A_1445 = arith.mulf %mul3A_1444, %get3A_1443 : vector<16xf32>
      %add3A_1446 = arith.addf %add3A_1372, %mul3A_1445 : vector<16xf32>
      %slice3A_1447 = vector.extract_strided_slice %div3A_101 {offsets = [2], sizes = [1], strides = [1]} : vector<16xf32> to vector<1xf32>
      %squeeze3A_1448 = vector.extract %slice3A_1447[0] : f32 from vector<1xf32>
      %get3A_1449 = arith.constant 0 : i32
      %get3A_1450 = arith.constant 50 : i32
      %get3A_1451 = arith.index_cast %get3A_1449 : i32 to index
      %get3A_1452 = arith.index_cast %get3A_1450 : i32 to index
      %get3A_1453 = arith.constant 0 : index
      %get3A_1454 = tpu.vector_load %arg8[%get3A_1451, %get3A_1452, %get3A_1453] {strides = array<i32>} : memref<2x64x128xf32, #tpu.memory_space<vmem>>, vector<16xf32>,
      %mul3A_1455 = vector.broadcast %squeeze3A_1448 : f32 to vector<16xf32>
      %mul3A_1456 = arith.mulf %mul3A_1455, %get3A_1454 : vector<16xf32>
      %add3A_1457 = arith.addf %add3A_1383, %mul3A_1456 : vector<16xf32>
      %get3A_1458 = arith.constant 0 : i32
      %get3A_1459 = arith.constant 50 : i32
      %get3A_1460 = arith.index_cast %get3A_1458 : i32 to index
      %get3A_1461 = arith.index_cast %get3A_1459 : i32 to index
      %get3A_1462 = arith.constant 16 : index
      %get3A_1463 = tpu.vector_load %arg8[%get3A_1460, %get3A_1461, %get3A_1462] {strides = array<i32>} : memref<2x64x128xf32, #tpu.memory_space<vmem>>, vector<16xf32>,
      %mul3A_1464 = vector.broadcast %squeeze3A_1448 : f32 to vector<16xf32>
      %mul3A_1465 = arith.mulf %mul3A_1464, %get3A_1463 : vector<16xf32>
      %add3A_1466 = arith.addf %add3A_1392, %mul3A_1465 : vector<16xf32>
      %get3A_1467 = arith.constant 0 : i32
      %get3A_1468 = arith.constant 50 : i32
      %get3A_1469 = arith.index_cast %get3A_1467 : i32 to index
      %get3A_1470 = arith.index_cast %get3A_1468 : i32 to index
      %get3A_1471 = arith.constant 32 : index
      %get3A_1472 = tpu.vector_load %arg8[%get3A_1469, %get3A_1470, %get3A_1471] {strides = array<i32>} : memref<2x64x128xf32, #tpu.memory_space<vmem>>, vector<16xf32>,
      %mul3A_1473 = vector.broadcast %squeeze3A_1448 : f32 to vector<16xf32>
      %mul3A_1474 = arith.mulf %mul3A_1473, %get3A_1472 : vector<16xf32>
      %add3A_1475 = arith.addf %add3A_1401, %mul3A_1474 : vector<16xf32>
      %get3A_1476 = arith.constant 0 : i32
      %get3A_1477 = arith.constant 50 : i32
      %get3A_1478 = arith.index_cast %get3A_1476 : i32 to index
      %get3A_1479 = arith.index_cast %get3A_1477 : i32 to index
      %get3A_1480 = arith.constant 48 : index
      %get3A_1481 = tpu.vector_load %arg8[%get3A_1478, %get3A_1479, %get3A_1480] {strides = array<i32>} : memref<2x64x128xf32, #tpu.memory_space<vmem>>, vector<16xf32>,
      %mul3A_1482 = vector.broadcast %squeeze3A_1448 : f32 to vector<16xf32>
      %mul3A_1483 = arith.mulf %mul3A_1482, %get3A_1481 : vector<16xf32>
      %add3A_1484 = arith.addf %add3A_1410, %mul3A_1483 : vector<16xf32>
      %get3A_1485 = arith.constant 0 : i32
      %get3A_1486 = arith.constant 50 : i32
      %get3A_1487 = arith.index_cast %get3A_1485 : i32 to index
      %get3A_1488 = arith.index_cast %get3A_1486 : i32 to index
      %get3A_1489 = arith.constant 64 : index
      %get3A_1490 = tpu.vector_load %arg8[%get3A_1487, %get3A_1488, %get3A_1489] {strides = array<i32>} : memref<2x64x128xf32, #tpu.memory_space<vmem>>, vector<16xf32>,
      %mul3A_1491 = vector.broadcast %squeeze3A_1448 : f32 to vector<16xf32>
      %mul3A_1492 = arith.mulf %mul3A_1491, %get3A_1490 : vector<16xf32>
      %add3A_1493 = arith.addf %add3A_1419, %mul3A_1492 : vector<16xf32>
      %get3A_1494 = arith.constant 0 : i32
      %get3A_1495 = arith.constant 50 : i32
      %get3A_1496 = arith.index_cast %get3A_1494 : i32 to index
      %get3A_1497 = arith.index_cast %get3A_1495 : i32 to index
      %get3A_1498 = arith.constant 80 : index
      %get3A_1499 = tpu.vector_load %arg8[%get3A_1496, %get3A_1497, %get3A_1498] {strides = array<i32>} : memref<2x64x128xf32, #tpu.memory_space<vmem>>, vector<16xf32>,
      %mul3A_1500 = vector.broadcast %squeeze3A_1448 : f32 to vector<16xf32>
      %mul3A_1501 = arith.mulf %mul3A_1500, %get3A_1499 : vector<16xf32>
      %add3A_1502 = arith.addf %add3A_1428, %mul3A_1501 : vector<16xf32>
      %get3A_1503 = arith.constant 0 : i32
      %get3A_1504 = arith.constant 50 : i32
      %get3A_1505 = arith.index_cast %get3A_1503 : i32 to index
      %get3A_1506 = arith.index_cast %get3A_1504 : i32 to index
      %get3A_1507 = arith.constant 96 : index
      %get3A_1508 = tpu.vector_load %arg8[%get3A_1505, %get3A_1506, %get3A_1507] {strides = array<i32>} : memref<2x64x128xf32, #tpu.memory_space<vmem>>, vector<16xf32>,
      %mul3A_1509 = vector.broadcast %squeeze3A_1448 : f32 to vector<16xf32>
      %mul3A_1510 = arith.mulf %mul3A_1509, %get3A_1508 : vector<16xf32>
      %add3A_1511 = arith.addf %add3A_1437, %mul3A_1510 : vector<16xf32>
      %get3A_1512 = arith.constant 0 : i32
      %get3A_1513 = arith.constant 50 : i32
      %get3A_1514 = arith.index_cast %get3A_1512 : i32 to index
      %get3A_1515 = arith.index_cast %get3A_1513 : i32 to index
      %get3A_1516 = arith.constant 112 : index
      %get3A_1517 = tpu.vector_load %arg8[%get3A_1514, %get3A_1515, %get3A_1516] {strides = array<i32>} : memref<2x64x128xf32, #tpu.memory_space<vmem>>, vector<16xf32>,
      %mul3A_1518 = vector.broadcast %squeeze3A_1448 : f32 to vector<16xf32>
      %mul3A_1519 = arith.mulf %mul3A_1518, %get3A_1517 : vector<16xf32>
      %add3A_1520 = arith.addf %add3A_1446, %mul3A_1519 : vector<16xf32>
      %slice3A_1521 = vector.extract_strided_slice %div3A_101 {offsets = [3], sizes = [1], strides = [1]} : vector<16xf32> to vector<1xf32>
      %squeeze3A_1522 = vector.extract %slice3A_1521[0] : f32 from vector<1xf32>
      %get3A_1523 = arith.constant 0 : i32
      %get3A_1524 = arith.constant 51 : i32
      %get3A_1525 = arith.index_cast %get3A_1523 : i32 to index
      %get3A_1526 = arith.index_cast %get3A_1524 : i32 to index
      %get3A_1527 = arith.constant 0 : index
      %get3A_1528 = tpu.vector_load %arg8[%get3A_1525, %get3A_1526, %get3A_1527] {strides = array<i32>} : memref<2x64x128xf32, #tpu.memory_space<vmem>>, vector<16xf32>,
      %mul3A_1529 = vector.broadcast %squeeze3A_1522 : f32 to vector<16xf32>
      %mul3A_1530 = arith.mulf %mul3A_1529, %get3A_1528 : vector<16xf32>
      %add3A_1531 = arith.addf %add3A_1457, %mul3A_1530 : vector<16xf32>
      %get3A_1532 = arith.constant 0 : i32
      %get3A_1533 = arith.constant 51 : i32
      %get3A_1534 = arith.index_cast %get3A_1532 : i32 to index
      %get3A_1535 = arith.index_cast %get3A_1533 : i32 to index
      %get3A_1536 = arith.constant 16 : index
      %get3A_1537 = tpu.vector_load %arg8[%get3A_1534, %get3A_1535, %get3A_1536] {strides = array<i32>} : memref<2x64x128xf32, #tpu.memory_space<vmem>>, vector<16xf32>,
      %mul3A_1538 = vector.broadcast %squeeze3A_1522 : f32 to vector<16xf32>
      %mul3A_1539 = arith.mulf %mul3A_1538, %get3A_1537 : vector<16xf32>
      %add3A_1540 = arith.addf %add3A_1466, %mul3A_1539 : vector<16xf32>
      %get3A_1541 = arith.constant 0 : i32
      %get3A_1542 = arith.constant 51 : i32
      %get3A_1543 = arith.index_cast %get3A_1541 : i32 to index
      %get3A_1544 = arith.index_cast %get3A_1542 : i32 to index
      %get3A_1545 = arith.constant 32 : index
      %get3A_1546 = tpu.vector_load %arg8[%get3A_1543, %get3A_1544, %get3A_1545] {strides = array<i32>} : memref<2x64x128xf32, #tpu.memory_space<vmem>>, vector<16xf32>,
      %mul3A_1547 = vector.broadcast %squeeze3A_1522 : f32 to vector<16xf32>
      %mul3A_1548 = arith.mulf %mul3A_1547, %get3A_1546 : vector<16xf32>
      %add3A_1549 = arith.addf %add3A_1475, %mul3A_1548 : vector<16xf32>
      %get3A_1550 = arith.constant 0 : i32
      %get3A_1551 = arith.constant 51 : i32
      %get3A_1552 = arith.index_cast %get3A_1550 : i32 to index
      %get3A_1553 = arith.index_cast %get3A_1551 : i32 to index
      %get3A_1554 = arith.constant 48 : index
      %get3A_1555 = tpu.vector_load %arg8[%get3A_1552, %get3A_1553, %get3A_1554] {strides = array<i32>} : memref<2x64x128xf32, #tpu.memory_space<vmem>>, vector<16xf32>,
      %mul3A_1556 = vector.broadcast %squeeze3A_1522 : f32 to vector<16xf32>
      %mul3A_1557 = arith.mulf %mul3A_1556, %get3A_1555 : vector<16xf32>
      %add3A_1558 = arith.addf %add3A_1484, %mul3A_1557 : vector<16xf32>
      %get3A_1559 = arith.constant 0 : i32
      %get3A_1560 = arith.constant 51 : i32
      %get3A_1561 = arith.index_cast %get3A_1559 : i32 to index
      %get3A_1562 = arith.index_cast %get3A_1560 : i32 to index
      %get3A_1563 = arith.constant 64 : index
      %get3A_1564 = tpu.vector_load %arg8[%get3A_1561, %get3A_1562, %get3A_1563] {strides = array<i32>} : memref<2x64x128xf32, #tpu.memory_space<vmem>>, vector<16xf32>,
      %mul3A_1565 = vector.broadcast %squeeze3A_1522 : f32 to vector<16xf32>
      %mul3A_1566 = arith.mulf %mul3A_1565, %get3A_1564 : vector<16xf32>
      %add3A_1567 = arith.addf %add3A_1493, %mul3A_1566 : vector<16xf32>
      %get3A_1568 = arith.constant 0 : i32
      %get3A_1569 = arith.constant 51 : i32
      %get3A_1570 = arith.index_cast %get3A_1568 : i32 to index
      %get3A_1571 = arith.index_cast %get3A_1569 : i32 to index
      %get3A_1572 = arith.constant 80 : index
      %get3A_1573 = tpu.vector_load %arg8[%get3A_1570, %get3A_1571, %get3A_1572] {strides = array<i32>} : memref<2x64x128xf32, #tpu.memory_space<vmem>>, vector<16xf32>,
      %mul3A_1574 = vector.broadcast %squeeze3A_1522 : f32 to vector<16xf32>
      %mul3A_1575 = arith.mulf %mul3A_1574, %get3A_1573 : vector<16xf32>
      %add3A_1576 = arith.addf %add3A_1502, %mul3A_1575 : vector<16xf32>
      %get3A_1577 = arith.constant 0 : i32
      %get3A_1578 = arith.constant 51 : i32
      %get3A_1579 = arith.index_cast %get3A_1577 : i32 to index
      %get3A_1580 = arith.index_cast %get3A_1578 : i32 to index
      %get3A_1581 = arith.constant 96 : index
      %get3A_1582 = tpu.vector_load %arg8[%get3A_1579, %get3A_1580, %get3A_1581] {strides = array<i32>} : memref<2x64x128xf32, #tpu.memory_space<vmem>>, vector<16xf32>,
      %mul3A_1583 = vector.broadcast %squeeze3A_1522 : f32 to vector<16xf32>
      %mul3A_1584 = arith.mulf %mul3A_1583, %get3A_1582 : vector<16xf32>
      %add3A_1585 = arith.addf %add3A_1511, %mul3A_1584 : vector<16xf32>
      %get3A_1586 = arith.constant 0 : i32
      %get3A_1587 = arith.constant 51 : i32
      %get3A_1588 = arith.index_cast %get3A_1586 : i32 to index
      %get3A_1589 = arith.index_cast %get3A_1587 : i32 to index
      %get3A_1590 = arith.constant 112 : index
      %get3A_1591 = tpu.vector_load %arg8[%get3A_1588, %get3A_1589, %get3A_1590] {strides = array<i32>} : memref<2x64x128xf32, #tpu.memory_space<vmem>>, vector<16xf32>,
      %mul3A_1592 = vector.broadcast %squeeze3A_1522 : f32 to vector<16xf32>
      %mul3A_1593 = arith.mulf %mul3A_1592, %get3A_1591 : vector<16xf32>
      %add3A_1594 = arith.addf %add3A_1520, %mul3A_1593 : vector<16xf32>
      %slice3A_1595 = vector.extract_strided_slice %div3A_101 {offsets = [4], sizes = [1], strides = [1]} : vector<16xf32> to vector<1xf32>
      %squeeze3A_1596 = vector.extract %slice3A_1595[0] : f32 from vector<1xf32>
      %get3A_1597 = arith.constant 0 : i32
      %get3A_1598 = arith.constant 52 : i32
      %get3A_1599 = arith.index_cast %get3A_1597 : i32 to index
      %get3A_1600 = arith.index_cast %get3A_1598 : i32 to index
      %get3A_1601 = arith.constant 0 : index
      %get3A_1602 = tpu.vector_load %arg8[%get3A_1599, %get3A_1600, %get3A_1601] {strides = array<i32>} : memref<2x64x128xf32, #tpu.memory_space<vmem>>, vector<16xf32>,
      %mul3A_1603 = vector.broadcast %squeeze3A_1596 : f32 to vector<16xf32>
      %mul3A_1604 = arith.mulf %mul3A_1603, %get3A_1602 : vector<16xf32>
      %add3A_1605 = arith.addf %add3A_1531, %mul3A_1604 : vector<16xf32>
      %get3A_1606 = arith.constant 0 : i32
      %get3A_1607 = arith.constant 52 : i32
      %get3A_1608 = arith.index_cast %get3A_1606 : i32 to index
      %get3A_1609 = arith.index_cast %get3A_1607 : i32 to index
      %get3A_1610 = arith.constant 16 : index
      %get3A_1611 = tpu.vector_load %arg8[%get3A_1608, %get3A_1609, %get3A_1610] {strides = array<i32>} : memref<2x64x128xf32, #tpu.memory_space<vmem>>, vector<16xf32>,
      %mul3A_1612 = vector.broadcast %squeeze3A_1596 : f32 to vector<16xf32>
      %mul3A_1613 = arith.mulf %mul3A_1612, %get3A_1611 : vector<16xf32>
      %add3A_1614 = arith.addf %add3A_1540, %mul3A_1613 : vector<16xf32>
      %get3A_1615 = arith.constant 0 : i32
      %get3A_1616 = arith.constant 52 : i32
      %get3A_1617 = arith.index_cast %get3A_1615 : i32 to index
      %get3A_1618 = arith.index_cast %get3A_1616 : i32 to index
      %get3A_1619 = arith.constant 32 : index
      %get3A_1620 = tpu.vector_load %arg8[%get3A_1617, %get3A_1618, %get3A_1619] {strides = array<i32>} : memref<2x64x128xf32, #tpu.memory_space<vmem>>, vector<16xf32>,
      %mul3A_1621 = vector.broadcast %squeeze3A_1596 : f32 to vector<16xf32>
      %mul3A_1622 = arith.mulf %mul3A_1621, %get3A_1620 : vector<16xf32>
      %add3A_1623 = arith.addf %add3A_1549, %mul3A_1622 : vector<16xf32>
      %get3A_1624 = arith.constant 0 : i32
      %get3A_1625 = arith.constant 52 : i32
      %get3A_1626 = arith.index_cast %get3A_1624 : i32 to index
      %get3A_1627 = arith.index_cast %get3A_1625 : i32 to index
      %get3A_1628 = arith.constant 48 : index
      %get3A_1629 = tpu.vector_load %arg8[%get3A_1626, %get3A_1627, %get3A_1628] {strides = array<i32>} : memref<2x64x128xf32, #tpu.memory_space<vmem>>, vector<16xf32>,
      %mul3A_1630 = vector.broadcast %squeeze3A_1596 : f32 to vector<16xf32>
      %mul3A_1631 = arith.mulf %mul3A_1630, %get3A_1629 : vector<16xf32>
      %add3A_1632 = arith.addf %add3A_1558, %mul3A_1631 : vector<16xf32>
      %get3A_1633 = arith.constant 0 : i32
      %get3A_1634 = arith.constant 52 : i32
      %get3A_1635 = arith.index_cast %get3A_1633 : i32 to index
      %get3A_1636 = arith.index_cast %get3A_1634 : i32 to index
      %get3A_1637 = arith.constant 64 : index
      %get3A_1638 = tpu.vector_load %arg8[%get3A_1635, %get3A_1636, %get3A_1637] {strides = array<i32>} : memref<2x64x128xf32, #tpu.memory_space<vmem>>, vector<16xf32>,
      %mul3A_1639 = vector.broadcast %squeeze3A_1596 : f32 to vector<16xf32>
      %mul3A_1640 = arith.mulf %mul3A_1639, %get3A_1638 : vector<16xf32>
      %add3A_1641 = arith.addf %add3A_1567, %mul3A_1640 : vector<16xf32>
      %get3A_1642 = arith.constant 0 : i32
      %get3A_1643 = arith.constant 52 : i32
      %get3A_1644 = arith.index_cast %get3A_1642 : i32 to index
      %get3A_1645 = arith.index_cast %get3A_1643 : i32 to index
      %get3A_1646 = arith.constant 80 : index
      %get3A_1647 = tpu.vector_load %arg8[%get3A_1644, %get3A_1645, %get3A_1646] {strides = array<i32>} : memref<2x64x128xf32, #tpu.memory_space<vmem>>, vector<16xf32>,
      %mul3A_1648 = vector.broadcast %squeeze3A_1596 : f32 to vector<16xf32>
      %mul3A_1649 = arith.mulf %mul3A_1648, %get3A_1647 : vector<16xf32>
      %add3A_1650 = arith.addf %add3A_1576, %mul3A_1649 : vector<16xf32>
      %get3A_1651 = arith.constant 0 : i32
      %get3A_1652 = arith.constant 52 : i32
      %get3A_1653 = arith.index_cast %get3A_1651 : i32 to index
      %get3A_1654 = arith.index_cast %get3A_1652 : i32 to index
      %get3A_1655 = arith.constant 96 : index
      %get3A_1656 = tpu.vector_load %arg8[%get3A_1653, %get3A_1654, %get3A_1655] {strides = array<i32>} : memref<2x64x128xf32, #tpu.memory_space<vmem>>, vector<16xf32>,
      %mul3A_1657 = vector.broadcast %squeeze3A_1596 : f32 to vector<16xf32>
      %mul3A_1658 = arith.mulf %mul3A_1657, %get3A_1656 : vector<16xf32>
      %add3A_1659 = arith.addf %add3A_1585, %mul3A_1658 : vector<16xf32>
      %get3A_1660 = arith.constant 0 : i32
      %get3A_1661 = arith.constant 52 : i32
      %get3A_1662 = arith.index_cast %get3A_1660 : i32 to index
      %get3A_1663 = arith.index_cast %get3A_1661 : i32 to index
      %get3A_1664 = arith.constant 112 : index
      %get3A_1665 = tpu.vector_load %arg8[%get3A_1662, %get3A_1663, %get3A_1664] {strides = array<i32>} : memref<2x64x128xf32, #tpu.memory_space<vmem>>, vector<16xf32>,
      %mul3A_1666 = vector.broadcast %squeeze3A_1596 : f32 to vector<16xf32>
      %mul3A_1667 = arith.mulf %mul3A_1666, %get3A_1665 : vector<16xf32>
      %add3A_1668 = arith.addf %add3A_1594, %mul3A_1667 : vector<16xf32>
      %slice3A_1669 = vector.extract_strided_slice %div3A_101 {offsets = [5], sizes = [1], strides = [1]} : vector<16xf32> to vector<1xf32>
      %squeeze3A_1670 = vector.extract %slice3A_1669[0] : f32 from vector<1xf32>
      %get3A_1671 = arith.constant 0 : i32
      %get3A_1672 = arith.constant 53 : i32
      %get3A_1673 = arith.index_cast %get3A_1671 : i32 to index
      %get3A_1674 = arith.index_cast %get3A_1672 : i32 to index
      %get3A_1675 = arith.constant 0 : index
      %get3A_1676 = tpu.vector_load %arg8[%get3A_1673, %get3A_1674, %get3A_1675] {strides = array<i32>} : memref<2x64x128xf32, #tpu.memory_space<vmem>>, vector<16xf32>,
      %mul3A_1677 = vector.broadcast %squeeze3A_1670 : f32 to vector<16xf32>
      %mul3A_1678 = arith.mulf %mul3A_1677, %get3A_1676 : vector<16xf32>
      %add3A_1679 = arith.addf %add3A_1605, %mul3A_1678 : vector<16xf32>
      %get3A_1680 = arith.constant 0 : i32
      %get3A_1681 = arith.constant 53 : i32
      %get3A_1682 = arith.index_cast %get3A_1680 : i32 to index
      %get3A_1683 = arith.index_cast %get3A_1681 : i32 to index
      %get3A_1684 = arith.constant 16 : index
      %get3A_1685 = tpu.vector_load %arg8[%get3A_1682, %get3A_1683, %get3A_1684] {strides = array<i32>} : memref<2x64x128xf32, #tpu.memory_space<vmem>>, vector<16xf32>,
      %mul3A_1686 = vector.broadcast %squeeze3A_1670 : f32 to vector<16xf32>
      %mul3A_1687 = arith.mulf %mul3A_1686, %get3A_1685 : vector<16xf32>
      %add3A_1688 = arith.addf %add3A_1614, %mul3A_1687 : vector<16xf32>
      %get3A_1689 = arith.constant 0 : i32
      %get3A_1690 = arith.constant 53 : i32
      %get3A_1691 = arith.index_cast %get3A_1689 : i32 to index
      %get3A_1692 = arith.index_cast %get3A_1690 : i32 to index
      %get3A_1693 = arith.constant 32 : index
      %get3A_1694 = tpu.vector_load %arg8[%get3A_1691, %get3A_1692, %get3A_1693] {strides = array<i32>} : memref<2x64x128xf32, #tpu.memory_space<vmem>>, vector<16xf32>,
      %mul3A_1695 = vector.broadcast %squeeze3A_1670 : f32 to vector<16xf32>
      %mul3A_1696 = arith.mulf %mul3A_1695, %get3A_1694 : vector<16xf32>
      %add3A_1697 = arith.addf %add3A_1623, %mul3A_1696 : vector<16xf32>
      %get3A_1698 = arith.constant 0 : i32
      %get3A_1699 = arith.constant 53 : i32
      %get3A_1700 = arith.index_cast %get3A_1698 : i32 to index
      %get3A_1701 = arith.index_cast %get3A_1699 : i32 to index
      %get3A_1702 = arith.constant 48 : index
      %get3A_1703 = tpu.vector_load %arg8[%get3A_1700, %get3A_1701, %get3A_1702] {strides = array<i32>} : memref<2x64x128xf32, #tpu.memory_space<vmem>>, vector<16xf32>,
      %mul3A_1704 = vector.broadcast %squeeze3A_1670 : f32 to vector<16xf32>
      %mul3A_1705 = arith.mulf %mul3A_1704, %get3A_1703 : vector<16xf32>
      %add3A_1706 = arith.addf %add3A_1632, %mul3A_1705 : vector<16xf32>
      %get3A_1707 = arith.constant 0 : i32
      %get3A_1708 = arith.constant 53 : i32
      %get3A_1709 = arith.index_cast %get3A_1707 : i32 to index
      %get3A_1710 = arith.index_cast %get3A_1708 : i32 to index
      %get3A_1711 = arith.constant 64 : index
      %get3A_1712 = tpu.vector_load %arg8[%get3A_1709, %get3A_1710, %get3A_1711] {strides = array<i32>} : memref<2x64x128xf32, #tpu.memory_space<vmem>>, vector<16xf32>,
      %mul3A_1713 = vector.broadcast %squeeze3A_1670 : f32 to vector<16xf32>
      %mul3A_1714 = arith.mulf %mul3A_1713, %get3A_1712 : vector<16xf32>
      %add3A_1715 = arith.addf %add3A_1641, %mul3A_1714 : vector<16xf32>
      %get3A_1716 = arith.constant 0 : i32
      %get3A_1717 = arith.constant 53 : i32
      %get3A_1718 = arith.index_cast %get3A_1716 : i32 to index
      %get3A_1719 = arith.index_cast %get3A_1717 : i32 to index
      %get3A_1720 = arith.constant 80 : index
      %get3A_1721 = tpu.vector_load %arg8[%get3A_1718, %get3A_1719, %get3A_1720] {strides = array<i32>} : memref<2x64x128xf32, #tpu.memory_space<vmem>>, vector<16xf32>,
      %mul3A_1722 = vector.broadcast %squeeze3A_1670 : f32 to vector<16xf32>
      %mul3A_1723 = arith.mulf %mul3A_1722, %get3A_1721 : vector<16xf32>
      %add3A_1724 = arith.addf %add3A_1650, %mul3A_1723 : vector<16xf32>
      %get3A_1725 = arith.constant 0 : i32
      %get3A_1726 = arith.constant 53 : i32
      %get3A_1727 = arith.index_cast %get3A_1725 : i32 to index
      %get3A_1728 = arith.index_cast %get3A_1726 : i32 to index
      %get3A_1729 = arith.constant 96 : index
      %get3A_1730 = tpu.vector_load %arg8[%get3A_1727, %get3A_1728, %get3A_1729] {strides = array<i32>} : memref<2x64x128xf32, #tpu.memory_space<vmem>>, vector<16xf32>,
      %mul3A_1731 = vector.broadcast %squeeze3A_1670 : f32 to vector<16xf32>
      %mul3A_1732 = arith.mulf %mul3A_1731, %get3A_1730 : vector<16xf32>
      %add3A_1733 = arith.addf %add3A_1659, %mul3A_1732 : vector<16xf32>
      %get3A_1734 = arith.constant 0 : i32
      %get3A_1735 = arith.constant 53 : i32
      %get3A_1736 = arith.index_cast %get3A_1734 : i32 to index
      %get3A_1737 = arith.index_cast %get3A_1735 : i32 to index
      %get3A_1738 = arith.constant 112 : index
      %get3A_1739 = tpu.vector_load %arg8[%get3A_1736, %get3A_1737, %get3A_1738] {strides = array<i32>} : memref<2x64x128xf32, #tpu.memory_space<vmem>>, vector<16xf32>,
      %mul3A_1740 = vector.broadcast %squeeze3A_1670 : f32 to vector<16xf32>
      %mul3A_1741 = arith.mulf %mul3A_1740, %get3A_1739 : vector<16xf32>
      %add3A_1742 = arith.addf %add3A_1668, %mul3A_1741 : vector<16xf32>
      %slice3A_1743 = vector.extract_strided_slice %div3A_101 {offsets = [6], sizes = [1], strides = [1]} : vector<16xf32> to vector<1xf32>
      %squeeze3A_1744 = vector.extract %slice3A_1743[0] : f32 from vector<1xf32>
      %get3A_1745 = arith.constant 0 : i32
      %get3A_1746 = arith.constant 54 : i32
      %get3A_1747 = arith.index_cast %get3A_1745 : i32 to index
      %get3A_1748 = arith.index_cast %get3A_1746 : i32 to index
      %get3A_1749 = arith.constant 0 : index
      %get3A_1750 = tpu.vector_load %arg8[%get3A_1747, %get3A_1748, %get3A_1749] {strides = array<i32>} : memref<2x64x128xf32, #tpu.memory_space<vmem>>, vector<16xf32>,
      %mul3A_1751 = vector.broadcast %squeeze3A_1744 : f32 to vector<16xf32>
      %mul3A_1752 = arith.mulf %mul3A_1751, %get3A_1750 : vector<16xf32>
      %add3A_1753 = arith.addf %add3A_1679, %mul3A_1752 : vector<16xf32>
      %get3A_1754 = arith.constant 0 : i32
      %get3A_1755 = arith.constant 54 : i32
      %get3A_1756 = arith.index_cast %get3A_1754 : i32 to index
      %get3A_1757 = arith.index_cast %get3A_1755 : i32 to index
      %get3A_1758 = arith.constant 16 : index
      %get3A_1759 = tpu.vector_load %arg8[%get3A_1756, %get3A_1757, %get3A_1758] {strides = array<i32>} : memref<2x64x128xf32, #tpu.memory_space<vmem>>, vector<16xf32>,
      %mul3A_1760 = vector.broadcast %squeeze3A_1744 : f32 to vector<16xf32>
      %mul3A_1761 = arith.mulf %mul3A_1760, %get3A_1759 : vector<16xf32>
      %add3A_1762 = arith.addf %add3A_1688, %mul3A_1761 : vector<16xf32>
      %get3A_1763 = arith.constant 0 : i32
      %get3A_1764 = arith.constant 54 : i32
      %get3A_1765 = arith.index_cast %get3A_1763 : i32 to index
      %get3A_1766 = arith.index_cast %get3A_1764 : i32 to index
      %get3A_1767 = arith.constant 32 : index
      %get3A_1768 = tpu.vector_load %arg8[%get3A_1765, %get3A_1766, %get3A_1767] {strides = array<i32>} : memref<2x64x128xf32, #tpu.memory_space<vmem>>, vector<16xf32>,
      %mul3A_1769 = vector.broadcast %squeeze3A_1744 : f32 to vector<16xf32>
      %mul3A_1770 = arith.mulf %mul3A_1769, %get3A_1768 : vector<16xf32>
      %add3A_1771 = arith.addf %add3A_1697, %mul3A_1770 : vector<16xf32>
      %get3A_1772 = arith.constant 0 : i32
      %get3A_1773 = arith.constant 54 : i32
      %get3A_1774 = arith.index_cast %get3A_1772 : i32 to index
      %get3A_1775 = arith.index_cast %get3A_1773 : i32 to index
      %get3A_1776 = arith.constant 48 : index
      %get3A_1777 = tpu.vector_load %arg8[%get3A_1774, %get3A_1775, %get3A_1776] {strides = array<i32>} : memref<2x64x128xf32, #tpu.memory_space<vmem>>, vector<16xf32>,
      %mul3A_1778 = vector.broadcast %squeeze3A_1744 : f32 to vector<16xf32>
      %mul3A_1779 = arith.mulf %mul3A_1778, %get3A_1777 : vector<16xf32>
      %add3A_1780 = arith.addf %add3A_1706, %mul3A_1779 : vector<16xf32>
      %get3A_1781 = arith.constant 0 : i32
      %get3A_1782 = arith.constant 54 : i32
      %get3A_1783 = arith.index_cast %get3A_1781 : i32 to index
      %get3A_1784 = arith.index_cast %get3A_1782 : i32 to index
      %get3A_1785 = arith.constant 64 : index
      %get3A_1786 = tpu.vector_load %arg8[%get3A_1783, %get3A_1784, %get3A_1785] {strides = array<i32>} : memref<2x64x128xf32, #tpu.memory_space<vmem>>, vector<16xf32>,
      %mul3A_1787 = vector.broadcast %squeeze3A_1744 : f32 to vector<16xf32>
      %mul3A_1788 = arith.mulf %mul3A_1787, %get3A_1786 : vector<16xf32>
      %add3A_1789 = arith.addf %add3A_1715, %mul3A_1788 : vector<16xf32>
      %get3A_1790 = arith.constant 0 : i32
      %get3A_1791 = arith.constant 54 : i32
      %get3A_1792 = arith.index_cast %get3A_1790 : i32 to index
      %get3A_1793 = arith.index_cast %get3A_1791 : i32 to index
      %get3A_1794 = arith.constant 80 : index
      %get3A_1795 = tpu.vector_load %arg8[%get3A_1792, %get3A_1793, %get3A_1794] {strides = array<i32>} : memref<2x64x128xf32, #tpu.memory_space<vmem>>, vector<16xf32>,
      %mul3A_1796 = vector.broadcast %squeeze3A_1744 : f32 to vector<16xf32>
      %mul3A_1797 = arith.mulf %mul3A_1796, %get3A_1795 : vector<16xf32>
      %add3A_1798 = arith.addf %add3A_1724, %mul3A_1797 : vector<16xf32>
      %get3A_1799 = arith.constant 0 : i32
      %get3A_1800 = arith.constant 54 : i32
      %get3A_1801 = arith.index_cast %get3A_1799 : i32 to index
      %get3A_1802 = arith.index_cast %get3A_1800 : i32 to index
      %get3A_1803 = arith.constant 96 : index
      %get3A_1804 = tpu.vector_load %arg8[%get3A_1801, %get3A_1802, %get3A_1803] {strides = array<i32>} : memref<2x64x128xf32, #tpu.memory_space<vmem>>, vector<16xf32>,
      %mul3A_1805 = vector.broadcast %squeeze3A_1744 : f32 to vector<16xf32>
      %mul3A_1806 = arith.mulf %mul3A_1805, %get3A_1804 : vector<16xf32>
      %add3A_1807 = arith.addf %add3A_1733, %mul3A_1806 : vector<16xf32>
      %get3A_1808 = arith.constant 0 : i32
      %get3A_1809 = arith.constant 54 : i32
      %get3A_1810 = arith.index_cast %get3A_1808 : i32 to index
      %get3A_1811 = arith.index_cast %get3A_1809 : i32 to index
      %get3A_1812 = arith.constant 112 : index
      %get3A_1813 = tpu.vector_load %arg8[%get3A_1810, %get3A_1811, %get3A_1812] {strides = array<i32>} : memref<2x64x128xf32, #tpu.memory_space<vmem>>, vector<16xf32>,
      %mul3A_1814 = vector.broadcast %squeeze3A_1744 : f32 to vector<16xf32>
      %mul3A_1815 = arith.mulf %mul3A_1814, %get3A_1813 : vector<16xf32>
      %add3A_1816 = arith.addf %add3A_1742, %mul3A_1815 : vector<16xf32>
      %slice3A_1817 = vector.extract_strided_slice %div3A_101 {offsets = [7], sizes = [1], strides = [1]} : vector<16xf32> to vector<1xf32>
      %squeeze3A_1818 = vector.extract %slice3A_1817[0] : f32 from vector<1xf32>
      %get3A_1819 = arith.constant 0 : i32
      %get3A_1820 = arith.constant 55 : i32
      %get3A_1821 = arith.index_cast %get3A_1819 : i32 to index
      %get3A_1822 = arith.index_cast %get3A_1820 : i32 to index
      %get3A_1823 = arith.constant 0 : index
      %get3A_1824 = tpu.vector_load %arg8[%get3A_1821, %get3A_1822, %get3A_1823] {strides = array<i32>} : memref<2x64x128xf32, #tpu.memory_space<vmem>>, vector<16xf32>,
      %mul3A_1825 = vector.broadcast %squeeze3A_1818 : f32 to vector<16xf32>
      %mul3A_1826 = arith.mulf %mul3A_1825, %get3A_1824 : vector<16xf32>
      %add3A_1827 = arith.addf %add3A_1753, %mul3A_1826 : vector<16xf32>
      %get3A_1828 = arith.constant 0 : i32
      %get3A_1829 = arith.constant 55 : i32
      %get3A_1830 = arith.index_cast %get3A_1828 : i32 to index
      %get3A_1831 = arith.index_cast %get3A_1829 : i32 to index
      %get3A_1832 = arith.constant 16 : index
      %get3A_1833 = tpu.vector_load %arg8[%get3A_1830, %get3A_1831, %get3A_1832] {strides = array<i32>} : memref<2x64x128xf32, #tpu.memory_space<vmem>>, vector<16xf32>,
      %mul3A_1834 = vector.broadcast %squeeze3A_1818 : f32 to vector<16xf32>
      %mul3A_1835 = arith.mulf %mul3A_1834, %get3A_1833 : vector<16xf32>
      %add3A_1836 = arith.addf %add3A_1762, %mul3A_1835 : vector<16xf32>
      %get3A_1837 = arith.constant 0 : i32
      %get3A_1838 = arith.constant 55 : i32
      %get3A_1839 = arith.index_cast %get3A_1837 : i32 to index
      %get3A_1840 = arith.index_cast %get3A_1838 : i32 to index
      %get3A_1841 = arith.constant 32 : index
      %get3A_1842 = tpu.vector_load %arg8[%get3A_1839, %get3A_1840, %get3A_1841] {strides = array<i32>} : memref<2x64x128xf32, #tpu.memory_space<vmem>>, vector<16xf32>,
      %mul3A_1843 = vector.broadcast %squeeze3A_1818 : f32 to vector<16xf32>
      %mul3A_1844 = arith.mulf %mul3A_1843, %get3A_1842 : vector<16xf32>
      %add3A_1845 = arith.addf %add3A_1771, %mul3A_1844 : vector<16xf32>
      %get3A_1846 = arith.constant 0 : i32
      %get3A_1847 = arith.constant 55 : i32
      %get3A_1848 = arith.index_cast %get3A_1846 : i32 to index
      %get3A_1849 = arith.index_cast %get3A_1847 : i32 to index
      %get3A_1850 = arith.constant 48 : index
      %get3A_1851 = tpu.vector_load %arg8[%get3A_1848, %get3A_1849, %get3A_1850] {strides = array<i32>} : memref<2x64x128xf32, #tpu.memory_space<vmem>>, vector<16xf32>,
      %mul3A_1852 = vector.broadcast %squeeze3A_1818 : f32 to vector<16xf32>
      %mul3A_1853 = arith.mulf %mul3A_1852, %get3A_1851 : vector<16xf32>
      %add3A_1854 = arith.addf %add3A_1780, %mul3A_1853 : vector<16xf32>
      %get3A_1855 = arith.constant 0 : i32
      %get3A_1856 = arith.constant 55 : i32
      %get3A_1857 = arith.index_cast %get3A_1855 : i32 to index
      %get3A_1858 = arith.index_cast %get3A_1856 : i32 to index
      %get3A_1859 = arith.constant 64 : index
      %get3A_1860 = tpu.vector_load %arg8[%get3A_1857, %get3A_1858, %get3A_1859] {strides = array<i32>} : memref<2x64x128xf32, #tpu.memory_space<vmem>>, vector<16xf32>,
      %mul3A_1861 = vector.broadcast %squeeze3A_1818 : f32 to vector<16xf32>
      %mul3A_1862 = arith.mulf %mul3A_1861, %get3A_1860 : vector<16xf32>
      %add3A_1863 = arith.addf %add3A_1789, %mul3A_1862 : vector<16xf32>
      %get3A_1864 = arith.constant 0 : i32
      %get3A_1865 = arith.constant 55 : i32
      %get3A_1866 = arith.index_cast %get3A_1864 : i32 to index
      %get3A_1867 = arith.index_cast %get3A_1865 : i32 to index
      %get3A_1868 = arith.constant 80 : index
      %get3A_1869 = tpu.vector_load %arg8[%get3A_1866, %get3A_1867, %get3A_1868] {strides = array<i32>} : memref<2x64x128xf32, #tpu.memory_space<vmem>>, vector<16xf32>,
      %mul3A_1870 = vector.broadcast %squeeze3A_1818 : f32 to vector<16xf32>
      %mul3A_1871 = arith.mulf %mul3A_1870, %get3A_1869 : vector<16xf32>
      %add3A_1872 = arith.addf %add3A_1798, %mul3A_1871 : vector<16xf32>
      %get3A_1873 = arith.constant 0 : i32
      %get3A_1874 = arith.constant 55 : i32
      %get3A_1875 = arith.index_cast %get3A_1873 : i32 to index
      %get3A_1876 = arith.index_cast %get3A_1874 : i32 to index
      %get3A_1877 = arith.constant 96 : index
      %get3A_1878 = tpu.vector_load %arg8[%get3A_1875, %get3A_1876, %get3A_1877] {strides = array<i32>} : memref<2x64x128xf32, #tpu.memory_space<vmem>>, vector<16xf32>,
      %mul3A_1879 = vector.broadcast %squeeze3A_1818 : f32 to vector<16xf32>
      %mul3A_1880 = arith.mulf %mul3A_1879, %get3A_1878 : vector<16xf32>
      %add3A_1881 = arith.addf %add3A_1807, %mul3A_1880 : vector<16xf32>
      %get3A_1882 = arith.constant 0 : i32
      %get3A_1883 = arith.constant 55 : i32
      %get3A_1884 = arith.index_cast %get3A_1882 : i32 to index
      %get3A_1885 = arith.index_cast %get3A_1883 : i32 to index
      %get3A_1886 = arith.constant 112 : index
      %get3A_1887 = tpu.vector_load %arg8[%get3A_1884, %get3A_1885, %get3A_1886] {strides = array<i32>} : memref<2x64x128xf32, #tpu.memory_space<vmem>>, vector<16xf32>,
      %mul3A_1888 = vector.broadcast %squeeze3A_1818 : f32 to vector<16xf32>
      %mul3A_1889 = arith.mulf %mul3A_1888, %get3A_1887 : vector<16xf32>
      %add3A_1890 = arith.addf %add3A_1816, %mul3A_1889 : vector<16xf32>
      %slice3A_1891 = vector.extract_strided_slice %div3A_101 {offsets = [8], sizes = [1], strides = [1]} : vector<16xf32> to vector<1xf32>
      %squeeze3A_1892 = vector.extract %slice3A_1891[0] : f32 from vector<1xf32>
      %get3A_1893 = arith.constant 0 : i32
      %get3A_1894 = arith.constant 56 : i32
      %get3A_1895 = arith.index_cast %get3A_1893 : i32 to index
      %get3A_1896 = arith.index_cast %get3A_1894 : i32 to index
      %get3A_1897 = arith.constant 0 : index
      %get3A_1898 = tpu.vector_load %arg8[%get3A_1895, %get3A_1896, %get3A_1897] {strides = array<i32>} : memref<2x64x128xf32, #tpu.memory_space<vmem>>, vector<16xf32>,
      %mul3A_1899 = vector.broadcast %squeeze3A_1892 : f32 to vector<16xf32>
      %mul3A_1900 = arith.mulf %mul3A_1899, %get3A_1898 : vector<16xf32>
      %add3A_1901 = arith.addf %add3A_1827, %mul3A_1900 : vector<16xf32>
      %get3A_1902 = arith.constant 0 : i32
      %get3A_1903 = arith.constant 56 : i32
      %get3A_1904 = arith.index_cast %get3A_1902 : i32 to index
      %get3A_1905 = arith.index_cast %get3A_1903 : i32 to index
      %get3A_1906 = arith.constant 16 : index
      %get3A_1907 = tpu.vector_load %arg8[%get3A_1904, %get3A_1905, %get3A_1906] {strides = array<i32>} : memref<2x64x128xf32, #tpu.memory_space<vmem>>, vector<16xf32>,
      %mul3A_1908 = vector.broadcast %squeeze3A_1892 : f32 to vector<16xf32>
      %mul3A_1909 = arith.mulf %mul3A_1908, %get3A_1907 : vector<16xf32>
      %add3A_1910 = arith.addf %add3A_1836, %mul3A_1909 : vector<16xf32>
      %get3A_1911 = arith.constant 0 : i32
      %get3A_1912 = arith.constant 56 : i32
      %get3A_1913 = arith.index_cast %get3A_1911 : i32 to index
      %get3A_1914 = arith.index_cast %get3A_1912 : i32 to index
      %get3A_1915 = arith.constant 32 : index
      %get3A_1916 = tpu.vector_load %arg8[%get3A_1913, %get3A_1914, %get3A_1915] {strides = array<i32>} : memref<2x64x128xf32, #tpu.memory_space<vmem>>, vector<16xf32>,
      %mul3A_1917 = vector.broadcast %squeeze3A_1892 : f32 to vector<16xf32>
      %mul3A_1918 = arith.mulf %mul3A_1917, %get3A_1916 : vector<16xf32>
      %add3A_1919 = arith.addf %add3A_1845, %mul3A_1918 : vector<16xf32>
      %get3A_1920 = arith.constant 0 : i32
      %get3A_1921 = arith.constant 56 : i32
      %get3A_1922 = arith.index_cast %get3A_1920 : i32 to index
      %get3A_1923 = arith.index_cast %get3A_1921 : i32 to index
      %get3A_1924 = arith.constant 48 : index
      %get3A_1925 = tpu.vector_load %arg8[%get3A_1922, %get3A_1923, %get3A_1924] {strides = array<i32>} : memref<2x64x128xf32, #tpu.memory_space<vmem>>, vector<16xf32>,
      %mul3A_1926 = vector.broadcast %squeeze3A_1892 : f32 to vector<16xf32>
      %mul3A_1927 = arith.mulf %mul3A_1926, %get3A_1925 : vector<16xf32>
      %add3A_1928 = arith.addf %add3A_1854, %mul3A_1927 : vector<16xf32>
      %get3A_1929 = arith.constant 0 : i32
      %get3A_1930 = arith.constant 56 : i32
      %get3A_1931 = arith.index_cast %get3A_1929 : i32 to index
      %get3A_1932 = arith.index_cast %get3A_1930 : i32 to index
      %get3A_1933 = arith.constant 64 : index
      %get3A_1934 = tpu.vector_load %arg8[%get3A_1931, %get3A_1932, %get3A_1933] {strides = array<i32>} : memref<2x64x128xf32, #tpu.memory_space<vmem>>, vector<16xf32>,
      %mul3A_1935 = vector.broadcast %squeeze3A_1892 : f32 to vector<16xf32>
      %mul3A_1936 = arith.mulf %mul3A_1935, %get3A_1934 : vector<16xf32>
      %add3A_1937 = arith.addf %add3A_1863, %mul3A_1936 : vector<16xf32>
      %get3A_1938 = arith.constant 0 : i32
      %get3A_1939 = arith.constant 56 : i32
      %get3A_1940 = arith.index_cast %get3A_1938 : i32 to index
      %get3A_1941 = arith.index_cast %get3A_1939 : i32 to index
      %get3A_1942 = arith.constant 80 : index
      %get3A_1943 = tpu.vector_load %arg8[%get3A_1940, %get3A_1941, %get3A_1942] {strides = array<i32>} : memref<2x64x128xf32, #tpu.memory_space<vmem>>, vector<16xf32>,
      %mul3A_1944 = vector.broadcast %squeeze3A_1892 : f32 to vector<16xf32>
      %mul3A_1945 = arith.mulf %mul3A_1944, %get3A_1943 : vector<16xf32>
      %add3A_1946 = arith.addf %add3A_1872, %mul3A_1945 : vector<16xf32>
      %get3A_1947 = arith.constant 0 : i32
      %get3A_1948 = arith.constant 56 : i32
      %get3A_1949 = arith.index_cast %get3A_1947 : i32 to index
      %get3A_1950 = arith.index_cast %get3A_1948 : i32 to index
      %get3A_1951 = arith.constant 96 : index
      %get3A_1952 = tpu.vector_load %arg8[%get3A_1949, %get3A_1950, %get3A_1951] {strides = array<i32>} : memref<2x64x128xf32, #tpu.memory_space<vmem>>, vector<16xf32>,
      %mul3A_1953 = vector.broadcast %squeeze3A_1892 : f32 to vector<16xf32>
      %mul3A_1954 = arith.mulf %mul3A_1953, %get3A_1952 : vector<16xf32>
      %add3A_1955 = arith.addf %add3A_1881, %mul3A_1954 : vector<16xf32>
      %get3A_1956 = arith.constant 0 : i32
      %get3A_1957 = arith.constant 56 : i32
      %get3A_1958 = arith.index_cast %get3A_1956 : i32 to index
      %get3A_1959 = arith.index_cast %get3A_1957 : i32 to index
      %get3A_1960 = arith.constant 112 : index
      %get3A_1961 = tpu.vector_load %arg8[%get3A_1958, %get3A_1959, %get3A_1960] {strides = array<i32>} : memref<2x64x128xf32, #tpu.memory_space<vmem>>, vector<16xf32>,
      %mul3A_1962 = vector.broadcast %squeeze3A_1892 : f32 to vector<16xf32>
      %mul3A_1963 = arith.mulf %mul3A_1962, %get3A_1961 : vector<16xf32>
      %add3A_1964 = arith.addf %add3A_1890, %mul3A_1963 : vector<16xf32>
      %slice3A_1965 = vector.extract_strided_slice %div3A_101 {offsets = [9], sizes = [1], strides = [1]} : vector<16xf32> to vector<1xf32>
      %squeeze3A_1966 = vector.extract %slice3A_1965[0] : f32 from vector<1xf32>
      %get3A_1967 = arith.constant 0 : i32
      %get3A_1968 = arith.constant 57 : i32
      %get3A_1969 = arith.index_cast %get3A_1967 : i32 to index
      %get3A_1970 = arith.index_cast %get3A_1968 : i32 to index
      %get3A_1971 = arith.constant 0 : index
      %get3A_1972 = tpu.vector_load %arg8[%get3A_1969, %get3A_1970, %get3A_1971] {strides = array<i32>} : memref<2x64x128xf32, #tpu.memory_space<vmem>>, vector<16xf32>,
      %mul3A_1973 = vector.broadcast %squeeze3A_1966 : f32 to vector<16xf32>
      %mul3A_1974 = arith.mulf %mul3A_1973, %get3A_1972 : vector<16xf32>
      %add3A_1975 = arith.addf %add3A_1901, %mul3A_1974 : vector<16xf32>
      %get3A_1976 = arith.constant 0 : i32
      %get3A_1977 = arith.constant 57 : i32
      %get3A_1978 = arith.index_cast %get3A_1976 : i32 to index
      %get3A_1979 = arith.index_cast %get3A_1977 : i32 to index
      %get3A_1980 = arith.constant 16 : index
      %get3A_1981 = tpu.vector_load %arg8[%get3A_1978, %get3A_1979, %get3A_1980] {strides = array<i32>} : memref<2x64x128xf32, #tpu.memory_space<vmem>>, vector<16xf32>,
      %mul3A_1982 = vector.broadcast %squeeze3A_1966 : f32 to vector<16xf32>
      %mul3A_1983 = arith.mulf %mul3A_1982, %get3A_1981 : vector<16xf32>
      %add3A_1984 = arith.addf %add3A_1910, %mul3A_1983 : vector<16xf32>
      %get3A_1985 = arith.constant 0 : i32
      %get3A_1986 = arith.constant 57 : i32
      %get3A_1987 = arith.index_cast %get3A_1985 : i32 to index
      %get3A_1988 = arith.index_cast %get3A_1986 : i32 to index
      %get3A_1989 = arith.constant 32 : index
      %get3A_1990 = tpu.vector_load %arg8[%get3A_1987, %get3A_1988, %get3A_1989] {strides = array<i32>} : memref<2x64x128xf32, #tpu.memory_space<vmem>>, vector<16xf32>,
      %mul3A_1991 = vector.broadcast %squeeze3A_1966 : f32 to vector<16xf32>
      %mul3A_1992 = arith.mulf %mul3A_1991, %get3A_1990 : vector<16xf32>
      %add3A_1993 = arith.addf %add3A_1919, %mul3A_1992 : vector<16xf32>
      %get3A_1994 = arith.constant 0 : i32
      %get3A_1995 = arith.constant 57 : i32
      %get3A_1996 = arith.index_cast %get3A_1994 : i32 to index
      %get3A_1997 = arith.index_cast %get3A_1995 : i32 to index
      %get3A_1998 = arith.constant 48 : index
      %get3A_1999 = tpu.vector_load %arg8[%get3A_1996, %get3A_1997, %get3A_1998] {strides = array<i32>} : memref<2x64x128xf32, #tpu.memory_space<vmem>>, vector<16xf32>,
      %mul3A_2000 = vector.broadcast %squeeze3A_1966 : f32 to vector<16xf32>
      %mul3A_2001 = arith.mulf %mul3A_2000, %get3A_1999 : vector<16xf32>
      %add3A_2002 = arith.addf %add3A_1928, %mul3A_2001 : vector<16xf32>
      %get3A_2003 = arith.constant 0 : i32
      %get3A_2004 = arith.constant 57 : i32
      %get3A_2005 = arith.index_cast %get3A_2003 : i32 to index
      %get3A_2006 = arith.index_cast %get3A_2004 : i32 to index
      %get3A_2007 = arith.constant 64 : index
      %get3A_2008 = tpu.vector_load %arg8[%get3A_2005, %get3A_2006, %get3A_2007] {strides = array<i32>} : memref<2x64x128xf32, #tpu.memory_space<vmem>>, vector<16xf32>,
      %mul3A_2009 = vector.broadcast %squeeze3A_1966 : f32 to vector<16xf32>
      %mul3A_2010 = arith.mulf %mul3A_2009, %get3A_2008 : vector<16xf32>
      %add3A_2011 = arith.addf %add3A_1937, %mul3A_2010 : vector<16xf32>
      %get3A_2012 = arith.constant 0 : i32
      %get3A_2013 = arith.constant 57 : i32
      %get3A_2014 = arith.index_cast %get3A_2012 : i32 to index
      %get3A_2015 = arith.index_cast %get3A_2013 : i32 to index
      %get3A_2016 = arith.constant 80 : index
      %get3A_2017 = tpu.vector_load %arg8[%get3A_2014, %get3A_2015, %get3A_2016] {strides = array<i32>} : memref<2x64x128xf32, #tpu.memory_space<vmem>>, vector<16xf32>,
      %mul3A_2018 = vector.broadcast %squeeze3A_1966 : f32 to vector<16xf32>
      %mul3A_2019 = arith.mulf %mul3A_2018, %get3A_2017 : vector<16xf32>
      %add3A_2020 = arith.addf %add3A_1946, %mul3A_2019 : vector<16xf32>
      %get3A_2021 = arith.constant 0 : i32
      %get3A_2022 = arith.constant 57 : i32
      %get3A_2023 = arith.index_cast %get3A_2021 : i32 to index
      %get3A_2024 = arith.index_cast %get3A_2022 : i32 to index
      %get3A_2025 = arith.constant 96 : index
      %get3A_2026 = tpu.vector_load %arg8[%get3A_2023, %get3A_2024, %get3A_2025] {strides = array<i32>} : memref<2x64x128xf32, #tpu.memory_space<vmem>>, vector<16xf32>,
      %mul3A_2027 = vector.broadcast %squeeze3A_1966 : f32 to vector<16xf32>
      %mul3A_2028 = arith.mulf %mul3A_2027, %get3A_2026 : vector<16xf32>
      %add3A_2029 = arith.addf %add3A_1955, %mul3A_2028 : vector<16xf32>
      %get3A_2030 = arith.constant 0 : i32
      %get3A_2031 = arith.constant 57 : i32
      %get3A_2032 = arith.index_cast %get3A_2030 : i32 to index
      %get3A_2033 = arith.index_cast %get3A_2031 : i32 to index
      %get3A_2034 = arith.constant 112 : index
      %get3A_2035 = tpu.vector_load %arg8[%get3A_2032, %get3A_2033, %get3A_2034] {strides = array<i32>} : memref<2x64x128xf32, #tpu.memory_space<vmem>>, vector<16xf32>,
      %mul3A_2036 = vector.broadcast %squeeze3A_1966 : f32 to vector<16xf32>
      %mul3A_2037 = arith.mulf %mul3A_2036, %get3A_2035 : vector<16xf32>
      %add3A_2038 = arith.addf %add3A_1964, %mul3A_2037 : vector<16xf32>
      %slice3A_2039 = vector.extract_strided_slice %div3A_101 {offsets = [10], sizes = [1], strides = [1]} : vector<16xf32> to vector<1xf32>
      %squeeze3A_2040 = vector.extract %slice3A_2039[0] : f32 from vector<1xf32>
      %get3A_2041 = arith.constant 0 : i32
      %get3A_2042 = arith.constant 58 : i32
      %get3A_2043 = arith.index_cast %get3A_2041 : i32 to index
      %get3A_2044 = arith.index_cast %get3A_2042 : i32 to index
      %get3A_2045 = arith.constant 0 : index
      %get3A_2046 = tpu.vector_load %arg8[%get3A_2043, %get3A_2044, %get3A_2045] {strides = array<i32>} : memref<2x64x128xf32, #tpu.memory_space<vmem>>, vector<16xf32>,
      %mul3A_2047 = vector.broadcast %squeeze3A_2040 : f32 to vector<16xf32>
      %mul3A_2048 = arith.mulf %mul3A_2047, %get3A_2046 : vector<16xf32>
      %add3A_2049 = arith.addf %add3A_1975, %mul3A_2048 : vector<16xf32>
      %get3A_2050 = arith.constant 0 : i32
      %get3A_2051 = arith.constant 58 : i32
      %get3A_2052 = arith.index_cast %get3A_2050 : i32 to index
      %get3A_2053 = arith.index_cast %get3A_2051 : i32 to index
      %get3A_2054 = arith.constant 16 : index
      %get3A_2055 = tpu.vector_load %arg8[%get3A_2052, %get3A_2053, %get3A_2054] {strides = array<i32>} : memref<2x64x128xf32, #tpu.memory_space<vmem>>, vector<16xf32>,
      %mul3A_2056 = vector.broadcast %squeeze3A_2040 : f32 to vector<16xf32>
      %mul3A_2057 = arith.mulf %mul3A_2056, %get3A_2055 : vector<16xf32>
      %add3A_2058 = arith.addf %add3A_1984, %mul3A_2057 : vector<16xf32>
      %get3A_2059 = arith.constant 0 : i32
      %get3A_2060 = arith.constant 58 : i32
      %get3A_2061 = arith.index_cast %get3A_2059 : i32 to index
      %get3A_2062 = arith.index_cast %get3A_2060 : i32 to index
      %get3A_2063 = arith.constant 32 : index
      %get3A_2064 = tpu.vector_load %arg8[%get3A_2061, %get3A_2062, %get3A_2063] {strides = array<i32>} : memref<2x64x128xf32, #tpu.memory_space<vmem>>, vector<16xf32>,
      %mul3A_2065 = vector.broadcast %squeeze3A_2040 : f32 to vector<16xf32>
      %mul3A_2066 = arith.mulf %mul3A_2065, %get3A_2064 : vector<16xf32>
      %add3A_2067 = arith.addf %add3A_1993, %mul3A_2066 : vector<16xf32>
      %get3A_2068 = arith.constant 0 : i32
      %get3A_2069 = arith.constant 58 : i32
      %get3A_2070 = arith.index_cast %get3A_2068 : i32 to index
      %get3A_2071 = arith.index_cast %get3A_2069 : i32 to index
      %get3A_2072 = arith.constant 48 : index
      %get3A_2073 = tpu.vector_load %arg8[%get3A_2070, %get3A_2071, %get3A_2072] {strides = array<i32>} : memref<2x64x128xf32, #tpu.memory_space<vmem>>, vector<16xf32>,
      %mul3A_2074 = vector.broadcast %squeeze3A_2040 : f32 to vector<16xf32>
      %mul3A_2075 = arith.mulf %mul3A_2074, %get3A_2073 : vector<16xf32>
      %add3A_2076 = arith.addf %add3A_2002, %mul3A_2075 : vector<16xf32>
      %get3A_2077 = arith.constant 0 : i32
      %get3A_2078 = arith.constant 58 : i32
      %get3A_2079 = arith.index_cast %get3A_2077 : i32 to index
      %get3A_2080 = arith.index_cast %get3A_2078 : i32 to index
      %get3A_2081 = arith.constant 64 : index
      %get3A_2082 = tpu.vector_load %arg8[%get3A_2079, %get3A_2080, %get3A_2081] {strides = array<i32>} : memref<2x64x128xf32, #tpu.memory_space<vmem>>, vector<16xf32>,
      %mul3A_2083 = vector.broadcast %squeeze3A_2040 : f32 to vector<16xf32>
      %mul3A_2084 = arith.mulf %mul3A_2083, %get3A_2082 : vector<16xf32>
      %add3A_2085 = arith.addf %add3A_2011, %mul3A_2084 : vector<16xf32>
      %get3A_2086 = arith.constant 0 : i32
      %get3A_2087 = arith.constant 58 : i32
      %get3A_2088 = arith.index_cast %get3A_2086 : i32 to index
      %get3A_2089 = arith.index_cast %get3A_2087 : i32 to index
      %get3A_2090 = arith.constant 80 : index
      %get3A_2091 = tpu.vector_load %arg8[%get3A_2088, %get3A_2089, %get3A_2090] {strides = array<i32>} : memref<2x64x128xf32, #tpu.memory_space<vmem>>, vector<16xf32>,
      %mul3A_2092 = vector.broadcast %squeeze3A_2040 : f32 to vector<16xf32>
      %mul3A_2093 = arith.mulf %mul3A_2092, %get3A_2091 : vector<16xf32>
      %add3A_2094 = arith.addf %add3A_2020, %mul3A_2093 : vector<16xf32>
      %get3A_2095 = arith.constant 0 : i32
      %get3A_2096 = arith.constant 58 : i32
      %get3A_2097 = arith.index_cast %get3A_2095 : i32 to index
      %get3A_2098 = arith.index_cast %get3A_2096 : i32 to index
      %get3A_2099 = arith.constant 96 : index
      %get3A_2100 = tpu.vector_load %arg8[%get3A_2097, %get3A_2098, %get3A_2099] {strides = array<i32>} : memref<2x64x128xf32, #tpu.memory_space<vmem>>, vector<16xf32>,
      %mul3A_2101 = vector.broadcast %squeeze3A_2040 : f32 to vector<16xf32>
      %mul3A_2102 = arith.mulf %mul3A_2101, %get3A_2100 : vector<16xf32>
      %add3A_2103 = arith.addf %add3A_2029, %mul3A_2102 : vector<16xf32>
      %get3A_2104 = arith.constant 0 : i32
      %get3A_2105 = arith.constant 58 : i32
      %get3A_2106 = arith.index_cast %get3A_2104 : i32 to index
      %get3A_2107 = arith.index_cast %get3A_2105 : i32 to index
      %get3A_2108 = arith.constant 112 : index
      %get3A_2109 = tpu.vector_load %arg8[%get3A_2106, %get3A_2107, %get3A_2108] {strides = array<i32>} : memref<2x64x128xf32, #tpu.memory_space<vmem>>, vector<16xf32>,
      %mul3A_2110 = vector.broadcast %squeeze3A_2040 : f32 to vector<16xf32>
      %mul3A_2111 = arith.mulf %mul3A_2110, %get3A_2109 : vector<16xf32>
      %add3A_2112 = arith.addf %add3A_2038, %mul3A_2111 : vector<16xf32>
      %slice3A_2113 = vector.extract_strided_slice %div3A_101 {offsets = [11], sizes = [1], strides = [1]} : vector<16xf32> to vector<1xf32>
      %squeeze3A_2114 = vector.extract %slice3A_2113[0] : f32 from vector<1xf32>
      %get3A_2115 = arith.constant 0 : i32
      %get3A_2116 = arith.constant 59 : i32
      %get3A_2117 = arith.index_cast %get3A_2115 : i32 to index
      %get3A_2118 = arith.index_cast %get3A_2116 : i32 to index
      %get3A_2119 = arith.constant 0 : index
      %get3A_2120 = tpu.vector_load %arg8[%get3A_2117, %get3A_2118, %get3A_2119] {strides = array<i32>} : memref<2x64x128xf32, #tpu.memory_space<vmem>>, vector<16xf32>,
      %mul3A_2121 = vector.broadcast %squeeze3A_2114 : f32 to vector<16xf32>
      %mul3A_2122 = arith.mulf %mul3A_2121, %get3A_2120 : vector<16xf32>
      %add3A_2123 = arith.addf %add3A_2049, %mul3A_2122 : vector<16xf32>
      %get3A_2124 = arith.constant 0 : i32
      %get3A_2125 = arith.constant 59 : i32
      %get3A_2126 = arith.index_cast %get3A_2124 : i32 to index
      %get3A_2127 = arith.index_cast %get3A_2125 : i32 to index
      %get3A_2128 = arith.constant 16 : index
      %get3A_2129 = tpu.vector_load %arg8[%get3A_2126, %get3A_2127, %get3A_2128] {strides = array<i32>} : memref<2x64x128xf32, #tpu.memory_space<vmem>>, vector<16xf32>,
      %mul3A_2130 = vector.broadcast %squeeze3A_2114 : f32 to vector<16xf32>
      %mul3A_2131 = arith.mulf %mul3A_2130, %get3A_2129 : vector<16xf32>
      %add3A_2132 = arith.addf %add3A_2058, %mul3A_2131 : vector<16xf32>
      %get3A_2133 = arith.constant 0 : i32
      %get3A_2134 = arith.constant 59 : i32
      %get3A_2135 = arith.index_cast %get3A_2133 : i32 to index
      %get3A_2136 = arith.index_cast %get3A_2134 : i32 to index
      %get3A_2137 = arith.constant 32 : index
      %get3A_2138 = tpu.vector_load %arg8[%get3A_2135, %get3A_2136, %get3A_2137] {strides = array<i32>} : memref<2x64x128xf32, #tpu.memory_space<vmem>>, vector<16xf32>,
      %mul3A_2139 = vector.broadcast %squeeze3A_2114 : f32 to vector<16xf32>
      %mul3A_2140 = arith.mulf %mul3A_2139, %get3A_2138 : vector<16xf32>
      %add3A_2141 = arith.addf %add3A_2067, %mul3A_2140 : vector<16xf32>
      %get3A_2142 = arith.constant 0 : i32
      %get3A_2143 = arith.constant 59 : i32
      %get3A_2144 = arith.index_cast %get3A_2142 : i32 to index
      %get3A_2145 = arith.index_cast %get3A_2143 : i32 to index
      %get3A_2146 = arith.constant 48 : index
      %get3A_2147 = tpu.vector_load %arg8[%get3A_2144, %get3A_2145, %get3A_2146] {strides = array<i32>} : memref<2x64x128xf32, #tpu.memory_space<vmem>>, vector<16xf32>,
      %mul3A_2148 = vector.broadcast %squeeze3A_2114 : f32 to vector<16xf32>
      %mul3A_2149 = arith.mulf %mul3A_2148, %get3A_2147 : vector<16xf32>
      %add3A_2150 = arith.addf %add3A_2076, %mul3A_2149 : vector<16xf32>
      %get3A_2151 = arith.constant 0 : i32
      %get3A_2152 = arith.constant 59 : i32
      %get3A_2153 = arith.index_cast %get3A_2151 : i32 to index
      %get3A_2154 = arith.index_cast %get3A_2152 : i32 to index
      %get3A_2155 = arith.constant 64 : index
      %get3A_2156 = tpu.vector_load %arg8[%get3A_2153, %get3A_2154, %get3A_2155] {strides = array<i32>} : memref<2x64x128xf32, #tpu.memory_space<vmem>>, vector<16xf32>,
      %mul3A_2157 = vector.broadcast %squeeze3A_2114 : f32 to vector<16xf32>
      %mul3A_2158 = arith.mulf %mul3A_2157, %get3A_2156 : vector<16xf32>
      %add3A_2159 = arith.addf %add3A_2085, %mul3A_2158 : vector<16xf32>
      %get3A_2160 = arith.constant 0 : i32
      %get3A_2161 = arith.constant 59 : i32
      %get3A_2162 = arith.index_cast %get3A_2160 : i32 to index
      %get3A_2163 = arith.index_cast %get3A_2161 : i32 to index
      %get3A_2164 = arith.constant 80 : index
      %get3A_2165 = tpu.vector_load %arg8[%get3A_2162, %get3A_2163, %get3A_2164] {strides = array<i32>} : memref<2x64x128xf32, #tpu.memory_space<vmem>>, vector<16xf32>,
      %mul3A_2166 = vector.broadcast %squeeze3A_2114 : f32 to vector<16xf32>
      %mul3A_2167 = arith.mulf %mul3A_2166, %get3A_2165 : vector<16xf32>
      %add3A_2168 = arith.addf %add3A_2094, %mul3A_2167 : vector<16xf32>
      %get3A_2169 = arith.constant 0 : i32
      %get3A_2170 = arith.constant 59 : i32
      %get3A_2171 = arith.index_cast %get3A_2169 : i32 to index
      %get3A_2172 = arith.index_cast %get3A_2170 : i32 to index
      %get3A_2173 = arith.constant 96 : index
      %get3A_2174 = tpu.vector_load %arg8[%get3A_2171, %get3A_2172, %get3A_2173] {strides = array<i32>} : memref<2x64x128xf32, #tpu.memory_space<vmem>>, vector<16xf32>,
      %mul3A_2175 = vector.broadcast %squeeze3A_2114 : f32 to vector<16xf32>
      %mul3A_2176 = arith.mulf %mul3A_2175, %get3A_2174 : vector<16xf32>
      %add3A_2177 = arith.addf %add3A_2103, %mul3A_2176 : vector<16xf32>
      %get3A_2178 = arith.constant 0 : i32
      %get3A_2179 = arith.constant 59 : i32
      %get3A_2180 = arith.index_cast %get3A_2178 : i32 to index
      %get3A_2181 = arith.index_cast %get3A_2179 : i32 to index
      %get3A_2182 = arith.constant 112 : index
      %get3A_2183 = tpu.vector_load %arg8[%get3A_2180, %get3A_2181, %get3A_2182] {strides = array<i32>} : memref<2x64x128xf32, #tpu.memory_space<vmem>>, vector<16xf32>,
      %mul3A_2184 = vector.broadcast %squeeze3A_2114 : f32 to vector<16xf32>
      %mul3A_2185 = arith.mulf %mul3A_2184, %get3A_2183 : vector<16xf32>
      %add3A_2186 = arith.addf %add3A_2112, %mul3A_2185 : vector<16xf32>
      %slice3A_2187 = vector.extract_strided_slice %div3A_101 {offsets = [12], sizes = [1], strides = [1]} : vector<16xf32> to vector<1xf32>
      %squeeze3A_2188 = vector.extract %slice3A_2187[0] : f32 from vector<1xf32>
      %get3A_2189 = arith.constant 0 : i32
      %get3A_2190 = arith.constant 60 : i32
      %get3A_2191 = arith.index_cast %get3A_2189 : i32 to index
      %get3A_2192 = arith.index_cast %get3A_2190 : i32 to index
      %get3A_2193 = arith.constant 0 : index
      %get3A_2194 = tpu.vector_load %arg8[%get3A_2191, %get3A_2192, %get3A_2193] {strides = array<i32>} : memref<2x64x128xf32, #tpu.memory_space<vmem>>, vector<16xf32>,
      %mul3A_2195 = vector.broadcast %squeeze3A_2188 : f32 to vector<16xf32>
      %mul3A_2196 = arith.mulf %mul3A_2195, %get3A_2194 : vector<16xf32>
      %add3A_2197 = arith.addf %add3A_2123, %mul3A_2196 : vector<16xf32>
      %get3A_2198 = arith.constant 0 : i32
      %get3A_2199 = arith.constant 60 : i32
      %get3A_2200 = arith.index_cast %get3A_2198 : i32 to index
      %get3A_2201 = arith.index_cast %get3A_2199 : i32 to index
      %get3A_2202 = arith.constant 16 : index
      %get3A_2203 = tpu.vector_load %arg8[%get3A_2200, %get3A_2201, %get3A_2202] {strides = array<i32>} : memref<2x64x128xf32, #tpu.memory_space<vmem>>, vector<16xf32>,
      %mul3A_2204 = vector.broadcast %squeeze3A_2188 : f32 to vector<16xf32>
      %mul3A_2205 = arith.mulf %mul3A_2204, %get3A_2203 : vector<16xf32>
      %add3A_2206 = arith.addf %add3A_2132, %mul3A_2205 : vector<16xf32>
      %get3A_2207 = arith.constant 0 : i32
      %get3A_2208 = arith.constant 60 : i32
      %get3A_2209 = arith.index_cast %get3A_2207 : i32 to index
      %get3A_2210 = arith.index_cast %get3A_2208 : i32 to index
      %get3A_2211 = arith.constant 32 : index
      %get3A_2212 = tpu.vector_load %arg8[%get3A_2209, %get3A_2210, %get3A_2211] {strides = array<i32>} : memref<2x64x128xf32, #tpu.memory_space<vmem>>, vector<16xf32>,
      %mul3A_2213 = vector.broadcast %squeeze3A_2188 : f32 to vector<16xf32>
      %mul3A_2214 = arith.mulf %mul3A_2213, %get3A_2212 : vector<16xf32>
      %add3A_2215 = arith.addf %add3A_2141, %mul3A_2214 : vector<16xf32>
      %get3A_2216 = arith.constant 0 : i32
      %get3A_2217 = arith.constant 60 : i32
      %get3A_2218 = arith.index_cast %get3A_2216 : i32 to index
      %get3A_2219 = arith.index_cast %get3A_2217 : i32 to index
      %get3A_2220 = arith.constant 48 : index
      %get3A_2221 = tpu.vector_load %arg8[%get3A_2218, %get3A_2219, %get3A_2220] {strides = array<i32>} : memref<2x64x128xf32, #tpu.memory_space<vmem>>, vector<16xf32>,
      %mul3A_2222 = vector.broadcast %squeeze3A_2188 : f32 to vector<16xf32>
      %mul3A_2223 = arith.mulf %mul3A_2222, %get3A_2221 : vector<16xf32>
      %add3A_2224 = arith.addf %add3A_2150, %mul3A_2223 : vector<16xf32>
      %get3A_2225 = arith.constant 0 : i32
      %get3A_2226 = arith.constant 60 : i32
      %get3A_2227 = arith.index_cast %get3A_2225 : i32 to index
      %get3A_2228 = arith.index_cast %get3A_2226 : i32 to index
      %get3A_2229 = arith.constant 64 : index
      %get3A_2230 = tpu.vector_load %arg8[%get3A_2227, %get3A_2228, %get3A_2229] {strides = array<i32>} : memref<2x64x128xf32, #tpu.memory_space<vmem>>, vector<16xf32>,
      %mul3A_2231 = vector.broadcast %squeeze3A_2188 : f32 to vector<16xf32>
      %mul3A_2232 = arith.mulf %mul3A_2231, %get3A_2230 : vector<16xf32>
      %add3A_2233 = arith.addf %add3A_2159, %mul3A_2232 : vector<16xf32>
      %get3A_2234 = arith.constant 0 : i32
      %get3A_2235 = arith.constant 60 : i32
      %get3A_2236 = arith.index_cast %get3A_2234 : i32 to index
      %get3A_2237 = arith.index_cast %get3A_2235 : i32 to index
      %get3A_2238 = arith.constant 80 : index
      %get3A_2239 = tpu.vector_load %arg8[%get3A_2236, %get3A_2237, %get3A_2238] {strides = array<i32>} : memref<2x64x128xf32, #tpu.memory_space<vmem>>, vector<16xf32>,
      %mul3A_2240 = vector.broadcast %squeeze3A_2188 : f32 to vector<16xf32>
      %mul3A_2241 = arith.mulf %mul3A_2240, %get3A_2239 : vector<16xf32>
      %add3A_2242 = arith.addf %add3A_2168, %mul3A_2241 : vector<16xf32>
      %get3A_2243 = arith.constant 0 : i32
      %get3A_2244 = arith.constant 60 : i32
      %get3A_2245 = arith.index_cast %get3A_2243 : i32 to index
      %get3A_2246 = arith.index_cast %get3A_2244 : i32 to index
      %get3A_2247 = arith.constant 96 : index
      %get3A_2248 = tpu.vector_load %arg8[%get3A_2245, %get3A_2246, %get3A_2247] {strides = array<i32>} : memref<2x64x128xf32, #tpu.memory_space<vmem>>, vector<16xf32>,
      %mul3A_2249 = vector.broadcast %squeeze3A_2188 : f32 to vector<16xf32>
      %mul3A_2250 = arith.mulf %mul3A_2249, %get3A_2248 : vector<16xf32>
      %add3A_2251 = arith.addf %add3A_2177, %mul3A_2250 : vector<16xf32>
      %get3A_2252 = arith.constant 0 : i32
      %get3A_2253 = arith.constant 60 : i32
      %get3A_2254 = arith.index_cast %get3A_2252 : i32 to index
      %get3A_2255 = arith.index_cast %get3A_2253 : i32 to index
      %get3A_2256 = arith.constant 112 : index
      %get3A_2257 = tpu.vector_load %arg8[%get3A_2254, %get3A_2255, %get3A_2256] {strides = array<i32>} : memref<2x64x128xf32, #tpu.memory_space<vmem>>, vector<16xf32>,
      %mul3A_2258 = vector.broadcast %squeeze3A_2188 : f32 to vector<16xf32>
      %mul3A_2259 = arith.mulf %mul3A_2258, %get3A_2257 : vector<16xf32>
      %add3A_2260 = arith.addf %add3A_2186, %mul3A_2259 : vector<16xf32>
      %slice3A_2261 = vector.extract_strided_slice %div3A_101 {offsets = [13], sizes = [1], strides = [1]} : vector<16xf32> to vector<1xf32>
      %squeeze3A_2262 = vector.extract %slice3A_2261[0] : f32 from vector<1xf32>
      %get3A_2263 = arith.constant 0 : i32
      %get3A_2264 = arith.constant 61 : i32
      %get3A_2265 = arith.index_cast %get3A_2263 : i32 to index
      %get3A_2266 = arith.index_cast %get3A_2264 : i32 to index
      %get3A_2267 = arith.constant 0 : index
      %get3A_2268 = tpu.vector_load %arg8[%get3A_2265, %get3A_2266, %get3A_2267] {strides = array<i32>} : memref<2x64x128xf32, #tpu.memory_space<vmem>>, vector<16xf32>,
      %mul3A_2269 = vector.broadcast %squeeze3A_2262 : f32 to vector<16xf32>
      %mul3A_2270 = arith.mulf %mul3A_2269, %get3A_2268 : vector<16xf32>
      %add3A_2271 = arith.addf %add3A_2197, %mul3A_2270 : vector<16xf32>
      %get3A_2272 = arith.constant 0 : i32
      %get3A_2273 = arith.constant 61 : i32
      %get3A_2274 = arith.index_cast %get3A_2272 : i32 to index
      %get3A_2275 = arith.index_cast %get3A_2273 : i32 to index
      %get3A_2276 = arith.constant 16 : index
      %get3A_2277 = tpu.vector_load %arg8[%get3A_2274, %get3A_2275, %get3A_2276] {strides = array<i32>} : memref<2x64x128xf32, #tpu.memory_space<vmem>>, vector<16xf32>,
      %mul3A_2278 = vector.broadcast %squeeze3A_2262 : f32 to vector<16xf32>
      %mul3A_2279 = arith.mulf %mul3A_2278, %get3A_2277 : vector<16xf32>
      %add3A_2280 = arith.addf %add3A_2206, %mul3A_2279 : vector<16xf32>
      %get3A_2281 = arith.constant 0 : i32
      %get3A_2282 = arith.constant 61 : i32
      %get3A_2283 = arith.index_cast %get3A_2281 : i32 to index
      %get3A_2284 = arith.index_cast %get3A_2282 : i32 to index
      %get3A_2285 = arith.constant 32 : index
      %get3A_2286 = tpu.vector_load %arg8[%get3A_2283, %get3A_2284, %get3A_2285] {strides = array<i32>} : memref<2x64x128xf32, #tpu.memory_space<vmem>>, vector<16xf32>,
      %mul3A_2287 = vector.broadcast %squeeze3A_2262 : f32 to vector<16xf32>
      %mul3A_2288 = arith.mulf %mul3A_2287, %get3A_2286 : vector<16xf32>
      %add3A_2289 = arith.addf %add3A_2215, %mul3A_2288 : vector<16xf32>
      %get3A_2290 = arith.constant 0 : i32
      %get3A_2291 = arith.constant 61 : i32
      %get3A_2292 = arith.index_cast %get3A_2290 : i32 to index
      %get3A_2293 = arith.index_cast %get3A_2291 : i32 to index
      %get3A_2294 = arith.constant 48 : index
      %get3A_2295 = tpu.vector_load %arg8[%get3A_2292, %get3A_2293, %get3A_2294] {strides = array<i32>} : memref<2x64x128xf32, #tpu.memory_space<vmem>>, vector<16xf32>,
      %mul3A_2296 = vector.broadcast %squeeze3A_2262 : f32 to vector<16xf32>
      %mul3A_2297 = arith.mulf %mul3A_2296, %get3A_2295 : vector<16xf32>
      %add3A_2298 = arith.addf %add3A_2224, %mul3A_2297 : vector<16xf32>
      %get3A_2299 = arith.constant 0 : i32
      %get3A_2300 = arith.constant 61 : i32
      %get3A_2301 = arith.index_cast %get3A_2299 : i32 to index
      %get3A_2302 = arith.index_cast %get3A_2300 : i32 to index
      %get3A_2303 = arith.constant 64 : index
      %get3A_2304 = tpu.vector_load %arg8[%get3A_2301, %get3A_2302, %get3A_2303] {strides = array<i32>} : memref<2x64x128xf32, #tpu.memory_space<vmem>>, vector<16xf32>,
      %mul3A_2305 = vector.broadcast %squeeze3A_2262 : f32 to vector<16xf32>
      %mul3A_2306 = arith.mulf %mul3A_2305, %get3A_2304 : vector<16xf32>
      %add3A_2307 = arith.addf %add3A_2233, %mul3A_2306 : vector<16xf32>
      %get3A_2308 = arith.constant 0 : i32
      %get3A_2309 = arith.constant 61 : i32
      %get3A_2310 = arith.index_cast %get3A_2308 : i32 to index
      %get3A_2311 = arith.index_cast %get3A_2309 : i32 to index
      %get3A_2312 = arith.constant 80 : index
      %get3A_2313 = tpu.vector_load %arg8[%get3A_2310, %get3A_2311, %get3A_2312] {strides = array<i32>} : memref<2x64x128xf32, #tpu.memory_space<vmem>>, vector<16xf32>,
      %mul3A_2314 = vector.broadcast %squeeze3A_2262 : f32 to vector<16xf32>
      %mul3A_2315 = arith.mulf %mul3A_2314, %get3A_2313 : vector<16xf32>
      %add3A_2316 = arith.addf %add3A_2242, %mul3A_2315 : vector<16xf32>
      %get3A_2317 = arith.constant 0 : i32
      %get3A_2318 = arith.constant 61 : i32
      %get3A_2319 = arith.index_cast %get3A_2317 : i32 to index
      %get3A_2320 = arith.index_cast %get3A_2318 : i32 to index
      %get3A_2321 = arith.constant 96 : index
      %get3A_2322 = tpu.vector_load %arg8[%get3A_2319, %get3A_2320, %get3A_2321] {strides = array<i32>} : memref<2x64x128xf32, #tpu.memory_space<vmem>>, vector<16xf32>,
      %mul3A_2323 = vector.broadcast %squeeze3A_2262 : f32 to vector<16xf32>
      %mul3A_2324 = arith.mulf %mul3A_2323, %get3A_2322 : vector<16xf32>
      %add3A_2325 = arith.addf %add3A_2251, %mul3A_2324 : vector<16xf32>
      %get3A_2326 = arith.constant 0 : i32
      %get3A_2327 = arith.constant 61 : i32
      %get3A_2328 = arith.index_cast %get3A_2326 : i32 to index
      %get3A_2329 = arith.index_cast %get3A_2327 : i32 to index
      %get3A_2330 = arith.constant 112 : index
      %get3A_2331 = tpu.vector_load %arg8[%get3A_2328, %get3A_2329, %get3A_2330] {strides = array<i32>} : memref<2x64x128xf32, #tpu.memory_space<vmem>>, vector<16xf32>,
      %mul3A_2332 = vector.broadcast %squeeze3A_2262 : f32 to vector<16xf32>
      %mul3A_2333 = arith.mulf %mul3A_2332, %get3A_2331 : vector<16xf32>
      %add3A_2334 = arith.addf %add3A_2260, %mul3A_2333 : vector<16xf32>
      %slice3A_2335 = vector.extract_strided_slice %div3A_101 {offsets = [14], sizes = [1], strides = [1]} : vector<16xf32> to vector<1xf32>
      %squeeze3A_2336 = vector.extract %slice3A_2335[0] : f32 from vector<1xf32>
      %get3A_2337 = arith.constant 0 : i32
      %get3A_2338 = arith.constant 62 : i32
      %get3A_2339 = arith.index_cast %get3A_2337 : i32 to index
      %get3A_2340 = arith.index_cast %get3A_2338 : i32 to index
      %get3A_2341 = arith.constant 0 : index
      %get3A_2342 = tpu.vector_load %arg8[%get3A_2339, %get3A_2340, %get3A_2341] {strides = array<i32>} : memref<2x64x128xf32, #tpu.memory_space<vmem>>, vector<16xf32>,
      %mul3A_2343 = vector.broadcast %squeeze3A_2336 : f32 to vector<16xf32>
      %mul3A_2344 = arith.mulf %mul3A_2343, %get3A_2342 : vector<16xf32>
      %add3A_2345 = arith.addf %add3A_2271, %mul3A_2344 : vector<16xf32>
      %get3A_2346 = arith.constant 0 : i32
      %get3A_2347 = arith.constant 62 : i32
      %get3A_2348 = arith.index_cast %get3A_2346 : i32 to index
      %get3A_2349 = arith.index_cast %get3A_2347 : i32 to index
      %get3A_2350 = arith.constant 16 : index
      %get3A_2351 = tpu.vector_load %arg8[%get3A_2348, %get3A_2349, %get3A_2350] {strides = array<i32>} : memref<2x64x128xf32, #tpu.memory_space<vmem>>, vector<16xf32>,
      %mul3A_2352 = vector.broadcast %squeeze3A_2336 : f32 to vector<16xf32>
      %mul3A_2353 = arith.mulf %mul3A_2352, %get3A_2351 : vector<16xf32>
      %add3A_2354 = arith.addf %add3A_2280, %mul3A_2353 : vector<16xf32>
      %get3A_2355 = arith.constant 0 : i32
      %get3A_2356 = arith.constant 62 : i32
      %get3A_2357 = arith.index_cast %get3A_2355 : i32 to index
      %get3A_2358 = arith.index_cast %get3A_2356 : i32 to index
      %get3A_2359 = arith.constant 32 : index
      %get3A_2360 = tpu.vector_load %arg8[%get3A_2357, %get3A_2358, %get3A_2359] {strides = array<i32>} : memref<2x64x128xf32, #tpu.memory_space<vmem>>, vector<16xf32>,
      %mul3A_2361 = vector.broadcast %squeeze3A_2336 : f32 to vector<16xf32>
      %mul3A_2362 = arith.mulf %mul3A_2361, %get3A_2360 : vector<16xf32>
      %add3A_2363 = arith.addf %add3A_2289, %mul3A_2362 : vector<16xf32>
      %get3A_2364 = arith.constant 0 : i32
      %get3A_2365 = arith.constant 62 : i32
      %get3A_2366 = arith.index_cast %get3A_2364 : i32 to index
      %get3A_2367 = arith.index_cast %get3A_2365 : i32 to index
      %get3A_2368 = arith.constant 48 : index
      %get3A_2369 = tpu.vector_load %arg8[%get3A_2366, %get3A_2367, %get3A_2368] {strides = array<i32>} : memref<2x64x128xf32, #tpu.memory_space<vmem>>, vector<16xf32>,
      %mul3A_2370 = vector.broadcast %squeeze3A_2336 : f32 to vector<16xf32>
      %mul3A_2371 = arith.mulf %mul3A_2370, %get3A_2369 : vector<16xf32>
      %add3A_2372 = arith.addf %add3A_2298, %mul3A_2371 : vector<16xf32>
      %get3A_2373 = arith.constant 0 : i32
      %get3A_2374 = arith.constant 62 : i32
      %get3A_2375 = arith.index_cast %get3A_2373 : i32 to index
      %get3A_2376 = arith.index_cast %get3A_2374 : i32 to index
      %get3A_2377 = arith.constant 64 : index
      %get3A_2378 = tpu.vector_load %arg8[%get3A_2375, %get3A_2376, %get3A_2377] {strides = array<i32>} : memref<2x64x128xf32, #tpu.memory_space<vmem>>, vector<16xf32>,
      %mul3A_2379 = vector.broadcast %squeeze3A_2336 : f32 to vector<16xf32>
      %mul3A_2380 = arith.mulf %mul3A_2379, %get3A_2378 : vector<16xf32>
      %add3A_2381 = arith.addf %add3A_2307, %mul3A_2380 : vector<16xf32>
      %get3A_2382 = arith.constant 0 : i32
      %get3A_2383 = arith.constant 62 : i32
      %get3A_2384 = arith.index_cast %get3A_2382 : i32 to index
      %get3A_2385 = arith.index_cast %get3A_2383 : i32 to index
      %get3A_2386 = arith.constant 80 : index
      %get3A_2387 = tpu.vector_load %arg8[%get3A_2384, %get3A_2385, %get3A_2386] {strides = array<i32>} : memref<2x64x128xf32, #tpu.memory_space<vmem>>, vector<16xf32>,
      %mul3A_2388 = vector.broadcast %squeeze3A_2336 : f32 to vector<16xf32>
      %mul3A_2389 = arith.mulf %mul3A_2388, %get3A_2387 : vector<16xf32>
      %add3A_2390 = arith.addf %add3A_2316, %mul3A_2389 : vector<16xf32>
      %get3A_2391 = arith.constant 0 : i32
      %get3A_2392 = arith.constant 62 : i32
      %get3A_2393 = arith.index_cast %get3A_2391 : i32 to index
      %get3A_2394 = arith.index_cast %get3A_2392 : i32 to index
      %get3A_2395 = arith.constant 96 : index
      %get3A_2396 = tpu.vector_load %arg8[%get3A_2393, %get3A_2394, %get3A_2395] {strides = array<i32>} : memref<2x64x128xf32, #tpu.memory_space<vmem>>, vector<16xf32>,
      %mul3A_2397 = vector.broadcast %squeeze3A_2336 : f32 to vector<16xf32>
      %mul3A_2398 = arith.mulf %mul3A_2397, %get3A_2396 : vector<16xf32>
      %add3A_2399 = arith.addf %add3A_2325, %mul3A_2398 : vector<16xf32>
      %get3A_2400 = arith.constant 0 : i32
      %get3A_2401 = arith.constant 62 : i32
      %get3A_2402 = arith.index_cast %get3A_2400 : i32 to index
      %get3A_2403 = arith.index_cast %get3A_2401 : i32 to index
      %get3A_2404 = arith.constant 112 : index
      %get3A_2405 = tpu.vector_load %arg8[%get3A_2402, %get3A_2403, %get3A_2404] {strides = array<i32>} : memref<2x64x128xf32, #tpu.memory_space<vmem>>, vector<16xf32>,
      %mul3A_2406 = vector.broadcast %squeeze3A_2336 : f32 to vector<16xf32>
      %mul3A_2407 = arith.mulf %mul3A_2406, %get3A_2405 : vector<16xf32>
      %add3A_2408 = arith.addf %add3A_2334, %mul3A_2407 : vector<16xf32>
      %slice3A_2409 = vector.extract_strided_slice %div3A_101 {offsets = [15], sizes = [1], strides = [1]} : vector<16xf32> to vector<1xf32>
      %squeeze3A_2410 = vector.extract %slice3A_2409[0] : f32 from vector<1xf32>
      %get3A_2411 = arith.constant 0 : i32
      %get3A_2412 = arith.constant 63 : i32
      %get3A_2413 = arith.index_cast %get3A_2411 : i32 to index
      %get3A_2414 = arith.index_cast %get3A_2412 : i32 to index
      %get3A_2415 = arith.constant 0 : index
      %get3A_2416 = tpu.vector_load %arg8[%get3A_2413, %get3A_2414, %get3A_2415] {strides = array<i32>} : memref<2x64x128xf32, #tpu.memory_space<vmem>>, vector<16xf32>,
      %mul3A_2417 = vector.broadcast %squeeze3A_2410 : f32 to vector<16xf32>
      %mul3A_2418 = arith.mulf %mul3A_2417, %get3A_2416 : vector<16xf32>
      %add3A_2419 = arith.addf %add3A_2345, %mul3A_2418 : vector<16xf32>
      %get3A_2420 = arith.constant 0 : i32
      %get3A_2421 = arith.constant 63 : i32
      %get3A_2422 = arith.index_cast %get3A_2420 : i32 to index
      %get3A_2423 = arith.index_cast %get3A_2421 : i32 to index
      %get3A_2424 = arith.constant 16 : index
      %get3A_2425 = tpu.vector_load %arg8[%get3A_2422, %get3A_2423, %get3A_2424] {strides = array<i32>} : memref<2x64x128xf32, #tpu.memory_space<vmem>>, vector<16xf32>,
      %mul3A_2426 = vector.broadcast %squeeze3A_2410 : f32 to vector<16xf32>
      %mul3A_2427 = arith.mulf %mul3A_2426, %get3A_2425 : vector<16xf32>
      %add3A_2428 = arith.addf %add3A_2354, %mul3A_2427 : vector<16xf32>
      %get3A_2429 = arith.constant 0 : i32
      %get3A_2430 = arith.constant 63 : i32
      %get3A_2431 = arith.index_cast %get3A_2429 : i32 to index
      %get3A_2432 = arith.index_cast %get3A_2430 : i32 to index
      %get3A_2433 = arith.constant 32 : index
      %get3A_2434 = tpu.vector_load %arg8[%get3A_2431, %get3A_2432, %get3A_2433] {strides = array<i32>} : memref<2x64x128xf32, #tpu.memory_space<vmem>>, vector<16xf32>,
      %mul3A_2435 = vector.broadcast %squeeze3A_2410 : f32 to vector<16xf32>
      %mul3A_2436 = arith.mulf %mul3A_2435, %get3A_2434 : vector<16xf32>
      %add3A_2437 = arith.addf %add3A_2363, %mul3A_2436 : vector<16xf32>
      %get3A_2438 = arith.constant 0 : i32
      %get3A_2439 = arith.constant 63 : i32
      %get3A_2440 = arith.index_cast %get3A_2438 : i32 to index
      %get3A_2441 = arith.index_cast %get3A_2439 : i32 to index
      %get3A_2442 = arith.constant 48 : index
      %get3A_2443 = tpu.vector_load %arg8[%get3A_2440, %get3A_2441, %get3A_2442] {strides = array<i32>} : memref<2x64x128xf32, #tpu.memory_space<vmem>>, vector<16xf32>,
      %mul3A_2444 = vector.broadcast %squeeze3A_2410 : f32 to vector<16xf32>
      %mul3A_2445 = arith.mulf %mul3A_2444, %get3A_2443 : vector<16xf32>
      %add3A_2446 = arith.addf %add3A_2372, %mul3A_2445 : vector<16xf32>
      %get3A_2447 = arith.constant 0 : i32
      %get3A_2448 = arith.constant 63 : i32
      %get3A_2449 = arith.index_cast %get3A_2447 : i32 to index
      %get3A_2450 = arith.index_cast %get3A_2448 : i32 to index
      %get3A_2451 = arith.constant 64 : index
      %get3A_2452 = tpu.vector_load %arg8[%get3A_2449, %get3A_2450, %get3A_2451] {strides = array<i32>} : memref<2x64x128xf32, #tpu.memory_space<vmem>>, vector<16xf32>,
      %mul3A_2453 = vector.broadcast %squeeze3A_2410 : f32 to vector<16xf32>
      %mul3A_2454 = arith.mulf %mul3A_2453, %get3A_2452 : vector<16xf32>
      %add3A_2455 = arith.addf %add3A_2381, %mul3A_2454 : vector<16xf32>
      %get3A_2456 = arith.constant 0 : i32
      %get3A_2457 = arith.constant 63 : i32
      %get3A_2458 = arith.index_cast %get3A_2456 : i32 to index
      %get3A_2459 = arith.index_cast %get3A_2457 : i32 to index
      %get3A_2460 = arith.constant 80 : index
      %get3A_2461 = tpu.vector_load %arg8[%get3A_2458, %get3A_2459, %get3A_2460] {strides = array<i32>} : memref<2x64x128xf32, #tpu.memory_space<vmem>>, vector<16xf32>,
      %mul3A_2462 = vector.broadcast %squeeze3A_2410 : f32 to vector<16xf32>
      %mul3A_2463 = arith.mulf %mul3A_2462, %get3A_2461 : vector<16xf32>
      %add3A_2464 = arith.addf %add3A_2390, %mul3A_2463 : vector<16xf32>
      %get3A_2465 = arith.constant 0 : i32
      %get3A_2466 = arith.constant 63 : i32
      %get3A_2467 = arith.index_cast %get3A_2465 : i32 to index
      %get3A_2468 = arith.index_cast %get3A_2466 : i32 to index
      %get3A_2469 = arith.constant 96 : index
      %get3A_2470 = tpu.vector_load %arg8[%get3A_2467, %get3A_2468, %get3A_2469] {strides = array<i32>} : memref<2x64x128xf32, #tpu.memory_space<vmem>>, vector<16xf32>,
      %mul3A_2471 = vector.broadcast %squeeze3A_2410 : f32 to vector<16xf32>
      %mul3A_2472 = arith.mulf %mul3A_2471, %get3A_2470 : vector<16xf32>
      %add3A_2473 = arith.addf %add3A_2399, %mul3A_2472 : vector<16xf32>
      %get3A_2474 = arith.constant 0 : i32
      %get3A_2475 = arith.constant 63 : i32
      %get3A_2476 = arith.index_cast %get3A_2474 : i32 to index
      %get3A_2477 = arith.index_cast %get3A_2475 : i32 to index
      %get3A_2478 = arith.constant 112 : index
      %get3A_2479 = tpu.vector_load %arg8[%get3A_2476, %get3A_2477, %get3A_2478] {strides = array<i32>} : memref<2x64x128xf32, #tpu.memory_space<vmem>>, vector<16xf32>,
      %mul3A_2480 = vector.broadcast %squeeze3A_2410 : f32 to vector<16xf32>
      %mul3A_2481 = arith.mulf %mul3A_2480, %get3A_2479 : vector<16xf32>
      %add3A_2482 = arith.addf %add3A_2408, %mul3A_2481 : vector<16xf32>
      %swap3A = arith.constant 0 : i32
      %swap3A_2483 = arith.constant 32 : i32
      %swap3A_2484 = arith.index_cast %swap3A : i32 to index
      %swap3A_2485 = arith.index_cast %swap3A_2483 : i32 to index
      %swap3A_2486 = arith.constant 0 : index
      %swap3A_2487 = tpu.vector_load %arg8[%swap3A_2484, %swap3A_2485, %swap3A_2486] {strides = array<i32>} : memref<2x64x128xf32, #tpu.memory_space<vmem>>, vector<16xf32>,
      tpu.vector_store %arg8[%swap3A_2484, %swap3A_2485, %swap3A_2486], %add3A_2419 {strides = array<i32>} : memref<2x64x128xf32, #tpu.memory_space<vmem>>, vector<16xf32>,
      %swap3A_2488 = arith.constant 0 : i32
      %swap3A_2489 = arith.constant 32 : i32
      %swap3A_2490 = arith.index_cast %swap3A_2488 : i32 to index
      %swap3A_2491 = arith.index_cast %swap3A_2489 : i32 to index
      %swap3A_2492 = arith.constant 16 : index
      %swap3A_2493 = tpu.vector_load %arg8[%swap3A_2490, %swap3A_2491, %swap3A_2492] {strides = array<i32>} : memref<2x64x128xf32, #tpu.memory_space<vmem>>, vector<16xf32>,
      tpu.vector_store %arg8[%swap3A_2490, %swap3A_2491, %swap3A_2492], %add3A_2428 {strides = array<i32>} : memref<2x64x128xf32, #tpu.memory_space<vmem>>, vector<16xf32>,
      %swap3A_2494 = arith.constant 0 : i32
      %swap3A_2495 = arith.constant 32 : i32
      %swap3A_2496 = arith.index_cast %swap3A_2494 : i32 to index
      %swap3A_2497 = arith.index_cast %swap3A_2495 : i32 to index
      %swap3A_2498 = arith.constant 32 : index
      %swap3A_2499 = tpu.vector_load %arg8[%swap3A_2496, %swap3A_2497, %swap3A_2498] {strides = array<i32>} : memref<2x64x128xf32, #tpu.memory_space<vmem>>, vector<16xf32>,
      tpu.vector_store %arg8[%swap3A_2496, %swap3A_2497, %swap3A_2498], %add3A_2437 {strides = array<i32>} : memref<2x64x128xf32, #tpu.memory_space<vmem>>, vector<16xf32>,
      %swap3A_2500 = arith.constant 0 : i32
      %swap3A_2501 = arith.constant 32 : i32
      %swap3A_2502 = arith.index_cast %swap3A_2500 : i32 to index
      %swap3A_2503 = arith.index_cast %swap3A_2501 : i32 to index
      %swap3A_2504 = arith.constant 48 : index
      %swap3A_2505 = tpu.vector_load %arg8[%swap3A_2502, %swap3A_2503, %swap3A_2504] {strides = array<i32>} : memref<2x64x128xf32, #tpu.memory_space<vmem>>, vector<16xf32>,
      tpu.vector_store %arg8[%swap3A_2502, %swap3A_2503, %swap3A_2504], %add3A_2446 {strides = array<i32>} : memref<2x64x128xf32, #tpu.memory_space<vmem>>, vector<16xf32>,
      %swap3A_2506 = arith.constant 0 : i32
      %swap3A_2507 = arith.constant 32 : i32
      %swap3A_2508 = arith.index_cast %swap3A_2506 : i32 to index
      %swap3A_2509 = arith.index_cast %swap3A_2507 : i32 to index
      %swap3A_2510 = arith.constant 64 : index
      %swap3A_2511 = tpu.vector_load %arg8[%swap3A_2508, %swap3A_2509, %swap3A_2510] {strides = array<i32>} : memref<2x64x128xf32, #tpu.memory_space<vmem>>, vector<16xf32>,
      tpu.vector_store %arg8[%swap3A_2508, %swap3A_2509, %swap3A_2510], %add3A_2455 {strides = array<i32>} : memref<2x64x128xf32, #tpu.memory_space<vmem>>, vector<16xf32>,
      %swap3A_2512 = arith.constant 0 : i32
      %swap3A_2513 = arith.constant 32 : i32
      %swap3A_2514 = arith.index_cast %swap3A_2512 : i32 to index
      %swap3A_2515 = arith.index_cast %swap3A_2513 : i32 to index
      %swap3A_2516 = arith.constant 80 : index
      %swap3A_2517 = tpu.vector_load %arg8[%swap3A_2514, %swap3A_2515, %swap3A_2516] {strides = array<i32>} : memref<2x64x128xf32, #tpu.memory_space<vmem>>, vector<16xf32>,
      tpu.vector_store %arg8[%swap3A_2514, %swap3A_2515, %swap3A_2516], %add3A_2464 {strides = array<i32>} : memref<2x64x128xf32, #tpu.memory_space<vmem>>, vector<16xf32>,
      %swap3A_2518 = arith.constant 0 : i32
      %swap3A_2519 = arith.constant 32 : i32
      %swap3A_2520 = arith.index_cast %swap3A_2518 : i32 to index
      %swap3A_2521 = arith.index_cast %swap3A_2519 : i32 to index
      %swap3A_2522 = arith.constant 96 : index
      %swap3A_2523 = tpu.vector_load %arg8[%swap3A_2520, %swap3A_2521, %swap3A_2522] {strides = array<i32>} : memref<2x64x128xf32, #tpu.memory_space<vmem>>, vector<16xf32>,
      tpu.vector_store %arg8[%swap3A_2520, %swap3A_2521, %swap3A_2522], %add3A_2473 {strides = array<i32>} : memref<2x64x128xf32, #tpu.memory_space<vmem>>, vector<16xf32>,
      %swap3A_2524 = arith.constant 0 : i32
      %swap3A_2525 = arith.constant 32 : i32
      %swap3A_2526 = arith.index_cast %swap3A_2524 : i32 to index
      %swap3A_2527 = arith.index_cast %swap3A_2525 : i32 to index
      %swap3A_2528 = arith.constant 112 : index
      %swap3A_2529 = tpu.vector_load %arg8[%swap3A_2526, %swap3A_2527, %swap3A_2528] {strides = array<i32>} : memref<2x64x128xf32, #tpu.memory_space<vmem>>, vector<16xf32>,
      tpu.vector_store %arg8[%swap3A_2526, %swap3A_2527, %swap3A_2528], %add3A_2482 {strides = array<i32>} : memref<2x64x128xf32, #tpu.memory_space<vmem>>, vector<16xf32>,
      %add3A_2530 = arith.addi %mul3A_2, %add3A_62 : i32
      %dma_start3A_2531 = arith.constant 0 : i32
      %dma_start3A_2532 = arith.constant 0 : i32
      %dma_start3A_2533 = arith.constant 0 : i32
      %dma_start3A_2534 = tpu.memref_slice %arg8[%dma_start3A_2531, %dma_start3A_2532, %dma_start3A_2533] : memref<2x64x128xf32, #tpu.memory_space<vmem>> -> memref<1x33x128xf32, #tpu.memory_space<vmem>>
      %dma_start3A_2535 = tpu.memref_squeeze %dma_start3A_2534 : memref<1x33x128xf32, #tpu.memory_space<vmem>> -> memref<33x128xf32, #tpu.memory_space<vmem>>
      %dma_start3A_2536 = arith.constant 0 : i32
      %dma_start3A_2537 = arith.constant 0 : i32
      %dma_start3A_2538 = tpu.memref_slice %arg5[%add3A_2530, %dma_start3A_2536, %dma_start3A_2537] : memref<5120x33x128xf32, #tpu.memory_space<hbm>> -> memref<1x33x128xf32, #tpu.memory_space<hbm>>
      %dma_start3A_2539 = tpu.memref_squeeze %dma_start3A_2538 : memref<1x33x128xf32, #tpu.memory_space<hbm>> -> memref<33x128xf32, #tpu.memory_space<hbm>>
      %dma_start3A_2540 = arith.constant 0 : i32
      %dma_start3A_2541 = arith.constant 0 : i32
      %dma_start3A_2542 = tpu.memref_slice %arg5[%add3A_2530, %dma_start3A_2540, %dma_start3A_2541] : memref<5120x33x128xf32, #tpu.memory_space<hbm>> -> memref<1x33x128xf32, #tpu.memory_space<hbm>>
      %dma_start3A_2543 = tpu.memref_squeeze %dma_start3A_2542 : memref<1x33x128xf32, #tpu.memory_space<hbm>> -> memref<33x128xf32, #tpu.memory_space<hbm>>
      %dma_start3A_2544 = arith.constant 0 : i32
      %dma_start3A_2545 = arith.constant 0 : i32
      %dma_start3A_2546 = tpu.memref_slice %arg8[%dma_start3A_2531, %dma_start3A_2544, %dma_start3A_2545] : memref<2x64x128xf32, #tpu.memory_space<vmem>> -> memref<1x33x128xf32, #tpu.memory_space<vmem>>
      %dma_start3A_2547 = tpu.memref_squeeze %dma_start3A_2546 : memref<1x33x128xf32, #tpu.memory_space<vmem>> -> memref<33x128xf32, #tpu.memory_space<vmem>>
      tpu.enqueue_dma source(%dma_start3A_2547 : memref<33x128xf32, #tpu.memory_space<vmem>>) target(%dma_start3A_2543 : memref<33x128xf32, #tpu.memory_space<hbm>>) target_semaphore(%arg12 : memref<!tpu.dma_semaphore, #tpu.memory_space<semaphore_mem>>)
      %mul3A_2548 = arith.constant 2 : i32
      %mul3A_2549 = arith.muli %scan3A_58, %mul3A_2548 : i32
      %add3A_2550 = arith.constant 1 : i32
      %add3A_2551 = arith.addi %mul3A_2549, %add3A_2550 : i32
      %dma_wait3A_2552 = arith.constant 1 : i32
      %dma_wait3A_2553 = arith.constant 0 : i32
      %dma_wait3A_2554 = arith.constant 0 : i32
      %dma_wait3A_2555 = tpu.memref_slice %arg8[%dma_wait3A_2552, %dma_wait3A_2553, %dma_wait3A_2554] : memref<2x64x128xf32, #tpu.memory_space<vmem>> -> memref<1x64x128xf32, #tpu.memory_space<vmem>>
      %dma_wait3A_2556 = tpu.memref_squeeze %dma_wait3A_2555 : memref<1x64x128xf32, #tpu.memory_space<vmem>> -> memref<64x128xf32, #tpu.memory_space<vmem>>
      %dma_wait3A_2557 = arith.constant 0 : i32
      %dma_wait3A_2558 = tpu.memref_slice %arg6[%add3A_2551, %dma_wait3A_2557] : memref<160x64xi32, #tpu.memory_space<vmem>> -> memref<1x64xi32, #tpu.memory_space<vmem>>
      %dma_wait3A_2559 = tpu.memref_squeeze %dma_wait3A_2558 : memref<1x64xi32, #tpu.memory_space<vmem>> -> memref<64xi32, #tpu.memory_space<vmem>>
      %dma_wait3A_2560 = arith.constant 0 : i32
      %dma_wait3A_2561 = arith.constant 0 : i32
      %dma_wait3A_2562 = tpu.memref_slice %arg9[%dma_wait3A_2560, %dma_wait3A_2561] : memref<10000x128xf32, #tpu.memory_space<vmem_shared>> -> memref<10000x128xf32, #tpu.memory_space<vmem_shared>>
      tpu.wait_indirect_dma semaphore(%arg11 : memref<!tpu.dma_semaphore, #tpu.memory_space<semaphore_mem>>) src(%dma_wait3A_2562 : memref<10000x128xf32, #tpu.memory_space<vmem_shared>>) dst(%dma_wait3A_2556 : memref<64x128xf32, #tpu.memory_space<vmem>>)
      %add3A_2563 = arith.constant 2 : i32
      %add3A_2564 = arith.addi %add3A_2551, %add3A_2563 : i32
      %sub3A_2565 = arith.constant 1 : i32
      %sub3A_2566 = arith.subi %add3A_2564, %sub3A_2565 : i32
      %lt3A_2567 = arith.constant 160 : i32
      %lt3A_2568 = arith.cmpi slt, %sub3A_2566, %lt3A_2567 : i32
      %convert_element_type3A_2569 = arith.extui %lt3A_2568 : i1 to i32
      %cond3A_2570 = arith.constant 0 : i32
      %cond3A_2571 = arith.cmpi ne, %convert_element_type3A_2569, %cond3A_2570 : i32
      scf.if %cond3A_2571 {
        %ge3A = arith.constant 1 : i32
        %ge3A_5050 = arith.cmpi sge, %add3A_2551, %ge3A : i32
        %convert_element_type3A_5051 = arith.extui %ge3A_5050 : i1 to i32
        %cond3A_5052 = arith.constant 0 : i32
        %cond3A_5053 = arith.cmpi ne, %convert_element_type3A_5051, %cond3A_5052 : i32
        scf.if %cond3A_5053 {
          %sub3A_5065 = arith.constant 1 : i32
          %sub3A_5066 = arith.subi %add3A_2551, %sub3A_5065 : i32
          %add3A_5067 = arith.addi %mul3A_2, %sub3A_5066 : i32
          %dma_wait3A_5068 = arith.constant 0 : i32
          %dma_wait3A_5069 = arith.constant 0 : i32
          %dma_wait3A_5070 = arith.constant 0 : i32
          %dma_wait3A_5071 = tpu.memref_slice %arg8[%dma_wait3A_5068, %dma_wait3A_5069, %dma_wait3A_5070] : memref<2x64x128xf32, #tpu.memory_space<vmem>> -> memref<1x33x128xf32, #tpu.memory_space<vmem>>
          %dma_wait3A_5072 = tpu.memref_squeeze %dma_wait3A_5071 : memref<1x33x128xf32, #tpu.memory_space<vmem>> -> memref<33x128xf32, #tpu.memory_space<vmem>>
          %dma_wait3A_5073 = arith.constant 0 : i32
          %dma_wait3A_5074 = arith.constant 0 : i32
          %dma_wait3A_5075 = tpu.memref_slice %arg5[%add3A_5067, %dma_wait3A_5073, %dma_wait3A_5074] : memref<5120x33x128xf32, #tpu.memory_space<hbm>> -> memref<1x33x128xf32, #tpu.memory_space<hbm>>
          %dma_wait3A_5076 = tpu.memref_squeeze %dma_wait3A_5075 : memref<1x33x128xf32, #tpu.memory_space<hbm>> -> memref<33x128xf32, #tpu.memory_space<hbm>>
          %dma_wait3A_5077 = arith.constant 0 : i32
          %dma_wait3A_5078 = arith.constant 0 : i32
          %dma_wait3A_5079 = tpu.memref_slice %arg5[%add3A_5067, %dma_wait3A_5077, %dma_wait3A_5078] : memref<5120x33x128xf32, #tpu.memory_space<hbm>> -> memref<1x33x128xf32, #tpu.memory_space<hbm>>
          %dma_wait3A_5080 = tpu.memref_squeeze %dma_wait3A_5079 : memref<1x33x128xf32, #tpu.memory_space<hbm>> -> memref<33x128xf32, #tpu.memory_space<hbm>>
          %dma_wait3A_5081 = arith.constant 0 : i32
          %dma_wait3A_5082 = arith.constant 0 : i32
          %dma_wait3A_5083 = tpu.memref_slice %arg8[%dma_wait3A_5068, %dma_wait3A_5081, %dma_wait3A_5082] : memref<2x64x128xf32, #tpu.memory_space<vmem>> -> memref<1x33x128xf32, #tpu.memory_space<vmem>>
          %dma_wait3A_5084 = tpu.memref_squeeze %dma_wait3A_5083 : memref<1x33x128xf32, #tpu.memory_space<vmem>> -> memref<33x128xf32, #tpu.memory_space<vmem>>
          tpu.wait_dma2 semaphore(%arg12 : memref<!tpu.dma_semaphore, #tpu.memory_space<semaphore_mem>>) src(%dma_wait3A_5084 : memref<33x128xf32, #tpu.memory_space<vmem>>) dst(%dma_wait3A_5080 : memref<33x128xf32, #tpu.memory_space<hbm>>)
        } else {
        }
        %dma_start3A_5054 = arith.constant 0 : i32
        %dma_start3A_5055 = arith.constant 0 : i32
        %dma_start3A_5056 = arith.constant 0 : i32
        %dma_start3A_5057 = tpu.memref_slice %arg8[%dma_start3A_5054, %dma_start3A_5055, %dma_start3A_5056] : memref<2x64x128xf32, #tpu.memory_space<vmem>> -> memref<1x64x128xf32, #tpu.memory_space<vmem>>
        %dma_start3A_5058 = tpu.memref_squeeze %dma_start3A_5057 : memref<1x64x128xf32, #tpu.memory_space<vmem>> -> memref<64x128xf32, #tpu.memory_space<vmem>>
        %dma_start3A_5059 = arith.constant 0 : i32
        %dma_start3A_5060 = tpu.memref_slice %arg6[%sub3A_2566, %dma_start3A_5059] : memref<160x64xi32, #tpu.memory_space<vmem>> -> memref<1x64xi32, #tpu.memory_space<vmem>>
        %dma_start3A_5061 = tpu.memref_squeeze %dma_start3A_5060 : memref<1x64xi32, #tpu.memory_space<vmem>> -> memref<64xi32, #tpu.memory_space<vmem>>
        %dma_start3A_5062 = arith.constant 0 : i32
        %dma_start3A_5063 = arith.constant 0 : i32
        %dma_start3A_5064 = tpu.memref_slice %arg9[%dma_start3A_5062, %dma_start3A_5063] : memref<10000x128xf32, #tpu.memory_space<vmem_shared>> -> memref<10000x128xf32, #tpu.memory_space<vmem_shared>>
        tpu.enqueue_indirect_dma source(%dma_start3A_5064 : memref<10000x128xf32, #tpu.memory_space<vmem_shared>>) target(%dma_start3A_5058 : memref<64x128xf32, #tpu.memory_space<vmem>>) offsets(%dma_start3A_5061 : memref<64xi32, #tpu.memory_space<vmem>>) semaphore(%arg10 : memref<!tpu.dma_semaphore, #tpu.memory_space<semaphore_mem>>)
      } else {
      }
      %get3A_2572 = arith.index_cast %add3A_2551 : i32 to index
      %get3A_2573 = arith.constant 32 : index
      %get3A_2574 = tpu.vector_load %arg6[%get3A_2572, %get3A_2573] {strides = array<i32>} : memref<160x64xi32, #tpu.memory_space<vmem>>, vector<16xi32>,
      %get3A_2575 = arith.index_cast %add3A_2551 : i32 to index
      %get3A_2576 = arith.constant 48 : index
      %get3A_2577 = tpu.vector_load %arg6[%get3A_2575, %get3A_2576] {strides = array<i32>} : memref<160x64xi32, #tpu.memory_space<vmem>>, vector<16xi32>,
      %gather3A_2578 = tpu.vector_load_idx %arg7[%get3A_2574] : memref<10000xf32, #tpu.memory_space<vmem>>[vector<16xi32>], vector<16xf32>,
      %gather3A_2579 = tpu.vector_load_idx %arg7[%get3A_2577] : memref<10000xf32, #tpu.memory_space<vmem>>[vector<16xi32>], vector<16xf32>,
      %max3A_2580 = arith.maximumf %gather3A_2578, %gather3A_2579 : vector<16xf32>
      %reduce_max3A_2581 = arith.constant true
      %reduce_max3A_2582 = vector.broadcast %reduce_max3A_2581 : i1 to vector<16xi1>
      %reduce_max3A_2583 = tpu.scan <max>, %max3A_2580 masked %reduce_max3A_2582 : vector<16xf32>, vector<16xi1> -> vector<16xf32>
      %reduce_max3A_2584 = vector.extract %reduce_max3A_2583[15] : f32 from vector<16xf32>
      %sub3A_2585 = vector.broadcast %reduce_max3A_2584 : f32 to vector<16xf32>
      %sub3A_2586 = arith.subf %gather3A_2578, %sub3A_2585 : vector<16xf32>
      %exp3A_2587 = math.exp %sub3A_2586 : vector<16xf32>
      %sub3A_2588 = vector.broadcast %reduce_max3A_2584 : f32 to vector<16xf32>
      %sub3A_2589 = arith.subf %gather3A_2579, %sub3A_2588 : vector<16xf32>
      %exp3A_2590 = math.exp %sub3A_2589 : vector<16xf32>
      %add3A_2591 = arith.addf %exp3A_2587, %exp3A_2590 : vector<16xf32>
      %reduce_sum3A_2592 = arith.constant true
      %reduce_sum3A_2593 = vector.broadcast %reduce_sum3A_2592 : i1 to vector<16xi1>
      %reduce_sum3A_2594 = tpu.scan <sum>, %add3A_2591 masked %reduce_sum3A_2593 : vector<16xf32>, vector<16xi1> -> vector<16xf32>
      %reduce_sum3A_2595 = vector.extract %reduce_sum3A_2594[15] : f32 from vector<16xf32>
      %div3A_2596 = vector.broadcast %reduce_sum3A_2595 : f32 to vector<16xf32>
      %div3A_2597 = arith.divf %exp3A_2587, %div3A_2596 : vector<16xf32>
      %div3A_2598 = vector.broadcast %reduce_sum3A_2595 : f32 to vector<16xf32>
      %div3A_2599 = arith.divf %exp3A_2590, %div3A_2598 : vector<16xf32>
      %broadcast_in_dim3A_2600 = arith.constant 0.000000e+00 : f32
      %broadcast_in_dim3A_2601 = vector.broadcast %broadcast_in_dim3A_2600 : f32 to vector<16xf32>
      %broadcast_in_dim3A_2602 = arith.constant 0.000000e+00 : f32
      %broadcast_in_dim3A_2603 = vector.broadcast %broadcast_in_dim3A_2602 : f32 to vector<16xf32>
      %broadcast_in_dim3A_2604 = arith.constant 0.000000e+00 : f32
      %broadcast_in_dim3A_2605 = vector.broadcast %broadcast_in_dim3A_2604 : f32 to vector<16xf32>
      %broadcast_in_dim3A_2606 = arith.constant 0.000000e+00 : f32
      %broadcast_in_dim3A_2607 = vector.broadcast %broadcast_in_dim3A_2606 : f32 to vector<16xf32>
      %broadcast_in_dim3A_2608 = arith.constant 0.000000e+00 : f32
      %broadcast_in_dim3A_2609 = vector.broadcast %broadcast_in_dim3A_2608 : f32 to vector<16xf32>
      %broadcast_in_dim3A_2610 = arith.constant 0.000000e+00 : f32
      %broadcast_in_dim3A_2611 = vector.broadcast %broadcast_in_dim3A_2610 : f32 to vector<16xf32>
      %broadcast_in_dim3A_2612 = arith.constant 0.000000e+00 : f32
      %broadcast_in_dim3A_2613 = vector.broadcast %broadcast_in_dim3A_2612 : f32 to vector<16xf32>
      %broadcast_in_dim3A_2614 = arith.constant 0.000000e+00 : f32
      %broadcast_in_dim3A_2615 = vector.broadcast %broadcast_in_dim3A_2614 : f32 to vector<16xf32>
      %slice3A_2616 = vector.extract_strided_slice %div3A_2597 {offsets = [0], sizes = [1], strides = [1]} : vector<16xf32> to vector<1xf32>
      %squeeze3A_2617 = vector.extract %slice3A_2616[0] : f32 from vector<1xf32>
      %get3A_2618 = arith.constant 1 : i32
      %get3A_2619 = arith.constant 32 : i32
      %get3A_2620 = arith.index_cast %get3A_2618 : i32 to index
      %get3A_2621 = arith.index_cast %get3A_2619 : i32 to index
      %get3A_2622 = arith.constant 0 : index
      %get3A_2623 = tpu.vector_load %arg8[%get3A_2620, %get3A_2621, %get3A_2622] {strides = array<i32>} : memref<2x64x128xf32, #tpu.memory_space<vmem>>, vector<16xf32>,
      %mul3A_2624 = vector.broadcast %squeeze3A_2617 : f32 to vector<16xf32>
      %mul3A_2625 = arith.mulf %mul3A_2624, %get3A_2623 : vector<16xf32>
      %add3A_2626 = arith.addf %broadcast_in_dim3A_2601, %mul3A_2625 : vector<16xf32>
      %get3A_2627 = arith.constant 1 : i32
      %get3A_2628 = arith.constant 32 : i32
      %get3A_2629 = arith.index_cast %get3A_2627 : i32 to index
      %get3A_2630 = arith.index_cast %get3A_2628 : i32 to index
      %get3A_2631 = arith.constant 16 : index
      %get3A_2632 = tpu.vector_load %arg8[%get3A_2629, %get3A_2630, %get3A_2631] {strides = array<i32>} : memref<2x64x128xf32, #tpu.memory_space<vmem>>, vector<16xf32>,
      %mul3A_2633 = vector.broadcast %squeeze3A_2617 : f32 to vector<16xf32>
      %mul3A_2634 = arith.mulf %mul3A_2633, %get3A_2632 : vector<16xf32>
      %add3A_2635 = arith.addf %broadcast_in_dim3A_2603, %mul3A_2634 : vector<16xf32>
      %get3A_2636 = arith.constant 1 : i32
      %get3A_2637 = arith.constant 32 : i32
      %get3A_2638 = arith.index_cast %get3A_2636 : i32 to index
      %get3A_2639 = arith.index_cast %get3A_2637 : i32 to index
      %get3A_2640 = arith.constant 32 : index
      %get3A_2641 = tpu.vector_load %arg8[%get3A_2638, %get3A_2639, %get3A_2640] {strides = array<i32>} : memref<2x64x128xf32, #tpu.memory_space<vmem>>, vector<16xf32>,
      %mul3A_2642 = vector.broadcast %squeeze3A_2617 : f32 to vector<16xf32>
      %mul3A_2643 = arith.mulf %mul3A_2642, %get3A_2641 : vector<16xf32>
      %add3A_2644 = arith.addf %broadcast_in_dim3A_2605, %mul3A_2643 : vector<16xf32>
      %get3A_2645 = arith.constant 1 : i32
      %get3A_2646 = arith.constant 32 : i32
      %get3A_2647 = arith.index_cast %get3A_2645 : i32 to index
      %get3A_2648 = arith.index_cast %get3A_2646 : i32 to index
      %get3A_2649 = arith.constant 48 : index
      %get3A_2650 = tpu.vector_load %arg8[%get3A_2647, %get3A_2648, %get3A_2649] {strides = array<i32>} : memref<2x64x128xf32, #tpu.memory_space<vmem>>, vector<16xf32>,
      %mul3A_2651 = vector.broadcast %squeeze3A_2617 : f32 to vector<16xf32>
      %mul3A_2652 = arith.mulf %mul3A_2651, %get3A_2650 : vector<16xf32>
      %add3A_2653 = arith.addf %broadcast_in_dim3A_2607, %mul3A_2652 : vector<16xf32>
      %get3A_2654 = arith.constant 1 : i32
      %get3A_2655 = arith.constant 32 : i32
      %get3A_2656 = arith.index_cast %get3A_2654 : i32 to index
      %get3A_2657 = arith.index_cast %get3A_2655 : i32 to index
      %get3A_2658 = arith.constant 64 : index
      %get3A_2659 = tpu.vector_load %arg8[%get3A_2656, %get3A_2657, %get3A_2658] {strides = array<i32>} : memref<2x64x128xf32, #tpu.memory_space<vmem>>, vector<16xf32>,
      %mul3A_2660 = vector.broadcast %squeeze3A_2617 : f32 to vector<16xf32>
      %mul3A_2661 = arith.mulf %mul3A_2660, %get3A_2659 : vector<16xf32>
      %add3A_2662 = arith.addf %broadcast_in_dim3A_2609, %mul3A_2661 : vector<16xf32>
      %get3A_2663 = arith.constant 1 : i32
      %get3A_2664 = arith.constant 32 : i32
      %get3A_2665 = arith.index_cast %get3A_2663 : i32 to index
      %get3A_2666 = arith.index_cast %get3A_2664 : i32 to index
      %get3A_2667 = arith.constant 80 : index
      %get3A_2668 = tpu.vector_load %arg8[%get3A_2665, %get3A_2666, %get3A_2667] {strides = array<i32>} : memref<2x64x128xf32, #tpu.memory_space<vmem>>, vector<16xf32>,
      %mul3A_2669 = vector.broadcast %squeeze3A_2617 : f32 to vector<16xf32>
      %mul3A_2670 = arith.mulf %mul3A_2669, %get3A_2668 : vector<16xf32>
      %add3A_2671 = arith.addf %broadcast_in_dim3A_2611, %mul3A_2670 : vector<16xf32>
      %get3A_2672 = arith.constant 1 : i32
      %get3A_2673 = arith.constant 32 : i32
      %get3A_2674 = arith.index_cast %get3A_2672 : i32 to index
      %get3A_2675 = arith.index_cast %get3A_2673 : i32 to index
      %get3A_2676 = arith.constant 96 : index
      %get3A_2677 = tpu.vector_load %arg8[%get3A_2674, %get3A_2675, %get3A_2676] {strides = array<i32>} : memref<2x64x128xf32, #tpu.memory_space<vmem>>, vector<16xf32>,
      %mul3A_2678 = vector.broadcast %squeeze3A_2617 : f32 to vector<16xf32>
      %mul3A_2679 = arith.mulf %mul3A_2678, %get3A_2677 : vector<16xf32>
      %add3A_2680 = arith.addf %broadcast_in_dim3A_2613, %mul3A_2679 : vector<16xf32>
      %get3A_2681 = arith.constant 1 : i32
      %get3A_2682 = arith.constant 32 : i32
      %get3A_2683 = arith.index_cast %get3A_2681 : i32 to index
      %get3A_2684 = arith.index_cast %get3A_2682 : i32 to index
      %get3A_2685 = arith.constant 112 : index
      %get3A_2686 = tpu.vector_load %arg8[%get3A_2683, %get3A_2684, %get3A_2685] {strides = array<i32>} : memref<2x64x128xf32, #tpu.memory_space<vmem>>, vector<16xf32>,
      %mul3A_2687 = vector.broadcast %squeeze3A_2617 : f32 to vector<16xf32>
      %mul3A_2688 = arith.mulf %mul3A_2687, %get3A_2686 : vector<16xf32>
      %add3A_2689 = arith.addf %broadcast_in_dim3A_2615, %mul3A_2688 : vector<16xf32>
      %slice3A_2690 = vector.extract_strided_slice %div3A_2597 {offsets = [1], sizes = [1], strides = [1]} : vector<16xf32> to vector<1xf32>
      %squeeze3A_2691 = vector.extract %slice3A_2690[0] : f32 from vector<1xf32>
      %get3A_2692 = arith.constant 1 : i32
      %get3A_2693 = arith.constant 33 : i32
      %get3A_2694 = arith.index_cast %get3A_2692 : i32 to index
      %get3A_2695 = arith.index_cast %get3A_2693 : i32 to index
      %get3A_2696 = arith.constant 0 : index
      %get3A_2697 = tpu.vector_load %arg8[%get3A_2694, %get3A_2695, %get3A_2696] {strides = array<i32>} : memref<2x64x128xf32, #tpu.memory_space<vmem>>, vector<16xf32>,
      %mul3A_2698 = vector.broadcast %squeeze3A_2691 : f32 to vector<16xf32>
      %mul3A_2699 = arith.mulf %mul3A_2698, %get3A_2697 : vector<16xf32>
      %add3A_2700 = arith.addf %add3A_2626, %mul3A_2699 : vector<16xf32>
      %get3A_2701 = arith.constant 1 : i32
      %get3A_2702 = arith.constant 33 : i32
      %get3A_2703 = arith.index_cast %get3A_2701 : i32 to index
      %get3A_2704 = arith.index_cast %get3A_2702 : i32 to index
      %get3A_2705 = arith.constant 16 : index
      %get3A_2706 = tpu.vector_load %arg8[%get3A_2703, %get3A_2704, %get3A_2705] {strides = array<i32>} : memref<2x64x128xf32, #tpu.memory_space<vmem>>, vector<16xf32>,
      %mul3A_2707 = vector.broadcast %squeeze3A_2691 : f32 to vector<16xf32>
      %mul3A_2708 = arith.mulf %mul3A_2707, %get3A_2706 : vector<16xf32>
      %add3A_2709 = arith.addf %add3A_2635, %mul3A_2708 : vector<16xf32>
      %get3A_2710 = arith.constant 1 : i32
      %get3A_2711 = arith.constant 33 : i32
      %get3A_2712 = arith.index_cast %get3A_2710 : i32 to index
      %get3A_2713 = arith.index_cast %get3A_2711 : i32 to index
      %get3A_2714 = arith.constant 32 : index
      %get3A_2715 = tpu.vector_load %arg8[%get3A_2712, %get3A_2713, %get3A_2714] {strides = array<i32>} : memref<2x64x128xf32, #tpu.memory_space<vmem>>, vector<16xf32>,
      %mul3A_2716 = vector.broadcast %squeeze3A_2691 : f32 to vector<16xf32>
      %mul3A_2717 = arith.mulf %mul3A_2716, %get3A_2715 : vector<16xf32>
      %add3A_2718 = arith.addf %add3A_2644, %mul3A_2717 : vector<16xf32>
      %get3A_2719 = arith.constant 1 : i32
      %get3A_2720 = arith.constant 33 : i32
      %get3A_2721 = arith.index_cast %get3A_2719 : i32 to index
      %get3A_2722 = arith.index_cast %get3A_2720 : i32 to index
      %get3A_2723 = arith.constant 48 : index
      %get3A_2724 = tpu.vector_load %arg8[%get3A_2721, %get3A_2722, %get3A_2723] {strides = array<i32>} : memref<2x64x128xf32, #tpu.memory_space<vmem>>, vector<16xf32>,
      %mul3A_2725 = vector.broadcast %squeeze3A_2691 : f32 to vector<16xf32>
      %mul3A_2726 = arith.mulf %mul3A_2725, %get3A_2724 : vector<16xf32>
      %add3A_2727 = arith.addf %add3A_2653, %mul3A_2726 : vector<16xf32>
      %get3A_2728 = arith.constant 1 : i32
      %get3A_2729 = arith.constant 33 : i32
      %get3A_2730 = arith.index_cast %get3A_2728 : i32 to index
      %get3A_2731 = arith.index_cast %get3A_2729 : i32 to index
      %get3A_2732 = arith.constant 64 : index
      %get3A_2733 = tpu.vector_load %arg8[%get3A_2730, %get3A_2731, %get3A_2732] {strides = array<i32>} : memref<2x64x128xf32, #tpu.memory_space<vmem>>, vector<16xf32>,
      %mul3A_2734 = vector.broadcast %squeeze3A_2691 : f32 to vector<16xf32>
      %mul3A_2735 = arith.mulf %mul3A_2734, %get3A_2733 : vector<16xf32>
      %add3A_2736 = arith.addf %add3A_2662, %mul3A_2735 : vector<16xf32>
      %get3A_2737 = arith.constant 1 : i32
      %get3A_2738 = arith.constant 33 : i32
      %get3A_2739 = arith.index_cast %get3A_2737 : i32 to index
      %get3A_2740 = arith.index_cast %get3A_2738 : i32 to index
      %get3A_2741 = arith.constant 80 : index
      %get3A_2742 = tpu.vector_load %arg8[%get3A_2739, %get3A_2740, %get3A_2741] {strides = array<i32>} : memref<2x64x128xf32, #tpu.memory_space<vmem>>, vector<16xf32>,
      %mul3A_2743 = vector.broadcast %squeeze3A_2691 : f32 to vector<16xf32>
      %mul3A_2744 = arith.mulf %mul3A_2743, %get3A_2742 : vector<16xf32>
      %add3A_2745 = arith.addf %add3A_2671, %mul3A_2744 : vector<16xf32>
      %get3A_2746 = arith.constant 1 : i32
      %get3A_2747 = arith.constant 33 : i32
      %get3A_2748 = arith.index_cast %get3A_2746 : i32 to index
      %get3A_2749 = arith.index_cast %get3A_2747 : i32 to index
      %get3A_2750 = arith.constant 96 : index
      %get3A_2751 = tpu.vector_load %arg8[%get3A_2748, %get3A_2749, %get3A_2750] {strides = array<i32>} : memref<2x64x128xf32, #tpu.memory_space<vmem>>, vector<16xf32>,
      %mul3A_2752 = vector.broadcast %squeeze3A_2691 : f32 to vector<16xf32>
      %mul3A_2753 = arith.mulf %mul3A_2752, %get3A_2751 : vector<16xf32>
      %add3A_2754 = arith.addf %add3A_2680, %mul3A_2753 : vector<16xf32>
      %get3A_2755 = arith.constant 1 : i32
      %get3A_2756 = arith.constant 33 : i32
      %get3A_2757 = arith.index_cast %get3A_2755 : i32 to index
      %get3A_2758 = arith.index_cast %get3A_2756 : i32 to index
      %get3A_2759 = arith.constant 112 : index
      %get3A_2760 = tpu.vector_load %arg8[%get3A_2757, %get3A_2758, %get3A_2759] {strides = array<i32>} : memref<2x64x128xf32, #tpu.memory_space<vmem>>, vector<16xf32>,
      %mul3A_2761 = vector.broadcast %squeeze3A_2691 : f32 to vector<16xf32>
      %mul3A_2762 = arith.mulf %mul3A_2761, %get3A_2760 : vector<16xf32>
      %add3A_2763 = arith.addf %add3A_2689, %mul3A_2762 : vector<16xf32>
      %slice3A_2764 = vector.extract_strided_slice %div3A_2597 {offsets = [2], sizes = [1], strides = [1]} : vector<16xf32> to vector<1xf32>
      %squeeze3A_2765 = vector.extract %slice3A_2764[0] : f32 from vector<1xf32>
      %get3A_2766 = arith.constant 1 : i32
      %get3A_2767 = arith.constant 34 : i32
      %get3A_2768 = arith.index_cast %get3A_2766 : i32 to index
      %get3A_2769 = arith.index_cast %get3A_2767 : i32 to index
      %get3A_2770 = arith.constant 0 : index
      %get3A_2771 = tpu.vector_load %arg8[%get3A_2768, %get3A_2769, %get3A_2770] {strides = array<i32>} : memref<2x64x128xf32, #tpu.memory_space<vmem>>, vector<16xf32>,
      %mul3A_2772 = vector.broadcast %squeeze3A_2765 : f32 to vector<16xf32>
      %mul3A_2773 = arith.mulf %mul3A_2772, %get3A_2771 : vector<16xf32>
      %add3A_2774 = arith.addf %add3A_2700, %mul3A_2773 : vector<16xf32>
      %get3A_2775 = arith.constant 1 : i32
      %get3A_2776 = arith.constant 34 : i32
      %get3A_2777 = arith.index_cast %get3A_2775 : i32 to index
      %get3A_2778 = arith.index_cast %get3A_2776 : i32 to index
      %get3A_2779 = arith.constant 16 : index
      %get3A_2780 = tpu.vector_load %arg8[%get3A_2777, %get3A_2778, %get3A_2779] {strides = array<i32>} : memref<2x64x128xf32, #tpu.memory_space<vmem>>, vector<16xf32>,
      %mul3A_2781 = vector.broadcast %squeeze3A_2765 : f32 to vector<16xf32>
      %mul3A_2782 = arith.mulf %mul3A_2781, %get3A_2780 : vector<16xf32>
      %add3A_2783 = arith.addf %add3A_2709, %mul3A_2782 : vector<16xf32>
      %get3A_2784 = arith.constant 1 : i32
      %get3A_2785 = arith.constant 34 : i32
      %get3A_2786 = arith.index_cast %get3A_2784 : i32 to index
      %get3A_2787 = arith.index_cast %get3A_2785 : i32 to index
      %get3A_2788 = arith.constant 32 : index
      %get3A_2789 = tpu.vector_load %arg8[%get3A_2786, %get3A_2787, %get3A_2788] {strides = array<i32>} : memref<2x64x128xf32, #tpu.memory_space<vmem>>, vector<16xf32>,
      %mul3A_2790 = vector.broadcast %squeeze3A_2765 : f32 to vector<16xf32>
      %mul3A_2791 = arith.mulf %mul3A_2790, %get3A_2789 : vector<16xf32>
      %add3A_2792 = arith.addf %add3A_2718, %mul3A_2791 : vector<16xf32>
      %get3A_2793 = arith.constant 1 : i32
      %get3A_2794 = arith.constant 34 : i32
      %get3A_2795 = arith.index_cast %get3A_2793 : i32 to index
      %get3A_2796 = arith.index_cast %get3A_2794 : i32 to index
      %get3A_2797 = arith.constant 48 : index
      %get3A_2798 = tpu.vector_load %arg8[%get3A_2795, %get3A_2796, %get3A_2797] {strides = array<i32>} : memref<2x64x128xf32, #tpu.memory_space<vmem>>, vector<16xf32>,
      %mul3A_2799 = vector.broadcast %squeeze3A_2765 : f32 to vector<16xf32>
      %mul3A_2800 = arith.mulf %mul3A_2799, %get3A_2798 : vector<16xf32>
      %add3A_2801 = arith.addf %add3A_2727, %mul3A_2800 : vector<16xf32>
      %get3A_2802 = arith.constant 1 : i32
      %get3A_2803 = arith.constant 34 : i32
      %get3A_2804 = arith.index_cast %get3A_2802 : i32 to index
      %get3A_2805 = arith.index_cast %get3A_2803 : i32 to index
      %get3A_2806 = arith.constant 64 : index
      %get3A_2807 = tpu.vector_load %arg8[%get3A_2804, %get3A_2805, %get3A_2806] {strides = array<i32>} : memref<2x64x128xf32, #tpu.memory_space<vmem>>, vector<16xf32>,
      %mul3A_2808 = vector.broadcast %squeeze3A_2765 : f32 to vector<16xf32>
      %mul3A_2809 = arith.mulf %mul3A_2808, %get3A_2807 : vector<16xf32>
      %add3A_2810 = arith.addf %add3A_2736, %mul3A_2809 : vector<16xf32>
      %get3A_2811 = arith.constant 1 : i32
      %get3A_2812 = arith.constant 34 : i32
      %get3A_2813 = arith.index_cast %get3A_2811 : i32 to index
      %get3A_2814 = arith.index_cast %get3A_2812 : i32 to index
      %get3A_2815 = arith.constant 80 : index
      %get3A_2816 = tpu.vector_load %arg8[%get3A_2813, %get3A_2814, %get3A_2815] {strides = array<i32>} : memref<2x64x128xf32, #tpu.memory_space<vmem>>, vector<16xf32>,
      %mul3A_2817 = vector.broadcast %squeeze3A_2765 : f32 to vector<16xf32>
      %mul3A_2818 = arith.mulf %mul3A_2817, %get3A_2816 : vector<16xf32>
      %add3A_2819 = arith.addf %add3A_2745, %mul3A_2818 : vector<16xf32>
      %get3A_2820 = arith.constant 1 : i32
      %get3A_2821 = arith.constant 34 : i32
      %get3A_2822 = arith.index_cast %get3A_2820 : i32 to index
      %get3A_2823 = arith.index_cast %get3A_2821 : i32 to index
      %get3A_2824 = arith.constant 96 : index
      %get3A_2825 = tpu.vector_load %arg8[%get3A_2822, %get3A_2823, %get3A_2824] {strides = array<i32>} : memref<2x64x128xf32, #tpu.memory_space<vmem>>, vector<16xf32>,
      %mul3A_2826 = vector.broadcast %squeeze3A_2765 : f32 to vector<16xf32>
      %mul3A_2827 = arith.mulf %mul3A_2826, %get3A_2825 : vector<16xf32>
      %add3A_2828 = arith.addf %add3A_2754, %mul3A_2827 : vector<16xf32>
      %get3A_2829 = arith.constant 1 : i32
      %get3A_2830 = arith.constant 34 : i32
      %get3A_2831 = arith.index_cast %get3A_2829 : i32 to index
      %get3A_2832 = arith.index_cast %get3A_2830 : i32 to index
      %get3A_2833 = arith.constant 112 : index
      %get3A_2834 = tpu.vector_load %arg8[%get3A_2831, %get3A_2832, %get3A_2833] {strides = array<i32>} : memref<2x64x128xf32, #tpu.memory_space<vmem>>, vector<16xf32>,
      %mul3A_2835 = vector.broadcast %squeeze3A_2765 : f32 to vector<16xf32>
      %mul3A_2836 = arith.mulf %mul3A_2835, %get3A_2834 : vector<16xf32>
      %add3A_2837 = arith.addf %add3A_2763, %mul3A_2836 : vector<16xf32>
      %slice3A_2838 = vector.extract_strided_slice %div3A_2597 {offsets = [3], sizes = [1], strides = [1]} : vector<16xf32> to vector<1xf32>
      %squeeze3A_2839 = vector.extract %slice3A_2838[0] : f32 from vector<1xf32>
      %get3A_2840 = arith.constant 1 : i32
      %get3A_2841 = arith.constant 35 : i32
      %get3A_2842 = arith.index_cast %get3A_2840 : i32 to index
      %get3A_2843 = arith.index_cast %get3A_2841 : i32 to index
      %get3A_2844 = arith.constant 0 : index
      %get3A_2845 = tpu.vector_load %arg8[%get3A_2842, %get3A_2843, %get3A_2844] {strides = array<i32>} : memref<2x64x128xf32, #tpu.memory_space<vmem>>, vector<16xf32>,
      %mul3A_2846 = vector.broadcast %squeeze3A_2839 : f32 to vector<16xf32>
      %mul3A_2847 = arith.mulf %mul3A_2846, %get3A_2845 : vector<16xf32>
      %add3A_2848 = arith.addf %add3A_2774, %mul3A_2847 : vector<16xf32>
      %get3A_2849 = arith.constant 1 : i32
      %get3A_2850 = arith.constant 35 : i32
      %get3A_2851 = arith.index_cast %get3A_2849 : i32 to index
      %get3A_2852 = arith.index_cast %get3A_2850 : i32 to index
      %get3A_2853 = arith.constant 16 : index
      %get3A_2854 = tpu.vector_load %arg8[%get3A_2851, %get3A_2852, %get3A_2853] {strides = array<i32>} : memref<2x64x128xf32, #tpu.memory_space<vmem>>, vector<16xf32>,
      %mul3A_2855 = vector.broadcast %squeeze3A_2839 : f32 to vector<16xf32>
      %mul3A_2856 = arith.mulf %mul3A_2855, %get3A_2854 : vector<16xf32>
      %add3A_2857 = arith.addf %add3A_2783, %mul3A_2856 : vector<16xf32>
      %get3A_2858 = arith.constant 1 : i32
      %get3A_2859 = arith.constant 35 : i32
      %get3A_2860 = arith.index_cast %get3A_2858 : i32 to index
      %get3A_2861 = arith.index_cast %get3A_2859 : i32 to index
      %get3A_2862 = arith.constant 32 : index
      %get3A_2863 = tpu.vector_load %arg8[%get3A_2860, %get3A_2861, %get3A_2862] {strides = array<i32>} : memref<2x64x128xf32, #tpu.memory_space<vmem>>, vector<16xf32>,
      %mul3A_2864 = vector.broadcast %squeeze3A_2839 : f32 to vector<16xf32>
      %mul3A_2865 = arith.mulf %mul3A_2864, %get3A_2863 : vector<16xf32>
      %add3A_2866 = arith.addf %add3A_2792, %mul3A_2865 : vector<16xf32>
      %get3A_2867 = arith.constant 1 : i32
      %get3A_2868 = arith.constant 35 : i32
      %get3A_2869 = arith.index_cast %get3A_2867 : i32 to index
      %get3A_2870 = arith.index_cast %get3A_2868 : i32 to index
      %get3A_2871 = arith.constant 48 : index
      %get3A_2872 = tpu.vector_load %arg8[%get3A_2869, %get3A_2870, %get3A_2871] {strides = array<i32>} : memref<2x64x128xf32, #tpu.memory_space<vmem>>, vector<16xf32>,
      %mul3A_2873 = vector.broadcast %squeeze3A_2839 : f32 to vector<16xf32>
      %mul3A_2874 = arith.mulf %mul3A_2873, %get3A_2872 : vector<16xf32>
      %add3A_2875 = arith.addf %add3A_2801, %mul3A_2874 : vector<16xf32>
      %get3A_2876 = arith.constant 1 : i32
      %get3A_2877 = arith.constant 35 : i32
      %get3A_2878 = arith.index_cast %get3A_2876 : i32 to index
      %get3A_2879 = arith.index_cast %get3A_2877 : i32 to index
      %get3A_2880 = arith.constant 64 : index
      %get3A_2881 = tpu.vector_load %arg8[%get3A_2878, %get3A_2879, %get3A_2880] {strides = array<i32>} : memref<2x64x128xf32, #tpu.memory_space<vmem>>, vector<16xf32>,
      %mul3A_2882 = vector.broadcast %squeeze3A_2839 : f32 to vector<16xf32>
      %mul3A_2883 = arith.mulf %mul3A_2882, %get3A_2881 : vector<16xf32>
      %add3A_2884 = arith.addf %add3A_2810, %mul3A_2883 : vector<16xf32>
      %get3A_2885 = arith.constant 1 : i32
      %get3A_2886 = arith.constant 35 : i32
      %get3A_2887 = arith.index_cast %get3A_2885 : i32 to index
      %get3A_2888 = arith.index_cast %get3A_2886 : i32 to index
      %get3A_2889 = arith.constant 80 : index
      %get3A_2890 = tpu.vector_load %arg8[%get3A_2887, %get3A_2888, %get3A_2889] {strides = array<i32>} : memref<2x64x128xf32, #tpu.memory_space<vmem>>, vector<16xf32>,
      %mul3A_2891 = vector.broadcast %squeeze3A_2839 : f32 to vector<16xf32>
      %mul3A_2892 = arith.mulf %mul3A_2891, %get3A_2890 : vector<16xf32>
      %add3A_2893 = arith.addf %add3A_2819, %mul3A_2892 : vector<16xf32>
      %get3A_2894 = arith.constant 1 : i32
      %get3A_2895 = arith.constant 35 : i32
      %get3A_2896 = arith.index_cast %get3A_2894 : i32 to index
      %get3A_2897 = arith.index_cast %get3A_2895 : i32 to index
      %get3A_2898 = arith.constant 96 : index
      %get3A_2899 = tpu.vector_load %arg8[%get3A_2896, %get3A_2897, %get3A_2898] {strides = array<i32>} : memref<2x64x128xf32, #tpu.memory_space<vmem>>, vector<16xf32>,
      %mul3A_2900 = vector.broadcast %squeeze3A_2839 : f32 to vector<16xf32>
      %mul3A_2901 = arith.mulf %mul3A_2900, %get3A_2899 : vector<16xf32>
      %add3A_2902 = arith.addf %add3A_2828, %mul3A_2901 : vector<16xf32>
      %get3A_2903 = arith.constant 1 : i32
      %get3A_2904 = arith.constant 35 : i32
      %get3A_2905 = arith.index_cast %get3A_2903 : i32 to index
      %get3A_2906 = arith.index_cast %get3A_2904 : i32 to index
      %get3A_2907 = arith.constant 112 : index
      %get3A_2908 = tpu.vector_load %arg8[%get3A_2905, %get3A_2906, %get3A_2907] {strides = array<i32>} : memref<2x64x128xf32, #tpu.memory_space<vmem>>, vector<16xf32>,
      %mul3A_2909 = vector.broadcast %squeeze3A_2839 : f32 to vector<16xf32>
      %mul3A_2910 = arith.mulf %mul3A_2909, %get3A_2908 : vector<16xf32>
      %add3A_2911 = arith.addf %add3A_2837, %mul3A_2910 : vector<16xf32>
      %slice3A_2912 = vector.extract_strided_slice %div3A_2597 {offsets = [4], sizes = [1], strides = [1]} : vector<16xf32> to vector<1xf32>
      %squeeze3A_2913 = vector.extract %slice3A_2912[0] : f32 from vector<1xf32>
      %get3A_2914 = arith.constant 1 : i32
      %get3A_2915 = arith.constant 36 : i32
      %get3A_2916 = arith.index_cast %get3A_2914 : i32 to index
      %get3A_2917 = arith.index_cast %get3A_2915 : i32 to index
      %get3A_2918 = arith.constant 0 : index
      %get3A_2919 = tpu.vector_load %arg8[%get3A_2916, %get3A_2917, %get3A_2918] {strides = array<i32>} : memref<2x64x128xf32, #tpu.memory_space<vmem>>, vector<16xf32>,
      %mul3A_2920 = vector.broadcast %squeeze3A_2913 : f32 to vector<16xf32>
      %mul3A_2921 = arith.mulf %mul3A_2920, %get3A_2919 : vector<16xf32>
      %add3A_2922 = arith.addf %add3A_2848, %mul3A_2921 : vector<16xf32>
      %get3A_2923 = arith.constant 1 : i32
      %get3A_2924 = arith.constant 36 : i32
      %get3A_2925 = arith.index_cast %get3A_2923 : i32 to index
      %get3A_2926 = arith.index_cast %get3A_2924 : i32 to index
      %get3A_2927 = arith.constant 16 : index
      %get3A_2928 = tpu.vector_load %arg8[%get3A_2925, %get3A_2926, %get3A_2927] {strides = array<i32>} : memref<2x64x128xf32, #tpu.memory_space<vmem>>, vector<16xf32>,
      %mul3A_2929 = vector.broadcast %squeeze3A_2913 : f32 to vector<16xf32>
      %mul3A_2930 = arith.mulf %mul3A_2929, %get3A_2928 : vector<16xf32>
      %add3A_2931 = arith.addf %add3A_2857, %mul3A_2930 : vector<16xf32>
      %get3A_2932 = arith.constant 1 : i32
      %get3A_2933 = arith.constant 36 : i32
      %get3A_2934 = arith.index_cast %get3A_2932 : i32 to index
      %get3A_2935 = arith.index_cast %get3A_2933 : i32 to index
      %get3A_2936 = arith.constant 32 : index
      %get3A_2937 = tpu.vector_load %arg8[%get3A_2934, %get3A_2935, %get3A_2936] {strides = array<i32>} : memref<2x64x128xf32, #tpu.memory_space<vmem>>, vector<16xf32>,
      %mul3A_2938 = vector.broadcast %squeeze3A_2913 : f32 to vector<16xf32>
      %mul3A_2939 = arith.mulf %mul3A_2938, %get3A_2937 : vector<16xf32>
      %add3A_2940 = arith.addf %add3A_2866, %mul3A_2939 : vector<16xf32>
      %get3A_2941 = arith.constant 1 : i32
      %get3A_2942 = arith.constant 36 : i32
      %get3A_2943 = arith.index_cast %get3A_2941 : i32 to index
      %get3A_2944 = arith.index_cast %get3A_2942 : i32 to index
      %get3A_2945 = arith.constant 48 : index
      %get3A_2946 = tpu.vector_load %arg8[%get3A_2943, %get3A_2944, %get3A_2945] {strides = array<i32>} : memref<2x64x128xf32, #tpu.memory_space<vmem>>, vector<16xf32>,
      %mul3A_2947 = vector.broadcast %squeeze3A_2913 : f32 to vector<16xf32>
      %mul3A_2948 = arith.mulf %mul3A_2947, %get3A_2946 : vector<16xf32>
      %add3A_2949 = arith.addf %add3A_2875, %mul3A_2948 : vector<16xf32>
      %get3A_2950 = arith.constant 1 : i32
      %get3A_2951 = arith.constant 36 : i32
      %get3A_2952 = arith.index_cast %get3A_2950 : i32 to index
      %get3A_2953 = arith.index_cast %get3A_2951 : i32 to index
      %get3A_2954 = arith.constant 64 : index
      %get3A_2955 = tpu.vector_load %arg8[%get3A_2952, %get3A_2953, %get3A_2954] {strides = array<i32>} : memref<2x64x128xf32, #tpu.memory_space<vmem>>, vector<16xf32>,
      %mul3A_2956 = vector.broadcast %squeeze3A_2913 : f32 to vector<16xf32>
      %mul3A_2957 = arith.mulf %mul3A_2956, %get3A_2955 : vector<16xf32>
      %add3A_2958 = arith.addf %add3A_2884, %mul3A_2957 : vector<16xf32>
      %get3A_2959 = arith.constant 1 : i32
      %get3A_2960 = arith.constant 36 : i32
      %get3A_2961 = arith.index_cast %get3A_2959 : i32 to index
      %get3A_2962 = arith.index_cast %get3A_2960 : i32 to index
      %get3A_2963 = arith.constant 80 : index
      %get3A_2964 = tpu.vector_load %arg8[%get3A_2961, %get3A_2962, %get3A_2963] {strides = array<i32>} : memref<2x64x128xf32, #tpu.memory_space<vmem>>, vector<16xf32>,
      %mul3A_2965 = vector.broadcast %squeeze3A_2913 : f32 to vector<16xf32>
      %mul3A_2966 = arith.mulf %mul3A_2965, %get3A_2964 : vector<16xf32>
      %add3A_2967 = arith.addf %add3A_2893, %mul3A_2966 : vector<16xf32>
      %get3A_2968 = arith.constant 1 : i32
      %get3A_2969 = arith.constant 36 : i32
      %get3A_2970 = arith.index_cast %get3A_2968 : i32 to index
      %get3A_2971 = arith.index_cast %get3A_2969 : i32 to index
      %get3A_2972 = arith.constant 96 : index
      %get3A_2973 = tpu.vector_load %arg8[%get3A_2970, %get3A_2971, %get3A_2972] {strides = array<i32>} : memref<2x64x128xf32, #tpu.memory_space<vmem>>, vector<16xf32>,
      %mul3A_2974 = vector.broadcast %squeeze3A_2913 : f32 to vector<16xf32>
      %mul3A_2975 = arith.mulf %mul3A_2974, %get3A_2973 : vector<16xf32>
      %add3A_2976 = arith.addf %add3A_2902, %mul3A_2975 : vector<16xf32>
      %get3A_2977 = arith.constant 1 : i32
      %get3A_2978 = arith.constant 36 : i32
      %get3A_2979 = arith.index_cast %get3A_2977 : i32 to index
      %get3A_2980 = arith.index_cast %get3A_2978 : i32 to index
      %get3A_2981 = arith.constant 112 : index
      %get3A_2982 = tpu.vector_load %arg8[%get3A_2979, %get3A_2980, %get3A_2981] {strides = array<i32>} : memref<2x64x128xf32, #tpu.memory_space<vmem>>, vector<16xf32>,
      %mul3A_2983 = vector.broadcast %squeeze3A_2913 : f32 to vector<16xf32>
      %mul3A_2984 = arith.mulf %mul3A_2983, %get3A_2982 : vector<16xf32>
      %add3A_2985 = arith.addf %add3A_2911, %mul3A_2984 : vector<16xf32>
      %slice3A_2986 = vector.extract_strided_slice %div3A_2597 {offsets = [5], sizes = [1], strides = [1]} : vector<16xf32> to vector<1xf32>
      %squeeze3A_2987 = vector.extract %slice3A_2986[0] : f32 from vector<1xf32>
      %get3A_2988 = arith.constant 1 : i32
      %get3A_2989 = arith.constant 37 : i32
      %get3A_2990 = arith.index_cast %get3A_2988 : i32 to index
      %get3A_2991 = arith.index_cast %get3A_2989 : i32 to index
      %get3A_2992 = arith.constant 0 : index
      %get3A_2993 = tpu.vector_load %arg8[%get3A_2990, %get3A_2991, %get3A_2992] {strides = array<i32>} : memref<2x64x128xf32, #tpu.memory_space<vmem>>, vector<16xf32>,
      %mul3A_2994 = vector.broadcast %squeeze3A_2987 : f32 to vector<16xf32>
      %mul3A_2995 = arith.mulf %mul3A_2994, %get3A_2993 : vector<16xf32>
      %add3A_2996 = arith.addf %add3A_2922, %mul3A_2995 : vector<16xf32>
      %get3A_2997 = arith.constant 1 : i32
      %get3A_2998 = arith.constant 37 : i32
      %get3A_2999 = arith.index_cast %get3A_2997 : i32 to index
      %get3A_3000 = arith.index_cast %get3A_2998 : i32 to index
      %get3A_3001 = arith.constant 16 : index
      %get3A_3002 = tpu.vector_load %arg8[%get3A_2999, %get3A_3000, %get3A_3001] {strides = array<i32>} : memref<2x64x128xf32, #tpu.memory_space<vmem>>, vector<16xf32>,
      %mul3A_3003 = vector.broadcast %squeeze3A_2987 : f32 to vector<16xf32>
      %mul3A_3004 = arith.mulf %mul3A_3003, %get3A_3002 : vector<16xf32>
      %add3A_3005 = arith.addf %add3A_2931, %mul3A_3004 : vector<16xf32>
      %get3A_3006 = arith.constant 1 : i32
      %get3A_3007 = arith.constant 37 : i32
      %get3A_3008 = arith.index_cast %get3A_3006 : i32 to index
      %get3A_3009 = arith.index_cast %get3A_3007 : i32 to index
      %get3A_3010 = arith.constant 32 : index
      %get3A_3011 = tpu.vector_load %arg8[%get3A_3008, %get3A_3009, %get3A_3010] {strides = array<i32>} : memref<2x64x128xf32, #tpu.memory_space<vmem>>, vector<16xf32>,
      %mul3A_3012 = vector.broadcast %squeeze3A_2987 : f32 to vector<16xf32>
      %mul3A_3013 = arith.mulf %mul3A_3012, %get3A_3011 : vector<16xf32>
      %add3A_3014 = arith.addf %add3A_2940, %mul3A_3013 : vector<16xf32>
      %get3A_3015 = arith.constant 1 : i32
      %get3A_3016 = arith.constant 37 : i32
      %get3A_3017 = arith.index_cast %get3A_3015 : i32 to index
      %get3A_3018 = arith.index_cast %get3A_3016 : i32 to index
      %get3A_3019 = arith.constant 48 : index
      %get3A_3020 = tpu.vector_load %arg8[%get3A_3017, %get3A_3018, %get3A_3019] {strides = array<i32>} : memref<2x64x128xf32, #tpu.memory_space<vmem>>, vector<16xf32>,
      %mul3A_3021 = vector.broadcast %squeeze3A_2987 : f32 to vector<16xf32>
      %mul3A_3022 = arith.mulf %mul3A_3021, %get3A_3020 : vector<16xf32>
      %add3A_3023 = arith.addf %add3A_2949, %mul3A_3022 : vector<16xf32>
      %get3A_3024 = arith.constant 1 : i32
      %get3A_3025 = arith.constant 37 : i32
      %get3A_3026 = arith.index_cast %get3A_3024 : i32 to index
      %get3A_3027 = arith.index_cast %get3A_3025 : i32 to index
      %get3A_3028 = arith.constant 64 : index
      %get3A_3029 = tpu.vector_load %arg8[%get3A_3026, %get3A_3027, %get3A_3028] {strides = array<i32>} : memref<2x64x128xf32, #tpu.memory_space<vmem>>, vector<16xf32>,
      %mul3A_3030 = vector.broadcast %squeeze3A_2987 : f32 to vector<16xf32>
      %mul3A_3031 = arith.mulf %mul3A_3030, %get3A_3029 : vector<16xf32>
      %add3A_3032 = arith.addf %add3A_2958, %mul3A_3031 : vector<16xf32>
      %get3A_3033 = arith.constant 1 : i32
      %get3A_3034 = arith.constant 37 : i32
      %get3A_3035 = arith.index_cast %get3A_3033 : i32 to index
      %get3A_3036 = arith.index_cast %get3A_3034 : i32 to index
      %get3A_3037 = arith.constant 80 : index
      %get3A_3038 = tpu.vector_load %arg8[%get3A_3035, %get3A_3036, %get3A_3037] {strides = array<i32>} : memref<2x64x128xf32, #tpu.memory_space<vmem>>, vector<16xf32>,
      %mul3A_3039 = vector.broadcast %squeeze3A_2987 : f32 to vector<16xf32>
      %mul3A_3040 = arith.mulf %mul3A_3039, %get3A_3038 : vector<16xf32>
      %add3A_3041 = arith.addf %add3A_2967, %mul3A_3040 : vector<16xf32>
      %get3A_3042 = arith.constant 1 : i32
      %get3A_3043 = arith.constant 37 : i32
      %get3A_3044 = arith.index_cast %get3A_3042 : i32 to index
      %get3A_3045 = arith.index_cast %get3A_3043 : i32 to index
      %get3A_3046 = arith.constant 96 : index
      %get3A_3047 = tpu.vector_load %arg8[%get3A_3044, %get3A_3045, %get3A_3046] {strides = array<i32>} : memref<2x64x128xf32, #tpu.memory_space<vmem>>, vector<16xf32>,
      %mul3A_3048 = vector.broadcast %squeeze3A_2987 : f32 to vector<16xf32>
      %mul3A_3049 = arith.mulf %mul3A_3048, %get3A_3047 : vector<16xf32>
      %add3A_3050 = arith.addf %add3A_2976, %mul3A_3049 : vector<16xf32>
      %get3A_3051 = arith.constant 1 : i32
      %get3A_3052 = arith.constant 37 : i32
      %get3A_3053 = arith.index_cast %get3A_3051 : i32 to index
      %get3A_3054 = arith.index_cast %get3A_3052 : i32 to index
      %get3A_3055 = arith.constant 112 : index
      %get3A_3056 = tpu.vector_load %arg8[%get3A_3053, %get3A_3054, %get3A_3055] {strides = array<i32>} : memref<2x64x128xf32, #tpu.memory_space<vmem>>, vector<16xf32>,
      %mul3A_3057 = vector.broadcast %squeeze3A_2987 : f32 to vector<16xf32>
      %mul3A_3058 = arith.mulf %mul3A_3057, %get3A_3056 : vector<16xf32>
      %add3A_3059 = arith.addf %add3A_2985, %mul3A_3058 : vector<16xf32>
      %slice3A_3060 = vector.extract_strided_slice %div3A_2597 {offsets = [6], sizes = [1], strides = [1]} : vector<16xf32> to vector<1xf32>
      %squeeze3A_3061 = vector.extract %slice3A_3060[0] : f32 from vector<1xf32>
      %get3A_3062 = arith.constant 1 : i32
      %get3A_3063 = arith.constant 38 : i32
      %get3A_3064 = arith.index_cast %get3A_3062 : i32 to index
      %get3A_3065 = arith.index_cast %get3A_3063 : i32 to index
      %get3A_3066 = arith.constant 0 : index
      %get3A_3067 = tpu.vector_load %arg8[%get3A_3064, %get3A_3065, %get3A_3066] {strides = array<i32>} : memref<2x64x128xf32, #tpu.memory_space<vmem>>, vector<16xf32>,
      %mul3A_3068 = vector.broadcast %squeeze3A_3061 : f32 to vector<16xf32>
      %mul3A_3069 = arith.mulf %mul3A_3068, %get3A_3067 : vector<16xf32>
      %add3A_3070 = arith.addf %add3A_2996, %mul3A_3069 : vector<16xf32>
      %get3A_3071 = arith.constant 1 : i32
      %get3A_3072 = arith.constant 38 : i32
      %get3A_3073 = arith.index_cast %get3A_3071 : i32 to index
      %get3A_3074 = arith.index_cast %get3A_3072 : i32 to index
      %get3A_3075 = arith.constant 16 : index
      %get3A_3076 = tpu.vector_load %arg8[%get3A_3073, %get3A_3074, %get3A_3075] {strides = array<i32>} : memref<2x64x128xf32, #tpu.memory_space<vmem>>, vector<16xf32>,
      %mul3A_3077 = vector.broadcast %squeeze3A_3061 : f32 to vector<16xf32>
      %mul3A_3078 = arith.mulf %mul3A_3077, %get3A_3076 : vector<16xf32>
      %add3A_3079 = arith.addf %add3A_3005, %mul3A_3078 : vector<16xf32>
      %get3A_3080 = arith.constant 1 : i32
      %get3A_3081 = arith.constant 38 : i32
      %get3A_3082 = arith.index_cast %get3A_3080 : i32 to index
      %get3A_3083 = arith.index_cast %get3A_3081 : i32 to index
      %get3A_3084 = arith.constant 32 : index
      %get3A_3085 = tpu.vector_load %arg8[%get3A_3082, %get3A_3083, %get3A_3084] {strides = array<i32>} : memref<2x64x128xf32, #tpu.memory_space<vmem>>, vector<16xf32>,
      %mul3A_3086 = vector.broadcast %squeeze3A_3061 : f32 to vector<16xf32>
      %mul3A_3087 = arith.mulf %mul3A_3086, %get3A_3085 : vector<16xf32>
      %add3A_3088 = arith.addf %add3A_3014, %mul3A_3087 : vector<16xf32>
      %get3A_3089 = arith.constant 1 : i32
      %get3A_3090 = arith.constant 38 : i32
      %get3A_3091 = arith.index_cast %get3A_3089 : i32 to index
      %get3A_3092 = arith.index_cast %get3A_3090 : i32 to index
      %get3A_3093 = arith.constant 48 : index
      %get3A_3094 = tpu.vector_load %arg8[%get3A_3091, %get3A_3092, %get3A_3093] {strides = array<i32>} : memref<2x64x128xf32, #tpu.memory_space<vmem>>, vector<16xf32>,
      %mul3A_3095 = vector.broadcast %squeeze3A_3061 : f32 to vector<16xf32>
      %mul3A_3096 = arith.mulf %mul3A_3095, %get3A_3094 : vector<16xf32>
      %add3A_3097 = arith.addf %add3A_3023, %mul3A_3096 : vector<16xf32>
      %get3A_3098 = arith.constant 1 : i32
      %get3A_3099 = arith.constant 38 : i32
      %get3A_3100 = arith.index_cast %get3A_3098 : i32 to index
      %get3A_3101 = arith.index_cast %get3A_3099 : i32 to index
      %get3A_3102 = arith.constant 64 : index
      %get3A_3103 = tpu.vector_load %arg8[%get3A_3100, %get3A_3101, %get3A_3102] {strides = array<i32>} : memref<2x64x128xf32, #tpu.memory_space<vmem>>, vector<16xf32>,
      %mul3A_3104 = vector.broadcast %squeeze3A_3061 : f32 to vector<16xf32>
      %mul3A_3105 = arith.mulf %mul3A_3104, %get3A_3103 : vector<16xf32>
      %add3A_3106 = arith.addf %add3A_3032, %mul3A_3105 : vector<16xf32>
      %get3A_3107 = arith.constant 1 : i32
      %get3A_3108 = arith.constant 38 : i32
      %get3A_3109 = arith.index_cast %get3A_3107 : i32 to index
      %get3A_3110 = arith.index_cast %get3A_3108 : i32 to index
      %get3A_3111 = arith.constant 80 : index
      %get3A_3112 = tpu.vector_load %arg8[%get3A_3109, %get3A_3110, %get3A_3111] {strides = array<i32>} : memref<2x64x128xf32, #tpu.memory_space<vmem>>, vector<16xf32>,
      %mul3A_3113 = vector.broadcast %squeeze3A_3061 : f32 to vector<16xf32>
      %mul3A_3114 = arith.mulf %mul3A_3113, %get3A_3112 : vector<16xf32>
      %add3A_3115 = arith.addf %add3A_3041, %mul3A_3114 : vector<16xf32>
      %get3A_3116 = arith.constant 1 : i32
      %get3A_3117 = arith.constant 38 : i32
      %get3A_3118 = arith.index_cast %get3A_3116 : i32 to index
      %get3A_3119 = arith.index_cast %get3A_3117 : i32 to index
      %get3A_3120 = arith.constant 96 : index
      %get3A_3121 = tpu.vector_load %arg8[%get3A_3118, %get3A_3119, %get3A_3120] {strides = array<i32>} : memref<2x64x128xf32, #tpu.memory_space<vmem>>, vector<16xf32>,
      %mul3A_3122 = vector.broadcast %squeeze3A_3061 : f32 to vector<16xf32>
      %mul3A_3123 = arith.mulf %mul3A_3122, %get3A_3121 : vector<16xf32>
      %add3A_3124 = arith.addf %add3A_3050, %mul3A_3123 : vector<16xf32>
      %get3A_3125 = arith.constant 1 : i32
      %get3A_3126 = arith.constant 38 : i32
      %get3A_3127 = arith.index_cast %get3A_3125 : i32 to index
      %get3A_3128 = arith.index_cast %get3A_3126 : i32 to index
      %get3A_3129 = arith.constant 112 : index
      %get3A_3130 = tpu.vector_load %arg8[%get3A_3127, %get3A_3128, %get3A_3129] {strides = array<i32>} : memref<2x64x128xf32, #tpu.memory_space<vmem>>, vector<16xf32>,
      %mul3A_3131 = vector.broadcast %squeeze3A_3061 : f32 to vector<16xf32>
      %mul3A_3132 = arith.mulf %mul3A_3131, %get3A_3130 : vector<16xf32>
      %add3A_3133 = arith.addf %add3A_3059, %mul3A_3132 : vector<16xf32>
      %slice3A_3134 = vector.extract_strided_slice %div3A_2597 {offsets = [7], sizes = [1], strides = [1]} : vector<16xf32> to vector<1xf32>
      %squeeze3A_3135 = vector.extract %slice3A_3134[0] : f32 from vector<1xf32>
      %get3A_3136 = arith.constant 1 : i32
      %get3A_3137 = arith.constant 39 : i32
      %get3A_3138 = arith.index_cast %get3A_3136 : i32 to index
      %get3A_3139 = arith.index_cast %get3A_3137 : i32 to index
      %get3A_3140 = arith.constant 0 : index
      %get3A_3141 = tpu.vector_load %arg8[%get3A_3138, %get3A_3139, %get3A_3140] {strides = array<i32>} : memref<2x64x128xf32, #tpu.memory_space<vmem>>, vector<16xf32>,
      %mul3A_3142 = vector.broadcast %squeeze3A_3135 : f32 to vector<16xf32>
      %mul3A_3143 = arith.mulf %mul3A_3142, %get3A_3141 : vector<16xf32>
      %add3A_3144 = arith.addf %add3A_3070, %mul3A_3143 : vector<16xf32>
      %get3A_3145 = arith.constant 1 : i32
      %get3A_3146 = arith.constant 39 : i32
      %get3A_3147 = arith.index_cast %get3A_3145 : i32 to index
      %get3A_3148 = arith.index_cast %get3A_3146 : i32 to index
      %get3A_3149 = arith.constant 16 : index
      %get3A_3150 = tpu.vector_load %arg8[%get3A_3147, %get3A_3148, %get3A_3149] {strides = array<i32>} : memref<2x64x128xf32, #tpu.memory_space<vmem>>, vector<16xf32>,
      %mul3A_3151 = vector.broadcast %squeeze3A_3135 : f32 to vector<16xf32>
      %mul3A_3152 = arith.mulf %mul3A_3151, %get3A_3150 : vector<16xf32>
      %add3A_3153 = arith.addf %add3A_3079, %mul3A_3152 : vector<16xf32>
      %get3A_3154 = arith.constant 1 : i32
      %get3A_3155 = arith.constant 39 : i32
      %get3A_3156 = arith.index_cast %get3A_3154 : i32 to index
      %get3A_3157 = arith.index_cast %get3A_3155 : i32 to index
      %get3A_3158 = arith.constant 32 : index
      %get3A_3159 = tpu.vector_load %arg8[%get3A_3156, %get3A_3157, %get3A_3158] {strides = array<i32>} : memref<2x64x128xf32, #tpu.memory_space<vmem>>, vector<16xf32>,
      %mul3A_3160 = vector.broadcast %squeeze3A_3135 : f32 to vector<16xf32>
      %mul3A_3161 = arith.mulf %mul3A_3160, %get3A_3159 : vector<16xf32>
      %add3A_3162 = arith.addf %add3A_3088, %mul3A_3161 : vector<16xf32>
      %get3A_3163 = arith.constant 1 : i32
      %get3A_3164 = arith.constant 39 : i32
      %get3A_3165 = arith.index_cast %get3A_3163 : i32 to index
      %get3A_3166 = arith.index_cast %get3A_3164 : i32 to index
      %get3A_3167 = arith.constant 48 : index
      %get3A_3168 = tpu.vector_load %arg8[%get3A_3165, %get3A_3166, %get3A_3167] {strides = array<i32>} : memref<2x64x128xf32, #tpu.memory_space<vmem>>, vector<16xf32>,
      %mul3A_3169 = vector.broadcast %squeeze3A_3135 : f32 to vector<16xf32>
      %mul3A_3170 = arith.mulf %mul3A_3169, %get3A_3168 : vector<16xf32>
      %add3A_3171 = arith.addf %add3A_3097, %mul3A_3170 : vector<16xf32>
      %get3A_3172 = arith.constant 1 : i32
      %get3A_3173 = arith.constant 39 : i32
      %get3A_3174 = arith.index_cast %get3A_3172 : i32 to index
      %get3A_3175 = arith.index_cast %get3A_3173 : i32 to index
      %get3A_3176 = arith.constant 64 : index
      %get3A_3177 = tpu.vector_load %arg8[%get3A_3174, %get3A_3175, %get3A_3176] {strides = array<i32>} : memref<2x64x128xf32, #tpu.memory_space<vmem>>, vector<16xf32>,
      %mul3A_3178 = vector.broadcast %squeeze3A_3135 : f32 to vector<16xf32>
      %mul3A_3179 = arith.mulf %mul3A_3178, %get3A_3177 : vector<16xf32>
      %add3A_3180 = arith.addf %add3A_3106, %mul3A_3179 : vector<16xf32>
      %get3A_3181 = arith.constant 1 : i32
      %get3A_3182 = arith.constant 39 : i32
      %get3A_3183 = arith.index_cast %get3A_3181 : i32 to index
      %get3A_3184 = arith.index_cast %get3A_3182 : i32 to index
      %get3A_3185 = arith.constant 80 : index
      %get3A_3186 = tpu.vector_load %arg8[%get3A_3183, %get3A_3184, %get3A_3185] {strides = array<i32>} : memref<2x64x128xf32, #tpu.memory_space<vmem>>, vector<16xf32>,
      %mul3A_3187 = vector.broadcast %squeeze3A_3135 : f32 to vector<16xf32>
      %mul3A_3188 = arith.mulf %mul3A_3187, %get3A_3186 : vector<16xf32>
      %add3A_3189 = arith.addf %add3A_3115, %mul3A_3188 : vector<16xf32>
      %get3A_3190 = arith.constant 1 : i32
      %get3A_3191 = arith.constant 39 : i32
      %get3A_3192 = arith.index_cast %get3A_3190 : i32 to index
      %get3A_3193 = arith.index_cast %get3A_3191 : i32 to index
      %get3A_3194 = arith.constant 96 : index
      %get3A_3195 = tpu.vector_load %arg8[%get3A_3192, %get3A_3193, %get3A_3194] {strides = array<i32>} : memref<2x64x128xf32, #tpu.memory_space<vmem>>, vector<16xf32>,
      %mul3A_3196 = vector.broadcast %squeeze3A_3135 : f32 to vector<16xf32>
      %mul3A_3197 = arith.mulf %mul3A_3196, %get3A_3195 : vector<16xf32>
      %add3A_3198 = arith.addf %add3A_3124, %mul3A_3197 : vector<16xf32>
      %get3A_3199 = arith.constant 1 : i32
      %get3A_3200 = arith.constant 39 : i32
      %get3A_3201 = arith.index_cast %get3A_3199 : i32 to index
      %get3A_3202 = arith.index_cast %get3A_3200 : i32 to index
      %get3A_3203 = arith.constant 112 : index
      %get3A_3204 = tpu.vector_load %arg8[%get3A_3201, %get3A_3202, %get3A_3203] {strides = array<i32>} : memref<2x64x128xf32, #tpu.memory_space<vmem>>, vector<16xf32>,
      %mul3A_3205 = vector.broadcast %squeeze3A_3135 : f32 to vector<16xf32>
      %mul3A_3206 = arith.mulf %mul3A_3205, %get3A_3204 : vector<16xf32>
      %add3A_3207 = arith.addf %add3A_3133, %mul3A_3206 : vector<16xf32>
      %slice3A_3208 = vector.extract_strided_slice %div3A_2597 {offsets = [8], sizes = [1], strides = [1]} : vector<16xf32> to vector<1xf32>
      %squeeze3A_3209 = vector.extract %slice3A_3208[0] : f32 from vector<1xf32>
      %get3A_3210 = arith.constant 1 : i32
      %get3A_3211 = arith.constant 40 : i32
      %get3A_3212 = arith.index_cast %get3A_3210 : i32 to index
      %get3A_3213 = arith.index_cast %get3A_3211 : i32 to index
      %get3A_3214 = arith.constant 0 : index
      %get3A_3215 = tpu.vector_load %arg8[%get3A_3212, %get3A_3213, %get3A_3214] {strides = array<i32>} : memref<2x64x128xf32, #tpu.memory_space<vmem>>, vector<16xf32>,
      %mul3A_3216 = vector.broadcast %squeeze3A_3209 : f32 to vector<16xf32>
      %mul3A_3217 = arith.mulf %mul3A_3216, %get3A_3215 : vector<16xf32>
      %add3A_3218 = arith.addf %add3A_3144, %mul3A_3217 : vector<16xf32>
      %get3A_3219 = arith.constant 1 : i32
      %get3A_3220 = arith.constant 40 : i32
      %get3A_3221 = arith.index_cast %get3A_3219 : i32 to index
      %get3A_3222 = arith.index_cast %get3A_3220 : i32 to index
      %get3A_3223 = arith.constant 16 : index
      %get3A_3224 = tpu.vector_load %arg8[%get3A_3221, %get3A_3222, %get3A_3223] {strides = array<i32>} : memref<2x64x128xf32, #tpu.memory_space<vmem>>, vector<16xf32>,
      %mul3A_3225 = vector.broadcast %squeeze3A_3209 : f32 to vector<16xf32>
      %mul3A_3226 = arith.mulf %mul3A_3225, %get3A_3224 : vector<16xf32>
      %add3A_3227 = arith.addf %add3A_3153, %mul3A_3226 : vector<16xf32>
      %get3A_3228 = arith.constant 1 : i32
      %get3A_3229 = arith.constant 40 : i32
      %get3A_3230 = arith.index_cast %get3A_3228 : i32 to index
      %get3A_3231 = arith.index_cast %get3A_3229 : i32 to index
      %get3A_3232 = arith.constant 32 : index
      %get3A_3233 = tpu.vector_load %arg8[%get3A_3230, %get3A_3231, %get3A_3232] {strides = array<i32>} : memref<2x64x128xf32, #tpu.memory_space<vmem>>, vector<16xf32>,
      %mul3A_3234 = vector.broadcast %squeeze3A_3209 : f32 to vector<16xf32>
      %mul3A_3235 = arith.mulf %mul3A_3234, %get3A_3233 : vector<16xf32>
      %add3A_3236 = arith.addf %add3A_3162, %mul3A_3235 : vector<16xf32>
      %get3A_3237 = arith.constant 1 : i32
      %get3A_3238 = arith.constant 40 : i32
      %get3A_3239 = arith.index_cast %get3A_3237 : i32 to index
      %get3A_3240 = arith.index_cast %get3A_3238 : i32 to index
      %get3A_3241 = arith.constant 48 : index
      %get3A_3242 = tpu.vector_load %arg8[%get3A_3239, %get3A_3240, %get3A_3241] {strides = array<i32>} : memref<2x64x128xf32, #tpu.memory_space<vmem>>, vector<16xf32>,
      %mul3A_3243 = vector.broadcast %squeeze3A_3209 : f32 to vector<16xf32>
      %mul3A_3244 = arith.mulf %mul3A_3243, %get3A_3242 : vector<16xf32>
      %add3A_3245 = arith.addf %add3A_3171, %mul3A_3244 : vector<16xf32>
      %get3A_3246 = arith.constant 1 : i32
      %get3A_3247 = arith.constant 40 : i32
      %get3A_3248 = arith.index_cast %get3A_3246 : i32 to index
      %get3A_3249 = arith.index_cast %get3A_3247 : i32 to index
      %get3A_3250 = arith.constant 64 : index
      %get3A_3251 = tpu.vector_load %arg8[%get3A_3248, %get3A_3249, %get3A_3250] {strides = array<i32>} : memref<2x64x128xf32, #tpu.memory_space<vmem>>, vector<16xf32>,
      %mul3A_3252 = vector.broadcast %squeeze3A_3209 : f32 to vector<16xf32>
      %mul3A_3253 = arith.mulf %mul3A_3252, %get3A_3251 : vector<16xf32>
      %add3A_3254 = arith.addf %add3A_3180, %mul3A_3253 : vector<16xf32>
      %get3A_3255 = arith.constant 1 : i32
      %get3A_3256 = arith.constant 40 : i32
      %get3A_3257 = arith.index_cast %get3A_3255 : i32 to index
      %get3A_3258 = arith.index_cast %get3A_3256 : i32 to index
      %get3A_3259 = arith.constant 80 : index
      %get3A_3260 = tpu.vector_load %arg8[%get3A_3257, %get3A_3258, %get3A_3259] {strides = array<i32>} : memref<2x64x128xf32, #tpu.memory_space<vmem>>, vector<16xf32>,
      %mul3A_3261 = vector.broadcast %squeeze3A_3209 : f32 to vector<16xf32>
      %mul3A_3262 = arith.mulf %mul3A_3261, %get3A_3260 : vector<16xf32>
      %add3A_3263 = arith.addf %add3A_3189, %mul3A_3262 : vector<16xf32>
      %get3A_3264 = arith.constant 1 : i32
      %get3A_3265 = arith.constant 40 : i32
      %get3A_3266 = arith.index_cast %get3A_3264 : i32 to index
      %get3A_3267 = arith.index_cast %get3A_3265 : i32 to index
      %get3A_3268 = arith.constant 96 : index
      %get3A_3269 = tpu.vector_load %arg8[%get3A_3266, %get3A_3267, %get3A_3268] {strides = array<i32>} : memref<2x64x128xf32, #tpu.memory_space<vmem>>, vector<16xf32>,
      %mul3A_3270 = vector.broadcast %squeeze3A_3209 : f32 to vector<16xf32>
      %mul3A_3271 = arith.mulf %mul3A_3270, %get3A_3269 : vector<16xf32>
      %add3A_3272 = arith.addf %add3A_3198, %mul3A_3271 : vector<16xf32>
      %get3A_3273 = arith.constant 1 : i32
      %get3A_3274 = arith.constant 40 : i32
      %get3A_3275 = arith.index_cast %get3A_3273 : i32 to index
      %get3A_3276 = arith.index_cast %get3A_3274 : i32 to index
      %get3A_3277 = arith.constant 112 : index
      %get3A_3278 = tpu.vector_load %arg8[%get3A_3275, %get3A_3276, %get3A_3277] {strides = array<i32>} : memref<2x64x128xf32, #tpu.memory_space<vmem>>, vector<16xf32>,
      %mul3A_3279 = vector.broadcast %squeeze3A_3209 : f32 to vector<16xf32>
      %mul3A_3280 = arith.mulf %mul3A_3279, %get3A_3278 : vector<16xf32>
      %add3A_3281 = arith.addf %add3A_3207, %mul3A_3280 : vector<16xf32>
      %slice3A_3282 = vector.extract_strided_slice %div3A_2597 {offsets = [9], sizes = [1], strides = [1]} : vector<16xf32> to vector<1xf32>
      %squeeze3A_3283 = vector.extract %slice3A_3282[0] : f32 from vector<1xf32>
      %get3A_3284 = arith.constant 1 : i32
      %get3A_3285 = arith.constant 41 : i32
      %get3A_3286 = arith.index_cast %get3A_3284 : i32 to index
      %get3A_3287 = arith.index_cast %get3A_3285 : i32 to index
      %get3A_3288 = arith.constant 0 : index
      %get3A_3289 = tpu.vector_load %arg8[%get3A_3286, %get3A_3287, %get3A_3288] {strides = array<i32>} : memref<2x64x128xf32, #tpu.memory_space<vmem>>, vector<16xf32>,
      %mul3A_3290 = vector.broadcast %squeeze3A_3283 : f32 to vector<16xf32>
      %mul3A_3291 = arith.mulf %mul3A_3290, %get3A_3289 : vector<16xf32>
      %add3A_3292 = arith.addf %add3A_3218, %mul3A_3291 : vector<16xf32>
      %get3A_3293 = arith.constant 1 : i32
      %get3A_3294 = arith.constant 41 : i32
      %get3A_3295 = arith.index_cast %get3A_3293 : i32 to index
      %get3A_3296 = arith.index_cast %get3A_3294 : i32 to index
      %get3A_3297 = arith.constant 16 : index
      %get3A_3298 = tpu.vector_load %arg8[%get3A_3295, %get3A_3296, %get3A_3297] {strides = array<i32>} : memref<2x64x128xf32, #tpu.memory_space<vmem>>, vector<16xf32>,
      %mul3A_3299 = vector.broadcast %squeeze3A_3283 : f32 to vector<16xf32>
      %mul3A_3300 = arith.mulf %mul3A_3299, %get3A_3298 : vector<16xf32>
      %add3A_3301 = arith.addf %add3A_3227, %mul3A_3300 : vector<16xf32>
      %get3A_3302 = arith.constant 1 : i32
      %get3A_3303 = arith.constant 41 : i32
      %get3A_3304 = arith.index_cast %get3A_3302 : i32 to index
      %get3A_3305 = arith.index_cast %get3A_3303 : i32 to index
      %get3A_3306 = arith.constant 32 : index
      %get3A_3307 = tpu.vector_load %arg8[%get3A_3304, %get3A_3305, %get3A_3306] {strides = array<i32>} : memref<2x64x128xf32, #tpu.memory_space<vmem>>, vector<16xf32>,
      %mul3A_3308 = vector.broadcast %squeeze3A_3283 : f32 to vector<16xf32>
      %mul3A_3309 = arith.mulf %mul3A_3308, %get3A_3307 : vector<16xf32>
      %add3A_3310 = arith.addf %add3A_3236, %mul3A_3309 : vector<16xf32>
      %get3A_3311 = arith.constant 1 : i32
      %get3A_3312 = arith.constant 41 : i32
      %get3A_3313 = arith.index_cast %get3A_3311 : i32 to index
      %get3A_3314 = arith.index_cast %get3A_3312 : i32 to index
      %get3A_3315 = arith.constant 48 : index
      %get3A_3316 = tpu.vector_load %arg8[%get3A_3313, %get3A_3314, %get3A_3315] {strides = array<i32>} : memref<2x64x128xf32, #tpu.memory_space<vmem>>, vector<16xf32>,
      %mul3A_3317 = vector.broadcast %squeeze3A_3283 : f32 to vector<16xf32>
      %mul3A_3318 = arith.mulf %mul3A_3317, %get3A_3316 : vector<16xf32>
      %add3A_3319 = arith.addf %add3A_3245, %mul3A_3318 : vector<16xf32>
      %get3A_3320 = arith.constant 1 : i32
      %get3A_3321 = arith.constant 41 : i32
      %get3A_3322 = arith.index_cast %get3A_3320 : i32 to index
      %get3A_3323 = arith.index_cast %get3A_3321 : i32 to index
      %get3A_3324 = arith.constant 64 : index
      %get3A_3325 = tpu.vector_load %arg8[%get3A_3322, %get3A_3323, %get3A_3324] {strides = array<i32>} : memref<2x64x128xf32, #tpu.memory_space<vmem>>, vector<16xf32>,
      %mul3A_3326 = vector.broadcast %squeeze3A_3283 : f32 to vector<16xf32>
      %mul3A_3327 = arith.mulf %mul3A_3326, %get3A_3325 : vector<16xf32>
      %add3A_3328 = arith.addf %add3A_3254, %mul3A_3327 : vector<16xf32>
      %get3A_3329 = arith.constant 1 : i32
      %get3A_3330 = arith.constant 41 : i32
      %get3A_3331 = arith.index_cast %get3A_3329 : i32 to index
      %get3A_3332 = arith.index_cast %get3A_3330 : i32 to index
      %get3A_3333 = arith.constant 80 : index
      %get3A_3334 = tpu.vector_load %arg8[%get3A_3331, %get3A_3332, %get3A_3333] {strides = array<i32>} : memref<2x64x128xf32, #tpu.memory_space<vmem>>, vector<16xf32>,
      %mul3A_3335 = vector.broadcast %squeeze3A_3283 : f32 to vector<16xf32>
      %mul3A_3336 = arith.mulf %mul3A_3335, %get3A_3334 : vector<16xf32>
      %add3A_3337 = arith.addf %add3A_3263, %mul3A_3336 : vector<16xf32>
      %get3A_3338 = arith.constant 1 : i32
      %get3A_3339 = arith.constant 41 : i32
      %get3A_3340 = arith.index_cast %get3A_3338 : i32 to index
      %get3A_3341 = arith.index_cast %get3A_3339 : i32 to index
      %get3A_3342 = arith.constant 96 : index
      %get3A_3343 = tpu.vector_load %arg8[%get3A_3340, %get3A_3341, %get3A_3342] {strides = array<i32>} : memref<2x64x128xf32, #tpu.memory_space<vmem>>, vector<16xf32>,
      %mul3A_3344 = vector.broadcast %squeeze3A_3283 : f32 to vector<16xf32>
      %mul3A_3345 = arith.mulf %mul3A_3344, %get3A_3343 : vector<16xf32>
      %add3A_3346 = arith.addf %add3A_3272, %mul3A_3345 : vector<16xf32>
      %get3A_3347 = arith.constant 1 : i32
      %get3A_3348 = arith.constant 41 : i32
      %get3A_3349 = arith.index_cast %get3A_3347 : i32 to index
      %get3A_3350 = arith.index_cast %get3A_3348 : i32 to index
      %get3A_3351 = arith.constant 112 : index
      %get3A_3352 = tpu.vector_load %arg8[%get3A_3349, %get3A_3350, %get3A_3351] {strides = array<i32>} : memref<2x64x128xf32, #tpu.memory_space<vmem>>, vector<16xf32>,
      %mul3A_3353 = vector.broadcast %squeeze3A_3283 : f32 to vector<16xf32>
      %mul3A_3354 = arith.mulf %mul3A_3353, %get3A_3352 : vector<16xf32>
      %add3A_3355 = arith.addf %add3A_3281, %mul3A_3354 : vector<16xf32>
      %slice3A_3356 = vector.extract_strided_slice %div3A_2597 {offsets = [10], sizes = [1], strides = [1]} : vector<16xf32> to vector<1xf32>
      %squeeze3A_3357 = vector.extract %slice3A_3356[0] : f32 from vector<1xf32>
      %get3A_3358 = arith.constant 1 : i32
      %get3A_3359 = arith.constant 42 : i32
      %get3A_3360 = arith.index_cast %get3A_3358 : i32 to index
      %get3A_3361 = arith.index_cast %get3A_3359 : i32 to index
      %get3A_3362 = arith.constant 0 : index
      %get3A_3363 = tpu.vector_load %arg8[%get3A_3360, %get3A_3361, %get3A_3362] {strides = array<i32>} : memref<2x64x128xf32, #tpu.memory_space<vmem>>, vector<16xf32>,
      %mul3A_3364 = vector.broadcast %squeeze3A_3357 : f32 to vector<16xf32>
      %mul3A_3365 = arith.mulf %mul3A_3364, %get3A_3363 : vector<16xf32>
      %add3A_3366 = arith.addf %add3A_3292, %mul3A_3365 : vector<16xf32>
      %get3A_3367 = arith.constant 1 : i32
      %get3A_3368 = arith.constant 42 : i32
      %get3A_3369 = arith.index_cast %get3A_3367 : i32 to index
      %get3A_3370 = arith.index_cast %get3A_3368 : i32 to index
      %get3A_3371 = arith.constant 16 : index
      %get3A_3372 = tpu.vector_load %arg8[%get3A_3369, %get3A_3370, %get3A_3371] {strides = array<i32>} : memref<2x64x128xf32, #tpu.memory_space<vmem>>, vector<16xf32>,
      %mul3A_3373 = vector.broadcast %squeeze3A_3357 : f32 to vector<16xf32>
      %mul3A_3374 = arith.mulf %mul3A_3373, %get3A_3372 : vector<16xf32>
      %add3A_3375 = arith.addf %add3A_3301, %mul3A_3374 : vector<16xf32>
      %get3A_3376 = arith.constant 1 : i32
      %get3A_3377 = arith.constant 42 : i32
      %get3A_3378 = arith.index_cast %get3A_3376 : i32 to index
      %get3A_3379 = arith.index_cast %get3A_3377 : i32 to index
      %get3A_3380 = arith.constant 32 : index
      %get3A_3381 = tpu.vector_load %arg8[%get3A_3378, %get3A_3379, %get3A_3380] {strides = array<i32>} : memref<2x64x128xf32, #tpu.memory_space<vmem>>, vector<16xf32>,
      %mul3A_3382 = vector.broadcast %squeeze3A_3357 : f32 to vector<16xf32>
      %mul3A_3383 = arith.mulf %mul3A_3382, %get3A_3381 : vector<16xf32>
      %add3A_3384 = arith.addf %add3A_3310, %mul3A_3383 : vector<16xf32>
      %get3A_3385 = arith.constant 1 : i32
      %get3A_3386 = arith.constant 42 : i32
      %get3A_3387 = arith.index_cast %get3A_3385 : i32 to index
      %get3A_3388 = arith.index_cast %get3A_3386 : i32 to index
      %get3A_3389 = arith.constant 48 : index
      %get3A_3390 = tpu.vector_load %arg8[%get3A_3387, %get3A_3388, %get3A_3389] {strides = array<i32>} : memref<2x64x128xf32, #tpu.memory_space<vmem>>, vector<16xf32>,
      %mul3A_3391 = vector.broadcast %squeeze3A_3357 : f32 to vector<16xf32>
      %mul3A_3392 = arith.mulf %mul3A_3391, %get3A_3390 : vector<16xf32>
      %add3A_3393 = arith.addf %add3A_3319, %mul3A_3392 : vector<16xf32>
      %get3A_3394 = arith.constant 1 : i32
      %get3A_3395 = arith.constant 42 : i32
      %get3A_3396 = arith.index_cast %get3A_3394 : i32 to index
      %get3A_3397 = arith.index_cast %get3A_3395 : i32 to index
      %get3A_3398 = arith.constant 64 : index
      %get3A_3399 = tpu.vector_load %arg8[%get3A_3396, %get3A_3397, %get3A_3398] {strides = array<i32>} : memref<2x64x128xf32, #tpu.memory_space<vmem>>, vector<16xf32>,
      %mul3A_3400 = vector.broadcast %squeeze3A_3357 : f32 to vector<16xf32>
      %mul3A_3401 = arith.mulf %mul3A_3400, %get3A_3399 : vector<16xf32>
      %add3A_3402 = arith.addf %add3A_3328, %mul3A_3401 : vector<16xf32>
      %get3A_3403 = arith.constant 1 : i32
      %get3A_3404 = arith.constant 42 : i32
      %get3A_3405 = arith.index_cast %get3A_3403 : i32 to index
      %get3A_3406 = arith.index_cast %get3A_3404 : i32 to index
      %get3A_3407 = arith.constant 80 : index
      %get3A_3408 = tpu.vector_load %arg8[%get3A_3405, %get3A_3406, %get3A_3407] {strides = array<i32>} : memref<2x64x128xf32, #tpu.memory_space<vmem>>, vector<16xf32>,
      %mul3A_3409 = vector.broadcast %squeeze3A_3357 : f32 to vector<16xf32>
      %mul3A_3410 = arith.mulf %mul3A_3409, %get3A_3408 : vector<16xf32>
      %add3A_3411 = arith.addf %add3A_3337, %mul3A_3410 : vector<16xf32>
      %get3A_3412 = arith.constant 1 : i32
      %get3A_3413 = arith.constant 42 : i32
      %get3A_3414 = arith.index_cast %get3A_3412 : i32 to index
      %get3A_3415 = arith.index_cast %get3A_3413 : i32 to index
      %get3A_3416 = arith.constant 96 : index
      %get3A_3417 = tpu.vector_load %arg8[%get3A_3414, %get3A_3415, %get3A_3416] {strides = array<i32>} : memref<2x64x128xf32, #tpu.memory_space<vmem>>, vector<16xf32>,
      %mul3A_3418 = vector.broadcast %squeeze3A_3357 : f32 to vector<16xf32>
      %mul3A_3419 = arith.mulf %mul3A_3418, %get3A_3417 : vector<16xf32>
      %add3A_3420 = arith.addf %add3A_3346, %mul3A_3419 : vector<16xf32>
      %get3A_3421 = arith.constant 1 : i32
      %get3A_3422 = arith.constant 42 : i32
      %get3A_3423 = arith.index_cast %get3A_3421 : i32 to index
      %get3A_3424 = arith.index_cast %get3A_3422 : i32 to index
      %get3A_3425 = arith.constant 112 : index
      %get3A_3426 = tpu.vector_load %arg8[%get3A_3423, %get3A_3424, %get3A_3425] {strides = array<i32>} : memref<2x64x128xf32, #tpu.memory_space<vmem>>, vector<16xf32>,
      %mul3A_3427 = vector.broadcast %squeeze3A_3357 : f32 to vector<16xf32>
      %mul3A_3428 = arith.mulf %mul3A_3427, %get3A_3426 : vector<16xf32>
      %add3A_3429 = arith.addf %add3A_3355, %mul3A_3428 : vector<16xf32>
      %slice3A_3430 = vector.extract_strided_slice %div3A_2597 {offsets = [11], sizes = [1], strides = [1]} : vector<16xf32> to vector<1xf32>
      %squeeze3A_3431 = vector.extract %slice3A_3430[0] : f32 from vector<1xf32>
      %get3A_3432 = arith.constant 1 : i32
      %get3A_3433 = arith.constant 43 : i32
      %get3A_3434 = arith.index_cast %get3A_3432 : i32 to index
      %get3A_3435 = arith.index_cast %get3A_3433 : i32 to index
      %get3A_3436 = arith.constant 0 : index
      %get3A_3437 = tpu.vector_load %arg8[%get3A_3434, %get3A_3435, %get3A_3436] {strides = array<i32>} : memref<2x64x128xf32, #tpu.memory_space<vmem>>, vector<16xf32>,
      %mul3A_3438 = vector.broadcast %squeeze3A_3431 : f32 to vector<16xf32>
      %mul3A_3439 = arith.mulf %mul3A_3438, %get3A_3437 : vector<16xf32>
      %add3A_3440 = arith.addf %add3A_3366, %mul3A_3439 : vector<16xf32>
      %get3A_3441 = arith.constant 1 : i32
      %get3A_3442 = arith.constant 43 : i32
      %get3A_3443 = arith.index_cast %get3A_3441 : i32 to index
      %get3A_3444 = arith.index_cast %get3A_3442 : i32 to index
      %get3A_3445 = arith.constant 16 : index
      %get3A_3446 = tpu.vector_load %arg8[%get3A_3443, %get3A_3444, %get3A_3445] {strides = array<i32>} : memref<2x64x128xf32, #tpu.memory_space<vmem>>, vector<16xf32>,
      %mul3A_3447 = vector.broadcast %squeeze3A_3431 : f32 to vector<16xf32>
      %mul3A_3448 = arith.mulf %mul3A_3447, %get3A_3446 : vector<16xf32>
      %add3A_3449 = arith.addf %add3A_3375, %mul3A_3448 : vector<16xf32>
      %get3A_3450 = arith.constant 1 : i32
      %get3A_3451 = arith.constant 43 : i32
      %get3A_3452 = arith.index_cast %get3A_3450 : i32 to index
      %get3A_3453 = arith.index_cast %get3A_3451 : i32 to index
      %get3A_3454 = arith.constant 32 : index
      %get3A_3455 = tpu.vector_load %arg8[%get3A_3452, %get3A_3453, %get3A_3454] {strides = array<i32>} : memref<2x64x128xf32, #tpu.memory_space<vmem>>, vector<16xf32>,
      %mul3A_3456 = vector.broadcast %squeeze3A_3431 : f32 to vector<16xf32>
      %mul3A_3457 = arith.mulf %mul3A_3456, %get3A_3455 : vector<16xf32>
      %add3A_3458 = arith.addf %add3A_3384, %mul3A_3457 : vector<16xf32>
      %get3A_3459 = arith.constant 1 : i32
      %get3A_3460 = arith.constant 43 : i32
      %get3A_3461 = arith.index_cast %get3A_3459 : i32 to index
      %get3A_3462 = arith.index_cast %get3A_3460 : i32 to index
      %get3A_3463 = arith.constant 48 : index
      %get3A_3464 = tpu.vector_load %arg8[%get3A_3461, %get3A_3462, %get3A_3463] {strides = array<i32>} : memref<2x64x128xf32, #tpu.memory_space<vmem>>, vector<16xf32>,
      %mul3A_3465 = vector.broadcast %squeeze3A_3431 : f32 to vector<16xf32>
      %mul3A_3466 = arith.mulf %mul3A_3465, %get3A_3464 : vector<16xf32>
      %add3A_3467 = arith.addf %add3A_3393, %mul3A_3466 : vector<16xf32>
      %get3A_3468 = arith.constant 1 : i32
      %get3A_3469 = arith.constant 43 : i32
      %get3A_3470 = arith.index_cast %get3A_3468 : i32 to index
      %get3A_3471 = arith.index_cast %get3A_3469 : i32 to index
      %get3A_3472 = arith.constant 64 : index
      %get3A_3473 = tpu.vector_load %arg8[%get3A_3470, %get3A_3471, %get3A_3472] {strides = array<i32>} : memref<2x64x128xf32, #tpu.memory_space<vmem>>, vector<16xf32>,
      %mul3A_3474 = vector.broadcast %squeeze3A_3431 : f32 to vector<16xf32>
      %mul3A_3475 = arith.mulf %mul3A_3474, %get3A_3473 : vector<16xf32>
      %add3A_3476 = arith.addf %add3A_3402, %mul3A_3475 : vector<16xf32>
      %get3A_3477 = arith.constant 1 : i32
      %get3A_3478 = arith.constant 43 : i32
      %get3A_3479 = arith.index_cast %get3A_3477 : i32 to index
      %get3A_3480 = arith.index_cast %get3A_3478 : i32 to index
      %get3A_3481 = arith.constant 80 : index
      %get3A_3482 = tpu.vector_load %arg8[%get3A_3479, %get3A_3480, %get3A_3481] {strides = array<i32>} : memref<2x64x128xf32, #tpu.memory_space<vmem>>, vector<16xf32>,
      %mul3A_3483 = vector.broadcast %squeeze3A_3431 : f32 to vector<16xf32>
      %mul3A_3484 = arith.mulf %mul3A_3483, %get3A_3482 : vector<16xf32>
      %add3A_3485 = arith.addf %add3A_3411, %mul3A_3484 : vector<16xf32>
      %get3A_3486 = arith.constant 1 : i32
      %get3A_3487 = arith.constant 43 : i32
      %get3A_3488 = arith.index_cast %get3A_3486 : i32 to index
      %get3A_3489 = arith.index_cast %get3A_3487 : i32 to index
      %get3A_3490 = arith.constant 96 : index
      %get3A_3491 = tpu.vector_load %arg8[%get3A_3488, %get3A_3489, %get3A_3490] {strides = array<i32>} : memref<2x64x128xf32, #tpu.memory_space<vmem>>, vector<16xf32>,
      %mul3A_3492 = vector.broadcast %squeeze3A_3431 : f32 to vector<16xf32>
      %mul3A_3493 = arith.mulf %mul3A_3492, %get3A_3491 : vector<16xf32>
      %add3A_3494 = arith.addf %add3A_3420, %mul3A_3493 : vector<16xf32>
      %get3A_3495 = arith.constant 1 : i32
      %get3A_3496 = arith.constant 43 : i32
      %get3A_3497 = arith.index_cast %get3A_3495 : i32 to index
      %get3A_3498 = arith.index_cast %get3A_3496 : i32 to index
      %get3A_3499 = arith.constant 112 : index
      %get3A_3500 = tpu.vector_load %arg8[%get3A_3497, %get3A_3498, %get3A_3499] {strides = array<i32>} : memref<2x64x128xf32, #tpu.memory_space<vmem>>, vector<16xf32>,
      %mul3A_3501 = vector.broadcast %squeeze3A_3431 : f32 to vector<16xf32>
      %mul3A_3502 = arith.mulf %mul3A_3501, %get3A_3500 : vector<16xf32>
      %add3A_3503 = arith.addf %add3A_3429, %mul3A_3502 : vector<16xf32>
      %slice3A_3504 = vector.extract_strided_slice %div3A_2597 {offsets = [12], sizes = [1], strides = [1]} : vector<16xf32> to vector<1xf32>
      %squeeze3A_3505 = vector.extract %slice3A_3504[0] : f32 from vector<1xf32>
      %get3A_3506 = arith.constant 1 : i32
      %get3A_3507 = arith.constant 44 : i32
      %get3A_3508 = arith.index_cast %get3A_3506 : i32 to index
      %get3A_3509 = arith.index_cast %get3A_3507 : i32 to index
      %get3A_3510 = arith.constant 0 : index
      %get3A_3511 = tpu.vector_load %arg8[%get3A_3508, %get3A_3509, %get3A_3510] {strides = array<i32>} : memref<2x64x128xf32, #tpu.memory_space<vmem>>, vector<16xf32>,
      %mul3A_3512 = vector.broadcast %squeeze3A_3505 : f32 to vector<16xf32>
      %mul3A_3513 = arith.mulf %mul3A_3512, %get3A_3511 : vector<16xf32>
      %add3A_3514 = arith.addf %add3A_3440, %mul3A_3513 : vector<16xf32>
      %get3A_3515 = arith.constant 1 : i32
      %get3A_3516 = arith.constant 44 : i32
      %get3A_3517 = arith.index_cast %get3A_3515 : i32 to index
      %get3A_3518 = arith.index_cast %get3A_3516 : i32 to index
      %get3A_3519 = arith.constant 16 : index
      %get3A_3520 = tpu.vector_load %arg8[%get3A_3517, %get3A_3518, %get3A_3519] {strides = array<i32>} : memref<2x64x128xf32, #tpu.memory_space<vmem>>, vector<16xf32>,
      %mul3A_3521 = vector.broadcast %squeeze3A_3505 : f32 to vector<16xf32>
      %mul3A_3522 = arith.mulf %mul3A_3521, %get3A_3520 : vector<16xf32>
      %add3A_3523 = arith.addf %add3A_3449, %mul3A_3522 : vector<16xf32>
      %get3A_3524 = arith.constant 1 : i32
      %get3A_3525 = arith.constant 44 : i32
      %get3A_3526 = arith.index_cast %get3A_3524 : i32 to index
      %get3A_3527 = arith.index_cast %get3A_3525 : i32 to index
      %get3A_3528 = arith.constant 32 : index
      %get3A_3529 = tpu.vector_load %arg8[%get3A_3526, %get3A_3527, %get3A_3528] {strides = array<i32>} : memref<2x64x128xf32, #tpu.memory_space<vmem>>, vector<16xf32>,
      %mul3A_3530 = vector.broadcast %squeeze3A_3505 : f32 to vector<16xf32>
      %mul3A_3531 = arith.mulf %mul3A_3530, %get3A_3529 : vector<16xf32>
      %add3A_3532 = arith.addf %add3A_3458, %mul3A_3531 : vector<16xf32>
      %get3A_3533 = arith.constant 1 : i32
      %get3A_3534 = arith.constant 44 : i32
      %get3A_3535 = arith.index_cast %get3A_3533 : i32 to index
      %get3A_3536 = arith.index_cast %get3A_3534 : i32 to index
      %get3A_3537 = arith.constant 48 : index
      %get3A_3538 = tpu.vector_load %arg8[%get3A_3535, %get3A_3536, %get3A_3537] {strides = array<i32>} : memref<2x64x128xf32, #tpu.memory_space<vmem>>, vector<16xf32>,
      %mul3A_3539 = vector.broadcast %squeeze3A_3505 : f32 to vector<16xf32>
      %mul3A_3540 = arith.mulf %mul3A_3539, %get3A_3538 : vector<16xf32>
      %add3A_3541 = arith.addf %add3A_3467, %mul3A_3540 : vector<16xf32>
      %get3A_3542 = arith.constant 1 : i32
      %get3A_3543 = arith.constant 44 : i32
      %get3A_3544 = arith.index_cast %get3A_3542 : i32 to index
      %get3A_3545 = arith.index_cast %get3A_3543 : i32 to index
      %get3A_3546 = arith.constant 64 : index
      %get3A_3547 = tpu.vector_load %arg8[%get3A_3544, %get3A_3545, %get3A_3546] {strides = array<i32>} : memref<2x64x128xf32, #tpu.memory_space<vmem>>, vector<16xf32>,
      %mul3A_3548 = vector.broadcast %squeeze3A_3505 : f32 to vector<16xf32>
      %mul3A_3549 = arith.mulf %mul3A_3548, %get3A_3547 : vector<16xf32>
      %add3A_3550 = arith.addf %add3A_3476, %mul3A_3549 : vector<16xf32>
      %get3A_3551 = arith.constant 1 : i32
      %get3A_3552 = arith.constant 44 : i32
      %get3A_3553 = arith.index_cast %get3A_3551 : i32 to index
      %get3A_3554 = arith.index_cast %get3A_3552 : i32 to index
      %get3A_3555 = arith.constant 80 : index
      %get3A_3556 = tpu.vector_load %arg8[%get3A_3553, %get3A_3554, %get3A_3555] {strides = array<i32>} : memref<2x64x128xf32, #tpu.memory_space<vmem>>, vector<16xf32>,
      %mul3A_3557 = vector.broadcast %squeeze3A_3505 : f32 to vector<16xf32>
      %mul3A_3558 = arith.mulf %mul3A_3557, %get3A_3556 : vector<16xf32>
      %add3A_3559 = arith.addf %add3A_3485, %mul3A_3558 : vector<16xf32>
      %get3A_3560 = arith.constant 1 : i32
      %get3A_3561 = arith.constant 44 : i32
      %get3A_3562 = arith.index_cast %get3A_3560 : i32 to index
      %get3A_3563 = arith.index_cast %get3A_3561 : i32 to index
      %get3A_3564 = arith.constant 96 : index
      %get3A_3565 = tpu.vector_load %arg8[%get3A_3562, %get3A_3563, %get3A_3564] {strides = array<i32>} : memref<2x64x128xf32, #tpu.memory_space<vmem>>, vector<16xf32>,
      %mul3A_3566 = vector.broadcast %squeeze3A_3505 : f32 to vector<16xf32>
      %mul3A_3567 = arith.mulf %mul3A_3566, %get3A_3565 : vector<16xf32>
      %add3A_3568 = arith.addf %add3A_3494, %mul3A_3567 : vector<16xf32>
      %get3A_3569 = arith.constant 1 : i32
      %get3A_3570 = arith.constant 44 : i32
      %get3A_3571 = arith.index_cast %get3A_3569 : i32 to index
      %get3A_3572 = arith.index_cast %get3A_3570 : i32 to index
      %get3A_3573 = arith.constant 112 : index
      %get3A_3574 = tpu.vector_load %arg8[%get3A_3571, %get3A_3572, %get3A_3573] {strides = array<i32>} : memref<2x64x128xf32, #tpu.memory_space<vmem>>, vector<16xf32>,
      %mul3A_3575 = vector.broadcast %squeeze3A_3505 : f32 to vector<16xf32>
      %mul3A_3576 = arith.mulf %mul3A_3575, %get3A_3574 : vector<16xf32>
      %add3A_3577 = arith.addf %add3A_3503, %mul3A_3576 : vector<16xf32>
      %slice3A_3578 = vector.extract_strided_slice %div3A_2597 {offsets = [13], sizes = [1], strides = [1]} : vector<16xf32> to vector<1xf32>
      %squeeze3A_3579 = vector.extract %slice3A_3578[0] : f32 from vector<1xf32>
      %get3A_3580 = arith.constant 1 : i32
      %get3A_3581 = arith.constant 45 : i32
      %get3A_3582 = arith.index_cast %get3A_3580 : i32 to index
      %get3A_3583 = arith.index_cast %get3A_3581 : i32 to index
      %get3A_3584 = arith.constant 0 : index
      %get3A_3585 = tpu.vector_load %arg8[%get3A_3582, %get3A_3583, %get3A_3584] {strides = array<i32>} : memref<2x64x128xf32, #tpu.memory_space<vmem>>, vector<16xf32>,
      %mul3A_3586 = vector.broadcast %squeeze3A_3579 : f32 to vector<16xf32>
      %mul3A_3587 = arith.mulf %mul3A_3586, %get3A_3585 : vector<16xf32>
      %add3A_3588 = arith.addf %add3A_3514, %mul3A_3587 : vector<16xf32>
      %get3A_3589 = arith.constant 1 : i32
      %get3A_3590 = arith.constant 45 : i32
      %get3A_3591 = arith.index_cast %get3A_3589 : i32 to index
      %get3A_3592 = arith.index_cast %get3A_3590 : i32 to index
      %get3A_3593 = arith.constant 16 : index
      %get3A_3594 = tpu.vector_load %arg8[%get3A_3591, %get3A_3592, %get3A_3593] {strides = array<i32>} : memref<2x64x128xf32, #tpu.memory_space<vmem>>, vector<16xf32>,
      %mul3A_3595 = vector.broadcast %squeeze3A_3579 : f32 to vector<16xf32>
      %mul3A_3596 = arith.mulf %mul3A_3595, %get3A_3594 : vector<16xf32>
      %add3A_3597 = arith.addf %add3A_3523, %mul3A_3596 : vector<16xf32>
      %get3A_3598 = arith.constant 1 : i32
      %get3A_3599 = arith.constant 45 : i32
      %get3A_3600 = arith.index_cast %get3A_3598 : i32 to index
      %get3A_3601 = arith.index_cast %get3A_3599 : i32 to index
      %get3A_3602 = arith.constant 32 : index
      %get3A_3603 = tpu.vector_load %arg8[%get3A_3600, %get3A_3601, %get3A_3602] {strides = array<i32>} : memref<2x64x128xf32, #tpu.memory_space<vmem>>, vector<16xf32>,
      %mul3A_3604 = vector.broadcast %squeeze3A_3579 : f32 to vector<16xf32>
      %mul3A_3605 = arith.mulf %mul3A_3604, %get3A_3603 : vector<16xf32>
      %add3A_3606 = arith.addf %add3A_3532, %mul3A_3605 : vector<16xf32>
      %get3A_3607 = arith.constant 1 : i32
      %get3A_3608 = arith.constant 45 : i32
      %get3A_3609 = arith.index_cast %get3A_3607 : i32 to index
      %get3A_3610 = arith.index_cast %get3A_3608 : i32 to index
      %get3A_3611 = arith.constant 48 : index
      %get3A_3612 = tpu.vector_load %arg8[%get3A_3609, %get3A_3610, %get3A_3611] {strides = array<i32>} : memref<2x64x128xf32, #tpu.memory_space<vmem>>, vector<16xf32>,
      %mul3A_3613 = vector.broadcast %squeeze3A_3579 : f32 to vector<16xf32>
      %mul3A_3614 = arith.mulf %mul3A_3613, %get3A_3612 : vector<16xf32>
      %add3A_3615 = arith.addf %add3A_3541, %mul3A_3614 : vector<16xf32>
      %get3A_3616 = arith.constant 1 : i32
      %get3A_3617 = arith.constant 45 : i32
      %get3A_3618 = arith.index_cast %get3A_3616 : i32 to index
      %get3A_3619 = arith.index_cast %get3A_3617 : i32 to index
      %get3A_3620 = arith.constant 64 : index
      %get3A_3621 = tpu.vector_load %arg8[%get3A_3618, %get3A_3619, %get3A_3620] {strides = array<i32>} : memref<2x64x128xf32, #tpu.memory_space<vmem>>, vector<16xf32>,
      %mul3A_3622 = vector.broadcast %squeeze3A_3579 : f32 to vector<16xf32>
      %mul3A_3623 = arith.mulf %mul3A_3622, %get3A_3621 : vector<16xf32>
      %add3A_3624 = arith.addf %add3A_3550, %mul3A_3623 : vector<16xf32>
      %get3A_3625 = arith.constant 1 : i32
      %get3A_3626 = arith.constant 45 : i32
      %get3A_3627 = arith.index_cast %get3A_3625 : i32 to index
      %get3A_3628 = arith.index_cast %get3A_3626 : i32 to index
      %get3A_3629 = arith.constant 80 : index
      %get3A_3630 = tpu.vector_load %arg8[%get3A_3627, %get3A_3628, %get3A_3629] {strides = array<i32>} : memref<2x64x128xf32, #tpu.memory_space<vmem>>, vector<16xf32>,
      %mul3A_3631 = vector.broadcast %squeeze3A_3579 : f32 to vector<16xf32>
      %mul3A_3632 = arith.mulf %mul3A_3631, %get3A_3630 : vector<16xf32>
      %add3A_3633 = arith.addf %add3A_3559, %mul3A_3632 : vector<16xf32>
      %get3A_3634 = arith.constant 1 : i32
      %get3A_3635 = arith.constant 45 : i32
      %get3A_3636 = arith.index_cast %get3A_3634 : i32 to index
      %get3A_3637 = arith.index_cast %get3A_3635 : i32 to index
      %get3A_3638 = arith.constant 96 : index
      %get3A_3639 = tpu.vector_load %arg8[%get3A_3636, %get3A_3637, %get3A_3638] {strides = array<i32>} : memref<2x64x128xf32, #tpu.memory_space<vmem>>, vector<16xf32>,
      %mul3A_3640 = vector.broadcast %squeeze3A_3579 : f32 to vector<16xf32>
      %mul3A_3641 = arith.mulf %mul3A_3640, %get3A_3639 : vector<16xf32>
      %add3A_3642 = arith.addf %add3A_3568, %mul3A_3641 : vector<16xf32>
      %get3A_3643 = arith.constant 1 : i32
      %get3A_3644 = arith.constant 45 : i32
      %get3A_3645 = arith.index_cast %get3A_3643 : i32 to index
      %get3A_3646 = arith.index_cast %get3A_3644 : i32 to index
      %get3A_3647 = arith.constant 112 : index
      %get3A_3648 = tpu.vector_load %arg8[%get3A_3645, %get3A_3646, %get3A_3647] {strides = array<i32>} : memref<2x64x128xf32, #tpu.memory_space<vmem>>, vector<16xf32>,
      %mul3A_3649 = vector.broadcast %squeeze3A_3579 : f32 to vector<16xf32>
      %mul3A_3650 = arith.mulf %mul3A_3649, %get3A_3648 : vector<16xf32>
      %add3A_3651 = arith.addf %add3A_3577, %mul3A_3650 : vector<16xf32>
      %slice3A_3652 = vector.extract_strided_slice %div3A_2597 {offsets = [14], sizes = [1], strides = [1]} : vector<16xf32> to vector<1xf32>
      %squeeze3A_3653 = vector.extract %slice3A_3652[0] : f32 from vector<1xf32>
      %get3A_3654 = arith.constant 1 : i32
      %get3A_3655 = arith.constant 46 : i32
      %get3A_3656 = arith.index_cast %get3A_3654 : i32 to index
      %get3A_3657 = arith.index_cast %get3A_3655 : i32 to index
      %get3A_3658 = arith.constant 0 : index
      %get3A_3659 = tpu.vector_load %arg8[%get3A_3656, %get3A_3657, %get3A_3658] {strides = array<i32>} : memref<2x64x128xf32, #tpu.memory_space<vmem>>, vector<16xf32>,
      %mul3A_3660 = vector.broadcast %squeeze3A_3653 : f32 to vector<16xf32>
      %mul3A_3661 = arith.mulf %mul3A_3660, %get3A_3659 : vector<16xf32>
      %add3A_3662 = arith.addf %add3A_3588, %mul3A_3661 : vector<16xf32>
      %get3A_3663 = arith.constant 1 : i32
      %get3A_3664 = arith.constant 46 : i32
      %get3A_3665 = arith.index_cast %get3A_3663 : i32 to index
      %get3A_3666 = arith.index_cast %get3A_3664 : i32 to index
      %get3A_3667 = arith.constant 16 : index
      %get3A_3668 = tpu.vector_load %arg8[%get3A_3665, %get3A_3666, %get3A_3667] {strides = array<i32>} : memref<2x64x128xf32, #tpu.memory_space<vmem>>, vector<16xf32>,
      %mul3A_3669 = vector.broadcast %squeeze3A_3653 : f32 to vector<16xf32>
      %mul3A_3670 = arith.mulf %mul3A_3669, %get3A_3668 : vector<16xf32>
      %add3A_3671 = arith.addf %add3A_3597, %mul3A_3670 : vector<16xf32>
      %get3A_3672 = arith.constant 1 : i32
      %get3A_3673 = arith.constant 46 : i32
      %get3A_3674 = arith.index_cast %get3A_3672 : i32 to index
      %get3A_3675 = arith.index_cast %get3A_3673 : i32 to index
      %get3A_3676 = arith.constant 32 : index
      %get3A_3677 = tpu.vector_load %arg8[%get3A_3674, %get3A_3675, %get3A_3676] {strides = array<i32>} : memref<2x64x128xf32, #tpu.memory_space<vmem>>, vector<16xf32>,
      %mul3A_3678 = vector.broadcast %squeeze3A_3653 : f32 to vector<16xf32>
      %mul3A_3679 = arith.mulf %mul3A_3678, %get3A_3677 : vector<16xf32>
      %add3A_3680 = arith.addf %add3A_3606, %mul3A_3679 : vector<16xf32>
      %get3A_3681 = arith.constant 1 : i32
      %get3A_3682 = arith.constant 46 : i32
      %get3A_3683 = arith.index_cast %get3A_3681 : i32 to index
      %get3A_3684 = arith.index_cast %get3A_3682 : i32 to index
      %get3A_3685 = arith.constant 48 : index
      %get3A_3686 = tpu.vector_load %arg8[%get3A_3683, %get3A_3684, %get3A_3685] {strides = array<i32>} : memref<2x64x128xf32, #tpu.memory_space<vmem>>, vector<16xf32>,
      %mul3A_3687 = vector.broadcast %squeeze3A_3653 : f32 to vector<16xf32>
      %mul3A_3688 = arith.mulf %mul3A_3687, %get3A_3686 : vector<16xf32>
      %add3A_3689 = arith.addf %add3A_3615, %mul3A_3688 : vector<16xf32>
      %get3A_3690 = arith.constant 1 : i32
      %get3A_3691 = arith.constant 46 : i32
      %get3A_3692 = arith.index_cast %get3A_3690 : i32 to index
      %get3A_3693 = arith.index_cast %get3A_3691 : i32 to index
      %get3A_3694 = arith.constant 64 : index
      %get3A_3695 = tpu.vector_load %arg8[%get3A_3692, %get3A_3693, %get3A_3694] {strides = array<i32>} : memref<2x64x128xf32, #tpu.memory_space<vmem>>, vector<16xf32>,
      %mul3A_3696 = vector.broadcast %squeeze3A_3653 : f32 to vector<16xf32>
      %mul3A_3697 = arith.mulf %mul3A_3696, %get3A_3695 : vector<16xf32>
      %add3A_3698 = arith.addf %add3A_3624, %mul3A_3697 : vector<16xf32>
      %get3A_3699 = arith.constant 1 : i32
      %get3A_3700 = arith.constant 46 : i32
      %get3A_3701 = arith.index_cast %get3A_3699 : i32 to index
      %get3A_3702 = arith.index_cast %get3A_3700 : i32 to index
      %get3A_3703 = arith.constant 80 : index
      %get3A_3704 = tpu.vector_load %arg8[%get3A_3701, %get3A_3702, %get3A_3703] {strides = array<i32>} : memref<2x64x128xf32, #tpu.memory_space<vmem>>, vector<16xf32>,
      %mul3A_3705 = vector.broadcast %squeeze3A_3653 : f32 to vector<16xf32>
      %mul3A_3706 = arith.mulf %mul3A_3705, %get3A_3704 : vector<16xf32>
      %add3A_3707 = arith.addf %add3A_3633, %mul3A_3706 : vector<16xf32>
      %get3A_3708 = arith.constant 1 : i32
      %get3A_3709 = arith.constant 46 : i32
      %get3A_3710 = arith.index_cast %get3A_3708 : i32 to index
      %get3A_3711 = arith.index_cast %get3A_3709 : i32 to index
      %get3A_3712 = arith.constant 96 : index
      %get3A_3713 = tpu.vector_load %arg8[%get3A_3710, %get3A_3711, %get3A_3712] {strides = array<i32>} : memref<2x64x128xf32, #tpu.memory_space<vmem>>, vector<16xf32>,
      %mul3A_3714 = vector.broadcast %squeeze3A_3653 : f32 to vector<16xf32>
      %mul3A_3715 = arith.mulf %mul3A_3714, %get3A_3713 : vector<16xf32>
      %add3A_3716 = arith.addf %add3A_3642, %mul3A_3715 : vector<16xf32>
      %get3A_3717 = arith.constant 1 : i32
      %get3A_3718 = arith.constant 46 : i32
      %get3A_3719 = arith.index_cast %get3A_3717 : i32 to index
      %get3A_3720 = arith.index_cast %get3A_3718 : i32 to index
      %get3A_3721 = arith.constant 112 : index
      %get3A_3722 = tpu.vector_load %arg8[%get3A_3719, %get3A_3720, %get3A_3721] {strides = array<i32>} : memref<2x64x128xf32, #tpu.memory_space<vmem>>, vector<16xf32>,
      %mul3A_3723 = vector.broadcast %squeeze3A_3653 : f32 to vector<16xf32>
      %mul3A_3724 = arith.mulf %mul3A_3723, %get3A_3722 : vector<16xf32>
      %add3A_3725 = arith.addf %add3A_3651, %mul3A_3724 : vector<16xf32>
      %slice3A_3726 = vector.extract_strided_slice %div3A_2597 {offsets = [15], sizes = [1], strides = [1]} : vector<16xf32> to vector<1xf32>
      %squeeze3A_3727 = vector.extract %slice3A_3726[0] : f32 from vector<1xf32>
      %get3A_3728 = arith.constant 1 : i32
      %get3A_3729 = arith.constant 47 : i32
      %get3A_3730 = arith.index_cast %get3A_3728 : i32 to index
      %get3A_3731 = arith.index_cast %get3A_3729 : i32 to index
      %get3A_3732 = arith.constant 0 : index
      %get3A_3733 = tpu.vector_load %arg8[%get3A_3730, %get3A_3731, %get3A_3732] {strides = array<i32>} : memref<2x64x128xf32, #tpu.memory_space<vmem>>, vector<16xf32>,
      %mul3A_3734 = vector.broadcast %squeeze3A_3727 : f32 to vector<16xf32>
      %mul3A_3735 = arith.mulf %mul3A_3734, %get3A_3733 : vector<16xf32>
      %add3A_3736 = arith.addf %add3A_3662, %mul3A_3735 : vector<16xf32>
      %get3A_3737 = arith.constant 1 : i32
      %get3A_3738 = arith.constant 47 : i32
      %get3A_3739 = arith.index_cast %get3A_3737 : i32 to index
      %get3A_3740 = arith.index_cast %get3A_3738 : i32 to index
      %get3A_3741 = arith.constant 16 : index
      %get3A_3742 = tpu.vector_load %arg8[%get3A_3739, %get3A_3740, %get3A_3741] {strides = array<i32>} : memref<2x64x128xf32, #tpu.memory_space<vmem>>, vector<16xf32>,
      %mul3A_3743 = vector.broadcast %squeeze3A_3727 : f32 to vector<16xf32>
      %mul3A_3744 = arith.mulf %mul3A_3743, %get3A_3742 : vector<16xf32>
      %add3A_3745 = arith.addf %add3A_3671, %mul3A_3744 : vector<16xf32>
      %get3A_3746 = arith.constant 1 : i32
      %get3A_3747 = arith.constant 47 : i32
      %get3A_3748 = arith.index_cast %get3A_3746 : i32 to index
      %get3A_3749 = arith.index_cast %get3A_3747 : i32 to index
      %get3A_3750 = arith.constant 32 : index
      %get3A_3751 = tpu.vector_load %arg8[%get3A_3748, %get3A_3749, %get3A_3750] {strides = array<i32>} : memref<2x64x128xf32, #tpu.memory_space<vmem>>, vector<16xf32>,
      %mul3A_3752 = vector.broadcast %squeeze3A_3727 : f32 to vector<16xf32>
      %mul3A_3753 = arith.mulf %mul3A_3752, %get3A_3751 : vector<16xf32>
      %add3A_3754 = arith.addf %add3A_3680, %mul3A_3753 : vector<16xf32>
      %get3A_3755 = arith.constant 1 : i32
      %get3A_3756 = arith.constant 47 : i32
      %get3A_3757 = arith.index_cast %get3A_3755 : i32 to index
      %get3A_3758 = arith.index_cast %get3A_3756 : i32 to index
      %get3A_3759 = arith.constant 48 : index
      %get3A_3760 = tpu.vector_load %arg8[%get3A_3757, %get3A_3758, %get3A_3759] {strides = array<i32>} : memref<2x64x128xf32, #tpu.memory_space<vmem>>, vector<16xf32>,
      %mul3A_3761 = vector.broadcast %squeeze3A_3727 : f32 to vector<16xf32>
      %mul3A_3762 = arith.mulf %mul3A_3761, %get3A_3760 : vector<16xf32>
      %add3A_3763 = arith.addf %add3A_3689, %mul3A_3762 : vector<16xf32>
      %get3A_3764 = arith.constant 1 : i32
      %get3A_3765 = arith.constant 47 : i32
      %get3A_3766 = arith.index_cast %get3A_3764 : i32 to index
      %get3A_3767 = arith.index_cast %get3A_3765 : i32 to index
      %get3A_3768 = arith.constant 64 : index
      %get3A_3769 = tpu.vector_load %arg8[%get3A_3766, %get3A_3767, %get3A_3768] {strides = array<i32>} : memref<2x64x128xf32, #tpu.memory_space<vmem>>, vector<16xf32>,
      %mul3A_3770 = vector.broadcast %squeeze3A_3727 : f32 to vector<16xf32>
      %mul3A_3771 = arith.mulf %mul3A_3770, %get3A_3769 : vector<16xf32>
      %add3A_3772 = arith.addf %add3A_3698, %mul3A_3771 : vector<16xf32>
      %get3A_3773 = arith.constant 1 : i32
      %get3A_3774 = arith.constant 47 : i32
      %get3A_3775 = arith.index_cast %get3A_3773 : i32 to index
      %get3A_3776 = arith.index_cast %get3A_3774 : i32 to index
      %get3A_3777 = arith.constant 80 : index
      %get3A_3778 = tpu.vector_load %arg8[%get3A_3775, %get3A_3776, %get3A_3777] {strides = array<i32>} : memref<2x64x128xf32, #tpu.memory_space<vmem>>, vector<16xf32>,
      %mul3A_3779 = vector.broadcast %squeeze3A_3727 : f32 to vector<16xf32>
      %mul3A_3780 = arith.mulf %mul3A_3779, %get3A_3778 : vector<16xf32>
      %add3A_3781 = arith.addf %add3A_3707, %mul3A_3780 : vector<16xf32>
      %get3A_3782 = arith.constant 1 : i32
      %get3A_3783 = arith.constant 47 : i32
      %get3A_3784 = arith.index_cast %get3A_3782 : i32 to index
      %get3A_3785 = arith.index_cast %get3A_3783 : i32 to index
      %get3A_3786 = arith.constant 96 : index
      %get3A_3787 = tpu.vector_load %arg8[%get3A_3784, %get3A_3785, %get3A_3786] {strides = array<i32>} : memref<2x64x128xf32, #tpu.memory_space<vmem>>, vector<16xf32>,
      %mul3A_3788 = vector.broadcast %squeeze3A_3727 : f32 to vector<16xf32>
      %mul3A_3789 = arith.mulf %mul3A_3788, %get3A_3787 : vector<16xf32>
      %add3A_3790 = arith.addf %add3A_3716, %mul3A_3789 : vector<16xf32>
      %get3A_3791 = arith.constant 1 : i32
      %get3A_3792 = arith.constant 47 : i32
      %get3A_3793 = arith.index_cast %get3A_3791 : i32 to index
      %get3A_3794 = arith.index_cast %get3A_3792 : i32 to index
      %get3A_3795 = arith.constant 112 : index
      %get3A_3796 = tpu.vector_load %arg8[%get3A_3793, %get3A_3794, %get3A_3795] {strides = array<i32>} : memref<2x64x128xf32, #tpu.memory_space<vmem>>, vector<16xf32>,
      %mul3A_3797 = vector.broadcast %squeeze3A_3727 : f32 to vector<16xf32>
      %mul3A_3798 = arith.mulf %mul3A_3797, %get3A_3796 : vector<16xf32>
      %add3A_3799 = arith.addf %add3A_3725, %mul3A_3798 : vector<16xf32>
      %slice3A_3800 = vector.extract_strided_slice %div3A_2599 {offsets = [0], sizes = [1], strides = [1]} : vector<16xf32> to vector<1xf32>
      %squeeze3A_3801 = vector.extract %slice3A_3800[0] : f32 from vector<1xf32>
      %get3A_3802 = arith.constant 1 : i32
      %get3A_3803 = arith.constant 48 : i32
      %get3A_3804 = arith.index_cast %get3A_3802 : i32 to index
      %get3A_3805 = arith.index_cast %get3A_3803 : i32 to index
      %get3A_3806 = arith.constant 0 : index
      %get3A_3807 = tpu.vector_load %arg8[%get3A_3804, %get3A_3805, %get3A_3806] {strides = array<i32>} : memref<2x64x128xf32, #tpu.memory_space<vmem>>, vector<16xf32>,
      %mul3A_3808 = vector.broadcast %squeeze3A_3801 : f32 to vector<16xf32>
      %mul3A_3809 = arith.mulf %mul3A_3808, %get3A_3807 : vector<16xf32>
      %add3A_3810 = arith.addf %add3A_3736, %mul3A_3809 : vector<16xf32>
      %get3A_3811 = arith.constant 1 : i32
      %get3A_3812 = arith.constant 48 : i32
      %get3A_3813 = arith.index_cast %get3A_3811 : i32 to index
      %get3A_3814 = arith.index_cast %get3A_3812 : i32 to index
      %get3A_3815 = arith.constant 16 : index
      %get3A_3816 = tpu.vector_load %arg8[%get3A_3813, %get3A_3814, %get3A_3815] {strides = array<i32>} : memref<2x64x128xf32, #tpu.memory_space<vmem>>, vector<16xf32>,
      %mul3A_3817 = vector.broadcast %squeeze3A_3801 : f32 to vector<16xf32>
      %mul3A_3818 = arith.mulf %mul3A_3817, %get3A_3816 : vector<16xf32>
      %add3A_3819 = arith.addf %add3A_3745, %mul3A_3818 : vector<16xf32>
      %get3A_3820 = arith.constant 1 : i32
      %get3A_3821 = arith.constant 48 : i32
      %get3A_3822 = arith.index_cast %get3A_3820 : i32 to index
      %get3A_3823 = arith.index_cast %get3A_3821 : i32 to index
      %get3A_3824 = arith.constant 32 : index
      %get3A_3825 = tpu.vector_load %arg8[%get3A_3822, %get3A_3823, %get3A_3824] {strides = array<i32>} : memref<2x64x128xf32, #tpu.memory_space<vmem>>, vector<16xf32>,
      %mul3A_3826 = vector.broadcast %squeeze3A_3801 : f32 to vector<16xf32>
      %mul3A_3827 = arith.mulf %mul3A_3826, %get3A_3825 : vector<16xf32>
      %add3A_3828 = arith.addf %add3A_3754, %mul3A_3827 : vector<16xf32>
      %get3A_3829 = arith.constant 1 : i32
      %get3A_3830 = arith.constant 48 : i32
      %get3A_3831 = arith.index_cast %get3A_3829 : i32 to index
      %get3A_3832 = arith.index_cast %get3A_3830 : i32 to index
      %get3A_3833 = arith.constant 48 : index
      %get3A_3834 = tpu.vector_load %arg8[%get3A_3831, %get3A_3832, %get3A_3833] {strides = array<i32>} : memref<2x64x128xf32, #tpu.memory_space<vmem>>, vector<16xf32>,
      %mul3A_3835 = vector.broadcast %squeeze3A_3801 : f32 to vector<16xf32>
      %mul3A_3836 = arith.mulf %mul3A_3835, %get3A_3834 : vector<16xf32>
      %add3A_3837 = arith.addf %add3A_3763, %mul3A_3836 : vector<16xf32>
      %get3A_3838 = arith.constant 1 : i32
      %get3A_3839 = arith.constant 48 : i32
      %get3A_3840 = arith.index_cast %get3A_3838 : i32 to index
      %get3A_3841 = arith.index_cast %get3A_3839 : i32 to index
      %get3A_3842 = arith.constant 64 : index
      %get3A_3843 = tpu.vector_load %arg8[%get3A_3840, %get3A_3841, %get3A_3842] {strides = array<i32>} : memref<2x64x128xf32, #tpu.memory_space<vmem>>, vector<16xf32>,
      %mul3A_3844 = vector.broadcast %squeeze3A_3801 : f32 to vector<16xf32>
      %mul3A_3845 = arith.mulf %mul3A_3844, %get3A_3843 : vector<16xf32>
      %add3A_3846 = arith.addf %add3A_3772, %mul3A_3845 : vector<16xf32>
      %get3A_3847 = arith.constant 1 : i32
      %get3A_3848 = arith.constant 48 : i32
      %get3A_3849 = arith.index_cast %get3A_3847 : i32 to index
      %get3A_3850 = arith.index_cast %get3A_3848 : i32 to index
      %get3A_3851 = arith.constant 80 : index
      %get3A_3852 = tpu.vector_load %arg8[%get3A_3849, %get3A_3850, %get3A_3851] {strides = array<i32>} : memref<2x64x128xf32, #tpu.memory_space<vmem>>, vector<16xf32>,
      %mul3A_3853 = vector.broadcast %squeeze3A_3801 : f32 to vector<16xf32>
      %mul3A_3854 = arith.mulf %mul3A_3853, %get3A_3852 : vector<16xf32>
      %add3A_3855 = arith.addf %add3A_3781, %mul3A_3854 : vector<16xf32>
      %get3A_3856 = arith.constant 1 : i32
      %get3A_3857 = arith.constant 48 : i32
      %get3A_3858 = arith.index_cast %get3A_3856 : i32 to index
      %get3A_3859 = arith.index_cast %get3A_3857 : i32 to index
      %get3A_3860 = arith.constant 96 : index
      %get3A_3861 = tpu.vector_load %arg8[%get3A_3858, %get3A_3859, %get3A_3860] {strides = array<i32>} : memref<2x64x128xf32, #tpu.memory_space<vmem>>, vector<16xf32>,
      %mul3A_3862 = vector.broadcast %squeeze3A_3801 : f32 to vector<16xf32>
      %mul3A_3863 = arith.mulf %mul3A_3862, %get3A_3861 : vector<16xf32>
      %add3A_3864 = arith.addf %add3A_3790, %mul3A_3863 : vector<16xf32>
      %get3A_3865 = arith.constant 1 : i32
      %get3A_3866 = arith.constant 48 : i32
      %get3A_3867 = arith.index_cast %get3A_3865 : i32 to index
      %get3A_3868 = arith.index_cast %get3A_3866 : i32 to index
      %get3A_3869 = arith.constant 112 : index
      %get3A_3870 = tpu.vector_load %arg8[%get3A_3867, %get3A_3868, %get3A_3869] {strides = array<i32>} : memref<2x64x128xf32, #tpu.memory_space<vmem>>, vector<16xf32>,
      %mul3A_3871 = vector.broadcast %squeeze3A_3801 : f32 to vector<16xf32>
      %mul3A_3872 = arith.mulf %mul3A_3871, %get3A_3870 : vector<16xf32>
      %add3A_3873 = arith.addf %add3A_3799, %mul3A_3872 : vector<16xf32>
      %slice3A_3874 = vector.extract_strided_slice %div3A_2599 {offsets = [1], sizes = [1], strides = [1]} : vector<16xf32> to vector<1xf32>
      %squeeze3A_3875 = vector.extract %slice3A_3874[0] : f32 from vector<1xf32>
      %get3A_3876 = arith.constant 1 : i32
      %get3A_3877 = arith.constant 49 : i32
      %get3A_3878 = arith.index_cast %get3A_3876 : i32 to index
      %get3A_3879 = arith.index_cast %get3A_3877 : i32 to index
      %get3A_3880 = arith.constant 0 : index
      %get3A_3881 = tpu.vector_load %arg8[%get3A_3878, %get3A_3879, %get3A_3880] {strides = array<i32>} : memref<2x64x128xf32, #tpu.memory_space<vmem>>, vector<16xf32>,
      %mul3A_3882 = vector.broadcast %squeeze3A_3875 : f32 to vector<16xf32>
      %mul3A_3883 = arith.mulf %mul3A_3882, %get3A_3881 : vector<16xf32>
      %add3A_3884 = arith.addf %add3A_3810, %mul3A_3883 : vector<16xf32>
      %get3A_3885 = arith.constant 1 : i32
      %get3A_3886 = arith.constant 49 : i32
      %get3A_3887 = arith.index_cast %get3A_3885 : i32 to index
      %get3A_3888 = arith.index_cast %get3A_3886 : i32 to index
      %get3A_3889 = arith.constant 16 : index
      %get3A_3890 = tpu.vector_load %arg8[%get3A_3887, %get3A_3888, %get3A_3889] {strides = array<i32>} : memref<2x64x128xf32, #tpu.memory_space<vmem>>, vector<16xf32>,
      %mul3A_3891 = vector.broadcast %squeeze3A_3875 : f32 to vector<16xf32>
      %mul3A_3892 = arith.mulf %mul3A_3891, %get3A_3890 : vector<16xf32>
      %add3A_3893 = arith.addf %add3A_3819, %mul3A_3892 : vector<16xf32>
      %get3A_3894 = arith.constant 1 : i32
      %get3A_3895 = arith.constant 49 : i32
      %get3A_3896 = arith.index_cast %get3A_3894 : i32 to index
      %get3A_3897 = arith.index_cast %get3A_3895 : i32 to index
      %get3A_3898 = arith.constant 32 : index
      %get3A_3899 = tpu.vector_load %arg8[%get3A_3896, %get3A_3897, %get3A_3898] {strides = array<i32>} : memref<2x64x128xf32, #tpu.memory_space<vmem>>, vector<16xf32>,
      %mul3A_3900 = vector.broadcast %squeeze3A_3875 : f32 to vector<16xf32>
      %mul3A_3901 = arith.mulf %mul3A_3900, %get3A_3899 : vector<16xf32>
      %add3A_3902 = arith.addf %add3A_3828, %mul3A_3901 : vector<16xf32>
      %get3A_3903 = arith.constant 1 : i32
      %get3A_3904 = arith.constant 49 : i32
      %get3A_3905 = arith.index_cast %get3A_3903 : i32 to index
      %get3A_3906 = arith.index_cast %get3A_3904 : i32 to index
      %get3A_3907 = arith.constant 48 : index
      %get3A_3908 = tpu.vector_load %arg8[%get3A_3905, %get3A_3906, %get3A_3907] {strides = array<i32>} : memref<2x64x128xf32, #tpu.memory_space<vmem>>, vector<16xf32>,
      %mul3A_3909 = vector.broadcast %squeeze3A_3875 : f32 to vector<16xf32>
      %mul3A_3910 = arith.mulf %mul3A_3909, %get3A_3908 : vector<16xf32>
      %add3A_3911 = arith.addf %add3A_3837, %mul3A_3910 : vector<16xf32>
      %get3A_3912 = arith.constant 1 : i32
      %get3A_3913 = arith.constant 49 : i32
      %get3A_3914 = arith.index_cast %get3A_3912 : i32 to index
      %get3A_3915 = arith.index_cast %get3A_3913 : i32 to index
      %get3A_3916 = arith.constant 64 : index
      %get3A_3917 = tpu.vector_load %arg8[%get3A_3914, %get3A_3915, %get3A_3916] {strides = array<i32>} : memref<2x64x128xf32, #tpu.memory_space<vmem>>, vector<16xf32>,
      %mul3A_3918 = vector.broadcast %squeeze3A_3875 : f32 to vector<16xf32>
      %mul3A_3919 = arith.mulf %mul3A_3918, %get3A_3917 : vector<16xf32>
      %add3A_3920 = arith.addf %add3A_3846, %mul3A_3919 : vector<16xf32>
      %get3A_3921 = arith.constant 1 : i32
      %get3A_3922 = arith.constant 49 : i32
      %get3A_3923 = arith.index_cast %get3A_3921 : i32 to index
      %get3A_3924 = arith.index_cast %get3A_3922 : i32 to index
      %get3A_3925 = arith.constant 80 : index
      %get3A_3926 = tpu.vector_load %arg8[%get3A_3923, %get3A_3924, %get3A_3925] {strides = array<i32>} : memref<2x64x128xf32, #tpu.memory_space<vmem>>, vector<16xf32>,
      %mul3A_3927 = vector.broadcast %squeeze3A_3875 : f32 to vector<16xf32>
      %mul3A_3928 = arith.mulf %mul3A_3927, %get3A_3926 : vector<16xf32>
      %add3A_3929 = arith.addf %add3A_3855, %mul3A_3928 : vector<16xf32>
      %get3A_3930 = arith.constant 1 : i32
      %get3A_3931 = arith.constant 49 : i32
      %get3A_3932 = arith.index_cast %get3A_3930 : i32 to index
      %get3A_3933 = arith.index_cast %get3A_3931 : i32 to index
      %get3A_3934 = arith.constant 96 : index
      %get3A_3935 = tpu.vector_load %arg8[%get3A_3932, %get3A_3933, %get3A_3934] {strides = array<i32>} : memref<2x64x128xf32, #tpu.memory_space<vmem>>, vector<16xf32>,
      %mul3A_3936 = vector.broadcast %squeeze3A_3875 : f32 to vector<16xf32>
      %mul3A_3937 = arith.mulf %mul3A_3936, %get3A_3935 : vector<16xf32>
      %add3A_3938 = arith.addf %add3A_3864, %mul3A_3937 : vector<16xf32>
      %get3A_3939 = arith.constant 1 : i32
      %get3A_3940 = arith.constant 49 : i32
      %get3A_3941 = arith.index_cast %get3A_3939 : i32 to index
      %get3A_3942 = arith.index_cast %get3A_3940 : i32 to index
      %get3A_3943 = arith.constant 112 : index
      %get3A_3944 = tpu.vector_load %arg8[%get3A_3941, %get3A_3942, %get3A_3943] {strides = array<i32>} : memref<2x64x128xf32, #tpu.memory_space<vmem>>, vector<16xf32>,
      %mul3A_3945 = vector.broadcast %squeeze3A_3875 : f32 to vector<16xf32>
      %mul3A_3946 = arith.mulf %mul3A_3945, %get3A_3944 : vector<16xf32>
      %add3A_3947 = arith.addf %add3A_3873, %mul3A_3946 : vector<16xf32>
      %slice3A_3948 = vector.extract_strided_slice %div3A_2599 {offsets = [2], sizes = [1], strides = [1]} : vector<16xf32> to vector<1xf32>
      %squeeze3A_3949 = vector.extract %slice3A_3948[0] : f32 from vector<1xf32>
      %get3A_3950 = arith.constant 1 : i32
      %get3A_3951 = arith.constant 50 : i32
      %get3A_3952 = arith.index_cast %get3A_3950 : i32 to index
      %get3A_3953 = arith.index_cast %get3A_3951 : i32 to index
      %get3A_3954 = arith.constant 0 : index
      %get3A_3955 = tpu.vector_load %arg8[%get3A_3952, %get3A_3953, %get3A_3954] {strides = array<i32>} : memref<2x64x128xf32, #tpu.memory_space<vmem>>, vector<16xf32>,
      %mul3A_3956 = vector.broadcast %squeeze3A_3949 : f32 to vector<16xf32>
      %mul3A_3957 = arith.mulf %mul3A_3956, %get3A_3955 : vector<16xf32>
      %add3A_3958 = arith.addf %add3A_3884, %mul3A_3957 : vector<16xf32>
      %get3A_3959 = arith.constant 1 : i32
      %get3A_3960 = arith.constant 50 : i32
      %get3A_3961 = arith.index_cast %get3A_3959 : i32 to index
      %get3A_3962 = arith.index_cast %get3A_3960 : i32 to index
      %get3A_3963 = arith.constant 16 : index
      %get3A_3964 = tpu.vector_load %arg8[%get3A_3961, %get3A_3962, %get3A_3963] {strides = array<i32>} : memref<2x64x128xf32, #tpu.memory_space<vmem>>, vector<16xf32>,
      %mul3A_3965 = vector.broadcast %squeeze3A_3949 : f32 to vector<16xf32>
      %mul3A_3966 = arith.mulf %mul3A_3965, %get3A_3964 : vector<16xf32>
      %add3A_3967 = arith.addf %add3A_3893, %mul3A_3966 : vector<16xf32>
      %get3A_3968 = arith.constant 1 : i32
      %get3A_3969 = arith.constant 50 : i32
      %get3A_3970 = arith.index_cast %get3A_3968 : i32 to index
      %get3A_3971 = arith.index_cast %get3A_3969 : i32 to index
      %get3A_3972 = arith.constant 32 : index
      %get3A_3973 = tpu.vector_load %arg8[%get3A_3970, %get3A_3971, %get3A_3972] {strides = array<i32>} : memref<2x64x128xf32, #tpu.memory_space<vmem>>, vector<16xf32>,
      %mul3A_3974 = vector.broadcast %squeeze3A_3949 : f32 to vector<16xf32>
      %mul3A_3975 = arith.mulf %mul3A_3974, %get3A_3973 : vector<16xf32>
      %add3A_3976 = arith.addf %add3A_3902, %mul3A_3975 : vector<16xf32>
      %get3A_3977 = arith.constant 1 : i32
      %get3A_3978 = arith.constant 50 : i32
      %get3A_3979 = arith.index_cast %get3A_3977 : i32 to index
      %get3A_3980 = arith.index_cast %get3A_3978 : i32 to index
      %get3A_3981 = arith.constant 48 : index
      %get3A_3982 = tpu.vector_load %arg8[%get3A_3979, %get3A_3980, %get3A_3981] {strides = array<i32>} : memref<2x64x128xf32, #tpu.memory_space<vmem>>, vector<16xf32>,
      %mul3A_3983 = vector.broadcast %squeeze3A_3949 : f32 to vector<16xf32>
      %mul3A_3984 = arith.mulf %mul3A_3983, %get3A_3982 : vector<16xf32>
      %add3A_3985 = arith.addf %add3A_3911, %mul3A_3984 : vector<16xf32>
      %get3A_3986 = arith.constant 1 : i32
      %get3A_3987 = arith.constant 50 : i32
      %get3A_3988 = arith.index_cast %get3A_3986 : i32 to index
      %get3A_3989 = arith.index_cast %get3A_3987 : i32 to index
      %get3A_3990 = arith.constant 64 : index
      %get3A_3991 = tpu.vector_load %arg8[%get3A_3988, %get3A_3989, %get3A_3990] {strides = array<i32>} : memref<2x64x128xf32, #tpu.memory_space<vmem>>, vector<16xf32>,
      %mul3A_3992 = vector.broadcast %squeeze3A_3949 : f32 to vector<16xf32>
      %mul3A_3993 = arith.mulf %mul3A_3992, %get3A_3991 : vector<16xf32>
      %add3A_3994 = arith.addf %add3A_3920, %mul3A_3993 : vector<16xf32>
      %get3A_3995 = arith.constant 1 : i32
      %get3A_3996 = arith.constant 50 : i32
      %get3A_3997 = arith.index_cast %get3A_3995 : i32 to index
      %get3A_3998 = arith.index_cast %get3A_3996 : i32 to index
      %get3A_3999 = arith.constant 80 : index
      %get3A_4000 = tpu.vector_load %arg8[%get3A_3997, %get3A_3998, %get3A_3999] {strides = array<i32>} : memref<2x64x128xf32, #tpu.memory_space<vmem>>, vector<16xf32>,
      %mul3A_4001 = vector.broadcast %squeeze3A_3949 : f32 to vector<16xf32>
      %mul3A_4002 = arith.mulf %mul3A_4001, %get3A_4000 : vector<16xf32>
      %add3A_4003 = arith.addf %add3A_3929, %mul3A_4002 : vector<16xf32>
      %get3A_4004 = arith.constant 1 : i32
      %get3A_4005 = arith.constant 50 : i32
      %get3A_4006 = arith.index_cast %get3A_4004 : i32 to index
      %get3A_4007 = arith.index_cast %get3A_4005 : i32 to index
      %get3A_4008 = arith.constant 96 : index
      %get3A_4009 = tpu.vector_load %arg8[%get3A_4006, %get3A_4007, %get3A_4008] {strides = array<i32>} : memref<2x64x128xf32, #tpu.memory_space<vmem>>, vector<16xf32>,
      %mul3A_4010 = vector.broadcast %squeeze3A_3949 : f32 to vector<16xf32>
      %mul3A_4011 = arith.mulf %mul3A_4010, %get3A_4009 : vector<16xf32>
      %add3A_4012 = arith.addf %add3A_3938, %mul3A_4011 : vector<16xf32>
      %get3A_4013 = arith.constant 1 : i32
      %get3A_4014 = arith.constant 50 : i32
      %get3A_4015 = arith.index_cast %get3A_4013 : i32 to index
      %get3A_4016 = arith.index_cast %get3A_4014 : i32 to index
      %get3A_4017 = arith.constant 112 : index
      %get3A_4018 = tpu.vector_load %arg8[%get3A_4015, %get3A_4016, %get3A_4017] {strides = array<i32>} : memref<2x64x128xf32, #tpu.memory_space<vmem>>, vector<16xf32>,
      %mul3A_4019 = vector.broadcast %squeeze3A_3949 : f32 to vector<16xf32>
      %mul3A_4020 = arith.mulf %mul3A_4019, %get3A_4018 : vector<16xf32>
      %add3A_4021 = arith.addf %add3A_3947, %mul3A_4020 : vector<16xf32>
      %slice3A_4022 = vector.extract_strided_slice %div3A_2599 {offsets = [3], sizes = [1], strides = [1]} : vector<16xf32> to vector<1xf32>
      %squeeze3A_4023 = vector.extract %slice3A_4022[0] : f32 from vector<1xf32>
      %get3A_4024 = arith.constant 1 : i32
      %get3A_4025 = arith.constant 51 : i32
      %get3A_4026 = arith.index_cast %get3A_4024 : i32 to index
      %get3A_4027 = arith.index_cast %get3A_4025 : i32 to index
      %get3A_4028 = arith.constant 0 : index
      %get3A_4029 = tpu.vector_load %arg8[%get3A_4026, %get3A_4027, %get3A_4028] {strides = array<i32>} : memref<2x64x128xf32, #tpu.memory_space<vmem>>, vector<16xf32>,
      %mul3A_4030 = vector.broadcast %squeeze3A_4023 : f32 to vector<16xf32>
      %mul3A_4031 = arith.mulf %mul3A_4030, %get3A_4029 : vector<16xf32>
      %add3A_4032 = arith.addf %add3A_3958, %mul3A_4031 : vector<16xf32>
      %get3A_4033 = arith.constant 1 : i32
      %get3A_4034 = arith.constant 51 : i32
      %get3A_4035 = arith.index_cast %get3A_4033 : i32 to index
      %get3A_4036 = arith.index_cast %get3A_4034 : i32 to index
      %get3A_4037 = arith.constant 16 : index
      %get3A_4038 = tpu.vector_load %arg8[%get3A_4035, %get3A_4036, %get3A_4037] {strides = array<i32>} : memref<2x64x128xf32, #tpu.memory_space<vmem>>, vector<16xf32>,
      %mul3A_4039 = vector.broadcast %squeeze3A_4023 : f32 to vector<16xf32>
      %mul3A_4040 = arith.mulf %mul3A_4039, %get3A_4038 : vector<16xf32>
      %add3A_4041 = arith.addf %add3A_3967, %mul3A_4040 : vector<16xf32>
      %get3A_4042 = arith.constant 1 : i32
      %get3A_4043 = arith.constant 51 : i32
      %get3A_4044 = arith.index_cast %get3A_4042 : i32 to index
      %get3A_4045 = arith.index_cast %get3A_4043 : i32 to index
      %get3A_4046 = arith.constant 32 : index
      %get3A_4047 = tpu.vector_load %arg8[%get3A_4044, %get3A_4045, %get3A_4046] {strides = array<i32>} : memref<2x64x128xf32, #tpu.memory_space<vmem>>, vector<16xf32>,
      %mul3A_4048 = vector.broadcast %squeeze3A_4023 : f32 to vector<16xf32>
      %mul3A_4049 = arith.mulf %mul3A_4048, %get3A_4047 : vector<16xf32>
      %add3A_4050 = arith.addf %add3A_3976, %mul3A_4049 : vector<16xf32>
      %get3A_4051 = arith.constant 1 : i32
      %get3A_4052 = arith.constant 51 : i32
      %get3A_4053 = arith.index_cast %get3A_4051 : i32 to index
      %get3A_4054 = arith.index_cast %get3A_4052 : i32 to index
      %get3A_4055 = arith.constant 48 : index
      %get3A_4056 = tpu.vector_load %arg8[%get3A_4053, %get3A_4054, %get3A_4055] {strides = array<i32>} : memref<2x64x128xf32, #tpu.memory_space<vmem>>, vector<16xf32>,
      %mul3A_4057 = vector.broadcast %squeeze3A_4023 : f32 to vector<16xf32>
      %mul3A_4058 = arith.mulf %mul3A_4057, %get3A_4056 : vector<16xf32>
      %add3A_4059 = arith.addf %add3A_3985, %mul3A_4058 : vector<16xf32>
      %get3A_4060 = arith.constant 1 : i32
      %get3A_4061 = arith.constant 51 : i32
      %get3A_4062 = arith.index_cast %get3A_4060 : i32 to index
      %get3A_4063 = arith.index_cast %get3A_4061 : i32 to index
      %get3A_4064 = arith.constant 64 : index
      %get3A_4065 = tpu.vector_load %arg8[%get3A_4062, %get3A_4063, %get3A_4064] {strides = array<i32>} : memref<2x64x128xf32, #tpu.memory_space<vmem>>, vector<16xf32>,
      %mul3A_4066 = vector.broadcast %squeeze3A_4023 : f32 to vector<16xf32>
      %mul3A_4067 = arith.mulf %mul3A_4066, %get3A_4065 : vector<16xf32>
      %add3A_4068 = arith.addf %add3A_3994, %mul3A_4067 : vector<16xf32>
      %get3A_4069 = arith.constant 1 : i32
      %get3A_4070 = arith.constant 51 : i32
      %get3A_4071 = arith.index_cast %get3A_4069 : i32 to index
      %get3A_4072 = arith.index_cast %get3A_4070 : i32 to index
      %get3A_4073 = arith.constant 80 : index
      %get3A_4074 = tpu.vector_load %arg8[%get3A_4071, %get3A_4072, %get3A_4073] {strides = array<i32>} : memref<2x64x128xf32, #tpu.memory_space<vmem>>, vector<16xf32>,
      %mul3A_4075 = vector.broadcast %squeeze3A_4023 : f32 to vector<16xf32>
      %mul3A_4076 = arith.mulf %mul3A_4075, %get3A_4074 : vector<16xf32>
      %add3A_4077 = arith.addf %add3A_4003, %mul3A_4076 : vector<16xf32>
      %get3A_4078 = arith.constant 1 : i32
      %get3A_4079 = arith.constant 51 : i32
      %get3A_4080 = arith.index_cast %get3A_4078 : i32 to index
      %get3A_4081 = arith.index_cast %get3A_4079 : i32 to index
      %get3A_4082 = arith.constant 96 : index
      %get3A_4083 = tpu.vector_load %arg8[%get3A_4080, %get3A_4081, %get3A_4082] {strides = array<i32>} : memref<2x64x128xf32, #tpu.memory_space<vmem>>, vector<16xf32>,
      %mul3A_4084 = vector.broadcast %squeeze3A_4023 : f32 to vector<16xf32>
      %mul3A_4085 = arith.mulf %mul3A_4084, %get3A_4083 : vector<16xf32>
      %add3A_4086 = arith.addf %add3A_4012, %mul3A_4085 : vector<16xf32>
      %get3A_4087 = arith.constant 1 : i32
      %get3A_4088 = arith.constant 51 : i32
      %get3A_4089 = arith.index_cast %get3A_4087 : i32 to index
      %get3A_4090 = arith.index_cast %get3A_4088 : i32 to index
      %get3A_4091 = arith.constant 112 : index
      %get3A_4092 = tpu.vector_load %arg8[%get3A_4089, %get3A_4090, %get3A_4091] {strides = array<i32>} : memref<2x64x128xf32, #tpu.memory_space<vmem>>, vector<16xf32>,
      %mul3A_4093 = vector.broadcast %squeeze3A_4023 : f32 to vector<16xf32>
      %mul3A_4094 = arith.mulf %mul3A_4093, %get3A_4092 : vector<16xf32>
      %add3A_4095 = arith.addf %add3A_4021, %mul3A_4094 : vector<16xf32>
      %slice3A_4096 = vector.extract_strided_slice %div3A_2599 {offsets = [4], sizes = [1], strides = [1]} : vector<16xf32> to vector<1xf32>
      %squeeze3A_4097 = vector.extract %slice3A_4096[0] : f32 from vector<1xf32>
      %get3A_4098 = arith.constant 1 : i32
      %get3A_4099 = arith.constant 52 : i32
      %get3A_4100 = arith.index_cast %get3A_4098 : i32 to index
      %get3A_4101 = arith.index_cast %get3A_4099 : i32 to index
      %get3A_4102 = arith.constant 0 : index
      %get3A_4103 = tpu.vector_load %arg8[%get3A_4100, %get3A_4101, %get3A_4102] {strides = array<i32>} : memref<2x64x128xf32, #tpu.memory_space<vmem>>, vector<16xf32>,
      %mul3A_4104 = vector.broadcast %squeeze3A_4097 : f32 to vector<16xf32>
      %mul3A_4105 = arith.mulf %mul3A_4104, %get3A_4103 : vector<16xf32>
      %add3A_4106 = arith.addf %add3A_4032, %mul3A_4105 : vector<16xf32>
      %get3A_4107 = arith.constant 1 : i32
      %get3A_4108 = arith.constant 52 : i32
      %get3A_4109 = arith.index_cast %get3A_4107 : i32 to index
      %get3A_4110 = arith.index_cast %get3A_4108 : i32 to index
      %get3A_4111 = arith.constant 16 : index
      %get3A_4112 = tpu.vector_load %arg8[%get3A_4109, %get3A_4110, %get3A_4111] {strides = array<i32>} : memref<2x64x128xf32, #tpu.memory_space<vmem>>, vector<16xf32>,
      %mul3A_4113 = vector.broadcast %squeeze3A_4097 : f32 to vector<16xf32>
      %mul3A_4114 = arith.mulf %mul3A_4113, %get3A_4112 : vector<16xf32>
      %add3A_4115 = arith.addf %add3A_4041, %mul3A_4114 : vector<16xf32>
      %get3A_4116 = arith.constant 1 : i32
      %get3A_4117 = arith.constant 52 : i32
      %get3A_4118 = arith.index_cast %get3A_4116 : i32 to index
      %get3A_4119 = arith.index_cast %get3A_4117 : i32 to index
      %get3A_4120 = arith.constant 32 : index
      %get3A_4121 = tpu.vector_load %arg8[%get3A_4118, %get3A_4119, %get3A_4120] {strides = array<i32>} : memref<2x64x128xf32, #tpu.memory_space<vmem>>, vector<16xf32>,
      %mul3A_4122 = vector.broadcast %squeeze3A_4097 : f32 to vector<16xf32>
      %mul3A_4123 = arith.mulf %mul3A_4122, %get3A_4121 : vector<16xf32>
      %add3A_4124 = arith.addf %add3A_4050, %mul3A_4123 : vector<16xf32>
      %get3A_4125 = arith.constant 1 : i32
      %get3A_4126 = arith.constant 52 : i32
      %get3A_4127 = arith.index_cast %get3A_4125 : i32 to index
      %get3A_4128 = arith.index_cast %get3A_4126 : i32 to index
      %get3A_4129 = arith.constant 48 : index
      %get3A_4130 = tpu.vector_load %arg8[%get3A_4127, %get3A_4128, %get3A_4129] {strides = array<i32>} : memref<2x64x128xf32, #tpu.memory_space<vmem>>, vector<16xf32>,
      %mul3A_4131 = vector.broadcast %squeeze3A_4097 : f32 to vector<16xf32>
      %mul3A_4132 = arith.mulf %mul3A_4131, %get3A_4130 : vector<16xf32>
      %add3A_4133 = arith.addf %add3A_4059, %mul3A_4132 : vector<16xf32>
      %get3A_4134 = arith.constant 1 : i32
      %get3A_4135 = arith.constant 52 : i32
      %get3A_4136 = arith.index_cast %get3A_4134 : i32 to index
      %get3A_4137 = arith.index_cast %get3A_4135 : i32 to index
      %get3A_4138 = arith.constant 64 : index
      %get3A_4139 = tpu.vector_load %arg8[%get3A_4136, %get3A_4137, %get3A_4138] {strides = array<i32>} : memref<2x64x128xf32, #tpu.memory_space<vmem>>, vector<16xf32>,
      %mul3A_4140 = vector.broadcast %squeeze3A_4097 : f32 to vector<16xf32>
      %mul3A_4141 = arith.mulf %mul3A_4140, %get3A_4139 : vector<16xf32>
      %add3A_4142 = arith.addf %add3A_4068, %mul3A_4141 : vector<16xf32>
      %get3A_4143 = arith.constant 1 : i32
      %get3A_4144 = arith.constant 52 : i32
      %get3A_4145 = arith.index_cast %get3A_4143 : i32 to index
      %get3A_4146 = arith.index_cast %get3A_4144 : i32 to index
      %get3A_4147 = arith.constant 80 : index
      %get3A_4148 = tpu.vector_load %arg8[%get3A_4145, %get3A_4146, %get3A_4147] {strides = array<i32>} : memref<2x64x128xf32, #tpu.memory_space<vmem>>, vector<16xf32>,
      %mul3A_4149 = vector.broadcast %squeeze3A_4097 : f32 to vector<16xf32>
      %mul3A_4150 = arith.mulf %mul3A_4149, %get3A_4148 : vector<16xf32>
      %add3A_4151 = arith.addf %add3A_4077, %mul3A_4150 : vector<16xf32>
      %get3A_4152 = arith.constant 1 : i32
      %get3A_4153 = arith.constant 52 : i32
      %get3A_4154 = arith.index_cast %get3A_4152 : i32 to index
      %get3A_4155 = arith.index_cast %get3A_4153 : i32 to index
      %get3A_4156 = arith.constant 96 : index
      %get3A_4157 = tpu.vector_load %arg8[%get3A_4154, %get3A_4155, %get3A_4156] {strides = array<i32>} : memref<2x64x128xf32, #tpu.memory_space<vmem>>, vector<16xf32>,
      %mul3A_4158 = vector.broadcast %squeeze3A_4097 : f32 to vector<16xf32>
      %mul3A_4159 = arith.mulf %mul3A_4158, %get3A_4157 : vector<16xf32>
      %add3A_4160 = arith.addf %add3A_4086, %mul3A_4159 : vector<16xf32>
      %get3A_4161 = arith.constant 1 : i32
      %get3A_4162 = arith.constant 52 : i32
      %get3A_4163 = arith.index_cast %get3A_4161 : i32 to index
      %get3A_4164 = arith.index_cast %get3A_4162 : i32 to index
      %get3A_4165 = arith.constant 112 : index
      %get3A_4166 = tpu.vector_load %arg8[%get3A_4163, %get3A_4164, %get3A_4165] {strides = array<i32>} : memref<2x64x128xf32, #tpu.memory_space<vmem>>, vector<16xf32>,
      %mul3A_4167 = vector.broadcast %squeeze3A_4097 : f32 to vector<16xf32>
      %mul3A_4168 = arith.mulf %mul3A_4167, %get3A_4166 : vector<16xf32>
      %add3A_4169 = arith.addf %add3A_4095, %mul3A_4168 : vector<16xf32>
      %slice3A_4170 = vector.extract_strided_slice %div3A_2599 {offsets = [5], sizes = [1], strides = [1]} : vector<16xf32> to vector<1xf32>
      %squeeze3A_4171 = vector.extract %slice3A_4170[0] : f32 from vector<1xf32>
      %get3A_4172 = arith.constant 1 : i32
      %get3A_4173 = arith.constant 53 : i32
      %get3A_4174 = arith.index_cast %get3A_4172 : i32 to index
      %get3A_4175 = arith.index_cast %get3A_4173 : i32 to index
      %get3A_4176 = arith.constant 0 : index
      %get3A_4177 = tpu.vector_load %arg8[%get3A_4174, %get3A_4175, %get3A_4176] {strides = array<i32>} : memref<2x64x128xf32, #tpu.memory_space<vmem>>, vector<16xf32>,
      %mul3A_4178 = vector.broadcast %squeeze3A_4171 : f32 to vector<16xf32>
      %mul3A_4179 = arith.mulf %mul3A_4178, %get3A_4177 : vector<16xf32>
      %add3A_4180 = arith.addf %add3A_4106, %mul3A_4179 : vector<16xf32>
      %get3A_4181 = arith.constant 1 : i32
      %get3A_4182 = arith.constant 53 : i32
      %get3A_4183 = arith.index_cast %get3A_4181 : i32 to index
      %get3A_4184 = arith.index_cast %get3A_4182 : i32 to index
      %get3A_4185 = arith.constant 16 : index
      %get3A_4186 = tpu.vector_load %arg8[%get3A_4183, %get3A_4184, %get3A_4185] {strides = array<i32>} : memref<2x64x128xf32, #tpu.memory_space<vmem>>, vector<16xf32>,
      %mul3A_4187 = vector.broadcast %squeeze3A_4171 : f32 to vector<16xf32>
      %mul3A_4188 = arith.mulf %mul3A_4187, %get3A_4186 : vector<16xf32>
      %add3A_4189 = arith.addf %add3A_4115, %mul3A_4188 : vector<16xf32>
      %get3A_4190 = arith.constant 1 : i32
      %get3A_4191 = arith.constant 53 : i32
      %get3A_4192 = arith.index_cast %get3A_4190 : i32 to index
      %get3A_4193 = arith.index_cast %get3A_4191 : i32 to index
      %get3A_4194 = arith.constant 32 : index
      %get3A_4195 = tpu.vector_load %arg8[%get3A_4192, %get3A_4193, %get3A_4194] {strides = array<i32>} : memref<2x64x128xf32, #tpu.memory_space<vmem>>, vector<16xf32>,
      %mul3A_4196 = vector.broadcast %squeeze3A_4171 : f32 to vector<16xf32>
      %mul3A_4197 = arith.mulf %mul3A_4196, %get3A_4195 : vector<16xf32>
      %add3A_4198 = arith.addf %add3A_4124, %mul3A_4197 : vector<16xf32>
      %get3A_4199 = arith.constant 1 : i32
      %get3A_4200 = arith.constant 53 : i32
      %get3A_4201 = arith.index_cast %get3A_4199 : i32 to index
      %get3A_4202 = arith.index_cast %get3A_4200 : i32 to index
      %get3A_4203 = arith.constant 48 : index
      %get3A_4204 = tpu.vector_load %arg8[%get3A_4201, %get3A_4202, %get3A_4203] {strides = array<i32>} : memref<2x64x128xf32, #tpu.memory_space<vmem>>, vector<16xf32>,
      %mul3A_4205 = vector.broadcast %squeeze3A_4171 : f32 to vector<16xf32>
      %mul3A_4206 = arith.mulf %mul3A_4205, %get3A_4204 : vector<16xf32>
      %add3A_4207 = arith.addf %add3A_4133, %mul3A_4206 : vector<16xf32>
      %get3A_4208 = arith.constant 1 : i32
      %get3A_4209 = arith.constant 53 : i32
      %get3A_4210 = arith.index_cast %get3A_4208 : i32 to index
      %get3A_4211 = arith.index_cast %get3A_4209 : i32 to index
      %get3A_4212 = arith.constant 64 : index
      %get3A_4213 = tpu.vector_load %arg8[%get3A_4210, %get3A_4211, %get3A_4212] {strides = array<i32>} : memref<2x64x128xf32, #tpu.memory_space<vmem>>, vector<16xf32>,
      %mul3A_4214 = vector.broadcast %squeeze3A_4171 : f32 to vector<16xf32>
      %mul3A_4215 = arith.mulf %mul3A_4214, %get3A_4213 : vector<16xf32>
      %add3A_4216 = arith.addf %add3A_4142, %mul3A_4215 : vector<16xf32>
      %get3A_4217 = arith.constant 1 : i32
      %get3A_4218 = arith.constant 53 : i32
      %get3A_4219 = arith.index_cast %get3A_4217 : i32 to index
      %get3A_4220 = arith.index_cast %get3A_4218 : i32 to index
      %get3A_4221 = arith.constant 80 : index
      %get3A_4222 = tpu.vector_load %arg8[%get3A_4219, %get3A_4220, %get3A_4221] {strides = array<i32>} : memref<2x64x128xf32, #tpu.memory_space<vmem>>, vector<16xf32>,
      %mul3A_4223 = vector.broadcast %squeeze3A_4171 : f32 to vector<16xf32>
      %mul3A_4224 = arith.mulf %mul3A_4223, %get3A_4222 : vector<16xf32>
      %add3A_4225 = arith.addf %add3A_4151, %mul3A_4224 : vector<16xf32>
      %get3A_4226 = arith.constant 1 : i32
      %get3A_4227 = arith.constant 53 : i32
      %get3A_4228 = arith.index_cast %get3A_4226 : i32 to index
      %get3A_4229 = arith.index_cast %get3A_4227 : i32 to index
      %get3A_4230 = arith.constant 96 : index
      %get3A_4231 = tpu.vector_load %arg8[%get3A_4228, %get3A_4229, %get3A_4230] {strides = array<i32>} : memref<2x64x128xf32, #tpu.memory_space<vmem>>, vector<16xf32>,
      %mul3A_4232 = vector.broadcast %squeeze3A_4171 : f32 to vector<16xf32>
      %mul3A_4233 = arith.mulf %mul3A_4232, %get3A_4231 : vector<16xf32>
      %add3A_4234 = arith.addf %add3A_4160, %mul3A_4233 : vector<16xf32>
      %get3A_4235 = arith.constant 1 : i32
      %get3A_4236 = arith.constant 53 : i32
      %get3A_4237 = arith.index_cast %get3A_4235 : i32 to index
      %get3A_4238 = arith.index_cast %get3A_4236 : i32 to index
      %get3A_4239 = arith.constant 112 : index
      %get3A_4240 = tpu.vector_load %arg8[%get3A_4237, %get3A_4238, %get3A_4239] {strides = array<i32>} : memref<2x64x128xf32, #tpu.memory_space<vmem>>, vector<16xf32>,
      %mul3A_4241 = vector.broadcast %squeeze3A_4171 : f32 to vector<16xf32>
      %mul3A_4242 = arith.mulf %mul3A_4241, %get3A_4240 : vector<16xf32>
      %add3A_4243 = arith.addf %add3A_4169, %mul3A_4242 : vector<16xf32>
      %slice3A_4244 = vector.extract_strided_slice %div3A_2599 {offsets = [6], sizes = [1], strides = [1]} : vector<16xf32> to vector<1xf32>
      %squeeze3A_4245 = vector.extract %slice3A_4244[0] : f32 from vector<1xf32>
      %get3A_4246 = arith.constant 1 : i32
      %get3A_4247 = arith.constant 54 : i32
      %get3A_4248 = arith.index_cast %get3A_4246 : i32 to index
      %get3A_4249 = arith.index_cast %get3A_4247 : i32 to index
      %get3A_4250 = arith.constant 0 : index
      %get3A_4251 = tpu.vector_load %arg8[%get3A_4248, %get3A_4249, %get3A_4250] {strides = array<i32>} : memref<2x64x128xf32, #tpu.memory_space<vmem>>, vector<16xf32>,
      %mul3A_4252 = vector.broadcast %squeeze3A_4245 : f32 to vector<16xf32>
      %mul3A_4253 = arith.mulf %mul3A_4252, %get3A_4251 : vector<16xf32>
      %add3A_4254 = arith.addf %add3A_4180, %mul3A_4253 : vector<16xf32>
      %get3A_4255 = arith.constant 1 : i32
      %get3A_4256 = arith.constant 54 : i32
      %get3A_4257 = arith.index_cast %get3A_4255 : i32 to index
      %get3A_4258 = arith.index_cast %get3A_4256 : i32 to index
      %get3A_4259 = arith.constant 16 : index
      %get3A_4260 = tpu.vector_load %arg8[%get3A_4257, %get3A_4258, %get3A_4259] {strides = array<i32>} : memref<2x64x128xf32, #tpu.memory_space<vmem>>, vector<16xf32>,
      %mul3A_4261 = vector.broadcast %squeeze3A_4245 : f32 to vector<16xf32>
      %mul3A_4262 = arith.mulf %mul3A_4261, %get3A_4260 : vector<16xf32>
      %add3A_4263 = arith.addf %add3A_4189, %mul3A_4262 : vector<16xf32>
      %get3A_4264 = arith.constant 1 : i32
      %get3A_4265 = arith.constant 54 : i32
      %get3A_4266 = arith.index_cast %get3A_4264 : i32 to index
      %get3A_4267 = arith.index_cast %get3A_4265 : i32 to index
      %get3A_4268 = arith.constant 32 : index
      %get3A_4269 = tpu.vector_load %arg8[%get3A_4266, %get3A_4267, %get3A_4268] {strides = array<i32>} : memref<2x64x128xf32, #tpu.memory_space<vmem>>, vector<16xf32>,
      %mul3A_4270 = vector.broadcast %squeeze3A_4245 : f32 to vector<16xf32>
      %mul3A_4271 = arith.mulf %mul3A_4270, %get3A_4269 : vector<16xf32>
      %add3A_4272 = arith.addf %add3A_4198, %mul3A_4271 : vector<16xf32>
      %get3A_4273 = arith.constant 1 : i32
      %get3A_4274 = arith.constant 54 : i32
      %get3A_4275 = arith.index_cast %get3A_4273 : i32 to index
      %get3A_4276 = arith.index_cast %get3A_4274 : i32 to index
      %get3A_4277 = arith.constant 48 : index
      %get3A_4278 = tpu.vector_load %arg8[%get3A_4275, %get3A_4276, %get3A_4277] {strides = array<i32>} : memref<2x64x128xf32, #tpu.memory_space<vmem>>, vector<16xf32>,
      %mul3A_4279 = vector.broadcast %squeeze3A_4245 : f32 to vector<16xf32>
      %mul3A_4280 = arith.mulf %mul3A_4279, %get3A_4278 : vector<16xf32>
      %add3A_4281 = arith.addf %add3A_4207, %mul3A_4280 : vector<16xf32>
      %get3A_4282 = arith.constant 1 : i32
      %get3A_4283 = arith.constant 54 : i32
      %get3A_4284 = arith.index_cast %get3A_4282 : i32 to index
      %get3A_4285 = arith.index_cast %get3A_4283 : i32 to index
      %get3A_4286 = arith.constant 64 : index
      %get3A_4287 = tpu.vector_load %arg8[%get3A_4284, %get3A_4285, %get3A_4286] {strides = array<i32>} : memref<2x64x128xf32, #tpu.memory_space<vmem>>, vector<16xf32>,
      %mul3A_4288 = vector.broadcast %squeeze3A_4245 : f32 to vector<16xf32>
      %mul3A_4289 = arith.mulf %mul3A_4288, %get3A_4287 : vector<16xf32>
      %add3A_4290 = arith.addf %add3A_4216, %mul3A_4289 : vector<16xf32>
      %get3A_4291 = arith.constant 1 : i32
      %get3A_4292 = arith.constant 54 : i32
      %get3A_4293 = arith.index_cast %get3A_4291 : i32 to index
      %get3A_4294 = arith.index_cast %get3A_4292 : i32 to index
      %get3A_4295 = arith.constant 80 : index
      %get3A_4296 = tpu.vector_load %arg8[%get3A_4293, %get3A_4294, %get3A_4295] {strides = array<i32>} : memref<2x64x128xf32, #tpu.memory_space<vmem>>, vector<16xf32>,
      %mul3A_4297 = vector.broadcast %squeeze3A_4245 : f32 to vector<16xf32>
      %mul3A_4298 = arith.mulf %mul3A_4297, %get3A_4296 : vector<16xf32>
      %add3A_4299 = arith.addf %add3A_4225, %mul3A_4298 : vector<16xf32>
      %get3A_4300 = arith.constant 1 : i32
      %get3A_4301 = arith.constant 54 : i32
      %get3A_4302 = arith.index_cast %get3A_4300 : i32 to index
      %get3A_4303 = arith.index_cast %get3A_4301 : i32 to index
      %get3A_4304 = arith.constant 96 : index
      %get3A_4305 = tpu.vector_load %arg8[%get3A_4302, %get3A_4303, %get3A_4304] {strides = array<i32>} : memref<2x64x128xf32, #tpu.memory_space<vmem>>, vector<16xf32>,
      %mul3A_4306 = vector.broadcast %squeeze3A_4245 : f32 to vector<16xf32>
      %mul3A_4307 = arith.mulf %mul3A_4306, %get3A_4305 : vector<16xf32>
      %add3A_4308 = arith.addf %add3A_4234, %mul3A_4307 : vector<16xf32>
      %get3A_4309 = arith.constant 1 : i32
      %get3A_4310 = arith.constant 54 : i32
      %get3A_4311 = arith.index_cast %get3A_4309 : i32 to index
      %get3A_4312 = arith.index_cast %get3A_4310 : i32 to index
      %get3A_4313 = arith.constant 112 : index
      %get3A_4314 = tpu.vector_load %arg8[%get3A_4311, %get3A_4312, %get3A_4313] {strides = array<i32>} : memref<2x64x128xf32, #tpu.memory_space<vmem>>, vector<16xf32>,
      %mul3A_4315 = vector.broadcast %squeeze3A_4245 : f32 to vector<16xf32>
      %mul3A_4316 = arith.mulf %mul3A_4315, %get3A_4314 : vector<16xf32>
      %add3A_4317 = arith.addf %add3A_4243, %mul3A_4316 : vector<16xf32>
      %slice3A_4318 = vector.extract_strided_slice %div3A_2599 {offsets = [7], sizes = [1], strides = [1]} : vector<16xf32> to vector<1xf32>
      %squeeze3A_4319 = vector.extract %slice3A_4318[0] : f32 from vector<1xf32>
      %get3A_4320 = arith.constant 1 : i32
      %get3A_4321 = arith.constant 55 : i32
      %get3A_4322 = arith.index_cast %get3A_4320 : i32 to index
      %get3A_4323 = arith.index_cast %get3A_4321 : i32 to index
      %get3A_4324 = arith.constant 0 : index
      %get3A_4325 = tpu.vector_load %arg8[%get3A_4322, %get3A_4323, %get3A_4324] {strides = array<i32>} : memref<2x64x128xf32, #tpu.memory_space<vmem>>, vector<16xf32>,
      %mul3A_4326 = vector.broadcast %squeeze3A_4319 : f32 to vector<16xf32>
      %mul3A_4327 = arith.mulf %mul3A_4326, %get3A_4325 : vector<16xf32>
      %add3A_4328 = arith.addf %add3A_4254, %mul3A_4327 : vector<16xf32>
      %get3A_4329 = arith.constant 1 : i32
      %get3A_4330 = arith.constant 55 : i32
      %get3A_4331 = arith.index_cast %get3A_4329 : i32 to index
      %get3A_4332 = arith.index_cast %get3A_4330 : i32 to index
      %get3A_4333 = arith.constant 16 : index
      %get3A_4334 = tpu.vector_load %arg8[%get3A_4331, %get3A_4332, %get3A_4333] {strides = array<i32>} : memref<2x64x128xf32, #tpu.memory_space<vmem>>, vector<16xf32>,
      %mul3A_4335 = vector.broadcast %squeeze3A_4319 : f32 to vector<16xf32>
      %mul3A_4336 = arith.mulf %mul3A_4335, %get3A_4334 : vector<16xf32>
      %add3A_4337 = arith.addf %add3A_4263, %mul3A_4336 : vector<16xf32>
      %get3A_4338 = arith.constant 1 : i32
      %get3A_4339 = arith.constant 55 : i32
      %get3A_4340 = arith.index_cast %get3A_4338 : i32 to index
      %get3A_4341 = arith.index_cast %get3A_4339 : i32 to index
      %get3A_4342 = arith.constant 32 : index
      %get3A_4343 = tpu.vector_load %arg8[%get3A_4340, %get3A_4341, %get3A_4342] {strides = array<i32>} : memref<2x64x128xf32, #tpu.memory_space<vmem>>, vector<16xf32>,
      %mul3A_4344 = vector.broadcast %squeeze3A_4319 : f32 to vector<16xf32>
      %mul3A_4345 = arith.mulf %mul3A_4344, %get3A_4343 : vector<16xf32>
      %add3A_4346 = arith.addf %add3A_4272, %mul3A_4345 : vector<16xf32>
      %get3A_4347 = arith.constant 1 : i32
      %get3A_4348 = arith.constant 55 : i32
      %get3A_4349 = arith.index_cast %get3A_4347 : i32 to index
      %get3A_4350 = arith.index_cast %get3A_4348 : i32 to index
      %get3A_4351 = arith.constant 48 : index
      %get3A_4352 = tpu.vector_load %arg8[%get3A_4349, %get3A_4350, %get3A_4351] {strides = array<i32>} : memref<2x64x128xf32, #tpu.memory_space<vmem>>, vector<16xf32>,
      %mul3A_4353 = vector.broadcast %squeeze3A_4319 : f32 to vector<16xf32>
      %mul3A_4354 = arith.mulf %mul3A_4353, %get3A_4352 : vector<16xf32>
      %add3A_4355 = arith.addf %add3A_4281, %mul3A_4354 : vector<16xf32>
      %get3A_4356 = arith.constant 1 : i32
      %get3A_4357 = arith.constant 55 : i32
      %get3A_4358 = arith.index_cast %get3A_4356 : i32 to index
      %get3A_4359 = arith.index_cast %get3A_4357 : i32 to index
      %get3A_4360 = arith.constant 64 : index
      %get3A_4361 = tpu.vector_load %arg8[%get3A_4358, %get3A_4359, %get3A_4360] {strides = array<i32>} : memref<2x64x128xf32, #tpu.memory_space<vmem>>, vector<16xf32>,
      %mul3A_4362 = vector.broadcast %squeeze3A_4319 : f32 to vector<16xf32>
      %mul3A_4363 = arith.mulf %mul3A_4362, %get3A_4361 : vector<16xf32>
      %add3A_4364 = arith.addf %add3A_4290, %mul3A_4363 : vector<16xf32>
      %get3A_4365 = arith.constant 1 : i32
      %get3A_4366 = arith.constant 55 : i32
      %get3A_4367 = arith.index_cast %get3A_4365 : i32 to index
      %get3A_4368 = arith.index_cast %get3A_4366 : i32 to index
      %get3A_4369 = arith.constant 80 : index
      %get3A_4370 = tpu.vector_load %arg8[%get3A_4367, %get3A_4368, %get3A_4369] {strides = array<i32>} : memref<2x64x128xf32, #tpu.memory_space<vmem>>, vector<16xf32>,
      %mul3A_4371 = vector.broadcast %squeeze3A_4319 : f32 to vector<16xf32>
      %mul3A_4372 = arith.mulf %mul3A_4371, %get3A_4370 : vector<16xf32>
      %add3A_4373 = arith.addf %add3A_4299, %mul3A_4372 : vector<16xf32>
      %get3A_4374 = arith.constant 1 : i32
      %get3A_4375 = arith.constant 55 : i32
      %get3A_4376 = arith.index_cast %get3A_4374 : i32 to index
      %get3A_4377 = arith.index_cast %get3A_4375 : i32 to index
      %get3A_4378 = arith.constant 96 : index
      %get3A_4379 = tpu.vector_load %arg8[%get3A_4376, %get3A_4377, %get3A_4378] {strides = array<i32>} : memref<2x64x128xf32, #tpu.memory_space<vmem>>, vector<16xf32>,
      %mul3A_4380 = vector.broadcast %squeeze3A_4319 : f32 to vector<16xf32>
      %mul3A_4381 = arith.mulf %mul3A_4380, %get3A_4379 : vector<16xf32>
      %add3A_4382 = arith.addf %add3A_4308, %mul3A_4381 : vector<16xf32>
      %get3A_4383 = arith.constant 1 : i32
      %get3A_4384 = arith.constant 55 : i32
      %get3A_4385 = arith.index_cast %get3A_4383 : i32 to index
      %get3A_4386 = arith.index_cast %get3A_4384 : i32 to index
      %get3A_4387 = arith.constant 112 : index
      %get3A_4388 = tpu.vector_load %arg8[%get3A_4385, %get3A_4386, %get3A_4387] {strides = array<i32>} : memref<2x64x128xf32, #tpu.memory_space<vmem>>, vector<16xf32>,
      %mul3A_4389 = vector.broadcast %squeeze3A_4319 : f32 to vector<16xf32>
      %mul3A_4390 = arith.mulf %mul3A_4389, %get3A_4388 : vector<16xf32>
      %add3A_4391 = arith.addf %add3A_4317, %mul3A_4390 : vector<16xf32>
      %slice3A_4392 = vector.extract_strided_slice %div3A_2599 {offsets = [8], sizes = [1], strides = [1]} : vector<16xf32> to vector<1xf32>
      %squeeze3A_4393 = vector.extract %slice3A_4392[0] : f32 from vector<1xf32>
      %get3A_4394 = arith.constant 1 : i32
      %get3A_4395 = arith.constant 56 : i32
      %get3A_4396 = arith.index_cast %get3A_4394 : i32 to index
      %get3A_4397 = arith.index_cast %get3A_4395 : i32 to index
      %get3A_4398 = arith.constant 0 : index
      %get3A_4399 = tpu.vector_load %arg8[%get3A_4396, %get3A_4397, %get3A_4398] {strides = array<i32>} : memref<2x64x128xf32, #tpu.memory_space<vmem>>, vector<16xf32>,
      %mul3A_4400 = vector.broadcast %squeeze3A_4393 : f32 to vector<16xf32>
      %mul3A_4401 = arith.mulf %mul3A_4400, %get3A_4399 : vector<16xf32>
      %add3A_4402 = arith.addf %add3A_4328, %mul3A_4401 : vector<16xf32>
      %get3A_4403 = arith.constant 1 : i32
      %get3A_4404 = arith.constant 56 : i32
      %get3A_4405 = arith.index_cast %get3A_4403 : i32 to index
      %get3A_4406 = arith.index_cast %get3A_4404 : i32 to index
      %get3A_4407 = arith.constant 16 : index
      %get3A_4408 = tpu.vector_load %arg8[%get3A_4405, %get3A_4406, %get3A_4407] {strides = array<i32>} : memref<2x64x128xf32, #tpu.memory_space<vmem>>, vector<16xf32>,
      %mul3A_4409 = vector.broadcast %squeeze3A_4393 : f32 to vector<16xf32>
      %mul3A_4410 = arith.mulf %mul3A_4409, %get3A_4408 : vector<16xf32>
      %add3A_4411 = arith.addf %add3A_4337, %mul3A_4410 : vector<16xf32>
      %get3A_4412 = arith.constant 1 : i32
      %get3A_4413 = arith.constant 56 : i32
      %get3A_4414 = arith.index_cast %get3A_4412 : i32 to index
      %get3A_4415 = arith.index_cast %get3A_4413 : i32 to index
      %get3A_4416 = arith.constant 32 : index
      %get3A_4417 = tpu.vector_load %arg8[%get3A_4414, %get3A_4415, %get3A_4416] {strides = array<i32>} : memref<2x64x128xf32, #tpu.memory_space<vmem>>, vector<16xf32>,
      %mul3A_4418 = vector.broadcast %squeeze3A_4393 : f32 to vector<16xf32>
      %mul3A_4419 = arith.mulf %mul3A_4418, %get3A_4417 : vector<16xf32>
      %add3A_4420 = arith.addf %add3A_4346, %mul3A_4419 : vector<16xf32>
      %get3A_4421 = arith.constant 1 : i32
      %get3A_4422 = arith.constant 56 : i32
      %get3A_4423 = arith.index_cast %get3A_4421 : i32 to index
      %get3A_4424 = arith.index_cast %get3A_4422 : i32 to index
      %get3A_4425 = arith.constant 48 : index
      %get3A_4426 = tpu.vector_load %arg8[%get3A_4423, %get3A_4424, %get3A_4425] {strides = array<i32>} : memref<2x64x128xf32, #tpu.memory_space<vmem>>, vector<16xf32>,
      %mul3A_4427 = vector.broadcast %squeeze3A_4393 : f32 to vector<16xf32>
      %mul3A_4428 = arith.mulf %mul3A_4427, %get3A_4426 : vector<16xf32>
      %add3A_4429 = arith.addf %add3A_4355, %mul3A_4428 : vector<16xf32>
      %get3A_4430 = arith.constant 1 : i32
      %get3A_4431 = arith.constant 56 : i32
      %get3A_4432 = arith.index_cast %get3A_4430 : i32 to index
      %get3A_4433 = arith.index_cast %get3A_4431 : i32 to index
      %get3A_4434 = arith.constant 64 : index
      %get3A_4435 = tpu.vector_load %arg8[%get3A_4432, %get3A_4433, %get3A_4434] {strides = array<i32>} : memref<2x64x128xf32, #tpu.memory_space<vmem>>, vector<16xf32>,
      %mul3A_4436 = vector.broadcast %squeeze3A_4393 : f32 to vector<16xf32>
      %mul3A_4437 = arith.mulf %mul3A_4436, %get3A_4435 : vector<16xf32>
      %add3A_4438 = arith.addf %add3A_4364, %mul3A_4437 : vector<16xf32>
      %get3A_4439 = arith.constant 1 : i32
      %get3A_4440 = arith.constant 56 : i32
      %get3A_4441 = arith.index_cast %get3A_4439 : i32 to index
      %get3A_4442 = arith.index_cast %get3A_4440 : i32 to index
      %get3A_4443 = arith.constant 80 : index
      %get3A_4444 = tpu.vector_load %arg8[%get3A_4441, %get3A_4442, %get3A_4443] {strides = array<i32>} : memref<2x64x128xf32, #tpu.memory_space<vmem>>, vector<16xf32>,
      %mul3A_4445 = vector.broadcast %squeeze3A_4393 : f32 to vector<16xf32>
      %mul3A_4446 = arith.mulf %mul3A_4445, %get3A_4444 : vector<16xf32>
      %add3A_4447 = arith.addf %add3A_4373, %mul3A_4446 : vector<16xf32>
      %get3A_4448 = arith.constant 1 : i32
      %get3A_4449 = arith.constant 56 : i32
      %get3A_4450 = arith.index_cast %get3A_4448 : i32 to index
      %get3A_4451 = arith.index_cast %get3A_4449 : i32 to index
      %get3A_4452 = arith.constant 96 : index
      %get3A_4453 = tpu.vector_load %arg8[%get3A_4450, %get3A_4451, %get3A_4452] {strides = array<i32>} : memref<2x64x128xf32, #tpu.memory_space<vmem>>, vector<16xf32>,
      %mul3A_4454 = vector.broadcast %squeeze3A_4393 : f32 to vector<16xf32>
      %mul3A_4455 = arith.mulf %mul3A_4454, %get3A_4453 : vector<16xf32>
      %add3A_4456 = arith.addf %add3A_4382, %mul3A_4455 : vector<16xf32>
      %get3A_4457 = arith.constant 1 : i32
      %get3A_4458 = arith.constant 56 : i32
      %get3A_4459 = arith.index_cast %get3A_4457 : i32 to index
      %get3A_4460 = arith.index_cast %get3A_4458 : i32 to index
      %get3A_4461 = arith.constant 112 : index
      %get3A_4462 = tpu.vector_load %arg8[%get3A_4459, %get3A_4460, %get3A_4461] {strides = array<i32>} : memref<2x64x128xf32, #tpu.memory_space<vmem>>, vector<16xf32>,
      %mul3A_4463 = vector.broadcast %squeeze3A_4393 : f32 to vector<16xf32>
      %mul3A_4464 = arith.mulf %mul3A_4463, %get3A_4462 : vector<16xf32>
      %add3A_4465 = arith.addf %add3A_4391, %mul3A_4464 : vector<16xf32>
      %slice3A_4466 = vector.extract_strided_slice %div3A_2599 {offsets = [9], sizes = [1], strides = [1]} : vector<16xf32> to vector<1xf32>
      %squeeze3A_4467 = vector.extract %slice3A_4466[0] : f32 from vector<1xf32>
      %get3A_4468 = arith.constant 1 : i32
      %get3A_4469 = arith.constant 57 : i32
      %get3A_4470 = arith.index_cast %get3A_4468 : i32 to index
      %get3A_4471 = arith.index_cast %get3A_4469 : i32 to index
      %get3A_4472 = arith.constant 0 : index
      %get3A_4473 = tpu.vector_load %arg8[%get3A_4470, %get3A_4471, %get3A_4472] {strides = array<i32>} : memref<2x64x128xf32, #tpu.memory_space<vmem>>, vector<16xf32>,
      %mul3A_4474 = vector.broadcast %squeeze3A_4467 : f32 to vector<16xf32>
      %mul3A_4475 = arith.mulf %mul3A_4474, %get3A_4473 : vector<16xf32>
      %add3A_4476 = arith.addf %add3A_4402, %mul3A_4475 : vector<16xf32>
      %get3A_4477 = arith.constant 1 : i32
      %get3A_4478 = arith.constant 57 : i32
      %get3A_4479 = arith.index_cast %get3A_4477 : i32 to index
      %get3A_4480 = arith.index_cast %get3A_4478 : i32 to index
      %get3A_4481 = arith.constant 16 : index
      %get3A_4482 = tpu.vector_load %arg8[%get3A_4479, %get3A_4480, %get3A_4481] {strides = array<i32>} : memref<2x64x128xf32, #tpu.memory_space<vmem>>, vector<16xf32>,
      %mul3A_4483 = vector.broadcast %squeeze3A_4467 : f32 to vector<16xf32>
      %mul3A_4484 = arith.mulf %mul3A_4483, %get3A_4482 : vector<16xf32>
      %add3A_4485 = arith.addf %add3A_4411, %mul3A_4484 : vector<16xf32>
      %get3A_4486 = arith.constant 1 : i32
      %get3A_4487 = arith.constant 57 : i32
      %get3A_4488 = arith.index_cast %get3A_4486 : i32 to index
      %get3A_4489 = arith.index_cast %get3A_4487 : i32 to index
      %get3A_4490 = arith.constant 32 : index
      %get3A_4491 = tpu.vector_load %arg8[%get3A_4488, %get3A_4489, %get3A_4490] {strides = array<i32>} : memref<2x64x128xf32, #tpu.memory_space<vmem>>, vector<16xf32>,
      %mul3A_4492 = vector.broadcast %squeeze3A_4467 : f32 to vector<16xf32>
      %mul3A_4493 = arith.mulf %mul3A_4492, %get3A_4491 : vector<16xf32>
      %add3A_4494 = arith.addf %add3A_4420, %mul3A_4493 : vector<16xf32>
      %get3A_4495 = arith.constant 1 : i32
      %get3A_4496 = arith.constant 57 : i32
      %get3A_4497 = arith.index_cast %get3A_4495 : i32 to index
      %get3A_4498 = arith.index_cast %get3A_4496 : i32 to index
      %get3A_4499 = arith.constant 48 : index
      %get3A_4500 = tpu.vector_load %arg8[%get3A_4497, %get3A_4498, %get3A_4499] {strides = array<i32>} : memref<2x64x128xf32, #tpu.memory_space<vmem>>, vector<16xf32>,
      %mul3A_4501 = vector.broadcast %squeeze3A_4467 : f32 to vector<16xf32>
      %mul3A_4502 = arith.mulf %mul3A_4501, %get3A_4500 : vector<16xf32>
      %add3A_4503 = arith.addf %add3A_4429, %mul3A_4502 : vector<16xf32>
      %get3A_4504 = arith.constant 1 : i32
      %get3A_4505 = arith.constant 57 : i32
      %get3A_4506 = arith.index_cast %get3A_4504 : i32 to index
      %get3A_4507 = arith.index_cast %get3A_4505 : i32 to index
      %get3A_4508 = arith.constant 64 : index
      %get3A_4509 = tpu.vector_load %arg8[%get3A_4506, %get3A_4507, %get3A_4508] {strides = array<i32>} : memref<2x64x128xf32, #tpu.memory_space<vmem>>, vector<16xf32>,
      %mul3A_4510 = vector.broadcast %squeeze3A_4467 : f32 to vector<16xf32>
      %mul3A_4511 = arith.mulf %mul3A_4510, %get3A_4509 : vector<16xf32>
      %add3A_4512 = arith.addf %add3A_4438, %mul3A_4511 : vector<16xf32>
      %get3A_4513 = arith.constant 1 : i32
      %get3A_4514 = arith.constant 57 : i32
      %get3A_4515 = arith.index_cast %get3A_4513 : i32 to index
      %get3A_4516 = arith.index_cast %get3A_4514 : i32 to index
      %get3A_4517 = arith.constant 80 : index
      %get3A_4518 = tpu.vector_load %arg8[%get3A_4515, %get3A_4516, %get3A_4517] {strides = array<i32>} : memref<2x64x128xf32, #tpu.memory_space<vmem>>, vector<16xf32>,
      %mul3A_4519 = vector.broadcast %squeeze3A_4467 : f32 to vector<16xf32>
      %mul3A_4520 = arith.mulf %mul3A_4519, %get3A_4518 : vector<16xf32>
      %add3A_4521 = arith.addf %add3A_4447, %mul3A_4520 : vector<16xf32>
      %get3A_4522 = arith.constant 1 : i32
      %get3A_4523 = arith.constant 57 : i32
      %get3A_4524 = arith.index_cast %get3A_4522 : i32 to index
      %get3A_4525 = arith.index_cast %get3A_4523 : i32 to index
      %get3A_4526 = arith.constant 96 : index
      %get3A_4527 = tpu.vector_load %arg8[%get3A_4524, %get3A_4525, %get3A_4526] {strides = array<i32>} : memref<2x64x128xf32, #tpu.memory_space<vmem>>, vector<16xf32>,
      %mul3A_4528 = vector.broadcast %squeeze3A_4467 : f32 to vector<16xf32>
      %mul3A_4529 = arith.mulf %mul3A_4528, %get3A_4527 : vector<16xf32>
      %add3A_4530 = arith.addf %add3A_4456, %mul3A_4529 : vector<16xf32>
      %get3A_4531 = arith.constant 1 : i32
      %get3A_4532 = arith.constant 57 : i32
      %get3A_4533 = arith.index_cast %get3A_4531 : i32 to index
      %get3A_4534 = arith.index_cast %get3A_4532 : i32 to index
      %get3A_4535 = arith.constant 112 : index
      %get3A_4536 = tpu.vector_load %arg8[%get3A_4533, %get3A_4534, %get3A_4535] {strides = array<i32>} : memref<2x64x128xf32, #tpu.memory_space<vmem>>, vector<16xf32>,
      %mul3A_4537 = vector.broadcast %squeeze3A_4467 : f32 to vector<16xf32>
      %mul3A_4538 = arith.mulf %mul3A_4537, %get3A_4536 : vector<16xf32>
      %add3A_4539 = arith.addf %add3A_4465, %mul3A_4538 : vector<16xf32>
      %slice3A_4540 = vector.extract_strided_slice %div3A_2599 {offsets = [10], sizes = [1], strides = [1]} : vector<16xf32> to vector<1xf32>
      %squeeze3A_4541 = vector.extract %slice3A_4540[0] : f32 from vector<1xf32>
      %get3A_4542 = arith.constant 1 : i32
      %get3A_4543 = arith.constant 58 : i32
      %get3A_4544 = arith.index_cast %get3A_4542 : i32 to index
      %get3A_4545 = arith.index_cast %get3A_4543 : i32 to index
      %get3A_4546 = arith.constant 0 : index
      %get3A_4547 = tpu.vector_load %arg8[%get3A_4544, %get3A_4545, %get3A_4546] {strides = array<i32>} : memref<2x64x128xf32, #tpu.memory_space<vmem>>, vector<16xf32>,
      %mul3A_4548 = vector.broadcast %squeeze3A_4541 : f32 to vector<16xf32>
      %mul3A_4549 = arith.mulf %mul3A_4548, %get3A_4547 : vector<16xf32>
      %add3A_4550 = arith.addf %add3A_4476, %mul3A_4549 : vector<16xf32>
      %get3A_4551 = arith.constant 1 : i32
      %get3A_4552 = arith.constant 58 : i32
      %get3A_4553 = arith.index_cast %get3A_4551 : i32 to index
      %get3A_4554 = arith.index_cast %get3A_4552 : i32 to index
      %get3A_4555 = arith.constant 16 : index
      %get3A_4556 = tpu.vector_load %arg8[%get3A_4553, %get3A_4554, %get3A_4555] {strides = array<i32>} : memref<2x64x128xf32, #tpu.memory_space<vmem>>, vector<16xf32>,
      %mul3A_4557 = vector.broadcast %squeeze3A_4541 : f32 to vector<16xf32>
      %mul3A_4558 = arith.mulf %mul3A_4557, %get3A_4556 : vector<16xf32>
      %add3A_4559 = arith.addf %add3A_4485, %mul3A_4558 : vector<16xf32>
      %get3A_4560 = arith.constant 1 : i32
      %get3A_4561 = arith.constant 58 : i32
      %get3A_4562 = arith.index_cast %get3A_4560 : i32 to index
      %get3A_4563 = arith.index_cast %get3A_4561 : i32 to index
      %get3A_4564 = arith.constant 32 : index
      %get3A_4565 = tpu.vector_load %arg8[%get3A_4562, %get3A_4563, %get3A_4564] {strides = array<i32>} : memref<2x64x128xf32, #tpu.memory_space<vmem>>, vector<16xf32>,
      %mul3A_4566 = vector.broadcast %squeeze3A_4541 : f32 to vector<16xf32>
      %mul3A_4567 = arith.mulf %mul3A_4566, %get3A_4565 : vector<16xf32>
      %add3A_4568 = arith.addf %add3A_4494, %mul3A_4567 : vector<16xf32>
      %get3A_4569 = arith.constant 1 : i32
      %get3A_4570 = arith.constant 58 : i32
      %get3A_4571 = arith.index_cast %get3A_4569 : i32 to index
      %get3A_4572 = arith.index_cast %get3A_4570 : i32 to index
      %get3A_4573 = arith.constant 48 : index
      %get3A_4574 = tpu.vector_load %arg8[%get3A_4571, %get3A_4572, %get3A_4573] {strides = array<i32>} : memref<2x64x128xf32, #tpu.memory_space<vmem>>, vector<16xf32>,
      %mul3A_4575 = vector.broadcast %squeeze3A_4541 : f32 to vector<16xf32>
      %mul3A_4576 = arith.mulf %mul3A_4575, %get3A_4574 : vector<16xf32>
      %add3A_4577 = arith.addf %add3A_4503, %mul3A_4576 : vector<16xf32>
      %get3A_4578 = arith.constant 1 : i32
      %get3A_4579 = arith.constant 58 : i32
      %get3A_4580 = arith.index_cast %get3A_4578 : i32 to index
      %get3A_4581 = arith.index_cast %get3A_4579 : i32 to index
      %get3A_4582 = arith.constant 64 : index
      %get3A_4583 = tpu.vector_load %arg8[%get3A_4580, %get3A_4581, %get3A_4582] {strides = array<i32>} : memref<2x64x128xf32, #tpu.memory_space<vmem>>, vector<16xf32>,
      %mul3A_4584 = vector.broadcast %squeeze3A_4541 : f32 to vector<16xf32>
      %mul3A_4585 = arith.mulf %mul3A_4584, %get3A_4583 : vector<16xf32>
      %add3A_4586 = arith.addf %add3A_4512, %mul3A_4585 : vector<16xf32>
      %get3A_4587 = arith.constant 1 : i32
      %get3A_4588 = arith.constant 58 : i32
      %get3A_4589 = arith.index_cast %get3A_4587 : i32 to index
      %get3A_4590 = arith.index_cast %get3A_4588 : i32 to index
      %get3A_4591 = arith.constant 80 : index
      %get3A_4592 = tpu.vector_load %arg8[%get3A_4589, %get3A_4590, %get3A_4591] {strides = array<i32>} : memref<2x64x128xf32, #tpu.memory_space<vmem>>, vector<16xf32>,
      %mul3A_4593 = vector.broadcast %squeeze3A_4541 : f32 to vector<16xf32>
      %mul3A_4594 = arith.mulf %mul3A_4593, %get3A_4592 : vector<16xf32>
      %add3A_4595 = arith.addf %add3A_4521, %mul3A_4594 : vector<16xf32>
      %get3A_4596 = arith.constant 1 : i32
      %get3A_4597 = arith.constant 58 : i32
      %get3A_4598 = arith.index_cast %get3A_4596 : i32 to index
      %get3A_4599 = arith.index_cast %get3A_4597 : i32 to index
      %get3A_4600 = arith.constant 96 : index
      %get3A_4601 = tpu.vector_load %arg8[%get3A_4598, %get3A_4599, %get3A_4600] {strides = array<i32>} : memref<2x64x128xf32, #tpu.memory_space<vmem>>, vector<16xf32>,
      %mul3A_4602 = vector.broadcast %squeeze3A_4541 : f32 to vector<16xf32>
      %mul3A_4603 = arith.mulf %mul3A_4602, %get3A_4601 : vector<16xf32>
      %add3A_4604 = arith.addf %add3A_4530, %mul3A_4603 : vector<16xf32>
      %get3A_4605 = arith.constant 1 : i32
      %get3A_4606 = arith.constant 58 : i32
      %get3A_4607 = arith.index_cast %get3A_4605 : i32 to index
      %get3A_4608 = arith.index_cast %get3A_4606 : i32 to index
      %get3A_4609 = arith.constant 112 : index
      %get3A_4610 = tpu.vector_load %arg8[%get3A_4607, %get3A_4608, %get3A_4609] {strides = array<i32>} : memref<2x64x128xf32, #tpu.memory_space<vmem>>, vector<16xf32>,
      %mul3A_4611 = vector.broadcast %squeeze3A_4541 : f32 to vector<16xf32>
      %mul3A_4612 = arith.mulf %mul3A_4611, %get3A_4610 : vector<16xf32>
      %add3A_4613 = arith.addf %add3A_4539, %mul3A_4612 : vector<16xf32>
      %slice3A_4614 = vector.extract_strided_slice %div3A_2599 {offsets = [11], sizes = [1], strides = [1]} : vector<16xf32> to vector<1xf32>
      %squeeze3A_4615 = vector.extract %slice3A_4614[0] : f32 from vector<1xf32>
      %get3A_4616 = arith.constant 1 : i32
      %get3A_4617 = arith.constant 59 : i32
      %get3A_4618 = arith.index_cast %get3A_4616 : i32 to index
      %get3A_4619 = arith.index_cast %get3A_4617 : i32 to index
      %get3A_4620 = arith.constant 0 : index
      %get3A_4621 = tpu.vector_load %arg8[%get3A_4618, %get3A_4619, %get3A_4620] {strides = array<i32>} : memref<2x64x128xf32, #tpu.memory_space<vmem>>, vector<16xf32>,
      %mul3A_4622 = vector.broadcast %squeeze3A_4615 : f32 to vector<16xf32>
      %mul3A_4623 = arith.mulf %mul3A_4622, %get3A_4621 : vector<16xf32>
      %add3A_4624 = arith.addf %add3A_4550, %mul3A_4623 : vector<16xf32>
      %get3A_4625 = arith.constant 1 : i32
      %get3A_4626 = arith.constant 59 : i32
      %get3A_4627 = arith.index_cast %get3A_4625 : i32 to index
      %get3A_4628 = arith.index_cast %get3A_4626 : i32 to index
      %get3A_4629 = arith.constant 16 : index
      %get3A_4630 = tpu.vector_load %arg8[%get3A_4627, %get3A_4628, %get3A_4629] {strides = array<i32>} : memref<2x64x128xf32, #tpu.memory_space<vmem>>, vector<16xf32>,
      %mul3A_4631 = vector.broadcast %squeeze3A_4615 : f32 to vector<16xf32>
      %mul3A_4632 = arith.mulf %mul3A_4631, %get3A_4630 : vector<16xf32>
      %add3A_4633 = arith.addf %add3A_4559, %mul3A_4632 : vector<16xf32>
      %get3A_4634 = arith.constant 1 : i32
      %get3A_4635 = arith.constant 59 : i32
      %get3A_4636 = arith.index_cast %get3A_4634 : i32 to index
      %get3A_4637 = arith.index_cast %get3A_4635 : i32 to index
      %get3A_4638 = arith.constant 32 : index
      %get3A_4639 = tpu.vector_load %arg8[%get3A_4636, %get3A_4637, %get3A_4638] {strides = array<i32>} : memref<2x64x128xf32, #tpu.memory_space<vmem>>, vector<16xf32>,
      %mul3A_4640 = vector.broadcast %squeeze3A_4615 : f32 to vector<16xf32>
      %mul3A_4641 = arith.mulf %mul3A_4640, %get3A_4639 : vector<16xf32>
      %add3A_4642 = arith.addf %add3A_4568, %mul3A_4641 : vector<16xf32>
      %get3A_4643 = arith.constant 1 : i32
      %get3A_4644 = arith.constant 59 : i32
      %get3A_4645 = arith.index_cast %get3A_4643 : i32 to index
      %get3A_4646 = arith.index_cast %get3A_4644 : i32 to index
      %get3A_4647 = arith.constant 48 : index
      %get3A_4648 = tpu.vector_load %arg8[%get3A_4645, %get3A_4646, %get3A_4647] {strides = array<i32>} : memref<2x64x128xf32, #tpu.memory_space<vmem>>, vector<16xf32>,
      %mul3A_4649 = vector.broadcast %squeeze3A_4615 : f32 to vector<16xf32>
      %mul3A_4650 = arith.mulf %mul3A_4649, %get3A_4648 : vector<16xf32>
      %add3A_4651 = arith.addf %add3A_4577, %mul3A_4650 : vector<16xf32>
      %get3A_4652 = arith.constant 1 : i32
      %get3A_4653 = arith.constant 59 : i32
      %get3A_4654 = arith.index_cast %get3A_4652 : i32 to index
      %get3A_4655 = arith.index_cast %get3A_4653 : i32 to index
      %get3A_4656 = arith.constant 64 : index
      %get3A_4657 = tpu.vector_load %arg8[%get3A_4654, %get3A_4655, %get3A_4656] {strides = array<i32>} : memref<2x64x128xf32, #tpu.memory_space<vmem>>, vector<16xf32>,
      %mul3A_4658 = vector.broadcast %squeeze3A_4615 : f32 to vector<16xf32>
      %mul3A_4659 = arith.mulf %mul3A_4658, %get3A_4657 : vector<16xf32>
      %add3A_4660 = arith.addf %add3A_4586, %mul3A_4659 : vector<16xf32>
      %get3A_4661 = arith.constant 1 : i32
      %get3A_4662 = arith.constant 59 : i32
      %get3A_4663 = arith.index_cast %get3A_4661 : i32 to index
      %get3A_4664 = arith.index_cast %get3A_4662 : i32 to index
      %get3A_4665 = arith.constant 80 : index
      %get3A_4666 = tpu.vector_load %arg8[%get3A_4663, %get3A_4664, %get3A_4665] {strides = array<i32>} : memref<2x64x128xf32, #tpu.memory_space<vmem>>, vector<16xf32>,
      %mul3A_4667 = vector.broadcast %squeeze3A_4615 : f32 to vector<16xf32>
      %mul3A_4668 = arith.mulf %mul3A_4667, %get3A_4666 : vector<16xf32>
      %add3A_4669 = arith.addf %add3A_4595, %mul3A_4668 : vector<16xf32>
      %get3A_4670 = arith.constant 1 : i32
      %get3A_4671 = arith.constant 59 : i32
      %get3A_4672 = arith.index_cast %get3A_4670 : i32 to index
      %get3A_4673 = arith.index_cast %get3A_4671 : i32 to index
      %get3A_4674 = arith.constant 96 : index
      %get3A_4675 = tpu.vector_load %arg8[%get3A_4672, %get3A_4673, %get3A_4674] {strides = array<i32>} : memref<2x64x128xf32, #tpu.memory_space<vmem>>, vector<16xf32>,
      %mul3A_4676 = vector.broadcast %squeeze3A_4615 : f32 to vector<16xf32>
      %mul3A_4677 = arith.mulf %mul3A_4676, %get3A_4675 : vector<16xf32>
      %add3A_4678 = arith.addf %add3A_4604, %mul3A_4677 : vector<16xf32>
      %get3A_4679 = arith.constant 1 : i32
      %get3A_4680 = arith.constant 59 : i32
      %get3A_4681 = arith.index_cast %get3A_4679 : i32 to index
      %get3A_4682 = arith.index_cast %get3A_4680 : i32 to index
      %get3A_4683 = arith.constant 112 : index
      %get3A_4684 = tpu.vector_load %arg8[%get3A_4681, %get3A_4682, %get3A_4683] {strides = array<i32>} : memref<2x64x128xf32, #tpu.memory_space<vmem>>, vector<16xf32>,
      %mul3A_4685 = vector.broadcast %squeeze3A_4615 : f32 to vector<16xf32>
      %mul3A_4686 = arith.mulf %mul3A_4685, %get3A_4684 : vector<16xf32>
      %add3A_4687 = arith.addf %add3A_4613, %mul3A_4686 : vector<16xf32>
      %slice3A_4688 = vector.extract_strided_slice %div3A_2599 {offsets = [12], sizes = [1], strides = [1]} : vector<16xf32> to vector<1xf32>
      %squeeze3A_4689 = vector.extract %slice3A_4688[0] : f32 from vector<1xf32>
      %get3A_4690 = arith.constant 1 : i32
      %get3A_4691 = arith.constant 60 : i32
      %get3A_4692 = arith.index_cast %get3A_4690 : i32 to index
      %get3A_4693 = arith.index_cast %get3A_4691 : i32 to index
      %get3A_4694 = arith.constant 0 : index
      %get3A_4695 = tpu.vector_load %arg8[%get3A_4692, %get3A_4693, %get3A_4694] {strides = array<i32>} : memref<2x64x128xf32, #tpu.memory_space<vmem>>, vector<16xf32>,
      %mul3A_4696 = vector.broadcast %squeeze3A_4689 : f32 to vector<16xf32>
      %mul3A_4697 = arith.mulf %mul3A_4696, %get3A_4695 : vector<16xf32>
      %add3A_4698 = arith.addf %add3A_4624, %mul3A_4697 : vector<16xf32>
      %get3A_4699 = arith.constant 1 : i32
      %get3A_4700 = arith.constant 60 : i32
      %get3A_4701 = arith.index_cast %get3A_4699 : i32 to index
      %get3A_4702 = arith.index_cast %get3A_4700 : i32 to index
      %get3A_4703 = arith.constant 16 : index
      %get3A_4704 = tpu.vector_load %arg8[%get3A_4701, %get3A_4702, %get3A_4703] {strides = array<i32>} : memref<2x64x128xf32, #tpu.memory_space<vmem>>, vector<16xf32>,
      %mul3A_4705 = vector.broadcast %squeeze3A_4689 : f32 to vector<16xf32>
      %mul3A_4706 = arith.mulf %mul3A_4705, %get3A_4704 : vector<16xf32>
      %add3A_4707 = arith.addf %add3A_4633, %mul3A_4706 : vector<16xf32>
      %get3A_4708 = arith.constant 1 : i32
      %get3A_4709 = arith.constant 60 : i32
      %get3A_4710 = arith.index_cast %get3A_4708 : i32 to index
      %get3A_4711 = arith.index_cast %get3A_4709 : i32 to index
      %get3A_4712 = arith.constant 32 : index
      %get3A_4713 = tpu.vector_load %arg8[%get3A_4710, %get3A_4711, %get3A_4712] {strides = array<i32>} : memref<2x64x128xf32, #tpu.memory_space<vmem>>, vector<16xf32>,
      %mul3A_4714 = vector.broadcast %squeeze3A_4689 : f32 to vector<16xf32>
      %mul3A_4715 = arith.mulf %mul3A_4714, %get3A_4713 : vector<16xf32>
      %add3A_4716 = arith.addf %add3A_4642, %mul3A_4715 : vector<16xf32>
      %get3A_4717 = arith.constant 1 : i32
      %get3A_4718 = arith.constant 60 : i32
      %get3A_4719 = arith.index_cast %get3A_4717 : i32 to index
      %get3A_4720 = arith.index_cast %get3A_4718 : i32 to index
      %get3A_4721 = arith.constant 48 : index
      %get3A_4722 = tpu.vector_load %arg8[%get3A_4719, %get3A_4720, %get3A_4721] {strides = array<i32>} : memref<2x64x128xf32, #tpu.memory_space<vmem>>, vector<16xf32>,
      %mul3A_4723 = vector.broadcast %squeeze3A_4689 : f32 to vector<16xf32>
      %mul3A_4724 = arith.mulf %mul3A_4723, %get3A_4722 : vector<16xf32>
      %add3A_4725 = arith.addf %add3A_4651, %mul3A_4724 : vector<16xf32>
      %get3A_4726 = arith.constant 1 : i32
      %get3A_4727 = arith.constant 60 : i32
      %get3A_4728 = arith.index_cast %get3A_4726 : i32 to index
      %get3A_4729 = arith.index_cast %get3A_4727 : i32 to index
      %get3A_4730 = arith.constant 64 : index
      %get3A_4731 = tpu.vector_load %arg8[%get3A_4728, %get3A_4729, %get3A_4730] {strides = array<i32>} : memref<2x64x128xf32, #tpu.memory_space<vmem>>, vector<16xf32>,
      %mul3A_4732 = vector.broadcast %squeeze3A_4689 : f32 to vector<16xf32>
      %mul3A_4733 = arith.mulf %mul3A_4732, %get3A_4731 : vector<16xf32>
      %add3A_4734 = arith.addf %add3A_4660, %mul3A_4733 : vector<16xf32>
      %get3A_4735 = arith.constant 1 : i32
      %get3A_4736 = arith.constant 60 : i32
      %get3A_4737 = arith.index_cast %get3A_4735 : i32 to index
      %get3A_4738 = arith.index_cast %get3A_4736 : i32 to index
      %get3A_4739 = arith.constant 80 : index
      %get3A_4740 = tpu.vector_load %arg8[%get3A_4737, %get3A_4738, %get3A_4739] {strides = array<i32>} : memref<2x64x128xf32, #tpu.memory_space<vmem>>, vector<16xf32>,
      %mul3A_4741 = vector.broadcast %squeeze3A_4689 : f32 to vector<16xf32>
      %mul3A_4742 = arith.mulf %mul3A_4741, %get3A_4740 : vector<16xf32>
      %add3A_4743 = arith.addf %add3A_4669, %mul3A_4742 : vector<16xf32>
      %get3A_4744 = arith.constant 1 : i32
      %get3A_4745 = arith.constant 60 : i32
      %get3A_4746 = arith.index_cast %get3A_4744 : i32 to index
      %get3A_4747 = arith.index_cast %get3A_4745 : i32 to index
      %get3A_4748 = arith.constant 96 : index
      %get3A_4749 = tpu.vector_load %arg8[%get3A_4746, %get3A_4747, %get3A_4748] {strides = array<i32>} : memref<2x64x128xf32, #tpu.memory_space<vmem>>, vector<16xf32>,
      %mul3A_4750 = vector.broadcast %squeeze3A_4689 : f32 to vector<16xf32>
      %mul3A_4751 = arith.mulf %mul3A_4750, %get3A_4749 : vector<16xf32>
      %add3A_4752 = arith.addf %add3A_4678, %mul3A_4751 : vector<16xf32>
      %get3A_4753 = arith.constant 1 : i32
      %get3A_4754 = arith.constant 60 : i32
      %get3A_4755 = arith.index_cast %get3A_4753 : i32 to index
      %get3A_4756 = arith.index_cast %get3A_4754 : i32 to index
      %get3A_4757 = arith.constant 112 : index
      %get3A_4758 = tpu.vector_load %arg8[%get3A_4755, %get3A_4756, %get3A_4757] {strides = array<i32>} : memref<2x64x128xf32, #tpu.memory_space<vmem>>, vector<16xf32>,
      %mul3A_4759 = vector.broadcast %squeeze3A_4689 : f32 to vector<16xf32>
      %mul3A_4760 = arith.mulf %mul3A_4759, %get3A_4758 : vector<16xf32>
      %add3A_4761 = arith.addf %add3A_4687, %mul3A_4760 : vector<16xf32>
      %slice3A_4762 = vector.extract_strided_slice %div3A_2599 {offsets = [13], sizes = [1], strides = [1]} : vector<16xf32> to vector<1xf32>
      %squeeze3A_4763 = vector.extract %slice3A_4762[0] : f32 from vector<1xf32>
      %get3A_4764 = arith.constant 1 : i32
      %get3A_4765 = arith.constant 61 : i32
      %get3A_4766 = arith.index_cast %get3A_4764 : i32 to index
      %get3A_4767 = arith.index_cast %get3A_4765 : i32 to index
      %get3A_4768 = arith.constant 0 : index
      %get3A_4769 = tpu.vector_load %arg8[%get3A_4766, %get3A_4767, %get3A_4768] {strides = array<i32>} : memref<2x64x128xf32, #tpu.memory_space<vmem>>, vector<16xf32>,
      %mul3A_4770 = vector.broadcast %squeeze3A_4763 : f32 to vector<16xf32>
      %mul3A_4771 = arith.mulf %mul3A_4770, %get3A_4769 : vector<16xf32>
      %add3A_4772 = arith.addf %add3A_4698, %mul3A_4771 : vector<16xf32>
      %get3A_4773 = arith.constant 1 : i32
      %get3A_4774 = arith.constant 61 : i32
      %get3A_4775 = arith.index_cast %get3A_4773 : i32 to index
      %get3A_4776 = arith.index_cast %get3A_4774 : i32 to index
      %get3A_4777 = arith.constant 16 : index
      %get3A_4778 = tpu.vector_load %arg8[%get3A_4775, %get3A_4776, %get3A_4777] {strides = array<i32>} : memref<2x64x128xf32, #tpu.memory_space<vmem>>, vector<16xf32>,
      %mul3A_4779 = vector.broadcast %squeeze3A_4763 : f32 to vector<16xf32>
      %mul3A_4780 = arith.mulf %mul3A_4779, %get3A_4778 : vector<16xf32>
      %add3A_4781 = arith.addf %add3A_4707, %mul3A_4780 : vector<16xf32>
      %get3A_4782 = arith.constant 1 : i32
      %get3A_4783 = arith.constant 61 : i32
      %get3A_4784 = arith.index_cast %get3A_4782 : i32 to index
      %get3A_4785 = arith.index_cast %get3A_4783 : i32 to index
      %get3A_4786 = arith.constant 32 : index
      %get3A_4787 = tpu.vector_load %arg8[%get3A_4784, %get3A_4785, %get3A_4786] {strides = array<i32>} : memref<2x64x128xf32, #tpu.memory_space<vmem>>, vector<16xf32>,
      %mul3A_4788 = vector.broadcast %squeeze3A_4763 : f32 to vector<16xf32>
      %mul3A_4789 = arith.mulf %mul3A_4788, %get3A_4787 : vector<16xf32>
      %add3A_4790 = arith.addf %add3A_4716, %mul3A_4789 : vector<16xf32>
      %get3A_4791 = arith.constant 1 : i32
      %get3A_4792 = arith.constant 61 : i32
      %get3A_4793 = arith.index_cast %get3A_4791 : i32 to index
      %get3A_4794 = arith.index_cast %get3A_4792 : i32 to index
      %get3A_4795 = arith.constant 48 : index
      %get3A_4796 = tpu.vector_load %arg8[%get3A_4793, %get3A_4794, %get3A_4795] {strides = array<i32>} : memref<2x64x128xf32, #tpu.memory_space<vmem>>, vector<16xf32>,
      %mul3A_4797 = vector.broadcast %squeeze3A_4763 : f32 to vector<16xf32>
      %mul3A_4798 = arith.mulf %mul3A_4797, %get3A_4796 : vector<16xf32>
      %add3A_4799 = arith.addf %add3A_4725, %mul3A_4798 : vector<16xf32>
      %get3A_4800 = arith.constant 1 : i32
      %get3A_4801 = arith.constant 61 : i32
      %get3A_4802 = arith.index_cast %get3A_4800 : i32 to index
      %get3A_4803 = arith.index_cast %get3A_4801 : i32 to index
      %get3A_4804 = arith.constant 64 : index
      %get3A_4805 = tpu.vector_load %arg8[%get3A_4802, %get3A_4803, %get3A_4804] {strides = array<i32>} : memref<2x64x128xf32, #tpu.memory_space<vmem>>, vector<16xf32>,
      %mul3A_4806 = vector.broadcast %squeeze3A_4763 : f32 to vector<16xf32>
      %mul3A_4807 = arith.mulf %mul3A_4806, %get3A_4805 : vector<16xf32>
      %add3A_4808 = arith.addf %add3A_4734, %mul3A_4807 : vector<16xf32>
      %get3A_4809 = arith.constant 1 : i32
      %get3A_4810 = arith.constant 61 : i32
      %get3A_4811 = arith.index_cast %get3A_4809 : i32 to index
      %get3A_4812 = arith.index_cast %get3A_4810 : i32 to index
      %get3A_4813 = arith.constant 80 : index
      %get3A_4814 = tpu.vector_load %arg8[%get3A_4811, %get3A_4812, %get3A_4813] {strides = array<i32>} : memref<2x64x128xf32, #tpu.memory_space<vmem>>, vector<16xf32>,
      %mul3A_4815 = vector.broadcast %squeeze3A_4763 : f32 to vector<16xf32>
      %mul3A_4816 = arith.mulf %mul3A_4815, %get3A_4814 : vector<16xf32>
      %add3A_4817 = arith.addf %add3A_4743, %mul3A_4816 : vector<16xf32>
      %get3A_4818 = arith.constant 1 : i32
      %get3A_4819 = arith.constant 61 : i32
      %get3A_4820 = arith.index_cast %get3A_4818 : i32 to index
      %get3A_4821 = arith.index_cast %get3A_4819 : i32 to index
      %get3A_4822 = arith.constant 96 : index
      %get3A_4823 = tpu.vector_load %arg8[%get3A_4820, %get3A_4821, %get3A_4822] {strides = array<i32>} : memref<2x64x128xf32, #tpu.memory_space<vmem>>, vector<16xf32>,
      %mul3A_4824 = vector.broadcast %squeeze3A_4763 : f32 to vector<16xf32>
      %mul3A_4825 = arith.mulf %mul3A_4824, %get3A_4823 : vector<16xf32>
      %add3A_4826 = arith.addf %add3A_4752, %mul3A_4825 : vector<16xf32>
      %get3A_4827 = arith.constant 1 : i32
      %get3A_4828 = arith.constant 61 : i32
      %get3A_4829 = arith.index_cast %get3A_4827 : i32 to index
      %get3A_4830 = arith.index_cast %get3A_4828 : i32 to index
      %get3A_4831 = arith.constant 112 : index
      %get3A_4832 = tpu.vector_load %arg8[%get3A_4829, %get3A_4830, %get3A_4831] {strides = array<i32>} : memref<2x64x128xf32, #tpu.memory_space<vmem>>, vector<16xf32>,
      %mul3A_4833 = vector.broadcast %squeeze3A_4763 : f32 to vector<16xf32>
      %mul3A_4834 = arith.mulf %mul3A_4833, %get3A_4832 : vector<16xf32>
      %add3A_4835 = arith.addf %add3A_4761, %mul3A_4834 : vector<16xf32>
      %slice3A_4836 = vector.extract_strided_slice %div3A_2599 {offsets = [14], sizes = [1], strides = [1]} : vector<16xf32> to vector<1xf32>
      %squeeze3A_4837 = vector.extract %slice3A_4836[0] : f32 from vector<1xf32>
      %get3A_4838 = arith.constant 1 : i32
      %get3A_4839 = arith.constant 62 : i32
      %get3A_4840 = arith.index_cast %get3A_4838 : i32 to index
      %get3A_4841 = arith.index_cast %get3A_4839 : i32 to index
      %get3A_4842 = arith.constant 0 : index
      %get3A_4843 = tpu.vector_load %arg8[%get3A_4840, %get3A_4841, %get3A_4842] {strides = array<i32>} : memref<2x64x128xf32, #tpu.memory_space<vmem>>, vector<16xf32>,
      %mul3A_4844 = vector.broadcast %squeeze3A_4837 : f32 to vector<16xf32>
      %mul3A_4845 = arith.mulf %mul3A_4844, %get3A_4843 : vector<16xf32>
      %add3A_4846 = arith.addf %add3A_4772, %mul3A_4845 : vector<16xf32>
      %get3A_4847 = arith.constant 1 : i32
      %get3A_4848 = arith.constant 62 : i32
      %get3A_4849 = arith.index_cast %get3A_4847 : i32 to index
      %get3A_4850 = arith.index_cast %get3A_4848 : i32 to index
      %get3A_4851 = arith.constant 16 : index
      %get3A_4852 = tpu.vector_load %arg8[%get3A_4849, %get3A_4850, %get3A_4851] {strides = array<i32>} : memref<2x64x128xf32, #tpu.memory_space<vmem>>, vector<16xf32>,
      %mul3A_4853 = vector.broadcast %squeeze3A_4837 : f32 to vector<16xf32>
      %mul3A_4854 = arith.mulf %mul3A_4853, %get3A_4852 : vector<16xf32>
      %add3A_4855 = arith.addf %add3A_4781, %mul3A_4854 : vector<16xf32>
      %get3A_4856 = arith.constant 1 : i32
      %get3A_4857 = arith.constant 62 : i32
      %get3A_4858 = arith.index_cast %get3A_4856 : i32 to index
      %get3A_4859 = arith.index_cast %get3A_4857 : i32 to index
      %get3A_4860 = arith.constant 32 : index
      %get3A_4861 = tpu.vector_load %arg8[%get3A_4858, %get3A_4859, %get3A_4860] {strides = array<i32>} : memref<2x64x128xf32, #tpu.memory_space<vmem>>, vector<16xf32>,
      %mul3A_4862 = vector.broadcast %squeeze3A_4837 : f32 to vector<16xf32>
      %mul3A_4863 = arith.mulf %mul3A_4862, %get3A_4861 : vector<16xf32>
      %add3A_4864 = arith.addf %add3A_4790, %mul3A_4863 : vector<16xf32>
      %get3A_4865 = arith.constant 1 : i32
      %get3A_4866 = arith.constant 62 : i32
      %get3A_4867 = arith.index_cast %get3A_4865 : i32 to index
      %get3A_4868 = arith.index_cast %get3A_4866 : i32 to index
      %get3A_4869 = arith.constant 48 : index
      %get3A_4870 = tpu.vector_load %arg8[%get3A_4867, %get3A_4868, %get3A_4869] {strides = array<i32>} : memref<2x64x128xf32, #tpu.memory_space<vmem>>, vector<16xf32>,
      %mul3A_4871 = vector.broadcast %squeeze3A_4837 : f32 to vector<16xf32>
      %mul3A_4872 = arith.mulf %mul3A_4871, %get3A_4870 : vector<16xf32>
      %add3A_4873 = arith.addf %add3A_4799, %mul3A_4872 : vector<16xf32>
      %get3A_4874 = arith.constant 1 : i32
      %get3A_4875 = arith.constant 62 : i32
      %get3A_4876 = arith.index_cast %get3A_4874 : i32 to index
      %get3A_4877 = arith.index_cast %get3A_4875 : i32 to index
      %get3A_4878 = arith.constant 64 : index
      %get3A_4879 = tpu.vector_load %arg8[%get3A_4876, %get3A_4877, %get3A_4878] {strides = array<i32>} : memref<2x64x128xf32, #tpu.memory_space<vmem>>, vector<16xf32>,
      %mul3A_4880 = vector.broadcast %squeeze3A_4837 : f32 to vector<16xf32>
      %mul3A_4881 = arith.mulf %mul3A_4880, %get3A_4879 : vector<16xf32>
      %add3A_4882 = arith.addf %add3A_4808, %mul3A_4881 : vector<16xf32>
      %get3A_4883 = arith.constant 1 : i32
      %get3A_4884 = arith.constant 62 : i32
      %get3A_4885 = arith.index_cast %get3A_4883 : i32 to index
      %get3A_4886 = arith.index_cast %get3A_4884 : i32 to index
      %get3A_4887 = arith.constant 80 : index
      %get3A_4888 = tpu.vector_load %arg8[%get3A_4885, %get3A_4886, %get3A_4887] {strides = array<i32>} : memref<2x64x128xf32, #tpu.memory_space<vmem>>, vector<16xf32>,
      %mul3A_4889 = vector.broadcast %squeeze3A_4837 : f32 to vector<16xf32>
      %mul3A_4890 = arith.mulf %mul3A_4889, %get3A_4888 : vector<16xf32>
      %add3A_4891 = arith.addf %add3A_4817, %mul3A_4890 : vector<16xf32>
      %get3A_4892 = arith.constant 1 : i32
      %get3A_4893 = arith.constant 62 : i32
      %get3A_4894 = arith.index_cast %get3A_4892 : i32 to index
      %get3A_4895 = arith.index_cast %get3A_4893 : i32 to index
      %get3A_4896 = arith.constant 96 : index
      %get3A_4897 = tpu.vector_load %arg8[%get3A_4894, %get3A_4895, %get3A_4896] {strides = array<i32>} : memref<2x64x128xf32, #tpu.memory_space<vmem>>, vector<16xf32>,
      %mul3A_4898 = vector.broadcast %squeeze3A_4837 : f32 to vector<16xf32>
      %mul3A_4899 = arith.mulf %mul3A_4898, %get3A_4897 : vector<16xf32>
      %add3A_4900 = arith.addf %add3A_4826, %mul3A_4899 : vector<16xf32>
      %get3A_4901 = arith.constant 1 : i32
      %get3A_4902 = arith.constant 62 : i32
      %get3A_4903 = arith.index_cast %get3A_4901 : i32 to index
      %get3A_4904 = arith.index_cast %get3A_4902 : i32 to index
      %get3A_4905 = arith.constant 112 : index
      %get3A_4906 = tpu.vector_load %arg8[%get3A_4903, %get3A_4904, %get3A_4905] {strides = array<i32>} : memref<2x64x128xf32, #tpu.memory_space<vmem>>, vector<16xf32>,
      %mul3A_4907 = vector.broadcast %squeeze3A_4837 : f32 to vector<16xf32>
      %mul3A_4908 = arith.mulf %mul3A_4907, %get3A_4906 : vector<16xf32>
      %add3A_4909 = arith.addf %add3A_4835, %mul3A_4908 : vector<16xf32>
      %slice3A_4910 = vector.extract_strided_slice %div3A_2599 {offsets = [15], sizes = [1], strides = [1]} : vector<16xf32> to vector<1xf32>
      %squeeze3A_4911 = vector.extract %slice3A_4910[0] : f32 from vector<1xf32>
      %get3A_4912 = arith.constant 1 : i32
      %get3A_4913 = arith.constant 63 : i32
      %get3A_4914 = arith.index_cast %get3A_4912 : i32 to index
      %get3A_4915 = arith.index_cast %get3A_4913 : i32 to index
      %get3A_4916 = arith.constant 0 : index
      %get3A_4917 = tpu.vector_load %arg8[%get3A_4914, %get3A_4915, %get3A_4916] {strides = array<i32>} : memref<2x64x128xf32, #tpu.memory_space<vmem>>, vector<16xf32>,
      %mul3A_4918 = vector.broadcast %squeeze3A_4911 : f32 to vector<16xf32>
      %mul3A_4919 = arith.mulf %mul3A_4918, %get3A_4917 : vector<16xf32>
      %add3A_4920 = arith.addf %add3A_4846, %mul3A_4919 : vector<16xf32>
      %get3A_4921 = arith.constant 1 : i32
      %get3A_4922 = arith.constant 63 : i32
      %get3A_4923 = arith.index_cast %get3A_4921 : i32 to index
      %get3A_4924 = arith.index_cast %get3A_4922 : i32 to index
      %get3A_4925 = arith.constant 16 : index
      %get3A_4926 = tpu.vector_load %arg8[%get3A_4923, %get3A_4924, %get3A_4925] {strides = array<i32>} : memref<2x64x128xf32, #tpu.memory_space<vmem>>, vector<16xf32>,
      %mul3A_4927 = vector.broadcast %squeeze3A_4911 : f32 to vector<16xf32>
      %mul3A_4928 = arith.mulf %mul3A_4927, %get3A_4926 : vector<16xf32>
      %add3A_4929 = arith.addf %add3A_4855, %mul3A_4928 : vector<16xf32>
      %get3A_4930 = arith.constant 1 : i32
      %get3A_4931 = arith.constant 63 : i32
      %get3A_4932 = arith.index_cast %get3A_4930 : i32 to index
      %get3A_4933 = arith.index_cast %get3A_4931 : i32 to index
      %get3A_4934 = arith.constant 32 : index
      %get3A_4935 = tpu.vector_load %arg8[%get3A_4932, %get3A_4933, %get3A_4934] {strides = array<i32>} : memref<2x64x128xf32, #tpu.memory_space<vmem>>, vector<16xf32>,
      %mul3A_4936 = vector.broadcast %squeeze3A_4911 : f32 to vector<16xf32>
      %mul3A_4937 = arith.mulf %mul3A_4936, %get3A_4935 : vector<16xf32>
      %add3A_4938 = arith.addf %add3A_4864, %mul3A_4937 : vector<16xf32>
      %get3A_4939 = arith.constant 1 : i32
      %get3A_4940 = arith.constant 63 : i32
      %get3A_4941 = arith.index_cast %get3A_4939 : i32 to index
      %get3A_4942 = arith.index_cast %get3A_4940 : i32 to index
      %get3A_4943 = arith.constant 48 : index
      %get3A_4944 = tpu.vector_load %arg8[%get3A_4941, %get3A_4942, %get3A_4943] {strides = array<i32>} : memref<2x64x128xf32, #tpu.memory_space<vmem>>, vector<16xf32>,
      %mul3A_4945 = vector.broadcast %squeeze3A_4911 : f32 to vector<16xf32>
      %mul3A_4946 = arith.mulf %mul3A_4945, %get3A_4944 : vector<16xf32>
      %add3A_4947 = arith.addf %add3A_4873, %mul3A_4946 : vector<16xf32>
      %get3A_4948 = arith.constant 1 : i32
      %get3A_4949 = arith.constant 63 : i32
      %get3A_4950 = arith.index_cast %get3A_4948 : i32 to index
      %get3A_4951 = arith.index_cast %get3A_4949 : i32 to index
      %get3A_4952 = arith.constant 64 : index
      %get3A_4953 = tpu.vector_load %arg8[%get3A_4950, %get3A_4951, %get3A_4952] {strides = array<i32>} : memref<2x64x128xf32, #tpu.memory_space<vmem>>, vector<16xf32>,
      %mul3A_4954 = vector.broadcast %squeeze3A_4911 : f32 to vector<16xf32>
      %mul3A_4955 = arith.mulf %mul3A_4954, %get3A_4953 : vector<16xf32>
      %add3A_4956 = arith.addf %add3A_4882, %mul3A_4955 : vector<16xf32>
      %get3A_4957 = arith.constant 1 : i32
      %get3A_4958 = arith.constant 63 : i32
      %get3A_4959 = arith.index_cast %get3A_4957 : i32 to index
      %get3A_4960 = arith.index_cast %get3A_4958 : i32 to index
      %get3A_4961 = arith.constant 80 : index
      %get3A_4962 = tpu.vector_load %arg8[%get3A_4959, %get3A_4960, %get3A_4961] {strides = array<i32>} : memref<2x64x128xf32, #tpu.memory_space<vmem>>, vector<16xf32>,
      %mul3A_4963 = vector.broadcast %squeeze3A_4911 : f32 to vector<16xf32>
      %mul3A_4964 = arith.mulf %mul3A_4963, %get3A_4962 : vector<16xf32>
      %add3A_4965 = arith.addf %add3A_4891, %mul3A_4964 : vector<16xf32>
      %get3A_4966 = arith.constant 1 : i32
      %get3A_4967 = arith.constant 63 : i32
      %get3A_4968 = arith.index_cast %get3A_4966 : i32 to index
      %get3A_4969 = arith.index_cast %get3A_4967 : i32 to index
      %get3A_4970 = arith.constant 96 : index
      %get3A_4971 = tpu.vector_load %arg8[%get3A_4968, %get3A_4969, %get3A_4970] {strides = array<i32>} : memref<2x64x128xf32, #tpu.memory_space<vmem>>, vector<16xf32>,
      %mul3A_4972 = vector.broadcast %squeeze3A_4911 : f32 to vector<16xf32>
      %mul3A_4973 = arith.mulf %mul3A_4972, %get3A_4971 : vector<16xf32>
      %add3A_4974 = arith.addf %add3A_4900, %mul3A_4973 : vector<16xf32>
      %get3A_4975 = arith.constant 1 : i32
      %get3A_4976 = arith.constant 63 : i32
      %get3A_4977 = arith.index_cast %get3A_4975 : i32 to index
      %get3A_4978 = arith.index_cast %get3A_4976 : i32 to index
      %get3A_4979 = arith.constant 112 : index
      %get3A_4980 = tpu.vector_load %arg8[%get3A_4977, %get3A_4978, %get3A_4979] {strides = array<i32>} : memref<2x64x128xf32, #tpu.memory_space<vmem>>, vector<16xf32>,
      %mul3A_4981 = vector.broadcast %squeeze3A_4911 : f32 to vector<16xf32>
      %mul3A_4982 = arith.mulf %mul3A_4981, %get3A_4980 : vector<16xf32>
      %add3A_4983 = arith.addf %add3A_4909, %mul3A_4982 : vector<16xf32>
      %swap3A_4984 = arith.constant 1 : i32
      %swap3A_4985 = arith.constant 32 : i32
      %swap3A_4986 = arith.index_cast %swap3A_4984 : i32 to index
      %swap3A_4987 = arith.index_cast %swap3A_4985 : i32 to index
      %swap3A_4988 = arith.constant 0 : index
      %swap3A_4989 = tpu.vector_load %arg8[%swap3A_4986, %swap3A_4987, %swap3A_4988] {strides = array<i32>} : memref<2x64x128xf32, #tpu.memory_space<vmem>>, vector<16xf32>,
      tpu.vector_store %arg8[%swap3A_4986, %swap3A_4987, %swap3A_4988], %add3A_4920 {strides = array<i32>} : memref<2x64x128xf32, #tpu.memory_space<vmem>>, vector<16xf32>,
      %swap3A_4990 = arith.constant 1 : i32
      %swap3A_4991 = arith.constant 32 : i32
      %swap3A_4992 = arith.index_cast %swap3A_4990 : i32 to index
      %swap3A_4993 = arith.index_cast %swap3A_4991 : i32 to index
      %swap3A_4994 = arith.constant 16 : index
      %swap3A_4995 = tpu.vector_load %arg8[%swap3A_4992, %swap3A_4993, %swap3A_4994] {strides = array<i32>} : memref<2x64x128xf32, #tpu.memory_space<vmem>>, vector<16xf32>,
      tpu.vector_store %arg8[%swap3A_4992, %swap3A_4993, %swap3A_4994], %add3A_4929 {strides = array<i32>} : memref<2x64x128xf32, #tpu.memory_space<vmem>>, vector<16xf32>,
      %swap3A_4996 = arith.constant 1 : i32
      %swap3A_4997 = arith.constant 32 : i32
      %swap3A_4998 = arith.index_cast %swap3A_4996 : i32 to index
      %swap3A_4999 = arith.index_cast %swap3A_4997 : i32 to index
      %swap3A_5000 = arith.constant 32 : index
      %swap3A_5001 = tpu.vector_load %arg8[%swap3A_4998, %swap3A_4999, %swap3A_5000] {strides = array<i32>} : memref<2x64x128xf32, #tpu.memory_space<vmem>>, vector<16xf32>,
      tpu.vector_store %arg8[%swap3A_4998, %swap3A_4999, %swap3A_5000], %add3A_4938 {strides = array<i32>} : memref<2x64x128xf32, #tpu.memory_space<vmem>>, vector<16xf32>,
      %swap3A_5002 = arith.constant 1 : i32
      %swap3A_5003 = arith.constant 32 : i32
      %swap3A_5004 = arith.index_cast %swap3A_5002 : i32 to index
      %swap3A_5005 = arith.index_cast %swap3A_5003 : i32 to index
      %swap3A_5006 = arith.constant 48 : index
      %swap3A_5007 = tpu.vector_load %arg8[%swap3A_5004, %swap3A_5005, %swap3A_5006] {strides = array<i32>} : memref<2x64x128xf32, #tpu.memory_space<vmem>>, vector<16xf32>,
      tpu.vector_store %arg8[%swap3A_5004, %swap3A_5005, %swap3A_5006], %add3A_4947 {strides = array<i32>} : memref<2x64x128xf32, #tpu.memory_space<vmem>>, vector<16xf32>,
      %swap3A_5008 = arith.constant 1 : i32
      %swap3A_5009 = arith.constant 32 : i32
      %swap3A_5010 = arith.index_cast %swap3A_5008 : i32 to index
      %swap3A_5011 = arith.index_cast %swap3A_5009 : i32 to index
      %swap3A_5012 = arith.constant 64 : index
      %swap3A_5013 = tpu.vector_load %arg8[%swap3A_5010, %swap3A_5011, %swap3A_5012] {strides = array<i32>} : memref<2x64x128xf32, #tpu.memory_space<vmem>>, vector<16xf32>,
      tpu.vector_store %arg8[%swap3A_5010, %swap3A_5011, %swap3A_5012], %add3A_4956 {strides = array<i32>} : memref<2x64x128xf32, #tpu.memory_space<vmem>>, vector<16xf32>,
      %swap3A_5014 = arith.constant 1 : i32
      %swap3A_5015 = arith.constant 32 : i32
      %swap3A_5016 = arith.index_cast %swap3A_5014 : i32 to index
      %swap3A_5017 = arith.index_cast %swap3A_5015 : i32 to index
      %swap3A_5018 = arith.constant 80 : index
      %swap3A_5019 = tpu.vector_load %arg8[%swap3A_5016, %swap3A_5017, %swap3A_5018] {strides = array<i32>} : memref<2x64x128xf32, #tpu.memory_space<vmem>>, vector<16xf32>,
      tpu.vector_store %arg8[%swap3A_5016, %swap3A_5017, %swap3A_5018], %add3A_4965 {strides = array<i32>} : memref<2x64x128xf32, #tpu.memory_space<vmem>>, vector<16xf32>,
      %swap3A_5020 = arith.constant 1 : i32
      %swap3A_5021 = arith.constant 32 : i32
      %swap3A_5022 = arith.index_cast %swap3A_5020 : i32 to index
      %swap3A_5023 = arith.index_cast %swap3A_5021 : i32 to index
      %swap3A_5024 = arith.constant 96 : index
      %swap3A_5025 = tpu.vector_load %arg8[%swap3A_5022, %swap3A_5023, %swap3A_5024] {strides = array<i32>} : memref<2x64x128xf32, #tpu.memory_space<vmem>>, vector<16xf32>,
      tpu.vector_store %arg8[%swap3A_5022, %swap3A_5023, %swap3A_5024], %add3A_4974 {strides = array<i32>} : memref<2x64x128xf32, #tpu.memory_space<vmem>>, vector<16xf32>,
      %swap3A_5026 = arith.constant 1 : i32
      %swap3A_5027 = arith.constant 32 : i32
      %swap3A_5028 = arith.index_cast %swap3A_5026 : i32 to index
      %swap3A_5029 = arith.index_cast %swap3A_5027 : i32 to index
      %swap3A_5030 = arith.constant 112 : index
      %swap3A_5031 = tpu.vector_load %arg8[%swap3A_5028, %swap3A_5029, %swap3A_5030] {strides = array<i32>} : memref<2x64x128xf32, #tpu.memory_space<vmem>>, vector<16xf32>,
      tpu.vector_store %arg8[%swap3A_5028, %swap3A_5029, %swap3A_5030], %add3A_4983 {strides = array<i32>} : memref<2x64x128xf32, #tpu.memory_space<vmem>>, vector<16xf32>,
      %add3A_5032 = arith.addi %mul3A_2, %add3A_2551 : i32
      %dma_start3A_5033 = arith.constant 1 : i32
      %dma_start3A_5034 = arith.constant 0 : i32
      %dma_start3A_5035 = arith.constant 0 : i32
      %dma_start3A_5036 = tpu.memref_slice %arg8[%dma_start3A_5033, %dma_start3A_5034, %dma_start3A_5035] : memref<2x64x128xf32, #tpu.memory_space<vmem>> -> memref<1x33x128xf32, #tpu.memory_space<vmem>>
      %dma_start3A_5037 = tpu.memref_squeeze %dma_start3A_5036 : memref<1x33x128xf32, #tpu.memory_space<vmem>> -> memref<33x128xf32, #tpu.memory_space<vmem>>
      %dma_start3A_5038 = arith.constant 0 : i32
      %dma_start3A_5039 = arith.constant 0 : i32
      %dma_start3A_5040 = tpu.memref_slice %arg5[%add3A_5032, %dma_start3A_5038, %dma_start3A_5039] : memref<5120x33x128xf32, #tpu.memory_space<hbm>> -> memref<1x33x128xf32, #tpu.memory_space<hbm>>
      %dma_start3A_5041 = tpu.memref_squeeze %dma_start3A_5040 : memref<1x33x128xf32, #tpu.memory_space<hbm>> -> memref<33x128xf32, #tpu.memory_space<hbm>>
      %dma_start3A_5042 = arith.constant 0 : i32
      %dma_start3A_5043 = arith.constant 0 : i32
      %dma_start3A_5044 = tpu.memref_slice %arg5[%add3A_5032, %dma_start3A_5042, %dma_start3A_5043] : memref<5120x33x128xf32, #tpu.memory_space<hbm>> -> memref<1x33x128xf32, #tpu.memory_space<hbm>>
      %dma_start3A_5045 = tpu.memref_squeeze %dma_start3A_5044 : memref<1x33x128xf32, #tpu.memory_space<hbm>> -> memref<33x128xf32, #tpu.memory_space<hbm>>
      %dma_start3A_5046 = arith.constant 0 : i32
      %dma_start3A_5047 = arith.constant 0 : i32
      %dma_start3A_5048 = tpu.memref_slice %arg8[%dma_start3A_5033, %dma_start3A_5046, %dma_start3A_5047] : memref<2x64x128xf32, #tpu.memory_space<vmem>> -> memref<1x33x128xf32, #tpu.memory_space<vmem>>
      %dma_start3A_5049 = tpu.memref_squeeze %dma_start3A_5048 : memref<1x33x128xf32, #tpu.memory_space<vmem>> -> memref<33x128xf32, #tpu.memory_space<vmem>>
      tpu.enqueue_dma source(%dma_start3A_5049 : memref<33x128xf32, #tpu.memory_space<vmem>>) target(%dma_start3A_5045 : memref<33x128xf32, #tpu.memory_space<hbm>>) target_semaphore(%arg13 : memref<!tpu.dma_semaphore, #tpu.memory_space<semaphore_mem>>)
    }
    %scan3A_20 = arith.constant 80 : i32
    %add3A_21 = arith.constant 158 : i32
    %add3A_22 = arith.addi %mul3A_2, %add3A_21 : i32
    %dma_wait3A = arith.constant 0 : i32
    %dma_wait3A_23 = arith.constant 0 : i32
    %dma_wait3A_24 = arith.constant 0 : i32
    %dma_wait3A_25 = tpu.memref_slice %arg8[%dma_wait3A, %dma_wait3A_23, %dma_wait3A_24] : memref<2x64x128xf32, #tpu.memory_space<vmem>> -> memref<1x33x128xf32, #tpu.memory_space<vmem>>
    %dma_wait3A_26 = tpu.memref_squeeze %dma_wait3A_25 : memref<1x33x128xf32, #tpu.memory_space<vmem>> -> memref<33x128xf32, #tpu.memory_space<vmem>>
    %dma_wait3A_27 = arith.constant 0 : i32
    %dma_wait3A_28 = arith.constant 0 : i32
    %dma_wait3A_29 = tpu.memref_slice %arg5[%add3A_22, %dma_wait3A_27, %dma_wait3A_28] : memref<5120x33x128xf32, #tpu.memory_space<hbm>> -> memref<1x33x128xf32, #tpu.memory_space<hbm>>
    %dma_wait3A_30 = tpu.memref_squeeze %dma_wait3A_29 : memref<1x33x128xf32, #tpu.memory_space<hbm>> -> memref<33x128xf32, #tpu.memory_space<hbm>>
    %dma_wait3A_31 = arith.constant 0 : i32
    %dma_wait3A_32 = arith.constant 0 : i32
    %dma_wait3A_33 = tpu.memref_slice %arg5[%add3A_22, %dma_wait3A_31, %dma_wait3A_32] : memref<5120x33x128xf32, #tpu.memory_space<hbm>> -> memref<1x33x128xf32, #tpu.memory_space<hbm>>
    %dma_wait3A_34 = tpu.memref_squeeze %dma_wait3A_33 : memref<1x33x128xf32, #tpu.memory_space<hbm>> -> memref<33x128xf32, #tpu.memory_space<hbm>>
    %dma_wait3A_35 = arith.constant 0 : i32
    %dma_wait3A_36 = arith.constant 0 : i32
    %dma_wait3A_37 = tpu.memref_slice %arg8[%dma_wait3A, %dma_wait3A_35, %dma_wait3A_36] : memref<2x64x128xf32, #tpu.memory_space<vmem>> -> memref<1x33x128xf32, #tpu.memory_space<vmem>>
    %dma_wait3A_38 = tpu.memref_squeeze %dma_wait3A_37 : memref<1x33x128xf32, #tpu.memory_space<vmem>> -> memref<33x128xf32, #tpu.memory_space<vmem>>
    tpu.wait_dma2 semaphore(%arg12 : memref<!tpu.dma_semaphore, #tpu.memory_space<semaphore_mem>>) src(%dma_wait3A_38 : memref<33x128xf32, #tpu.memory_space<vmem>>) dst(%dma_wait3A_34 : memref<33x128xf32, #tpu.memory_space<hbm>>)
    %add3A_39 = arith.constant 159 : i32
    %add3A_40 = arith.addi %mul3A_2, %add3A_39 : i32
    %dma_wait3A_41 = arith.constant 1 : i32
    %dma_wait3A_42 = arith.constant 0 : i32
    %dma_wait3A_43 = arith.constant 0 : i32
    %dma_wait3A_44 = tpu.memref_slice %arg8[%dma_wait3A_41, %dma_wait3A_42, %dma_wait3A_43] : memref<2x64x128xf32, #tpu.memory_space<vmem>> -> memref<1x33x128xf32, #tpu.memory_space<vmem>>
    %dma_wait3A_45 = tpu.memref_squeeze %dma_wait3A_44 : memref<1x33x128xf32, #tpu.memory_space<vmem>> -> memref<33x128xf32, #tpu.memory_space<vmem>>
    %dma_wait3A_46 = arith.constant 0 : i32
    %dma_wait3A_47 = arith.constant 0 : i32
    %dma_wait3A_48 = tpu.memref_slice %arg5[%add3A_40, %dma_wait3A_46, %dma_wait3A_47] : memref<5120x33x128xf32, #tpu.memory_space<hbm>> -> memref<1x33x128xf32, #tpu.memory_space<hbm>>
    %dma_wait3A_49 = tpu.memref_squeeze %dma_wait3A_48 : memref<1x33x128xf32, #tpu.memory_space<hbm>> -> memref<33x128xf32, #tpu.memory_space<hbm>>
    %dma_wait3A_50 = arith.constant 0 : i32
    %dma_wait3A_51 = arith.constant 0 : i32
    %dma_wait3A_52 = tpu.memref_slice %arg5[%add3A_40, %dma_wait3A_50, %dma_wait3A_51] : memref<5120x33x128xf32, #tpu.memory_space<hbm>> -> memref<1x33x128xf32, #tpu.memory_space<hbm>>
    %dma_wait3A_53 = tpu.memref_squeeze %dma_wait3A_52 : memref<1x33x128xf32, #tpu.memory_space<hbm>> -> memref<33x128xf32, #tpu.memory_space<hbm>>
    %dma_wait3A_54 = arith.constant 0 : i32
    %dma_wait3A_55 = arith.constant 0 : i32
    %dma_wait3A_56 = tpu.memref_slice %arg8[%dma_wait3A_41, %dma_wait3A_54, %dma_wait3A_55] : memref<2x64x128xf32, #tpu.memory_space<vmem>> -> memref<1x33x128xf32, #tpu.memory_space<vmem>>
    %dma_wait3A_57 = tpu.memref_squeeze %dma_wait3A_56 : memref<1x33x128xf32, #tpu.memory_space<vmem>> -> memref<33x128xf32, #tpu.memory_space<vmem>>
    tpu.wait_dma2 semaphore(%arg13 : memref<!tpu.dma_semaphore, #tpu.memory_space<semaphore_mem>>) src(%dma_wait3A_57 : memref<33x128xf32, #tpu.memory_space<vmem>>) dst(%dma_wait3A_53 : memref<33x128xf32, #tpu.memory_space<hbm>>)
    return
  }
}

module attributes {stable_mosaic.version = 14 : i64} {
  func.func @_logits_body(%arg0: memref<10000x128xf32, #tpu.memory_space<vmem>>, %arg1: memref<128x1xf32, #tpu.memory_space<vmem>>, %arg2: memref<10000x1xf32, #tpu.memory_space<vmem>>) attributes {dimension_semantics = [], scalar_prefetch = 0 : i64, scratch_operands = 0 : i64, tpu.core_type = #tpu.core_type<tc>} {
    %get3A = arith.constant 0 : index
    %get3A_0 = arith.constant 0 : index
    %get3A_1 = vector.load %arg0[%get3A, %get3A_0] : memref<10000x128xf32, #tpu.memory_space<vmem>>, vector<10000x128xf32>
    %get3A_2 = arith.constant 0 : index
    %get3A_3 = arith.constant 0 : index
    %get3A_4 = vector.load %arg1[%get3A_2, %get3A_3] : memref<128x1xf32, #tpu.memory_space<vmem>>, vector<128x1xf32>
    %dot_general3A = arith.constant dense<0.000000e+00> : vector<10000x1xf32>
    %dot_general3A_5 = tpu.matmul %get3A_1, %get3A_4, %dot_general3A {dimension_numbers = #tpu.dot_dimension_numbers<[1], [0], [0], [1], [0, 0, 1, 1], [], []>, transpose_lhs_hint = false} : vector<10000x128xf32>, vector<128x1xf32>, vector<10000x1xf32> -> vector<10000x1xf32>
    %swap3A = arith.constant 0 : index
    %swap3A_6 = arith.constant 0 : index
    %swap3A_7 = vector.load %arg2[%swap3A, %swap3A_6] : memref<10000x1xf32, #tpu.memory_space<vmem>>, vector<10000x1xf32>
    tpu.vector_store %arg2[%swap3A, %swap3A_6], %dot_general3A_5 {strides = array<i32>} : memref<10000x1xf32, #tpu.memory_space<vmem>>, vector<10000x1xf32>,
    return
  }
}

module attributes {stable_mosaic.version = 14 : i64} {
  func.func @_cell_body(%arg0: i32, %arg1: memref<5000xi32, #tpu.memory_space<smem>>, %arg2: memref<512x33x128xf32, #tpu.memory_space<vmem>>, %arg3: memref<4224x128xf32, #tpu.memory_space<vmem>>, %arg4: memref<1x128xf32, #tpu.memory_space<vmem>>, %arg5: memref<10000x128xf32, #tpu.memory_space<vmem>>, %arg6: memref<10000x128xf32, #tpu.memory_space<vmem>>, %arg7: memref<512x128xf32, #tpu.memory_space<vmem>>) attributes {dimension_semantics = [#tpu.dimension_semantics<arbitrary>], iteration_bounds = array<i64: 10>, scalar_prefetch = 1 : i64, scratch_operands = 1 : i64, tpu.core_type = #tpu.core_type<tc>, window_params = [{transform_indices = @transform_0, window_bounds = array<i64: 512, 33, 128>}, {pipeline_mode = #tpu.pipeline_mode<synchronous>, transform_indices = @transform_1, window_bounds = array<i64: 4224, 128>}, {pipeline_mode = #tpu.pipeline_mode<synchronous>, transform_indices = @transform_2, window_bounds = array<i64: 1, 128>}, {pipeline_mode = #tpu.pipeline_mode<synchronous>, transform_indices = @transform_3, window_bounds = array<i64: 10000, 128>}, {pipeline_mode = #tpu.pipeline_mode<synchronous>, transform_indices = @transform_4, window_bounds = array<i64: 10000, 128>}]} {
    %eq3A = arith.constant 0 : i32
    %eq3A_0 = arith.cmpi eq, %arg0, %eq3A : i32
    %convert_element_type3A = arith.extui %eq3A_0 : i1 to i32
    %cond3A = arith.constant 0 : i32
    %cond3A_1 = arith.cmpi ne, %convert_element_type3A, %cond3A : i32
    scf.if %cond3A_1 {
      %get3A_378 = arith.constant 0 : index
      %get3A_379 = arith.constant 0 : index
      %get3A_380 = vector.load %arg5[%get3A_378, %get3A_379] : memref<10000x128xf32, #tpu.memory_space<vmem>>, vector<10000x128xf32>
      %swap3A_381 = arith.constant 0 : index
      %swap3A_382 = arith.constant 0 : index
      %swap3A_383 = vector.load %arg6[%swap3A_381, %swap3A_382] : memref<10000x128xf32, #tpu.memory_space<vmem>>, vector<10000x128xf32>
      tpu.vector_store %arg6[%swap3A_381, %swap3A_382], %get3A_380 {strides = array<i32>} : memref<10000x128xf32, #tpu.memory_space<vmem>>, vector<10000x128xf32>,
    } else {
    }
    %get3A = arith.constant 0 : index
    %get3A_2 = arith.constant 0 : index
    %get3A_3 = vector.load %arg4[%get3A, %get3A_2] : memref<1x128xf32, #tpu.memory_space<vmem>>, vector<1x128xf32>
    %get3A_4 = arith.constant 0 : index
    %get3A_5 = arith.constant 0 : index
    %get3A_6 = arith.constant 0 : index
    %get3A_7 = vector.load %arg2[%get3A_4, %get3A_5, %get3A_6] : memref<512x33x128xf32, #tpu.memory_space<vmem>>, vector<512x1x128xf32>
    %get3A_8 = vector.shape_cast %get3A_7 : vector<512x1x128xf32> to vector<512x128xf32>
    %get3A_9 = arith.constant 0 : index
    %get3A_10 = arith.constant 0 : index
    %get3A_11 = vector.load %arg3[%get3A_9, %get3A_10] : memref<4224x128xf32, #tpu.memory_space<vmem>>, vector<128x128xf32>
    %dot_general3A = arith.constant dense<0.000000e+00> : vector<512x128xf32>
    %dot_general3A_12 = tpu.matmul %get3A_8, %get3A_11, %dot_general3A {dimension_numbers = #tpu.dot_dimension_numbers<[1], [0], [0], [1], [0, 0, 1, 1], [], []>, transpose_lhs_hint = false} : vector<512x128xf32>, vector<128x128xf32>, vector<512x128xf32> -> vector<512x128xf32>
    %add3A = vector.broadcast %get3A_3 : vector<1x128xf32> to vector<512x128xf32>
    %add3A_13 = arith.addf %add3A, %dot_general3A_12 : vector<512x128xf32>
    %get3A_14 = arith.constant 0 : index
    %get3A_15 = arith.constant 1 : index
    %get3A_16 = arith.constant 0 : index
    %get3A_17 = vector.load %arg2[%get3A_14, %get3A_15, %get3A_16] : memref<512x33x128xf32, #tpu.memory_space<vmem>>, vector<512x1x128xf32>
    %get3A_18 = vector.shape_cast %get3A_17 : vector<512x1x128xf32> to vector<512x128xf32>
    %get3A_19 = arith.constant 128 : index
    %get3A_20 = arith.constant 0 : index
    %get3A_21 = vector.load %arg3[%get3A_19, %get3A_20] : memref<4224x128xf32, #tpu.memory_space<vmem>>, vector<128x128xf32>
    %dot_general3A_22 = arith.constant dense<0.000000e+00> : vector<512x128xf32>
    %dot_general3A_23 = tpu.matmul %get3A_18, %get3A_21, %dot_general3A_22 {dimension_numbers = #tpu.dot_dimension_numbers<[1], [0], [0], [1], [0, 0, 1, 1], [], []>, transpose_lhs_hint = false} : vector<512x128xf32>, vector<128x128xf32>, vector<512x128xf32> -> vector<512x128xf32>
    %add3A_24 = arith.addf %add3A_13, %dot_general3A_23 : vector<512x128xf32>
    %get3A_25 = arith.constant 0 : index
    %get3A_26 = arith.constant 2 : index
    %get3A_27 = arith.constant 0 : index
    %get3A_28 = vector.load %arg2[%get3A_25, %get3A_26, %get3A_27] : memref<512x33x128xf32, #tpu.memory_space<vmem>>, vector<512x1x128xf32>
    %get3A_29 = vector.shape_cast %get3A_28 : vector<512x1x128xf32> to vector<512x128xf32>
    %get3A_30 = arith.constant 256 : index
    %get3A_31 = arith.constant 0 : index
    %get3A_32 = vector.load %arg3[%get3A_30, %get3A_31] : memref<4224x128xf32, #tpu.memory_space<vmem>>, vector<128x128xf32>
    %dot_general3A_33 = arith.constant dense<0.000000e+00> : vector<512x128xf32>
    %dot_general3A_34 = tpu.matmul %get3A_29, %get3A_32, %dot_general3A_33 {dimension_numbers = #tpu.dot_dimension_numbers<[1], [0], [0], [1], [0, 0, 1, 1], [], []>, transpose_lhs_hint = false} : vector<512x128xf32>, vector<128x128xf32>, vector<512x128xf32> -> vector<512x128xf32>
    %add3A_35 = arith.addf %add3A_24, %dot_general3A_34 : vector<512x128xf32>
    %get3A_36 = arith.constant 0 : index
    %get3A_37 = arith.constant 3 : index
    %get3A_38 = arith.constant 0 : index
    %get3A_39 = vector.load %arg2[%get3A_36, %get3A_37, %get3A_38] : memref<512x33x128xf32, #tpu.memory_space<vmem>>, vector<512x1x128xf32>
    %get3A_40 = vector.shape_cast %get3A_39 : vector<512x1x128xf32> to vector<512x128xf32>
    %get3A_41 = arith.constant 384 : index
    %get3A_42 = arith.constant 0 : index
    %get3A_43 = vector.load %arg3[%get3A_41, %get3A_42] : memref<4224x128xf32, #tpu.memory_space<vmem>>, vector<128x128xf32>
    %dot_general3A_44 = arith.constant dense<0.000000e+00> : vector<512x128xf32>
    %dot_general3A_45 = tpu.matmul %get3A_40, %get3A_43, %dot_general3A_44 {dimension_numbers = #tpu.dot_dimension_numbers<[1], [0], [0], [1], [0, 0, 1, 1], [], []>, transpose_lhs_hint = false} : vector<512x128xf32>, vector<128x128xf32>, vector<512x128xf32> -> vector<512x128xf32>
    %add3A_46 = arith.addf %add3A_35, %dot_general3A_45 : vector<512x128xf32>
    %get3A_47 = arith.constant 0 : index
    %get3A_48 = arith.constant 4 : index
    %get3A_49 = arith.constant 0 : index
    %get3A_50 = vector.load %arg2[%get3A_47, %get3A_48, %get3A_49] : memref<512x33x128xf32, #tpu.memory_space<vmem>>, vector<512x1x128xf32>
    %get3A_51 = vector.shape_cast %get3A_50 : vector<512x1x128xf32> to vector<512x128xf32>
    %get3A_52 = arith.constant 512 : index
    %get3A_53 = arith.constant 0 : index
    %get3A_54 = vector.load %arg3[%get3A_52, %get3A_53] : memref<4224x128xf32, #tpu.memory_space<vmem>>, vector<128x128xf32>
    %dot_general3A_55 = arith.constant dense<0.000000e+00> : vector<512x128xf32>
    %dot_general3A_56 = tpu.matmul %get3A_51, %get3A_54, %dot_general3A_55 {dimension_numbers = #tpu.dot_dimension_numbers<[1], [0], [0], [1], [0, 0, 1, 1], [], []>, transpose_lhs_hint = false} : vector<512x128xf32>, vector<128x128xf32>, vector<512x128xf32> -> vector<512x128xf32>
    %add3A_57 = arith.addf %add3A_46, %dot_general3A_56 : vector<512x128xf32>
    %get3A_58 = arith.constant 0 : index
    %get3A_59 = arith.constant 5 : index
    %get3A_60 = arith.constant 0 : index
    %get3A_61 = vector.load %arg2[%get3A_58, %get3A_59, %get3A_60] : memref<512x33x128xf32, #tpu.memory_space<vmem>>, vector<512x1x128xf32>
    %get3A_62 = vector.shape_cast %get3A_61 : vector<512x1x128xf32> to vector<512x128xf32>
    %get3A_63 = arith.constant 640 : index
    %get3A_64 = arith.constant 0 : index
    %get3A_65 = vector.load %arg3[%get3A_63, %get3A_64] : memref<4224x128xf32, #tpu.memory_space<vmem>>, vector<128x128xf32>
    %dot_general3A_66 = arith.constant dense<0.000000e+00> : vector<512x128xf32>
    %dot_general3A_67 = tpu.matmul %get3A_62, %get3A_65, %dot_general3A_66 {dimension_numbers = #tpu.dot_dimension_numbers<[1], [0], [0], [1], [0, 0, 1, 1], [], []>, transpose_lhs_hint = false} : vector<512x128xf32>, vector<128x128xf32>, vector<512x128xf32> -> vector<512x128xf32>
    %add3A_68 = arith.addf %add3A_57, %dot_general3A_67 : vector<512x128xf32>
    %get3A_69 = arith.constant 0 : index
    %get3A_70 = arith.constant 6 : index
    %get3A_71 = arith.constant 0 : index
    %get3A_72 = vector.load %arg2[%get3A_69, %get3A_70, %get3A_71] : memref<512x33x128xf32, #tpu.memory_space<vmem>>, vector<512x1x128xf32>
    %get3A_73 = vector.shape_cast %get3A_72 : vector<512x1x128xf32> to vector<512x128xf32>
    %get3A_74 = arith.constant 768 : index
    %get3A_75 = arith.constant 0 : index
    %get3A_76 = vector.load %arg3[%get3A_74, %get3A_75] : memref<4224x128xf32, #tpu.memory_space<vmem>>, vector<128x128xf32>
    %dot_general3A_77 = arith.constant dense<0.000000e+00> : vector<512x128xf32>
    %dot_general3A_78 = tpu.matmul %get3A_73, %get3A_76, %dot_general3A_77 {dimension_numbers = #tpu.dot_dimension_numbers<[1], [0], [0], [1], [0, 0, 1, 1], [], []>, transpose_lhs_hint = false} : vector<512x128xf32>, vector<128x128xf32>, vector<512x128xf32> -> vector<512x128xf32>
    %add3A_79 = arith.addf %add3A_68, %dot_general3A_78 : vector<512x128xf32>
    %get3A_80 = arith.constant 0 : index
    %get3A_81 = arith.constant 7 : index
    %get3A_82 = arith.constant 0 : index
    %get3A_83 = vector.load %arg2[%get3A_80, %get3A_81, %get3A_82] : memref<512x33x128xf32, #tpu.memory_space<vmem>>, vector<512x1x128xf32>
    %get3A_84 = vector.shape_cast %get3A_83 : vector<512x1x128xf32> to vector<512x128xf32>
    %get3A_85 = arith.constant 896 : index
    %get3A_86 = arith.constant 0 : index
    %get3A_87 = vector.load %arg3[%get3A_85, %get3A_86] : memref<4224x128xf32, #tpu.memory_space<vmem>>, vector<128x128xf32>
    %dot_general3A_88 = arith.constant dense<0.000000e+00> : vector<512x128xf32>
    %dot_general3A_89 = tpu.matmul %get3A_84, %get3A_87, %dot_general3A_88 {dimension_numbers = #tpu.dot_dimension_numbers<[1], [0], [0], [1], [0, 0, 1, 1], [], []>, transpose_lhs_hint = false} : vector<512x128xf32>, vector<128x128xf32>, vector<512x128xf32> -> vector<512x128xf32>
    %add3A_90 = arith.addf %add3A_79, %dot_general3A_89 : vector<512x128xf32>
    %get3A_91 = arith.constant 0 : index
    %get3A_92 = arith.constant 8 : index
    %get3A_93 = arith.constant 0 : index
    %get3A_94 = vector.load %arg2[%get3A_91, %get3A_92, %get3A_93] : memref<512x33x128xf32, #tpu.memory_space<vmem>>, vector<512x1x128xf32>
    %get3A_95 = vector.shape_cast %get3A_94 : vector<512x1x128xf32> to vector<512x128xf32>
    %get3A_96 = arith.constant 1024 : index
    %get3A_97 = arith.constant 0 : index
    %get3A_98 = vector.load %arg3[%get3A_96, %get3A_97] : memref<4224x128xf32, #tpu.memory_space<vmem>>, vector<128x128xf32>
    %dot_general3A_99 = arith.constant dense<0.000000e+00> : vector<512x128xf32>
    %dot_general3A_100 = tpu.matmul %get3A_95, %get3A_98, %dot_general3A_99 {dimension_numbers = #tpu.dot_dimension_numbers<[1], [0], [0], [1], [0, 0, 1, 1], [], []>, transpose_lhs_hint = false} : vector<512x128xf32>, vector<128x128xf32>, vector<512x128xf32> -> vector<512x128xf32>
    %add3A_101 = arith.addf %add3A_90, %dot_general3A_100 : vector<512x128xf32>
    %get3A_102 = arith.constant 0 : index
    %get3A_103 = arith.constant 9 : index
    %get3A_104 = arith.constant 0 : index
    %get3A_105 = vector.load %arg2[%get3A_102, %get3A_103, %get3A_104] : memref<512x33x128xf32, #tpu.memory_space<vmem>>, vector<512x1x128xf32>
    %get3A_106 = vector.shape_cast %get3A_105 : vector<512x1x128xf32> to vector<512x128xf32>
    %get3A_107 = arith.constant 1152 : index
    %get3A_108 = arith.constant 0 : index
    %get3A_109 = vector.load %arg3[%get3A_107, %get3A_108] : memref<4224x128xf32, #tpu.memory_space<vmem>>, vector<128x128xf32>
    %dot_general3A_110 = arith.constant dense<0.000000e+00> : vector<512x128xf32>
    %dot_general3A_111 = tpu.matmul %get3A_106, %get3A_109, %dot_general3A_110 {dimension_numbers = #tpu.dot_dimension_numbers<[1], [0], [0], [1], [0, 0, 1, 1], [], []>, transpose_lhs_hint = false} : vector<512x128xf32>, vector<128x128xf32>, vector<512x128xf32> -> vector<512x128xf32>
    %add3A_112 = arith.addf %add3A_101, %dot_general3A_111 : vector<512x128xf32>
    %get3A_113 = arith.constant 0 : index
    %get3A_114 = arith.constant 10 : index
    %get3A_115 = arith.constant 0 : index
    %get3A_116 = vector.load %arg2[%get3A_113, %get3A_114, %get3A_115] : memref<512x33x128xf32, #tpu.memory_space<vmem>>, vector<512x1x128xf32>
    %get3A_117 = vector.shape_cast %get3A_116 : vector<512x1x128xf32> to vector<512x128xf32>
    %get3A_118 = arith.constant 1280 : index
    %get3A_119 = arith.constant 0 : index
    %get3A_120 = vector.load %arg3[%get3A_118, %get3A_119] : memref<4224x128xf32, #tpu.memory_space<vmem>>, vector<128x128xf32>
    %dot_general3A_121 = arith.constant dense<0.000000e+00> : vector<512x128xf32>
    %dot_general3A_122 = tpu.matmul %get3A_117, %get3A_120, %dot_general3A_121 {dimension_numbers = #tpu.dot_dimension_numbers<[1], [0], [0], [1], [0, 0, 1, 1], [], []>, transpose_lhs_hint = false} : vector<512x128xf32>, vector<128x128xf32>, vector<512x128xf32> -> vector<512x128xf32>
    %add3A_123 = arith.addf %add3A_112, %dot_general3A_122 : vector<512x128xf32>
    %get3A_124 = arith.constant 0 : index
    %get3A_125 = arith.constant 11 : index
    %get3A_126 = arith.constant 0 : index
    %get3A_127 = vector.load %arg2[%get3A_124, %get3A_125, %get3A_126] : memref<512x33x128xf32, #tpu.memory_space<vmem>>, vector<512x1x128xf32>
    %get3A_128 = vector.shape_cast %get3A_127 : vector<512x1x128xf32> to vector<512x128xf32>
    %get3A_129 = arith.constant 1408 : index
    %get3A_130 = arith.constant 0 : index
    %get3A_131 = vector.load %arg3[%get3A_129, %get3A_130] : memref<4224x128xf32, #tpu.memory_space<vmem>>, vector<128x128xf32>
    %dot_general3A_132 = arith.constant dense<0.000000e+00> : vector<512x128xf32>
    %dot_general3A_133 = tpu.matmul %get3A_128, %get3A_131, %dot_general3A_132 {dimension_numbers = #tpu.dot_dimension_numbers<[1], [0], [0], [1], [0, 0, 1, 1], [], []>, transpose_lhs_hint = false} : vector<512x128xf32>, vector<128x128xf32>, vector<512x128xf32> -> vector<512x128xf32>
    %add3A_134 = arith.addf %add3A_123, %dot_general3A_133 : vector<512x128xf32>
    %get3A_135 = arith.constant 0 : index
    %get3A_136 = arith.constant 12 : index
    %get3A_137 = arith.constant 0 : index
    %get3A_138 = vector.load %arg2[%get3A_135, %get3A_136, %get3A_137] : memref<512x33x128xf32, #tpu.memory_space<vmem>>, vector<512x1x128xf32>
    %get3A_139 = vector.shape_cast %get3A_138 : vector<512x1x128xf32> to vector<512x128xf32>
    %get3A_140 = arith.constant 1536 : index
    %get3A_141 = arith.constant 0 : index
    %get3A_142 = vector.load %arg3[%get3A_140, %get3A_141] : memref<4224x128xf32, #tpu.memory_space<vmem>>, vector<128x128xf32>
    %dot_general3A_143 = arith.constant dense<0.000000e+00> : vector<512x128xf32>
    %dot_general3A_144 = tpu.matmul %get3A_139, %get3A_142, %dot_general3A_143 {dimension_numbers = #tpu.dot_dimension_numbers<[1], [0], [0], [1], [0, 0, 1, 1], [], []>, transpose_lhs_hint = false} : vector<512x128xf32>, vector<128x128xf32>, vector<512x128xf32> -> vector<512x128xf32>
    %add3A_145 = arith.addf %add3A_134, %dot_general3A_144 : vector<512x128xf32>
    %get3A_146 = arith.constant 0 : index
    %get3A_147 = arith.constant 13 : index
    %get3A_148 = arith.constant 0 : index
    %get3A_149 = vector.load %arg2[%get3A_146, %get3A_147, %get3A_148] : memref<512x33x128xf32, #tpu.memory_space<vmem>>, vector<512x1x128xf32>
    %get3A_150 = vector.shape_cast %get3A_149 : vector<512x1x128xf32> to vector<512x128xf32>
    %get3A_151 = arith.constant 1664 : index
    %get3A_152 = arith.constant 0 : index
    %get3A_153 = vector.load %arg3[%get3A_151, %get3A_152] : memref<4224x128xf32, #tpu.memory_space<vmem>>, vector<128x128xf32>
    %dot_general3A_154 = arith.constant dense<0.000000e+00> : vector<512x128xf32>
    %dot_general3A_155 = tpu.matmul %get3A_150, %get3A_153, %dot_general3A_154 {dimension_numbers = #tpu.dot_dimension_numbers<[1], [0], [0], [1], [0, 0, 1, 1], [], []>, transpose_lhs_hint = false} : vector<512x128xf32>, vector<128x128xf32>, vector<512x128xf32> -> vector<512x128xf32>
    %add3A_156 = arith.addf %add3A_145, %dot_general3A_155 : vector<512x128xf32>
    %get3A_157 = arith.constant 0 : index
    %get3A_158 = arith.constant 14 : index
    %get3A_159 = arith.constant 0 : index
    %get3A_160 = vector.load %arg2[%get3A_157, %get3A_158, %get3A_159] : memref<512x33x128xf32, #tpu.memory_space<vmem>>, vector<512x1x128xf32>
    %get3A_161 = vector.shape_cast %get3A_160 : vector<512x1x128xf32> to vector<512x128xf32>
    %get3A_162 = arith.constant 1792 : index
    %get3A_163 = arith.constant 0 : index
    %get3A_164 = vector.load %arg3[%get3A_162, %get3A_163] : memref<4224x128xf32, #tpu.memory_space<vmem>>, vector<128x128xf32>
    %dot_general3A_165 = arith.constant dense<0.000000e+00> : vector<512x128xf32>
    %dot_general3A_166 = tpu.matmul %get3A_161, %get3A_164, %dot_general3A_165 {dimension_numbers = #tpu.dot_dimension_numbers<[1], [0], [0], [1], [0, 0, 1, 1], [], []>, transpose_lhs_hint = false} : vector<512x128xf32>, vector<128x128xf32>, vector<512x128xf32> -> vector<512x128xf32>
    %add3A_167 = arith.addf %add3A_156, %dot_general3A_166 : vector<512x128xf32>
    %get3A_168 = arith.constant 0 : index
    %get3A_169 = arith.constant 15 : index
    %get3A_170 = arith.constant 0 : index
    %get3A_171 = vector.load %arg2[%get3A_168, %get3A_169, %get3A_170] : memref<512x33x128xf32, #tpu.memory_space<vmem>>, vector<512x1x128xf32>
    %get3A_172 = vector.shape_cast %get3A_171 : vector<512x1x128xf32> to vector<512x128xf32>
    %get3A_173 = arith.constant 1920 : index
    %get3A_174 = arith.constant 0 : index
    %get3A_175 = vector.load %arg3[%get3A_173, %get3A_174] : memref<4224x128xf32, #tpu.memory_space<vmem>>, vector<128x128xf32>
    %dot_general3A_176 = arith.constant dense<0.000000e+00> : vector<512x128xf32>
    %dot_general3A_177 = tpu.matmul %get3A_172, %get3A_175, %dot_general3A_176 {dimension_numbers = #tpu.dot_dimension_numbers<[1], [0], [0], [1], [0, 0, 1, 1], [], []>, transpose_lhs_hint = false} : vector<512x128xf32>, vector<128x128xf32>, vector<512x128xf32> -> vector<512x128xf32>
    %add3A_178 = arith.addf %add3A_167, %dot_general3A_177 : vector<512x128xf32>
    %get3A_179 = arith.constant 0 : index
    %get3A_180 = arith.constant 16 : index
    %get3A_181 = arith.constant 0 : index
    %get3A_182 = vector.load %arg2[%get3A_179, %get3A_180, %get3A_181] : memref<512x33x128xf32, #tpu.memory_space<vmem>>, vector<512x1x128xf32>
    %get3A_183 = vector.shape_cast %get3A_182 : vector<512x1x128xf32> to vector<512x128xf32>
    %get3A_184 = arith.constant 2048 : index
    %get3A_185 = arith.constant 0 : index
    %get3A_186 = vector.load %arg3[%get3A_184, %get3A_185] : memref<4224x128xf32, #tpu.memory_space<vmem>>, vector<128x128xf32>
    %dot_general3A_187 = arith.constant dense<0.000000e+00> : vector<512x128xf32>
    %dot_general3A_188 = tpu.matmul %get3A_183, %get3A_186, %dot_general3A_187 {dimension_numbers = #tpu.dot_dimension_numbers<[1], [0], [0], [1], [0, 0, 1, 1], [], []>, transpose_lhs_hint = false} : vector<512x128xf32>, vector<128x128xf32>, vector<512x128xf32> -> vector<512x128xf32>
    %add3A_189 = arith.addf %add3A_178, %dot_general3A_188 : vector<512x128xf32>
    %get3A_190 = arith.constant 0 : index
    %get3A_191 = arith.constant 17 : index
    %get3A_192 = arith.constant 0 : index
    %get3A_193 = vector.load %arg2[%get3A_190, %get3A_191, %get3A_192] : memref<512x33x128xf32, #tpu.memory_space<vmem>>, vector<512x1x128xf32>
    %get3A_194 = vector.shape_cast %get3A_193 : vector<512x1x128xf32> to vector<512x128xf32>
    %get3A_195 = arith.constant 2176 : index
    %get3A_196 = arith.constant 0 : index
    %get3A_197 = vector.load %arg3[%get3A_195, %get3A_196] : memref<4224x128xf32, #tpu.memory_space<vmem>>, vector<128x128xf32>
    %dot_general3A_198 = arith.constant dense<0.000000e+00> : vector<512x128xf32>
    %dot_general3A_199 = tpu.matmul %get3A_194, %get3A_197, %dot_general3A_198 {dimension_numbers = #tpu.dot_dimension_numbers<[1], [0], [0], [1], [0, 0, 1, 1], [], []>, transpose_lhs_hint = false} : vector<512x128xf32>, vector<128x128xf32>, vector<512x128xf32> -> vector<512x128xf32>
    %add3A_200 = arith.addf %add3A_189, %dot_general3A_199 : vector<512x128xf32>
    %get3A_201 = arith.constant 0 : index
    %get3A_202 = arith.constant 18 : index
    %get3A_203 = arith.constant 0 : index
    %get3A_204 = vector.load %arg2[%get3A_201, %get3A_202, %get3A_203] : memref<512x33x128xf32, #tpu.memory_space<vmem>>, vector<512x1x128xf32>
    %get3A_205 = vector.shape_cast %get3A_204 : vector<512x1x128xf32> to vector<512x128xf32>
    %get3A_206 = arith.constant 2304 : index
    %get3A_207 = arith.constant 0 : index
    %get3A_208 = vector.load %arg3[%get3A_206, %get3A_207] : memref<4224x128xf32, #tpu.memory_space<vmem>>, vector<128x128xf32>
    %dot_general3A_209 = arith.constant dense<0.000000e+00> : vector<512x128xf32>
    %dot_general3A_210 = tpu.matmul %get3A_205, %get3A_208, %dot_general3A_209 {dimension_numbers = #tpu.dot_dimension_numbers<[1], [0], [0], [1], [0, 0, 1, 1], [], []>, transpose_lhs_hint = false} : vector<512x128xf32>, vector<128x128xf32>, vector<512x128xf32> -> vector<512x128xf32>
    %add3A_211 = arith.addf %add3A_200, %dot_general3A_210 : vector<512x128xf32>
    %get3A_212 = arith.constant 0 : index
    %get3A_213 = arith.constant 19 : index
    %get3A_214 = arith.constant 0 : index
    %get3A_215 = vector.load %arg2[%get3A_212, %get3A_213, %get3A_214] : memref<512x33x128xf32, #tpu.memory_space<vmem>>, vector<512x1x128xf32>
    %get3A_216 = vector.shape_cast %get3A_215 : vector<512x1x128xf32> to vector<512x128xf32>
    %get3A_217 = arith.constant 2432 : index
    %get3A_218 = arith.constant 0 : index
    %get3A_219 = vector.load %arg3[%get3A_217, %get3A_218] : memref<4224x128xf32, #tpu.memory_space<vmem>>, vector<128x128xf32>
    %dot_general3A_220 = arith.constant dense<0.000000e+00> : vector<512x128xf32>
    %dot_general3A_221 = tpu.matmul %get3A_216, %get3A_219, %dot_general3A_220 {dimension_numbers = #tpu.dot_dimension_numbers<[1], [0], [0], [1], [0, 0, 1, 1], [], []>, transpose_lhs_hint = false} : vector<512x128xf32>, vector<128x128xf32>, vector<512x128xf32> -> vector<512x128xf32>
    %add3A_222 = arith.addf %add3A_211, %dot_general3A_221 : vector<512x128xf32>
    %get3A_223 = arith.constant 0 : index
    %get3A_224 = arith.constant 20 : index
    %get3A_225 = arith.constant 0 : index
    %get3A_226 = vector.load %arg2[%get3A_223, %get3A_224, %get3A_225] : memref<512x33x128xf32, #tpu.memory_space<vmem>>, vector<512x1x128xf32>
    %get3A_227 = vector.shape_cast %get3A_226 : vector<512x1x128xf32> to vector<512x128xf32>
    %get3A_228 = arith.constant 2560 : index
    %get3A_229 = arith.constant 0 : index
    %get3A_230 = vector.load %arg3[%get3A_228, %get3A_229] : memref<4224x128xf32, #tpu.memory_space<vmem>>, vector<128x128xf32>
    %dot_general3A_231 = arith.constant dense<0.000000e+00> : vector<512x128xf32>
    %dot_general3A_232 = tpu.matmul %get3A_227, %get3A_230, %dot_general3A_231 {dimension_numbers = #tpu.dot_dimension_numbers<[1], [0], [0], [1], [0, 0, 1, 1], [], []>, transpose_lhs_hint = false} : vector<512x128xf32>, vector<128x128xf32>, vector<512x128xf32> -> vector<512x128xf32>
    %add3A_233 = arith.addf %add3A_222, %dot_general3A_232 : vector<512x128xf32>
    %get3A_234 = arith.constant 0 : index
    %get3A_235 = arith.constant 21 : index
    %get3A_236 = arith.constant 0 : index
    %get3A_237 = vector.load %arg2[%get3A_234, %get3A_235, %get3A_236] : memref<512x33x128xf32, #tpu.memory_space<vmem>>, vector<512x1x128xf32>
    %get3A_238 = vector.shape_cast %get3A_237 : vector<512x1x128xf32> to vector<512x128xf32>
    %get3A_239 = arith.constant 2688 : index
    %get3A_240 = arith.constant 0 : index
    %get3A_241 = vector.load %arg3[%get3A_239, %get3A_240] : memref<4224x128xf32, #tpu.memory_space<vmem>>, vector<128x128xf32>
    %dot_general3A_242 = arith.constant dense<0.000000e+00> : vector<512x128xf32>
    %dot_general3A_243 = tpu.matmul %get3A_238, %get3A_241, %dot_general3A_242 {dimension_numbers = #tpu.dot_dimension_numbers<[1], [0], [0], [1], [0, 0, 1, 1], [], []>, transpose_lhs_hint = false} : vector<512x128xf32>, vector<128x128xf32>, vector<512x128xf32> -> vector<512x128xf32>
    %add3A_244 = arith.addf %add3A_233, %dot_general3A_243 : vector<512x128xf32>
    %get3A_245 = arith.constant 0 : index
    %get3A_246 = arith.constant 22 : index
    %get3A_247 = arith.constant 0 : index
    %get3A_248 = vector.load %arg2[%get3A_245, %get3A_246, %get3A_247] : memref<512x33x128xf32, #tpu.memory_space<vmem>>, vector<512x1x128xf32>
    %get3A_249 = vector.shape_cast %get3A_248 : vector<512x1x128xf32> to vector<512x128xf32>
    %get3A_250 = arith.constant 2816 : index
    %get3A_251 = arith.constant 0 : index
    %get3A_252 = vector.load %arg3[%get3A_250, %get3A_251] : memref<4224x128xf32, #tpu.memory_space<vmem>>, vector<128x128xf32>
    %dot_general3A_253 = arith.constant dense<0.000000e+00> : vector<512x128xf32>
    %dot_general3A_254 = tpu.matmul %get3A_249, %get3A_252, %dot_general3A_253 {dimension_numbers = #tpu.dot_dimension_numbers<[1], [0], [0], [1], [0, 0, 1, 1], [], []>, transpose_lhs_hint = false} : vector<512x128xf32>, vector<128x128xf32>, vector<512x128xf32> -> vector<512x128xf32>
    %add3A_255 = arith.addf %add3A_244, %dot_general3A_254 : vector<512x128xf32>
    %get3A_256 = arith.constant 0 : index
    %get3A_257 = arith.constant 23 : index
    %get3A_258 = arith.constant 0 : index
    %get3A_259 = vector.load %arg2[%get3A_256, %get3A_257, %get3A_258] : memref<512x33x128xf32, #tpu.memory_space<vmem>>, vector<512x1x128xf32>
    %get3A_260 = vector.shape_cast %get3A_259 : vector<512x1x128xf32> to vector<512x128xf32>
    %get3A_261 = arith.constant 2944 : index
    %get3A_262 = arith.constant 0 : index
    %get3A_263 = vector.load %arg3[%get3A_261, %get3A_262] : memref<4224x128xf32, #tpu.memory_space<vmem>>, vector<128x128xf32>
    %dot_general3A_264 = arith.constant dense<0.000000e+00> : vector<512x128xf32>
    %dot_general3A_265 = tpu.matmul %get3A_260, %get3A_263, %dot_general3A_264 {dimension_numbers = #tpu.dot_dimension_numbers<[1], [0], [0], [1], [0, 0, 1, 1], [], []>, transpose_lhs_hint = false} : vector<512x128xf32>, vector<128x128xf32>, vector<512x128xf32> -> vector<512x128xf32>
    %add3A_266 = arith.addf %add3A_255, %dot_general3A_265 : vector<512x128xf32>
    %get3A_267 = arith.constant 0 : index
    %get3A_268 = arith.constant 24 : index
    %get3A_269 = arith.constant 0 : index
    %get3A_270 = vector.load %arg2[%get3A_267, %get3A_268, %get3A_269] : memref<512x33x128xf32, #tpu.memory_space<vmem>>, vector<512x1x128xf32>
    %get3A_271 = vector.shape_cast %get3A_270 : vector<512x1x128xf32> to vector<512x128xf32>
    %get3A_272 = arith.constant 3072 : index
    %get3A_273 = arith.constant 0 : index
    %get3A_274 = vector.load %arg3[%get3A_272, %get3A_273] : memref<4224x128xf32, #tpu.memory_space<vmem>>, vector<128x128xf32>
    %dot_general3A_275 = arith.constant dense<0.000000e+00> : vector<512x128xf32>
    %dot_general3A_276 = tpu.matmul %get3A_271, %get3A_274, %dot_general3A_275 {dimension_numbers = #tpu.dot_dimension_numbers<[1], [0], [0], [1], [0, 0, 1, 1], [], []>, transpose_lhs_hint = false} : vector<512x128xf32>, vector<128x128xf32>, vector<512x128xf32> -> vector<512x128xf32>
    %add3A_277 = arith.addf %add3A_266, %dot_general3A_276 : vector<512x128xf32>
    %get3A_278 = arith.constant 0 : index
    %get3A_279 = arith.constant 25 : index
    %get3A_280 = arith.constant 0 : index
    %get3A_281 = vector.load %arg2[%get3A_278, %get3A_279, %get3A_280] : memref<512x33x128xf32, #tpu.memory_space<vmem>>, vector<512x1x128xf32>
    %get3A_282 = vector.shape_cast %get3A_281 : vector<512x1x128xf32> to vector<512x128xf32>
    %get3A_283 = arith.constant 3200 : index
    %get3A_284 = arith.constant 0 : index
    %get3A_285 = vector.load %arg3[%get3A_283, %get3A_284] : memref<4224x128xf32, #tpu.memory_space<vmem>>, vector<128x128xf32>
    %dot_general3A_286 = arith.constant dense<0.000000e+00> : vector<512x128xf32>
    %dot_general3A_287 = tpu.matmul %get3A_282, %get3A_285, %dot_general3A_286 {dimension_numbers = #tpu.dot_dimension_numbers<[1], [0], [0], [1], [0, 0, 1, 1], [], []>, transpose_lhs_hint = false} : vector<512x128xf32>, vector<128x128xf32>, vector<512x128xf32> -> vector<512x128xf32>
    %add3A_288 = arith.addf %add3A_277, %dot_general3A_287 : vector<512x128xf32>
    %get3A_289 = arith.constant 0 : index
    %get3A_290 = arith.constant 26 : index
    %get3A_291 = arith.constant 0 : index
    %get3A_292 = vector.load %arg2[%get3A_289, %get3A_290, %get3A_291] : memref<512x33x128xf32, #tpu.memory_space<vmem>>, vector<512x1x128xf32>
    %get3A_293 = vector.shape_cast %get3A_292 : vector<512x1x128xf32> to vector<512x128xf32>
    %get3A_294 = arith.constant 3328 : index
    %get3A_295 = arith.constant 0 : index
    %get3A_296 = vector.load %arg3[%get3A_294, %get3A_295] : memref<4224x128xf32, #tpu.memory_space<vmem>>, vector<128x128xf32>
    %dot_general3A_297 = arith.constant dense<0.000000e+00> : vector<512x128xf32>
    %dot_general3A_298 = tpu.matmul %get3A_293, %get3A_296, %dot_general3A_297 {dimension_numbers = #tpu.dot_dimension_numbers<[1], [0], [0], [1], [0, 0, 1, 1], [], []>, transpose_lhs_hint = false} : vector<512x128xf32>, vector<128x128xf32>, vector<512x128xf32> -> vector<512x128xf32>
    %add3A_299 = arith.addf %add3A_288, %dot_general3A_298 : vector<512x128xf32>
    %get3A_300 = arith.constant 0 : index
    %get3A_301 = arith.constant 27 : index
    %get3A_302 = arith.constant 0 : index
    %get3A_303 = vector.load %arg2[%get3A_300, %get3A_301, %get3A_302] : memref<512x33x128xf32, #tpu.memory_space<vmem>>, vector<512x1x128xf32>
    %get3A_304 = vector.shape_cast %get3A_303 : vector<512x1x128xf32> to vector<512x128xf32>
    %get3A_305 = arith.constant 3456 : index
    %get3A_306 = arith.constant 0 : index
    %get3A_307 = vector.load %arg3[%get3A_305, %get3A_306] : memref<4224x128xf32, #tpu.memory_space<vmem>>, vector<128x128xf32>
    %dot_general3A_308 = arith.constant dense<0.000000e+00> : vector<512x128xf32>
    %dot_general3A_309 = tpu.matmul %get3A_304, %get3A_307, %dot_general3A_308 {dimension_numbers = #tpu.dot_dimension_numbers<[1], [0], [0], [1], [0, 0, 1, 1], [], []>, transpose_lhs_hint = false} : vector<512x128xf32>, vector<128x128xf32>, vector<512x128xf32> -> vector<512x128xf32>
    %add3A_310 = arith.addf %add3A_299, %dot_general3A_309 : vector<512x128xf32>
    %get3A_311 = arith.constant 0 : index
    %get3A_312 = arith.constant 28 : index
    %get3A_313 = arith.constant 0 : index
    %get3A_314 = vector.load %arg2[%get3A_311, %get3A_312, %get3A_313] : memref<512x33x128xf32, #tpu.memory_space<vmem>>, vector<512x1x128xf32>
    %get3A_315 = vector.shape_cast %get3A_314 : vector<512x1x128xf32> to vector<512x128xf32>
    %get3A_316 = arith.constant 3584 : index
    %get3A_317 = arith.constant 0 : index
    %get3A_318 = vector.load %arg3[%get3A_316, %get3A_317] : memref<4224x128xf32, #tpu.memory_space<vmem>>, vector<128x128xf32>
    %dot_general3A_319 = arith.constant dense<0.000000e+00> : vector<512x128xf32>
    %dot_general3A_320 = tpu.matmul %get3A_315, %get3A_318, %dot_general3A_319 {dimension_numbers = #tpu.dot_dimension_numbers<[1], [0], [0], [1], [0, 0, 1, 1], [], []>, transpose_lhs_hint = false} : vector<512x128xf32>, vector<128x128xf32>, vector<512x128xf32> -> vector<512x128xf32>
    %add3A_321 = arith.addf %add3A_310, %dot_general3A_320 : vector<512x128xf32>
    %get3A_322 = arith.constant 0 : index
    %get3A_323 = arith.constant 29 : index
    %get3A_324 = arith.constant 0 : index
    %get3A_325 = vector.load %arg2[%get3A_322, %get3A_323, %get3A_324] : memref<512x33x128xf32, #tpu.memory_space<vmem>>, vector<512x1x128xf32>
    %get3A_326 = vector.shape_cast %get3A_325 : vector<512x1x128xf32> to vector<512x128xf32>
    %get3A_327 = arith.constant 3712 : index
    %get3A_328 = arith.constant 0 : index
    %get3A_329 = vector.load %arg3[%get3A_327, %get3A_328] : memref<4224x128xf32, #tpu.memory_space<vmem>>, vector<128x128xf32>
    %dot_general3A_330 = arith.constant dense<0.000000e+00> : vector<512x128xf32>
    %dot_general3A_331 = tpu.matmul %get3A_326, %get3A_329, %dot_general3A_330 {dimension_numbers = #tpu.dot_dimension_numbers<[1], [0], [0], [1], [0, 0, 1, 1], [], []>, transpose_lhs_hint = false} : vector<512x128xf32>, vector<128x128xf32>, vector<512x128xf32> -> vector<512x128xf32>
    %add3A_332 = arith.addf %add3A_321, %dot_general3A_331 : vector<512x128xf32>
    %get3A_333 = arith.constant 0 : index
    %get3A_334 = arith.constant 30 : index
    %get3A_335 = arith.constant 0 : index
    %get3A_336 = vector.load %arg2[%get3A_333, %get3A_334, %get3A_335] : memref<512x33x128xf32, #tpu.memory_space<vmem>>, vector<512x1x128xf32>
    %get3A_337 = vector.shape_cast %get3A_336 : vector<512x1x128xf32> to vector<512x128xf32>
    %get3A_338 = arith.constant 3840 : index
    %get3A_339 = arith.constant 0 : index
    %get3A_340 = vector.load %arg3[%get3A_338, %get3A_339] : memref<4224x128xf32, #tpu.memory_space<vmem>>, vector<128x128xf32>
    %dot_general3A_341 = arith.constant dense<0.000000e+00> : vector<512x128xf32>
    %dot_general3A_342 = tpu.matmul %get3A_337, %get3A_340, %dot_general3A_341 {dimension_numbers = #tpu.dot_dimension_numbers<[1], [0], [0], [1], [0, 0, 1, 1], [], []>, transpose_lhs_hint = false} : vector<512x128xf32>, vector<128x128xf32>, vector<512x128xf32> -> vector<512x128xf32>
    %add3A_343 = arith.addf %add3A_332, %dot_general3A_342 : vector<512x128xf32>
    %get3A_344 = arith.constant 0 : index
    %get3A_345 = arith.constant 31 : index
    %get3A_346 = arith.constant 0 : index
    %get3A_347 = vector.load %arg2[%get3A_344, %get3A_345, %get3A_346] : memref<512x33x128xf32, #tpu.memory_space<vmem>>, vector<512x1x128xf32>
    %get3A_348 = vector.shape_cast %get3A_347 : vector<512x1x128xf32> to vector<512x128xf32>
    %get3A_349 = arith.constant 3968 : index
    %get3A_350 = arith.constant 0 : index
    %get3A_351 = vector.load %arg3[%get3A_349, %get3A_350] : memref<4224x128xf32, #tpu.memory_space<vmem>>, vector<128x128xf32>
    %dot_general3A_352 = arith.constant dense<0.000000e+00> : vector<512x128xf32>
    %dot_general3A_353 = tpu.matmul %get3A_348, %get3A_351, %dot_general3A_352 {dimension_numbers = #tpu.dot_dimension_numbers<[1], [0], [0], [1], [0, 0, 1, 1], [], []>, transpose_lhs_hint = false} : vector<512x128xf32>, vector<128x128xf32>, vector<512x128xf32> -> vector<512x128xf32>
    %add3A_354 = arith.addf %add3A_343, %dot_general3A_353 : vector<512x128xf32>
    %get3A_355 = arith.constant 0 : index
    %get3A_356 = arith.constant 32 : index
    %get3A_357 = arith.constant 0 : index
    %get3A_358 = vector.load %arg2[%get3A_355, %get3A_356, %get3A_357] : memref<512x33x128xf32, #tpu.memory_space<vmem>>, vector<512x1x128xf32>
    %get3A_359 = vector.shape_cast %get3A_358 : vector<512x1x128xf32> to vector<512x128xf32>
    %get3A_360 = arith.constant 4096 : index
    %get3A_361 = arith.constant 0 : index
    %get3A_362 = vector.load %arg3[%get3A_360, %get3A_361] : memref<4224x128xf32, #tpu.memory_space<vmem>>, vector<128x128xf32>
    %dot_general3A_363 = arith.constant dense<0.000000e+00> : vector<512x128xf32>
    %dot_general3A_364 = tpu.matmul %get3A_359, %get3A_362, %dot_general3A_363 {dimension_numbers = #tpu.dot_dimension_numbers<[1], [0], [0], [1], [0, 0, 1, 1], [], []>, transpose_lhs_hint = false} : vector<512x128xf32>, vector<128x128xf32>, vector<512x128xf32> -> vector<512x128xf32>
    %add3A_365 = arith.addf %add3A_354, %dot_general3A_364 : vector<512x128xf32>
    %tanh3A = math.tanh %add3A_365 : vector<512x128xf32>
    %swap3A = arith.constant 0 : index
    %swap3A_366 = arith.constant 0 : index
    %swap3A_367 = vector.load %arg7[%swap3A, %swap3A_366] : memref<512x128xf32, #tpu.memory_space<vmem>>, vector<512x128xf32>
    tpu.vector_store %arg7[%swap3A, %swap3A_366], %tanh3A {strides = array<i32>} : memref<512x128xf32, #tpu.memory_space<vmem>>, vector<512x128xf32>,
    %mul3A = arith.constant 512 : i32
    %mul3A_368 = arith.muli %arg0, %mul3A : i32
    %lt3A = arith.constant 4608 : i32
    %lt3A_369 = arith.cmpi slt, %mul3A_368, %lt3A : i32
    %convert_element_type3A_370 = arith.extui %lt3A_369 : i1 to i32
    %cond3A_371 = arith.constant 0 : i32
    %cond3A_372 = arith.cmpi ne, %convert_element_type3A_370, %cond3A_371 : i32
    scf.if %cond3A_372 {
      %scan3A = arith.constant 0 : i32
      %scan3A_378 = arith.constant 512 : i32
      %scan3A_379 = arith.addi %scan3A, %scan3A_378 : i32
      %scan3A_380 = arith.constant 8 : i32
      scf.for %scan3A_382 = %scan3A to %scan3A_379 step %scan3A_380  : i32 {
        %add3A_383 = arith.addi %mul3A_368, %scan3A_382 : i32
        %get3A_384 = arith.index_cast %add3A_383 : i32 to index
        %get3A_385 = memref.load %arg1[%get3A_384] : memref<5000xi32, #tpu.memory_space<smem>>
        %get3A_386 = arith.index_cast %scan3A_382 : i32 to index
        %get3A_387 = arith.constant 0 : index
        %get3A_388 = vector.load %arg7[%get3A_386, %get3A_387] : memref<512x128xf32, #tpu.memory_space<vmem>>, vector<1x128xf32>
        %swap3A_389 = arith.index_cast %get3A_385 : i32 to index
        %swap3A_390 = arith.constant 0 : index
        %swap3A_391 = vector.load %arg6[%swap3A_389, %swap3A_390] : memref<10000x128xf32, #tpu.memory_space<vmem>>, vector<1x128xf32>
        tpu.vector_store %arg6[%swap3A_389, %swap3A_390], %get3A_388 {strides = array<i32>} : memref<10000x128xf32, #tpu.memory_space<vmem>>, vector<1x128xf32>,
        %scan3A_392 = arith.constant 1 : i32
        %scan3A_393 = arith.addi %scan3A_382, %scan3A_392 : i32
        %add3A_394 = arith.addi %mul3A_368, %scan3A_393 : i32
        %get3A_395 = arith.index_cast %add3A_394 : i32 to index
        %get3A_396 = memref.load %arg1[%get3A_395] : memref<5000xi32, #tpu.memory_space<smem>>
        %get3A_397 = arith.index_cast %scan3A_393 : i32 to index
        %get3A_398 = arith.constant 0 : index
        %get3A_399 = vector.load %arg7[%get3A_397, %get3A_398] : memref<512x128xf32, #tpu.memory_space<vmem>>, vector<1x128xf32>
        %swap3A_400 = arith.index_cast %get3A_396 : i32 to index
        %swap3A_401 = arith.constant 0 : index
        %swap3A_402 = vector.load %arg6[%swap3A_400, %swap3A_401] : memref<10000x128xf32, #tpu.memory_space<vmem>>, vector<1x128xf32>
        tpu.vector_store %arg6[%swap3A_400, %swap3A_401], %get3A_399 {strides = array<i32>} : memref<10000x128xf32, #tpu.memory_space<vmem>>, vector<1x128xf32>,
        %scan3A_403 = arith.constant 2 : i32
        %scan3A_404 = arith.addi %scan3A_382, %scan3A_403 : i32
        %add3A_405 = arith.addi %mul3A_368, %scan3A_404 : i32
        %get3A_406 = arith.index_cast %add3A_405 : i32 to index
        %get3A_407 = memref.load %arg1[%get3A_406] : memref<5000xi32, #tpu.memory_space<smem>>
        %get3A_408 = arith.index_cast %scan3A_404 : i32 to index
        %get3A_409 = arith.constant 0 : index
        %get3A_410 = vector.load %arg7[%get3A_408, %get3A_409] : memref<512x128xf32, #tpu.memory_space<vmem>>, vector<1x128xf32>
        %swap3A_411 = arith.index_cast %get3A_407 : i32 to index
        %swap3A_412 = arith.constant 0 : index
        %swap3A_413 = vector.load %arg6[%swap3A_411, %swap3A_412] : memref<10000x128xf32, #tpu.memory_space<vmem>>, vector<1x128xf32>
        tpu.vector_store %arg6[%swap3A_411, %swap3A_412], %get3A_410 {strides = array<i32>} : memref<10000x128xf32, #tpu.memory_space<vmem>>, vector<1x128xf32>,
        %scan3A_414 = arith.constant 3 : i32
        %scan3A_415 = arith.addi %scan3A_382, %scan3A_414 : i32
        %add3A_416 = arith.addi %mul3A_368, %scan3A_415 : i32
        %get3A_417 = arith.index_cast %add3A_416 : i32 to index
        %get3A_418 = memref.load %arg1[%get3A_417] : memref<5000xi32, #tpu.memory_space<smem>>
        %get3A_419 = arith.index_cast %scan3A_415 : i32 to index
        %get3A_420 = arith.constant 0 : index
        %get3A_421 = vector.load %arg7[%get3A_419, %get3A_420] : memref<512x128xf32, #tpu.memory_space<vmem>>, vector<1x128xf32>
        %swap3A_422 = arith.index_cast %get3A_418 : i32 to index
        %swap3A_423 = arith.constant 0 : index
        %swap3A_424 = vector.load %arg6[%swap3A_422, %swap3A_423] : memref<10000x128xf32, #tpu.memory_space<vmem>>, vector<1x128xf32>
        tpu.vector_store %arg6[%swap3A_422, %swap3A_423], %get3A_421 {strides = array<i32>} : memref<10000x128xf32, #tpu.memory_space<vmem>>, vector<1x128xf32>,
        %scan3A_425 = arith.constant 4 : i32
        %scan3A_426 = arith.addi %scan3A_382, %scan3A_425 : i32
        %add3A_427 = arith.addi %mul3A_368, %scan3A_426 : i32
        %get3A_428 = arith.index_cast %add3A_427 : i32 to index
        %get3A_429 = memref.load %arg1[%get3A_428] : memref<5000xi32, #tpu.memory_space<smem>>
        %get3A_430 = arith.index_cast %scan3A_426 : i32 to index
        %get3A_431 = arith.constant 0 : index
        %get3A_432 = vector.load %arg7[%get3A_430, %get3A_431] : memref<512x128xf32, #tpu.memory_space<vmem>>, vector<1x128xf32>
        %swap3A_433 = arith.index_cast %get3A_429 : i32 to index
        %swap3A_434 = arith.constant 0 : index
        %swap3A_435 = vector.load %arg6[%swap3A_433, %swap3A_434] : memref<10000x128xf32, #tpu.memory_space<vmem>>, vector<1x128xf32>
        tpu.vector_store %arg6[%swap3A_433, %swap3A_434], %get3A_432 {strides = array<i32>} : memref<10000x128xf32, #tpu.memory_space<vmem>>, vector<1x128xf32>,
        %scan3A_436 = arith.constant 5 : i32
        %scan3A_437 = arith.addi %scan3A_382, %scan3A_436 : i32
        %add3A_438 = arith.addi %mul3A_368, %scan3A_437 : i32
        %get3A_439 = arith.index_cast %add3A_438 : i32 to index
        %get3A_440 = memref.load %arg1[%get3A_439] : memref<5000xi32, #tpu.memory_space<smem>>
        %get3A_441 = arith.index_cast %scan3A_437 : i32 to index
        %get3A_442 = arith.constant 0 : index
        %get3A_443 = vector.load %arg7[%get3A_441, %get3A_442] : memref<512x128xf32, #tpu.memory_space<vmem>>, vector<1x128xf32>
        %swap3A_444 = arith.index_cast %get3A_440 : i32 to index
        %swap3A_445 = arith.constant 0 : index
        %swap3A_446 = vector.load %arg6[%swap3A_444, %swap3A_445] : memref<10000x128xf32, #tpu.memory_space<vmem>>, vector<1x128xf32>
        tpu.vector_store %arg6[%swap3A_444, %swap3A_445], %get3A_443 {strides = array<i32>} : memref<10000x128xf32, #tpu.memory_space<vmem>>, vector<1x128xf32>,
        %scan3A_447 = arith.constant 6 : i32
        %scan3A_448 = arith.addi %scan3A_382, %scan3A_447 : i32
        %add3A_449 = arith.addi %mul3A_368, %scan3A_448 : i32
        %get3A_450 = arith.index_cast %add3A_449 : i32 to index
        %get3A_451 = memref.load %arg1[%get3A_450] : memref<5000xi32, #tpu.memory_space<smem>>
        %get3A_452 = arith.index_cast %scan3A_448 : i32 to index
        %get3A_453 = arith.constant 0 : index
        %get3A_454 = vector.load %arg7[%get3A_452, %get3A_453] : memref<512x128xf32, #tpu.memory_space<vmem>>, vector<1x128xf32>
        %swap3A_455 = arith.index_cast %get3A_451 : i32 to index
        %swap3A_456 = arith.constant 0 : index
        %swap3A_457 = vector.load %arg6[%swap3A_455, %swap3A_456] : memref<10000x128xf32, #tpu.memory_space<vmem>>, vector<1x128xf32>
        tpu.vector_store %arg6[%swap3A_455, %swap3A_456], %get3A_454 {strides = array<i32>} : memref<10000x128xf32, #tpu.memory_space<vmem>>, vector<1x128xf32>,
        %scan3A_458 = arith.constant 7 : i32
        %scan3A_459 = arith.addi %scan3A_382, %scan3A_458 : i32
        %add3A_460 = arith.addi %mul3A_368, %scan3A_459 : i32
        %get3A_461 = arith.index_cast %add3A_460 : i32 to index
        %get3A_462 = memref.load %arg1[%get3A_461] : memref<5000xi32, #tpu.memory_space<smem>>
        %get3A_463 = arith.index_cast %scan3A_459 : i32 to index
        %get3A_464 = arith.constant 0 : index
        %get3A_465 = vector.load %arg7[%get3A_463, %get3A_464] : memref<512x128xf32, #tpu.memory_space<vmem>>, vector<1x128xf32>
        %swap3A_466 = arith.index_cast %get3A_462 : i32 to index
        %swap3A_467 = arith.constant 0 : index
        %swap3A_468 = vector.load %arg6[%swap3A_466, %swap3A_467] : memref<10000x128xf32, #tpu.memory_space<vmem>>, vector<1x128xf32>
        tpu.vector_store %arg6[%swap3A_466, %swap3A_467], %get3A_465 {strides = array<i32>} : memref<10000x128xf32, #tpu.memory_space<vmem>>, vector<1x128xf32>,
      }
      %scan3A_381 = arith.constant 512 : i32
    } else {
    }
    %eq3A_373 = arith.constant 4608 : i32
    %eq3A_374 = arith.cmpi eq, %mul3A_368, %eq3A_373 : i32
    %convert_element_type3A_375 = arith.extui %eq3A_374 : i1 to i32
    %cond3A_376 = arith.constant 0 : i32
    %cond3A_377 = arith.cmpi ne, %convert_element_type3A_375, %cond3A_376 : i32
    scf.if %cond3A_377 {
      %scan3A = arith.constant 0 : i32
      %scan3A_378 = arith.constant 392 : i32
      %scan3A_379 = arith.addi %scan3A, %scan3A_378 : i32
      %scan3A_380 = arith.constant 8 : i32
      scf.for %scan3A_382 = %scan3A to %scan3A_379 step %scan3A_380  : i32 {
        %add3A_383 = arith.addi %mul3A_368, %scan3A_382 : i32
        %get3A_384 = arith.index_cast %add3A_383 : i32 to index
        %get3A_385 = memref.load %arg1[%get3A_384] : memref<5000xi32, #tpu.memory_space<smem>>
        %get3A_386 = arith.index_cast %scan3A_382 : i32 to index
        %get3A_387 = arith.constant 0 : index
        %get3A_388 = vector.load %arg7[%get3A_386, %get3A_387] : memref<512x128xf32, #tpu.memory_space<vmem>>, vector<1x128xf32>
        %swap3A_389 = arith.index_cast %get3A_385 : i32 to index
        %swap3A_390 = arith.constant 0 : index
        %swap3A_391 = vector.load %arg6[%swap3A_389, %swap3A_390] : memref<10000x128xf32, #tpu.memory_space<vmem>>, vector<1x128xf32>
        tpu.vector_store %arg6[%swap3A_389, %swap3A_390], %get3A_388 {strides = array<i32>} : memref<10000x128xf32, #tpu.memory_space<vmem>>, vector<1x128xf32>,
        %scan3A_392 = arith.constant 1 : i32
        %scan3A_393 = arith.addi %scan3A_382, %scan3A_392 : i32
        %add3A_394 = arith.addi %mul3A_368, %scan3A_393 : i32
        %get3A_395 = arith.index_cast %add3A_394 : i32 to index
        %get3A_396 = memref.load %arg1[%get3A_395] : memref<5000xi32, #tpu.memory_space<smem>>
        %get3A_397 = arith.index_cast %scan3A_393 : i32 to index
        %get3A_398 = arith.constant 0 : index
        %get3A_399 = vector.load %arg7[%get3A_397, %get3A_398] : memref<512x128xf32, #tpu.memory_space<vmem>>, vector<1x128xf32>
        %swap3A_400 = arith.index_cast %get3A_396 : i32 to index
        %swap3A_401 = arith.constant 0 : index
        %swap3A_402 = vector.load %arg6[%swap3A_400, %swap3A_401] : memref<10000x128xf32, #tpu.memory_space<vmem>>, vector<1x128xf32>
        tpu.vector_store %arg6[%swap3A_400, %swap3A_401], %get3A_399 {strides = array<i32>} : memref<10000x128xf32, #tpu.memory_space<vmem>>, vector<1x128xf32>,
        %scan3A_403 = arith.constant 2 : i32
        %scan3A_404 = arith.addi %scan3A_382, %scan3A_403 : i32
        %add3A_405 = arith.addi %mul3A_368, %scan3A_404 : i32
        %get3A_406 = arith.index_cast %add3A_405 : i32 to index
        %get3A_407 = memref.load %arg1[%get3A_406] : memref<5000xi32, #tpu.memory_space<smem>>
        %get3A_408 = arith.index_cast %scan3A_404 : i32 to index
        %get3A_409 = arith.constant 0 : index
        %get3A_410 = vector.load %arg7[%get3A_408, %get3A_409] : memref<512x128xf32, #tpu.memory_space<vmem>>, vector<1x128xf32>
        %swap3A_411 = arith.index_cast %get3A_407 : i32 to index
        %swap3A_412 = arith.constant 0 : index
        %swap3A_413 = vector.load %arg6[%swap3A_411, %swap3A_412] : memref<10000x128xf32, #tpu.memory_space<vmem>>, vector<1x128xf32>
        tpu.vector_store %arg6[%swap3A_411, %swap3A_412], %get3A_410 {strides = array<i32>} : memref<10000x128xf32, #tpu.memory_space<vmem>>, vector<1x128xf32>,
        %scan3A_414 = arith.constant 3 : i32
        %scan3A_415 = arith.addi %scan3A_382, %scan3A_414 : i32
        %add3A_416 = arith.addi %mul3A_368, %scan3A_415 : i32
        %get3A_417 = arith.index_cast %add3A_416 : i32 to index
        %get3A_418 = memref.load %arg1[%get3A_417] : memref<5000xi32, #tpu.memory_space<smem>>
        %get3A_419 = arith.index_cast %scan3A_415 : i32 to index
        %get3A_420 = arith.constant 0 : index
        %get3A_421 = vector.load %arg7[%get3A_419, %get3A_420] : memref<512x128xf32, #tpu.memory_space<vmem>>, vector<1x128xf32>
        %swap3A_422 = arith.index_cast %get3A_418 : i32 to index
        %swap3A_423 = arith.constant 0 : index
        %swap3A_424 = vector.load %arg6[%swap3A_422, %swap3A_423] : memref<10000x128xf32, #tpu.memory_space<vmem>>, vector<1x128xf32>
        tpu.vector_store %arg6[%swap3A_422, %swap3A_423], %get3A_421 {strides = array<i32>} : memref<10000x128xf32, #tpu.memory_space<vmem>>, vector<1x128xf32>,
        %scan3A_425 = arith.constant 4 : i32
        %scan3A_426 = arith.addi %scan3A_382, %scan3A_425 : i32
        %add3A_427 = arith.addi %mul3A_368, %scan3A_426 : i32
        %get3A_428 = arith.index_cast %add3A_427 : i32 to index
        %get3A_429 = memref.load %arg1[%get3A_428] : memref<5000xi32, #tpu.memory_space<smem>>
        %get3A_430 = arith.index_cast %scan3A_426 : i32 to index
        %get3A_431 = arith.constant 0 : index
        %get3A_432 = vector.load %arg7[%get3A_430, %get3A_431] : memref<512x128xf32, #tpu.memory_space<vmem>>, vector<1x128xf32>
        %swap3A_433 = arith.index_cast %get3A_429 : i32 to index
        %swap3A_434 = arith.constant 0 : index
        %swap3A_435 = vector.load %arg6[%swap3A_433, %swap3A_434] : memref<10000x128xf32, #tpu.memory_space<vmem>>, vector<1x128xf32>
        tpu.vector_store %arg6[%swap3A_433, %swap3A_434], %get3A_432 {strides = array<i32>} : memref<10000x128xf32, #tpu.memory_space<vmem>>, vector<1x128xf32>,
        %scan3A_436 = arith.constant 5 : i32
        %scan3A_437 = arith.addi %scan3A_382, %scan3A_436 : i32
        %add3A_438 = arith.addi %mul3A_368, %scan3A_437 : i32
        %get3A_439 = arith.index_cast %add3A_438 : i32 to index
        %get3A_440 = memref.load %arg1[%get3A_439] : memref<5000xi32, #tpu.memory_space<smem>>
        %get3A_441 = arith.index_cast %scan3A_437 : i32 to index
        %get3A_442 = arith.constant 0 : index
        %get3A_443 = vector.load %arg7[%get3A_441, %get3A_442] : memref<512x128xf32, #tpu.memory_space<vmem>>, vector<1x128xf32>
        %swap3A_444 = arith.index_cast %get3A_440 : i32 to index
        %swap3A_445 = arith.constant 0 : index
        %swap3A_446 = vector.load %arg6[%swap3A_444, %swap3A_445] : memref<10000x128xf32, #tpu.memory_space<vmem>>, vector<1x128xf32>
        tpu.vector_store %arg6[%swap3A_444, %swap3A_445], %get3A_443 {strides = array<i32>} : memref<10000x128xf32, #tpu.memory_space<vmem>>, vector<1x128xf32>,
        %scan3A_447 = arith.constant 6 : i32
        %scan3A_448 = arith.addi %scan3A_382, %scan3A_447 : i32
        %add3A_449 = arith.addi %mul3A_368, %scan3A_448 : i32
        %get3A_450 = arith.index_cast %add3A_449 : i32 to index
        %get3A_451 = memref.load %arg1[%get3A_450] : memref<5000xi32, #tpu.memory_space<smem>>
        %get3A_452 = arith.index_cast %scan3A_448 : i32 to index
        %get3A_453 = arith.constant 0 : index
        %get3A_454 = vector.load %arg7[%get3A_452, %get3A_453] : memref<512x128xf32, #tpu.memory_space<vmem>>, vector<1x128xf32>
        %swap3A_455 = arith.index_cast %get3A_451 : i32 to index
        %swap3A_456 = arith.constant 0 : index
        %swap3A_457 = vector.load %arg6[%swap3A_455, %swap3A_456] : memref<10000x128xf32, #tpu.memory_space<vmem>>, vector<1x128xf32>
        tpu.vector_store %arg6[%swap3A_455, %swap3A_456], %get3A_454 {strides = array<i32>} : memref<10000x128xf32, #tpu.memory_space<vmem>>, vector<1x128xf32>,
        %scan3A_458 = arith.constant 7 : i32
        %scan3A_459 = arith.addi %scan3A_382, %scan3A_458 : i32
        %add3A_460 = arith.addi %mul3A_368, %scan3A_459 : i32
        %get3A_461 = arith.index_cast %add3A_460 : i32 to index
        %get3A_462 = memref.load %arg1[%get3A_461] : memref<5000xi32, #tpu.memory_space<smem>>
        %get3A_463 = arith.index_cast %scan3A_459 : i32 to index
        %get3A_464 = arith.constant 0 : index
        %get3A_465 = vector.load %arg7[%get3A_463, %get3A_464] : memref<512x128xf32, #tpu.memory_space<vmem>>, vector<1x128xf32>
        %swap3A_466 = arith.index_cast %get3A_462 : i32 to index
        %swap3A_467 = arith.constant 0 : index
        %swap3A_468 = vector.load %arg6[%swap3A_466, %swap3A_467] : memref<10000x128xf32, #tpu.memory_space<vmem>>, vector<1x128xf32>
        tpu.vector_store %arg6[%swap3A_466, %swap3A_467], %get3A_465 {strides = array<i32>} : memref<10000x128xf32, #tpu.memory_space<vmem>>, vector<1x128xf32>,
      }
      %scan3A_381 = arith.constant 392 : i32
    } else {
    }
    return
  }
  func.func @transform_0(%arg0: i32, %arg1: memref<5000xi32, #tpu.memory_space<smem>>) -> (i32, i32, i32) {
    %c0_i32 = arith.constant 0 : i32
    %c0_i32_0 = arith.constant 0 : i32
    %c0_i32_1 = arith.constant 0 : i32
    return %arg0, %c0_i32, %c0_i32_0 : i32, i32, i32
  }
  func.func @transform_1(%arg0: i32, %arg1: memref<5000xi32, #tpu.memory_space<smem>>) -> (i32, i32) {
    %c0_i32 = arith.constant 0 : i32
    %c0_i32_0 = arith.constant 0 : i32
    %c0_i32_1 = arith.constant 0 : i32
    return %c0_i32, %c0_i32_0 : i32, i32
  }
  func.func @transform_2(%arg0: i32, %arg1: memref<5000xi32, #tpu.memory_space<smem>>) -> (i32, i32) {
    %c0_i32 = arith.constant 0 : i32
    %c0_i32_0 = arith.constant 0 : i32
    %c0_i32_1 = arith.constant 0 : i32
    return %c0_i32, %c0_i32_0 : i32, i32
  }
  func.func @transform_3(%arg0: i32, %arg1: memref<5000xi32, #tpu.memory_space<smem>>) -> (i32, i32) {
    %c0_i32 = arith.constant 0 : i32
    %c0_i32_0 = arith.constant 0 : i32
    %c0_i32_1 = arith.constant 0 : i32
    return %c0_i32, %c0_i32_0 : i32, i32
  }
  func.func @transform_4(%arg0: i32, %arg1: memref<5000xi32, #tpu.memory_space<smem>>) -> (i32, i32) {
    %c0_i32 = arith.constant 0 : i32
    %c0_i32_0 = arith.constant 0 : i32
    %c0_i32_1 = arith.constant 0 : i32
    return %c0_i32, %c0_i32_0 : i32, i32
  }
}

</mosaic_0001>

<sc_bundles>
// kernel: kernel.5.cloned.1.call-start
scs
__scs_entry_jumppad:
0x0: {  	(pc) =	sbr.rel $0x88, $3  }
0x1: {  	(tag) =	ssettag $0x0;
	lr =	simm.s32 $0x1  }
0x2: {  	[smem:$0x3F9B] =	sst lr;
	_ =	strace $0xD0000000  }
0x3: {  	_ = 	snop  }
0x4: {  	_ = 	snop  }
0x5: {  	_ = 	snop  }
0x6: {  	_ = 	snop  }
0x7: {  	_ = 	snop  }
__scs_overlays_trampoline_lowered:
0x8: {  	[smem:$0x3FAA] =	sst s0  }
0x9: {  	[smem:$0x3FAB] =	sst s1  }
0xa: {  	[smem:$0x3FAC] =	sst s2  }
0xb: {  	[smem:$0x3FAD] =	sst s3  }
0xc: {  	[smem:$0x3FAE] =	sst s4  }
0xd: {  	[smem:$0x3FAF] =	sst s5  }
0xe: {  	[smem:$0x3FB0] =	sst s6  }
0xf: {  	[smem:$0x3FB1] =	sst s7  }
0x10: {  	[smem:$0x3FB2] =	sst s8  }
0x11: {  	[smem:$0x3FB3] =	sst s9;
	s0 =	simm.s32 @!p0 $0x0  }
0x12: {  	s1 =	sld [smem:$0x3F99];
	s0 =	simm.s32 @p0 $0x1  }
0x13: {  	[smem:$0x3FB4] =	sst s0;
	s0 =	simm.s32 @!p1 $0x0  }
0x14: {  	s2 =	sld [smem:$0x3F98];
	s0 =	simm.s32 @p1 $0x1  }
0x15: {  	[smem:$0x3FB5] =	sst s0;
	s0 =	simm.s32 @!p2 $0x0  }
0x16: {  	s3 =	sld [smem:$0x3FDB];
	s0 =	simm.s32 @p2 $0x1  }
0x17: {  	s4 =	simm.s32 $0x1BF5;
	[smem:$0x3FB7] =	sst s0  }
0x18: {  	s0 =	sld [smem:$0x3F9A];
	_ =	swait.ge [sflag:s4], $0x0  }
0x19: {  	s7 =	sld [smem:$0x3F9B]  }
0x1a: {  	s8 =	sadd.s32 $0xFFFFE003, lr  }
0x1b: {  	s9 =	sadd.s32 $0xFFFFFEF7, lr;
	s5 =	simm.s32 $0xFFFFFFFF;
	p2 =	slt.u32 s8, $0xFFFFF086  }
0x1c: {  	p1 =	slt.u32 s9, $0xF7A;
	s5 =	simm.s32 @!p2 $0x0  }
0x1d: {  	s5 =	simm.s32 @p1 $0x1;
	p0 =	seq.s32 s7, s2  }
0x1e: {  	s7 =	smul.u32 @!p0 $0xF7A, s2;
	p2 =	seq.s32 @!p0 s5, $0x0  }
0x1f: {  	s9 =	smul.u32 $0xF7A, s1;
	s8 =	simm.s32 @!p0 $0x1BF5;
	p2 =	por !p2, p0  }
0x20: {  	[sflag:s8] =	ssyncset.s32 @!p0 $0xFFFFF086;
	s6 =	sadd.s32 @!p0 s3, s7;
	s7 =	simm.s32 @!p0 $0x108  }
0x21: {  	s3 =	sadd.s32 s3, s9;
	s6 =	sadd.s32 @!p0 $0x88, s6;
	s7 =	simm.s32 @p2 $0x1082  }
0x22: {  	[simem:s7], [sflag:s8] =	dma.local @!p0 [hbm:s6], $0xF7A  }
0x23: {  	s9 =	sor.u32 $0xD0000000, s2;
	s6 =	simm.s32 $0x108;
	_ =	swait.ge @!p0 [sflag:s8], $0x0  }
0x24: {  	s3 =	sadd.s32 $0x88, s3;
	s6 =	simm.s32 @!p1 $0x1082;
	[sflag:s4] =	ssyncset.s32 $0xFFFFF086  }
0x25: {  	[simem:s6], [sflag:s4] =	dma.local [hbm:s3], $0xF7A  }
0x26: {  	[smem:$0x3F9B] =	sst s1;
	(tag) =	ssettag s2;
	_ =	strace s9  }
0x27: {  	s1 =	sld [smem:$0x3FAB]  }
0x28: {  	s2 =	sld [smem:$0x3FAC]  }
0x29: {  	s4 =	sld [smem:$0x3FAE]  }
0x2a: {  	p0 =	seq.s32 s5, $0x0;
	s5 =	sld [smem:$0x3FAF]  }
0x2b: {  	s6 =	sld [smem:$0x3FB0]  }
0x2c: {  	s7 =	sld [smem:$0x3FB1]  }
0x2d: {  	s3 =	simm.s32 $0x108;
	s8 =	sld [smem:$0x3FB2]  }
0x2e: {  	s3 =	simm.s32 @!p0 $0x1082;
	s9 =	sld [smem:$0x3FB3]  }
0x2f: {  	lr =	sadd.s32 s0, s3;
	s0 =	sld [smem:$0x3FAA]  }
0x30: {  	s3 =	sld [smem:$0x3FAD]  }
0x31: {  	[smem:$0x3FB6] =	sst s10  }
0x32: {  	s10 =	sld [smem:$0x3FB4];
	_ =	sdelay $0x3  }
0x33: {  	p0 =	seq.s32 s10, $0x1;
	s10 =	sld [smem:$0x3FB6];
	_ =	sdelay $0x3  }
0x34: {  	[smem:$0x3FB6] =	sst s10  }
0x35: {  	s10 =	sld [smem:$0x3FB5];
	_ =	sdelay $0x3  }
0x36: {  	p1 =	seq.s32 s10, $0x1;
	s10 =	sld [smem:$0x3FB6];
	_ =	sdelay $0x3  }
0x37: {  	[smem:$0x3FB6] =	sst s10  }
0x38: {  	s10 =	sld [smem:$0x3FB7]  }
0x39: {  	_ = 	snop;
	(pc) =	sbr.ind lr, $3  }
0x3a: {  	_ = 	snop  }
0x3b: {  	_ = 	snop  }
0x3c: {  	p2 =	seq.s32 s10, $0x1;
	s10 =	sld [smem:$0x3FB6]  }
0x3d: {  	_ =	shalt  }
0x3e: {  	_ =	shalt  }
0x3f: {  	_ =	shalt  }
0x40: {  	_ =	shalt  }
0x41: {  	_ =	shalt  }
0x42: {  	_ =	shalt  }
0x43: {  	_ =	shalt  }
0x44: {  	_ =	shalt  }
0x45: {  	_ =	shalt  }
0x46: {  	_ =	shalt  }
0x47: {  	_ =	shalt  }
0x48: {  	_ =	shalt  }
0x49: {  	_ =	shalt  }
0x4a: {  	_ =	shalt  }
0x4b: {  	_ =	shalt  }
0x4c: {  	_ =	shalt  }
0x4d: {  	_ =	shalt  }
0x4e: {  	_ =	shalt  }
0x4f: {  	_ =	shalt  }
0x50: {  	_ =	shalt  }
0x51: {  	_ =	shalt  }
0x52: {  	_ =	shalt  }
0x53: {  	_ =	shalt  }
0x54: {  	_ =	shalt  }
0x55: {  	_ =	shalt  }
0x56: {  	_ =	shalt  }
0x57: {  	_ =	shalt  }
0x58: {  	_ =	shalt  }
0x59: {  	_ =	shalt  }
0x5a: {  	_ =	shalt  }
0x5b: {  	_ =	shalt  }
0x5c: {  	_ =	shalt  }
0x5d: {  	_ =	shalt  }
0x5e: {  	_ =	shalt  }
0x5f: {  	_ =	shalt  }
0x60: {  	_ =	shalt  }
0x61: {  	_ =	shalt  }
0x62: {  	_ =	shalt  }
0x63: {  	_ =	shalt  }
0x64: {  	_ =	shalt  }
0x65: {  	_ =	shalt  }
0x66: {  	_ =	shalt  }
0x67: {  	_ =	shalt  }
0x68: {  	_ =	shalt  }
0x69: {  	_ =	shalt  }
0x6a: {  	_ =	shalt  }
0x6b: {  	_ =	shalt  }
0x6c: {  	_ =	shalt  }
0x6d: {  	_ =	shalt  }
0x6e: {  	_ =	shalt  }
0x6f: {  	_ =	shalt  }
0x70: {  	_ =	shalt  }
0x71: {  	_ =	shalt  }
0x72: {  	_ =	shalt  }
0x73: {  	_ =	shalt  }
0x74: {  	_ =	shalt  }
0x75: {  	_ =	shalt  }
0x76: {  	_ =	shalt  }
0x77: {  	_ =	shalt  }
0x78: {  	_ =	shalt  }
0x79: {  	_ =	shalt  }
0x7a: {  	_ =	shalt  }
0x7b: {  	_ =	shalt  }
0x7c: {  	_ =	shalt  }
0x7d: {  	_ =	shalt  }
0x7e: {  	_ =	shalt  }
0x7f: {  	_ =	shalt  }
0x80: {  	_ =	shalt  }
0x81: {  	_ =	shalt  }
0x82: {  	_ =	shalt  }
0x83: {  	_ =	shalt  }
0x84: {  	_ =	shalt  }
0x85: {  	_ =	shalt  }
0x86: {  	_ =	shalt  }
0x87: {  	_ =	shalt  }
.Lfunc_end0:
.L_simem_size_0:
called_computation_lowered:
.L_overlay_start_0:
0x88: {  	s2 =	sld [smem:$0x3FD9]  }
0x89: {  	s3 =	sld [smem:$0x3FFE];
	_ =	sdelay $0x1  }
0x8a: {  	s1 =	srdreg.scid  }
0x8b: {  	s0 =	sand.u32 $0x1, s1  }
0x8c: {  	s17 =	sshll.u32 s0, $0xA;
	s2 =	sadd.s32 s3, s2  }
0x8d: {  	s2 =	sadd.s32 s2, s17  }
0x8e: {  	[smem:$0x3FC2] =	sst s2  }
0x8f: {  	_ = 	snop  }
0x90: {  	s2 =	sld [smem:$0x3FC9]  }
0x91: {  	s18 =	sld [smem:$0x3FD0];
	(tm) =	ssettm $0x1  }
0x92: {  	s4 =	sld [smem:$0x3FFB];
	_ =	sdelay $0x3  }
0x93: {  	_ =	strace s4  }
0x94: {  	s4 =	sld [smem:$0x3FFC];
	_ =	sdelay $0x3  }
0x95: {  	_ =	strace s4  }
0x96: {  	s4 =	sld [smem:$0x3FFD];
	_ =	sdelay $0x3  }
0x97: {  	_ =	strace s4  }
0x98: {  	_ =	strace $0x8FFFFFFF  }
0x99: {  	s19 =	sld [smem:$0x3FDB];
	_ =	sdelay $0x1  }
0x9a: {  	s5 =	simm.s32 $_scs_section_size  }
0x9b: {  	s6 =	simm.s32 $_size__tile_overlayer_lowered;
	s7 =	simm.s32 $_tile_overlayer_lowered  }
0x9c: {  	s22 =	simm.s32 $0x1BFF;
	s21 =	sshll.u32 s7, $0x1;
	s4 =	sadd.s32 s5, s19  }
0x9d: {  	s8 =	simm.s32 $0x0;
	s20 =	sshll.u32 s6, $0x1;
	s6 =	sadd.s32 s21, s4  }
0x9e: {  	[timem:s8], [sflag:s22] =	dma.local [hbm:s6], s20  }
0x9f: {  	_ =	swait.ge [sflag:s22], s20  }
0xa0: {  	s5 =	ssub.s32 $0x0, s20;
	[sflag:s22] =	ssyncset.done $0x0  }
0xa1: {  	[sflag:s22] =	ssyncadd.s32 s5;
	_ =	sdelay $0x1  }
0xa2: {  	s23 =	simm.s32 $0x1B8B  }
0xa3: {  	_ =	swait.ge [sflag:s23], $0x1  }
0xa4: {  	[sflag:s23] =	ssyncset.done $0x0  }
0xa5: {  	s25 =	simm.s32 $0x1B8E;
	s24 =	sld [smem:$0x3FFE];
	[sflag:s23] =	ssyncadd.s32 $0xFFFFFFFF  }
0xa6: {  	s26 =	simm.s32 $execute0_lowered;
	[smem:$0x3FD2] =	sst s25  }
0xa7: {  	s6 =	sshll.u32 s26, $0x1;
	_ =	strace $0x80000046;
	[dreg:$0x1] =	wrdreg $0xFFFFFFFF  }
0xa8: {  	s28 =	simm.s32 $_size_execute0_lowered;
	s4 =	sadd.s32 s4, s6;
	[dreg:$0x0] =	wrdreg $0x0  }
0xa9: {  	s6 =	sshll.u32 s28, $0x1;
	[dreg:$0x2] =	wrdreg s4  }
0xaa: {  	[dreg:$0x3] =	wrdreg s6  }
0xab: {  	[dreg:$0x4] =	wrdreg $0xC0  }
0xac: {  	_ =	task [dreg:s8], $0x5FFFF  }
0xad: {  	[dreg:$0x1] =	wrdreg $0xFFFFFFFF  }
0xae: {  	[dreg:$0x0] =	wrdreg $0x60  }
0xaf: {  	[dreg:$0x2] =	wrdreg s2  }
0xb0: {  	[dreg:$0x3] =	wrdreg s18  }
0xb1: {  	[dreg:$0x4] =	wrdreg s24  }
0xb2: {  	[dreg:$0x5] =	wrdreg $0xB7800  }
0xb3: {  	[dreg:$0x6] =	wrdreg $0x9  }
0xb4: {  	_ =	task.clear_ibuf [dreg:s8], $0x7FFFF;
	_ =	strace $0x90000046  }
0xb5: {  	s29 =	simm.s32 $0x9;
	_ =	strace $0x80000048  }
0xb6: {  	_ =	swait.ge [sflag:s29], $0x1  }
0xb7: {  	[sflag:s29] =	ssyncadd.s32 $0xFFFFFFFF  }
0xb8: {  	_ =	strace $0x90000048  }
0xb9: {  	_ =	sfence  }
0xba: {  	s30 =	sld [smem:$0x0];
	_ =	sdelay $0x2  }
0xbb: {  	s31 =	sshll.u32 s1, $0xD;
	s1 =	sshrl.u32 s1, $0x2  }
0xbc: {  	s3 =	sand.u32 $0x4000, s31;
	s1 =	sadd.s32 s1, s30  }
0xbd: {  	s0 =	sor.u32 s3, s0;
	s1 =	sshll.u32 s1, $0x11  }
0xbe: {  	s0 =	sor.u32 s1, s0  }
0xbf: {  	s0 =	sadd.s32 $0x8F2B, s0  }
0xc0: {  	[sflag:s0] =	ssyncadd.remote.s32 $0x1  }
0xc1: {  	_ =	sfence.sel $0xFFFF  }
0xc2: {  	[dreg:$0x0] =	wrdreg $0xFFFFFFFF;
	(pc) =	sbr.abs _section_cstart, $3  }
0xc3: {  	[dreg:$0x1] =	wrdreg $0xFFFFFFFF  }
0xc4: {  	_ =	task.clear_ibuf [dreg:s8], $0x2FFFF;
	_ =	strace $0x9FFFFFFF  }
0xc5: {  	(tm) =	ssettm $0x7FFFFFFF  }
tec
execute0_lowered:
.L_overlay_start_1:
0x0: {  	(tag) =	ssettag $0x1  }
0x1: {  	s1 =	rddreg [dreg:$0x0]  }
0x2: {  	s5 =	rddreg [dreg:$0x1]  }
0x3: {  	s6 =	rddreg [dreg:$0x2]  }
0x4: {  	s2 =	rddreg [dreg:$0x3]  }
0x5: {  	s0 =	rddreg [dreg:$0x4]  }
0x6: {  	s7 =	stileid.u32;
	s4 =	srdreg.scid  }
0x7: {  	s3 =	simm.s32 $0x0;
	s13 =	simm.s32 $0x1;
	s14 =	simm.s32 $0x9780  }
0x8: {  	s15 =	simm.s32 $0x2;
	s16 =	simm.s32 $0x3;
	s17 =	simm.s32 $0x4  }
0x9: {  	s18 =	simm.s32 $0x0;
	s8 =	sand.u32 $0x1, s4;
	s30 =	sshll.u32 s7, $0x1  }
0xa: {  	[smem:$0x7FF] =	sst s3;
	s9 =	smul.u32 $0x32000, s7;
	p0 =	sne.s32 s7, $0x0  }
0xb: {  	s4 =	sor.u32 s8, s30;
	s10 =	ssub.s32 $0x2, s8;
	s8 =	smul.u32 $0x19000, s8  }
0xc: {  	_ =	strace $0x80000047;
	s11 =	smul.u32 $0xA00, s4;
	s12 =	sshrl.u32 s10, $0x1  }
0xd: {  	s4 =	sadd.s32 $0x1000, s6;
	s9 =	sadd.s32 s9, s6;
	s31 =	ssub.s32 s10, s12  }
0xe: {  	s8 =	sadd.s32 s8, s9;
	s9 =	simm.s32 $0x5;
	s10 =	simm.s32 $0x5000  }
0xf: {  	s12 =	simm.s32 $0x7780;
	s5 =	sadd.s32 s5, s11;
	s6 =	smax.u32 s31, $0x1  }
0x10: {  	s7 =	sadd.s32 $0x1880, s8;
	s8 =	sshrl.u32 @!p0 s2, $0x3;
	s11 =	simm.s32 $0x40  }
.LBB2_1:
0x11: {  	s19 =	simm.s32 @!p0 $0x1C05  }
0x12: {  	[spmem:s8], [sflag:s19] =	dma.local @!p0 [hbm:s1], $0x27100  }
0x13: {  	s19 =	simm.s32 @!p0 $0x5  }
0x14: {  	_ =	swait.ge @!p0 [sflag:s19], $0x27100  }
0x15: {  	[sflag:s19] =	ssyncset.done @!p0 $0x0  }
0x16: {  	[sflag:s19] =	ssyncadd.s32 @!p0 $0xFFFD8F00  }
0x17: {  	[tilespmem:s3], [sflag:$0x5] =	stream.linear.gather [hbm4b:s5+s3], $0x5000, $0x38;
	[tilespmem:$0x1F000] =	vst v63  }
0x18: {  	_ =	swait.ge [sflag:s9], $0x5000  }
0x19: {  	[sflag:s9] =	ssyncset.done $0x0  }
0x1a: {  	[sflag:s9] =	ssyncadd.s32 $0xFFFFB000  }
0x1b: {  	[tilespmem:s10], [sflag:$0x5] =	stream.linear.gather [hbm4b:s4+s3], $0x2780, $0x38;
	[tilespmem:$0x1F000] =	vst v63  }
0x1c: {  	_ =	swait.ge [sflag:s9], $0x2780  }
0x1d: {  	[sflag:s9] =	ssyncset.done $0x0  }
0x1e: {  	[sflag:s9] =	ssyncadd.s32 $0xFFFFD880  }
0x1f: {  	s20 =	simm.s32 $0x0;
	s19 =	smov.u32 s7;
	[bflag:$0x0] =	sbarrier.arrive $0xFFFF  }
0x20: {  	[tilespmem:s12], [sflag:$0x1] =	stream.indirect.gather [spmem:s2], $0x80, s3, s11, $0xb8;
	[tilespmem:$0x1F000] =	vst v63  }
.LBB2_2:
0x21: {  	_ =	swait.ge [sflag:s13], $0x2000  }
0x22: {  	p1 =	seq.s32 s20, $0x0;
	[sflag:s13] =	ssyncset.done $0x0  }
0x23: {  	s22 =	simm.s32 @!p1 $0x4;
	[sflag:s13] =	ssyncadd.s32 $0xFFFFE000  }
0x24: {  	_ =	swait.ge @!p1 [sflag:s22], $0x1080  }
0x25: {  	s21 =	sshra.s32 s20, $0x2;
	[sflag:s22] =	ssyncset.done @!p1 $0x0  }
0x26: {  	s30 =	sadd.s32 $0x80, s21;
	[sflag:s22] =	ssyncadd.s32 @!p1 $0xFFFFEF80  }
0x27: {  	[tilespmem:s14], [sflag:$0x2] =	stream.indirect.gather [spmem:s2], $0x80, s30, s11, $0xb8;
	[tilespmem:$0x1F000] =	vst v63  }
0x28: {  	v0 =	vld [tilespmem:s21+$0x20]  }
0x29: {  	v1 =	vld [tilespmem:s21+$0x30];
	_ =	sdelay $0x6  }
0x2a: {  	v0 =	vld.idx.msk [tilespmem:v0+s10+$0x0], $0xffff  }
0x2b: {  	v1 =	vld.idx.msk [tilespmem:v1+s10+$0x0], $0xffff;
	_ =	sdelay $0x4  }
0x2c: {  	v2 =	vmax.f32 v0, v1  }
0x2d: {  	(xrf0) =	vmax.scan.msk.f32 $0xffff, v2;
	_ =	sdelay $0x5  }
0x2e: {  	v2, _, _ =	vpop (xrf0)  }
0x2f: {  	v2 =	vbroadcast v2, $0xF;
	_ =	sdelay $0x1  }
0x30: {  	v0 =	vsub.f32 v0, v2;
	_ =	sdelay $0x1  }
0x31: {  	v0 =	vmul.f32 $1.442695020e+00, v0;
	_ =	sdelay $0x1  }
0x32: {  	(erf) = vpow2.f32 v0;
	v0 =	vld [tilespmem:$0x8B30];
	_ =	sdelay $0x4  }
0x33: {  	[tilespmem:$0x1FBB0] =	vst v0;
	v0 =	vld [tilespmem:$0x8B40];
	_ =	sdelay $0x4  }
0x34: {  	[tilespmem:$0x1FBC0] =	vst v0;
	v0 =	vld [tilespmem:$0x8B50];
	_ =	sdelay $0x4  }
0x35: {  	[tilespmem:$0x1FBD0] =	vst v0;
	v0 =	vld [tilespmem:$0x8B60];
	_ =	sdelay $0x3  }
0x36: {  	v12 =	vld [tilespmem:$0x8780]  }
0x37: {  	[tilespmem:$0x1FBE0] =	vst v0;
	v0 =	vld [tilespmem:$0x8B70]  }
0x38: {  	v15 =	vld [tilespmem:$0x8790]  }
0x39: {  	v17 =	vld [tilespmem:$0x87A0]  }
0x3a: {  	v20 =	vld [tilespmem:$0x87B0]  }
0x3b: {  	v21 =	vld [tilespmem:$0x87C0]  }
0x3c: {  	[tilespmem:$0x1FBF0] =	vst v0;
	v0 =	vld [tilespmem:$0x8B80]  }
0x3d: {  	v22 =	vld [tilespmem:$0x87D0]  }
0x3e: {  	v23 =	vld [tilespmem:$0x87E0]  }
0x3f: {  	v56 =	vld [tilespmem:$0x87F0]  }
0x40: {  	v27 =	vld [tilespmem:$0x8800]  }
0x41: {  	[tilespmem:$0x1FC00] =	vst v0;
	v0 =	vld [tilespmem:$0x8B90]  }
0x42: {  	v7 =	vld [tilespmem:$0x8810]  }
0x43: {  	v6 =	vld [tilespmem:$0x8820]  }
0x44: {  	v8 =	vld [tilespmem:$0x8830]  }
0x45: {  	v5 =	vld [tilespmem:$0x8840]  }
0x46: {  	[tilespmem:$0x1FC10] =	vst v0;
	v0 =	vld [tilespmem:$0x8BA0]  }
0x47: {  	v9 =	vld [tilespmem:$0x8850]  }
0x48: {  	v10 =	vld [tilespmem:$0x8860]  }
0x49: {  	v11 =	vld [tilespmem:$0x8870]  }
0x4a: {  	v14 =	vld [tilespmem:$0x8880]  }
0x4b: {  	[tilespmem:$0x1FC20] =	vst v0;
	v0 =	vld [tilespmem:$0x8BB0]  }
0x4c: {  	v13 =	vld [tilespmem:$0x8890]  }
0x4d: {  	v16 =	vld [tilespmem:$0x88A0]  }
0x4e: {  	v18 =	vld [tilespmem:$0x88B0]  }
0x4f: {  	v19 =	vld [tilespmem:$0x88C0]  }
0x50: {  	v1 =	vsub.f32 v1, v2;
	[tilespmem:$0x1FC30] =	vst v0;
	v0 =	vld [tilespmem:$0x8BC0]  }
0x51: {  	v29 =	vld [tilespmem:$0x88D0]  }
0x52: {  	v25 =	vld [tilespmem:$0x88E0];
	v1 =	vmul.f32 $1.442695020e+00, v1  }
0x53: {  	v31 =	vld [tilespmem:$0x88F0]  }
0x54: {  	v26 =	vld [tilespmem:$0x8900];
	(erf) = vpow2.f32 v1  }
0x55: {  	[tilespmem:$0x1FC40] =	vst v0;
	v0 =	vld [tilespmem:$0x8BD0]  }
0x56: {  	v32 =	vld [tilespmem:$0x8910]  }
0x57: {  	v33 =	vld [tilespmem:$0x8920]  }
0x58: {  	v34 =	vld [tilespmem:$0x8930]  }
0x59: {  	v28 =	vld [tilespmem:$0x8940]  }
0x5a: {  	[tilespmem:$0x1FC50] =	vst v0;
	v0 =	vld [tilespmem:$0x8BE0]  }
0x5b: {  	v36 =	vld [tilespmem:$0x8950]  }
0x5c: {  	v40 =	vld [tilespmem:$0x8960];
	v2 =	vpop (erf)  }
0x5d: {  	v37 =	vld [tilespmem:$0x8970];
	v4 =	vpop (erf)  }
0x5e: {  	v30 =	vld [tilespmem:$0x8980];
	v55 =	vadd.f32 v4, v2  }
0x5f: {  	[tilespmem:$0x1FC60] =	vst v0;
	v0 =	vld [tilespmem:$0x8BF0]  }
0x60: {  	v41 =	vld [tilespmem:$0x8990];
	(xrf2) =	vadd.scan.msk.f32 $0xffff, v55  }
0x61: {  	v35 =	vld [tilespmem:$0x89A0]  }
0x62: {  	v44 =	vld [tilespmem:$0x89B0]  }
0x63: {  	v45 =	vld [tilespmem:$0x89C0]  }
0x64: {  	[tilespmem:$0x1FC70] =	vst v0;
	v0 =	vld [tilespmem:$0x8C00]  }
0x65: {  	v48 =	vld [tilespmem:$0x89D0]  }
0x66: {  	v49 =	vld [tilespmem:$0x89E0]  }
0x67: {  	v38 =	vld [tilespmem:$0x89F0]  }
0x68: {  	v50 =	vld [tilespmem:$0x8A00]  }
0x69: {  	[tilespmem:$0x1FC80] =	vst v0;
	v0 =	vld [tilespmem:$0x8C10]  }
0x6a: {  	v39 =	vld [tilespmem:$0x8A10];
	v1, _, _ =	vpop (xrf2)  }
0x6b: {  	v51 =	vld [tilespmem:$0x8A20];
	v1 =	vbroadcast v1, $0xF  }
0x6c: {  	v52 =	vld [tilespmem:$0x8A30]  }
0x6d: {  	v54 =	vld [tilespmem:$0x8A40];
	(erf) = vrcp.f32 v1  }
0x6e: {  	[tilespmem:$0x1FC90] =	vst v0;
	v0 =	vld [tilespmem:$0x8C20]  }
0x6f: {  	v42 =	vld [tilespmem:$0x8A60]  }
0x70: {  	v60 =	vld [tilespmem:$0x8A70]  }
0x71: {  	v43 =	vld [tilespmem:$0x8A80]  }
0x72: {  	v61 =	vld [tilespmem:$0x8A90]  }
0x73: {  	[tilespmem:$0x1FCA0] =	vst v0;
	v0 =	vld [tilespmem:$0x8C30]  }
0x74: {  	v62 =	vld [tilespmem:$0x8AA0]  }
0x75: {  	v63 =	vld [tilespmem:$0x8AB0]  }
0x76: {  	v1 =	vld [tilespmem:$0x8C60];
	v24 =	vpop (erf)  }
0x77: {  	v3 =	vmul.f32 v24, v2;
	v24 =	vmul.f32 v24, v4;
	v4 =	vld [tilespmem:$0x8CB0]  }
0x78: {  	[tilespmem:$0x1FCB0] =	vst v0;
	v0 =	vld [tilespmem:$0x8C40]  }
0x79: {  	v46 =	vld [tilespmem:$0x8AC0]  }
0x7a: {  	v47 =	vld [tilespmem:$0x8AD0]  }
0x7b: {  	[tilespmem:$0x1FCE0] =	vst v1;
	v1 =	vld [tilespmem:$0x8C70]  }
0x7c: {  	[tilespmem:$0x1FD30] =	vst v4;
	v4 =	vld [tilespmem:$0x8CD0]  }
0x7d: {  	[tilespmem:$0x1FCC0] =	vst v0;
	v0 =	vld [tilespmem:$0x8C50]  }
0x7e: {  	v57 =	vld [tilespmem:$0x8B10];
	v2 =	vbroadcast v3, $0x0  }
0x7f: {  	v53 =	vld [tilespmem:$0x8AE0]  }
0x80: {  	[tilespmem:$0x1FCF0] =	vst v1;
	v1 =	vld [tilespmem:$0x8C80];
	v12 =	vmul.f32 v2, v12;
	v15 =	vmul.f32 v2, v15  }
0x81: {  	v58 =	vld [tilespmem:$0x8AF0];
	v22 =	vmul.f32 v2, v22;
	[tilespmem:$0x1FD50] =	vst v4;
	v4 =	vbroadcast v3, $0x2  }
0x82: {  	v59 =	vld [tilespmem:$0x8B00];
	v23 =	vmul.f32 v2, v23;
	[tilespmem:$0x1FCD0] =	vst v0;
	v0 =	vbroadcast v3, $0x1  }
0x83: {  	[tilespmem:$0x1FBA0] =	vst v57;
	v57 =	vld [tilespmem:$0x8B20];
	v12 =	vadd.f32 $0.0e+00, v12;
	v15 =	vadd.f32 $0.0e+00, v15;
	v14 =	vmul.f32 v14, v4  }
0x84: {  	v55 =	vld [tilespmem:$0x8A50];
	v22 =	vadd.f32 $0.0e+00, v22;
	v29 =	vmul.f32 v29, v4;
	v27 =	vmul.f32 v0, v27  }
0x85: {  	[tilespmem:$0x1FD00] =	vst v1;
	v1 =	vld [tilespmem:$0x8C90];
	v23 =	vadd.f32 $0.0e+00, v23;
	v7 =	vmul.f32 v0, v7;
	v9 =	vmul.f32 v9, v0  }
0x86: {  	v10 =	vmul.f32 v10, v0;
	v27 =	vadd.f32 v12, v27;
	v12 =	vmul.f32 v2, v17;
	v17 =	vld [tilespmem:$0x8CA0]  }
0x87: {  	v6 =	vmul.f32 v0, v6;
	v8 =	vmul.f32 v0, v8;
	v7 =	vadd.f32 v15, v7;
	v15 =	vld [tilespmem:$0x8D00]  }
0x88: {  	v5 =	vmul.f32 v0, v5;
	v9 =	vadd.f32 v22, v9;
	v10 =	vadd.f32 v10, v23;
	v23 =	vld [tilespmem:$0x8D50]  }
0x89: {  	v0 =	vmul.f32 v11, v0;
	v22 =	vld [tilespmem:$0x8D60];
	v11 =	vadd.f32 v14, v27;
	v14 =	vbroadcast v3, $0x3  }
0x8a: {  	v27 =	vmul.f32 v19, v4;
	v9 =	vadd.f32 v29, v9;
	v29 =	vld [tilespmem:$0x8DC0]  }
0x8b: {  	v19 =	vmul.f32 v26, v14;
	v26 =	vmul.f32 v36, v14;
	v36 =	vld [tilespmem:$0x8E10]  }
0x8c: {  	[tilespmem:$0x1FD20] =	vst v17;
	v17 =	vmul.f32 v2, v20;
	v20 =	vmul.f32 v2, v21;
	v21 =	vadd.f32 $0.0e+00, v12;
	v12 =	vld [tilespmem:$0x8CC0]  }
0x8d: {  	v2 =	vmul.f32 v2, v56;
	v56 =	vld [tilespmem:$0x8D30]  }
0x8e: {  	[tilespmem:$0x1FD80] =	vst v23;
	v23 =	vld [tilespmem:$0x8D80];
	v20 =	vadd.f32 $0.0e+00, v20  }
0x8f: {  	v17 =	vadd.f32 $0.0e+00, v17;
	v6 =	vadd.f32 v21, v6;
	v21 =	vld [tilespmem:$0x8D40]  }
0x90: {  	v13 =	vmul.f32 v13, v4;
	v5 =	vadd.f32 v20, v5;
	v20 =	vld [tilespmem:$0x8D10]  }
0x91: {  	v16 =	vmul.f32 v16, v4;
	v18 =	vmul.f32 v18, v4;
	v8 =	vadd.f32 v17, v8;
	v17 =	vld [tilespmem:$0x8D20];
	[tilespmem:$0x1FD40] =	vst v12  }
0x92: {  	v2 =	vadd.f32 $0.0e+00, v2;
	v12 =	vld [tilespmem:$0x8CE0];
	[tilespmem:$0x1FD70] =	vst v56;
	v56 =	vmul.f32 v25, v4;
	v4 =	vmul.f32 v31, v4  }
0x93: {  	v31 =	vmul.f32 v32, v14;
	v32 =	vmul.f32 v33, v14;
	v33 =	vld [tilespmem:$0x8DA0]  }
0x94: {  	v0 =	vadd.f32 v0, v2;
	v25 =	vld [tilespmem:$0x8DB0]  }
0x95: {  	v2 =	vadd.f32 v16, v6;
	v16 =	vbroadcast v3, $0x4;
	v8 =	vadd.f32 v18, v8;
	v18 =	vld [tilespmem:$0x8D70]  }
0x96: {  	v5 =	vadd.f32 v27, v5;
	v27 =	vld [tilespmem:$0x8D90]  }
0x97: {  	v7 =	vadd.f32 v13, v7;
	v6 =	vadd.f32 v26, v9;
	v26 =	vmul.f32 v49, v16;
	v49 =	vld [tilespmem:$0x8EE0]  }
0x98: {  	v2 =	vadd.f32 v32, v2;
	v32 =	vmul.f32 v40, v14;
	v40 =	vld [tilespmem:$0x8DD0]  }
0x99: {  	v34 =	vmul.f32 v34, v14;
	v10 =	vadd.f32 v56, v10;
	v7 =	vadd.f32 v31, v7;
	v31 =	vld [tilespmem:$0x8E00]  }
0x9a: {  	v0 =	vadd.f32 v4, v0;
	v4 =	vadd.f32 v19, v11;
	v19 =	vmul.f32 v48, v16;
	v48 =	vld [tilespmem:$0x8F00]  }
0x9b: {  	v10 =	vadd.f32 v32, v10;
	v32 =	vld [tilespmem:$0x8E20]  }
0x9c: {  	v8 =	vadd.f32 v34, v8;
	v34 =	vmul.f32 v30, v16;
	[tilespmem:$0x1FD60] =	vst v12;
	v12 =	vld [tilespmem:$0x8CF0]  }
0x9d: {  	v41 =	vmul.f32 v41, v16;
	[tilespmem:$0x1FDA0] =	vst v33;
	v33 =	vmul.f32 v37, v14;
	v37 =	vld [tilespmem:$0x8DE0]  }
0x9e: {  	v13 =	vmul.f32 v44, v16;
	[tilespmem:$0x1FDB0] =	vst v25;
	v4 =	vadd.f32 v34, v4;
	v25 =	vbroadcast v3, $0x5;
	v34 =	vld [tilespmem:$0x8E40]  }
0x9f: {  	v56 =	vmul.f32 v28, v14;
	v28 =	vmul.f32 v38, v16;
	v0 =	vadd.f32 v33, v0;
	v33 =	vld [tilespmem:$0x8E30]  }
0xa0: {  	v38 =	vmul.f32 v39, v25;
	v39 =	vmul.f32 v51, v25;
	v51 =	vld [tilespmem:$0x8E50]  }
0xa1: {  	v7 =	vadd.f32 v41, v7;
	[tilespmem:$0x1FD90] =	vst v18;
	v18 =	vmul.f32 v45, v16;
	v41 =	vmul.f32 v52, v25;
	v52 =	vld [tilespmem:$0x8E60]  }
0xa2: {  	v45 =	vbroadcast v3, $0x6;
	v44 =	vmul.f32 v54, v25;
	v54 =	vld [tilespmem:$0x8E70]  }
0xa3: {  	v5 =	vadd.f32 v56, v5;
	v30 =	vmul.f32 v50, v25;
	v50 =	vmul.f32 v55, v25;
	v55 =	vld [tilespmem:$0x8E80]  }
0xa4: {  	v56 =	vmul.f32 v35, v16;
	v6 =	vadd.f32 v19, v6;
	v19 =	vmul.f32 v60, v25;
	v60 =	vld [tilespmem:$0x8E90]  }
0xa5: {  	[tilespmem:$0x1FD10] =	vst v1;
	v1 =	vmul.f32 v42, v25;
	v35 =	vmul.f32 v63, v45;
	v63 =	vld [tilespmem:$0x8EC0]  }
0xa6: {  	v25 =	vmul.f32 v43, v45;
	v43 =	vmul.f32 v53, v45;
	v53 =	vld [tilespmem:$0x8F10]  }
0xa7: {  	v0 =	vadd.f32 v28, v0;
	v28 =	vmul.f32 v61, v45;
	v61 =	vld [tilespmem:$0x8EA0]  }
0xa8: {  	v4 =	vadd.f32 v30, v4;
	v30 =	vmul.f32 v62, v45;
	v62 =	vld [tilespmem:$0x8EB0]  }
0xa9: {  	v42 =	vbroadcast v3, $0x7;
	v6 =	vadd.f32 v50, v6;
	v50 =	vld [tilespmem:$0x8ED0]  }
0xaa: {  	v10 =	vadd.f32 v26, v10;
	v7 =	vadd.f32 v38, v7;
	v38 =	vmul.f32 v46, v45;
	v46 =	vld [tilespmem:$0x1FBA0]  }
0xab: {  	v2 =	vadd.f32 v56, v2;
	v5 =	vadd.f32 v18, v5;
	v56 =	vmul.f32 v57, v42;
	v57 =	vld [tilespmem:$0x1FBB0]  }
0xac: {  	v8 =	vadd.f32 v13, v8;
	v26 =	vadd.f32 v1, v10;
	[tilespmem:$0x1FDC0] =	vst v37;
	v37 =	vld [tilespmem:$0x8DF0]  }
0xad: {  	v2 =	vadd.f32 v39, v2;
	v5 =	vadd.f32 v44, v5;
	v44 =	vmul.f32 v58, v45;
	v58 =	vld [tilespmem:$0x8EF0]  }
0xae: {  	v9 =	vadd.f32 v43, v26;
	v26 =	vld [tilespmem:$0x1FBC0]  }
0xaf: {  	v8 =	vadd.f32 v41, v8;
	v41 =	vmul.f32 v47, v45;
	v39 =	vadd.f32 v30, v2;
	v30 =	vld [tilespmem:$0x1FBD0]  }
0xb0: {  	v11 =	vadd.f32 v19, v0;
	v43 =	vld [tilespmem:$0x1FBF0]  }
0xb1: {  	v45 =	vmul.f32 v59, v42;
	v13 =	vadd.f32 v25, v4;
	v6 =	vadd.f32 v41, v6;
	v41 =	vld [tilespmem:$0x8F70]  }
0xb2: {  	v5 =	vadd.f32 v38, v5;
	v38 =	vld [tilespmem:$0x1FBE0]  }
0xb3: {  	v10 =	vadd.f32 v44, v11;
	v11 =	vadd.f32 v45, v13;
	v45 =	vld [tilespmem:$0x8F40]  }
0xb4: {  	v44 =	vld [tilespmem:$0x1FC00]  }
0xb5: {  	v7 =	vadd.f32 v28, v7;
	v47 =	vmul.f32 v46, v42;
	v46 =	vld [tilespmem:$0x8F30]  }
0xb6: {  	v59 =	vmul.f32 v57, v42;
	v57 =	vld [tilespmem:$0x1FC10]  }
0xb7: {  	v7 =	vadd.f32 v47, v7;
	v47 =	vld [tilespmem:$0x8F20]  }
0xb8: {  	v18 =	vbroadcast v3, $0x8;
	v28 =	vmul.f32 v26, v42;
	v26 =	vld [tilespmem:$0x1FC20]  }
0xb9: {  	v8 =	vadd.f32 v35, v8;
	v35 =	vmul.f32 v30, v42;
	v30 =	vld [tilespmem:$0x1FC30]  }
0xba: {  	v14 =	vadd.f32 v56, v39;
	v19 =	vmul.f32 v43, v42;
	v43 =	vld [tilespmem:$0x1FC70];
	v56 =	vmul.f32 v44, v18  }
0xbb: {  	v39 =	vmul.f32 v38, v42;
	v42 =	vld [tilespmem:$0x8F50]  }
0xbc: {  	v11 =	vadd.f32 v56, v11;
	v56 =	vld [tilespmem:$0x1FC40]  }
0xbd: {  	v8 =	vadd.f32 v59, v8;
	v16 =	vadd.f32 v28, v5;
	v5 =	vld [tilespmem:$0x1FC60];
	v59 =	vmul.f32 v57, v18  }
0xbe: {  	v38 =	vld [tilespmem:$0x8F80]  }
0xbf: {  	v7 =	vadd.f32 v59, v7;
	v59 =	vld [tilespmem:$0x1FC50]  }
0xc0: {  	v13 =	vadd.f32 v35, v6;
	v44 =	vld [tilespmem:$0x8F60];
	v35 =	vmul.f32 v30, v18  }
0xc1: {  	v30 =	vld [tilespmem:$0x8FC0];
	v57 =	vmul.f32 v56, v18  }
0xc2: {  	v9 =	vadd.f32 v39, v9;
	v8 =	vadd.f32 v35, v8;
	v6 =	vmul.f32 v5, v18;
	v35 =	vld [tilespmem:$0x8F90]  }
0xc3: {  	v28 =	vmul.f32 v26, v18;
	v39 =	vadd.f32 v57, v16;
	v57 =	vld [tilespmem:$0x1FC80]  }
0xc4: {  	v9 =	vadd.f32 v6, v9;
	v6 =	vld [tilespmem:$0x1FCA0];
	v4 =	vmul.f32 v59, v18  }
0xc5: {  	v10 =	vadd.f32 v19, v10;
	v19 =	vadd.f32 v28, v14;
	v14 =	vld [tilespmem:$0x8FD0]  }
0xc6: {  	v25 =	vbroadcast v3, $0x9;
	v26 =	vadd.f32 v4, v13;
	v4 =	vld [tilespmem:$0x1FC90]  }
0xc7: {  	v56 =	vmul.f32 v43, v18;
	v18 =	vld [tilespmem:$0x8FA0]  }
0xc8: {  	v16 =	vld [tilespmem:$0x8FB0];
	v59 =	vmul.f32 v57, v25  }
0xc9: {  	v28 =	vadd.f32 v56, v10;
	v10 =	vmul.f32 v6, v25;
	v6 =	vld [tilespmem:$0x1FCD0]  }
0xca: {  	v11 =	vadd.f32 v59, v11;
	v59 =	vld [tilespmem:$0x1FCB0]  }
0xcb: {  	v5 =	vmul.f32 v4, v25;
	v4 =	vld [tilespmem:$0x1FCC0]  }
0xcc: {  	v13 =	vld [tilespmem:$0x8FE0]  }
0xcd: {  	v57 =	vld [tilespmem:$0x1FCE0]  }
0xce: {  	v43 =	vadd.f32 v10, v19;
	v10 =	vmul.f32 v6, v25;
	v6 =	vld [tilespmem:$0x1FD10]  }
0xcf: {  	v56 =	vadd.f32 v5, v7;
	v7 =	vmul.f32 v59, v25;
	v59 =	vld [tilespmem:$0x1FCF0];
	_ =	sdelay $0x2  }
0xd0: {  	v1 =	vbroadcast v3, $0xA;
	v2 =	vadd.f32 v7, v8;
	v7 =	vmul.f32 v57, v25;
	_ =	sdelay $0x1  }
0xd1: {  	v8 =	vmul.f32 v59, v25;
	v59 =	vadd.f32 v7, v9;
	v9 =	vmul.f32 v6, v1;
	v7 =	vld [tilespmem:$0x1FD20]  }
0xd2: {  	v5 =	vmul.f32 v4, v25;
	v4 =	vld [tilespmem:$0x1FD00]  }
0xd3: {  	v56 =	vadd.f32 v9, v56;
	v9 =	vld [tilespmem:$0x1FD40]  }
0xd4: {  	v28 =	vadd.f32 v8, v28;
	v8 =	vld [tilespmem:$0x1FD30];
	_ =	sdelay $0x1  }
0xd5: {  	v0 =	vmul.f32 v7, v1  }
0xd6: {  	v39 =	vadd.f32 v5, v39;
	v5 =	vmul.f32 v4, v1  }
0xd7: {  	v4 =	vadd.f32 v0, v43;
	v43 =	vmul.f32 v9, v1  }
0xd8: {  	v57 =	vadd.f32 v5, v11;
	v11 =	vmul.f32 v8, v1  }
0xd9: {  	v39 =	vadd.f32 v43, v39;
	v43 =	vld [tilespmem:$0x1FD60]  }
0xda: {  	v5 =	vadd.f32 v11, v2;
	v11 =	vld [tilespmem:$0x1FD50];
	_ =	sdelay $0x3  }
0xdb: {  	v0 =	vbroadcast v3, $0xB;
	v43 =	vmul.f32 v43, v1  }
0xdc: {  	v26 =	vadd.f32 v10, v26;
	v2 =	vmul.f32 v11, v1;
	v1 =	vmul.f32 v12, v1  }
0xdd: {  	v7 =	vmul.f32 v17, v0;
	v43 =	vadd.f32 v43, v59;
	v59 =	vld [tilespmem:$0x1FD70]  }
0xde: {  	v19 =	vld [tilespmem:$0x8FF0];
	v6 =	vadd.f32 v2, v26;
	v2 =	vadd.f32 v1, v28;
	v28 =	vmul.f32 v21, v0  }
0xdf: {  	v4 =	vadd.f32 v7, v4;
	v7 =	vld [tilespmem:$0x1FD80]  }
0xe0: {  	v39 =	vadd.f32 v28, v39;
	v28 =	vld [tilespmem:$0x1FD90]  }
0xe1: {  	v10 =	vld [tilespmem:$0x9010];
	v26 =	vmul.f32 v15, v0  }
0xe2: {  	v25 =	vld [tilespmem:$0x9000];
	v1 =	vmul.f32 v59, v0  }
0xe3: {  	v8 =	vld [tilespmem:$0x9020];
	v20 =	vmul.f32 v20, v0;
	v26 =	vadd.f32 v26, v57;
	v59 =	vbroadcast v3, $0xC  }
0xe4: {  	v9 =	vld [tilespmem:$0x9030];
	v57 =	vmul.f32 v7, v0;
	v5 =	vadd.f32 v1, v5;
	v1 =	vmul.f32 v22, v0  }
0xe5: {  	v17 =	vld [tilespmem:$0x9070];
	v28 =	vmul.f32 v28, v0;
	v0 =	vmul.f32 v23, v59  }
0xe6: {  	v56 =	vadd.f32 v20, v56;
	v20 =	vld [tilespmem:$0x9080]  }
0xe7: {  	v43 =	vadd.f32 v1, v43;
	v1 =	vadd.f32 v0, v26;
	v26 =	vld [tilespmem:$0x1FDB0]  }
0xe8: {  	v11 =	vld [tilespmem:$0x9040]  }
0xe9: {  	v12 =	vld [tilespmem:$0x9050]  }
0xea: {  	v15 =	vld [tilespmem:$0x9060];
	v6 =	vadd.f32 v57, v6;
	v57 =	vmul.f32 v27, v59  }
0xeb: {  	v21 =	vld [tilespmem:$0x9090]  }
0xec: {  	v7 =	vld [tilespmem:$0x90C0];
	v56 =	vadd.f32 v57, v56;
	v57 =	vmul.f32 v26, v59  }
0xed: {  	v2 =	vadd.f32 v28, v2;
	v28 =	vld [tilespmem:$0x1FDA0]  }
0xee: {  	v29 =	vmul.f32 v29, v59;
	v5 =	vadd.f32 v57, v5;
	v57 =	vld [tilespmem:$0x1FDC0]  }
0xef: {  	v22 =	vld [tilespmem:$0x90A0];
	v40 =	vmul.f32 v40, v59;
	v0 =	vbroadcast v3, $0xD  }
0xf0: {  	v23 =	vld [tilespmem:$0x90B0];
	v37 =	vmul.f32 v37, v59  }
0xf1: {  	v27 =	vld [tilespmem:$0x90D0];
	v39 =	vadd.f32 v29, v39;
	v6 =	vadd.f32 v40, v6;
	v40 =	vmul.f32 v31, v0  }
0xf2: {  	v29 =	vld [tilespmem:$0x9100];
	v36 =	vmul.f32 v36, v0;
	v2 =	vadd.f32 v37, v2;
	v37 =	vmul.f32 v33, v0  }
0xf3: {  	v31 =	vld [tilespmem:$0x9110];
	v28 =	vmul.f32 v28, v59;
	v57 =	vmul.f32 v57, v59  }
0xf4: {  	v33 =	vld [tilespmem:$0x9130];
	v51 =	vmul.f32 v51, v0;
	v1 =	vadd.f32 v40, v1;
	v40 =	vmul.f32 v34, v0  }
0xf5: {  	v34 =	vld [tilespmem:$0x9140];
	v4 =	vadd.f32 v28, v4;
	v43 =	vadd.f32 v57, v43;
	v57 =	vmul.f32 v32, v0  }
0xf6: {  	v56 =	vadd.f32 v36, v56;
	v36 =	vld [tilespmem:$0x9150]  }
0xf7: {  	v6 =	vadd.f32 v51, v6;
	v26 =	vld [tilespmem:$0x90E0];
	v4 =	vadd.f32 v57, v4;
	v57 =	vbroadcast v3, $0xE  }
0xf8: {  	v28 =	vld [tilespmem:$0x90F0];
	v59 =	vadd.f32 v40, v39;
	v40 =	vmul.f32 v52, v0;
	v0 =	vmul.f32 v54, v0  }
0xf9: {  	v5 =	vadd.f32 v37, v5;
	v37 =	vld [tilespmem:$0x9160];
	v3 =	vbroadcast v3, $0xF;
	v51 =	vmul.f32 v55, v57  }
0xfa: {  	v39 =	vld [tilespmem:$0x9170];
	v0 =	vadd.f32 v0, v2;
	v60 =	vmul.f32 v60, v57;
	v2 =	vmul.f32 v61, v57  }
0xfb: {  	v52 =	vld [tilespmem:$0x91B0];
	v61 =	vmul.f32 v62, v57;
	v62 =	vmul.f32 v63, v57  }
0xfc: {  	v32 =	vld [tilespmem:$0x9120];
	v50 =	vmul.f32 v50, v57;
	v49 =	vmul.f32 v49, v57  }
0xfd: {  	v54 =	vld [tilespmem:$0x9190];
	v63 =	vmul.f32 v58, v57;
	v48 =	vmul.f32 v48, v3  }
0xfe: {  	v43 =	vadd.f32 v40, v43;
	v40 =	vld [tilespmem:$0x9180];
	v53 =	vmul.f32 v53, v3;
	v47 =	vmul.f32 v47, v3  }
0xff: {  	v55 =	vld [tilespmem:$0x91A0];
	v46 =	vmul.f32 v46, v3;
	v45 =	vmul.f32 v45, v3  }
0x100: {  	v57 =	vld [tilespmem:$0x91C0];
	v42 =	vmul.f32 v42, v3;
	v44 =	vmul.f32 v44, v3;
	v1 =	vadd.f32 v51, v1  }
0x101: {  	v3 =	vmul.f32 v41, v3;
	v41 =	vld [tilespmem:$0x9220];
	v60 =	vadd.f32 v60, v56;
	v2 =	vadd.f32 v2, v4  }
0x102: {  	v5 =	vadd.f32 v61, v5;
	v6 =	vadd.f32 v50, v6;
	v50 =	vld [tilespmem:$0x91D0]  }
0x103: {  	v4 =	vadd.f32 v62, v59;
	v43 =	vadd.f32 v49, v43;
	v51 =	vld [tilespmem:$0x91F0];
	v56 =	vbroadcast v24, $0x0  }
0x104: {  	v0 =	vadd.f32 v63, v0;
	v62 =	vbroadcast v24, $0x1;
	v1 =	vadd.f32 v48, v1;
	v48 =	vld [tilespmem:$0x91E0]  }
0x105: {  	v49 =	vadd.f32 v53, v60;
	v2 =	vadd.f32 v47, v2;
	v53 =	vld [tilespmem:$0x9200];
	v38 =	vmul.f32 v38, v56  }
0x106: {  	v4 =	vadd.f32 v45, v4;
	v45 =	vld [tilespmem:$0x9210];
	v35 =	vmul.f32 v35, v56;
	v18 =	vmul.f32 v18, v56  }
0x107: {  	v58 =	vadd.f32 v44, v43;
	v43 =	vld [tilespmem:$0x9230];
	v59 =	vmul.f32 v16, v56;
	v60 =	vmul.f32 v30, v56  }
0x108: {  	v5 =	vadd.f32 v46, v5;
	v16 =	vld [tilespmem:$0x9240];
	v61 =	vmul.f32 v14, v56;
	v13 =	vmul.f32 v13, v56  }
0x109: {  	v6 =	vadd.f32 v42, v6;
	v30 =	vld [tilespmem:$0x9250];
	v63 =	vmul.f32 v19, v56;
	v44 =	vmul.f32 v25, v62  }
0x10a: {  	v0 =	vadd.f32 v3, v0;
	v19 =	vld [tilespmem:$0x9270];
	v10 =	vmul.f32 v10, v62;
	v8 =	vmul.f32 v8, v62  }
0x10b: {  	v25 =	vld [tilespmem:$0x9280];
	v9 =	vmul.f32 v9, v62;
	v1 =	vadd.f32 v38, v1;
	v35 =	vadd.f32 v35, v49  }
0x10c: {  	v47 =	vmul.f32 v11, v62;
	v14 =	vld [tilespmem:$0x92F0];
	v2 =	vadd.f32 v18, v2;
	v3 =	vadd.f32 v59, v5  }
0x10d: {  	v56 =	vmul.f32 v12, v62;
	v12 =	vld [tilespmem:$0x9320];
	v4 =	vadd.f32 v60, v4;
	v5 =	vadd.f32 v61, v6  }
0x10e: {  	v11 =	vld [tilespmem:$0x9350];
	v13 =	vadd.f32 v13, v58;
	v0 =	vadd.f32 v63, v0;
	v49 =	vbroadcast v24, $0x2  }
0x10f: {  	v38 =	vld [tilespmem:$0x9260];
	v58 =	vmul.f32 v15, v62;
	v1 =	vadd.f32 v44, v1;
	v46 =	vadd.f32 v10, v35  }
0x110: {  	v18 =	vld [tilespmem:$0x9290];
	v59 =	vmul.f32 v17, v62;
	v2 =	vadd.f32 v8, v2;
	v4 =	vadd.f32 v47, v4  }
0x111: {  	v15 =	vld [tilespmem:$0x92C0];
	v60 =	vmul.f32 v20, v49;
	v5 =	vadd.f32 v56, v5;
	v62 =	vmul.f32 v21, v49  }
0x112: {  	v17 =	vld [tilespmem:$0x92D0];
	v61 =	vadd.f32 v58, v13;
	v63 =	vmul.f32 v22, v49;
	v42 =	vmul.f32 v23, v49  }
0x113: {  	v10 =	vld [tilespmem:$0x92A0];
	v0 =	vadd.f32 v59, v0;
	v7 =	vmul.f32 v7, v49;
	v44 =	vmul.f32 v27, v49  }
0x114: {  	v35 =	vld [tilespmem:$0x92B0];
	v47 =	vmul.f32 v26, v49;
	v6 =	vadd.f32 v62, v46;
	v46 =	vbroadcast v24, $0x3  }
0x115: {  	v13 =	vld [tilespmem:$0x92E0];
	v49 =	vmul.f32 v28, v49;
	v2 =	vadd.f32 v63, v2;
	v63 =	vbroadcast v24, $0x4  }
0x116: {  	v20 =	vld [tilespmem:$0x9300];
	v1 =	vadd.f32 v60, v1;
	v56 =	vmul.f32 v29, v46;
	v58 =	vmul.f32 v31, v46  }
0x117: {  	v22 =	vld [tilespmem:$0x9310];
	v4 =	vadd.f32 v7, v4;
	v59 =	vmul.f32 v32, v46;
	v60 =	vmul.f32 v33, v46  }
0x118: {  	v23 =	vld [tilespmem:$0x9330];
	v7 =	vadd.f32 v47, v61;
	v61 =	vmul.f32 v34, v46;
	v62 =	vmul.f32 v36, v46  }
0x119: {  	v3 =	vadd.f32 v9, v3;
	v27 =	vld [tilespmem:$0x9340];
	v36 =	vmul.f32 v37, v46;
	v21 =	vmul.f32 v39, v46  }
0x11a: {  	v26 =	vld [tilespmem:$0x9360];
	v37 =	vmul.f32 v40, v63;
	v39 =	vmul.f32 v54, v63  }
0x11b: {  	v28 =	vld [tilespmem:$0x9400];
	v3 =	vadd.f32 v42, v3;
	v40 =	vmul.f32 v55, v63;
	v42 =	vmul.f32 v52, v63  }
0x11c: {  	v5 =	vadd.f32 v44, v5;
	v29 =	vld [tilespmem:$0x9370];
	v44 =	vmul.f32 v57, v63;
	v46 =	vbroadcast v24, $0x5  }
0x11d: {  	v0 =	vadd.f32 v49, v0;
	v31 =	vld [tilespmem:$0x9380];
	v47 =	vmul.f32 v50, v63;
	v49 =	vmul.f32 v48, v63  }
0x11e: {  	v33 =	vld [tilespmem:$0x9390];
	v50 =	vmul.f32 v51, v63;
	v34 =	vbroadcast v24, $0x7;
	v1 =	vadd.f32 v56, v1  }
0x11f: {  	v32 =	vld [tilespmem:$0x93B0];
	v48 =	vbroadcast v24, $0x8;
	v6 =	vadd.f32 v58, v6;
	v2 =	vadd.f32 v59, v2  }
0x120: {  	v0 =	vadd.f32 v21, v0;
	v21 =	vld [tilespmem:$0x93A0];
	v51 =	vmul.f32 v53, v46;
	v52 =	vmul.f32 v45, v46  }
0x121: {  	v7 =	vadd.f32 v36, v7;
	v36 =	vld [tilespmem:$0x93C0];
	v53 =	vmul.f32 v41, v46;
	v54 =	vmul.f32 v43, v46  }
0x122: {  	v3 =	vadd.f32 v60, v3;
	v16 =	vmul.f32 v16, v46;
	v41 =	vld [tilespmem:$0x9410];
	v55 =	vmul.f32 v30, v46  }
0x123: {  	v4 =	vadd.f32 v61, v4;
	v56 =	vbroadcast v24, $0x6;
	v58 =	vmul.f32 v19, v46;
	v19 =	vld [tilespmem:$0x9460]  }
0x124: {  	v5 =	vadd.f32 v62, v5;
	v57 =	vmul.f32 v38, v46;
	v45 =	vmul.f32 v12, v34;
	v12 =	vld [tilespmem:$0x94B0]  }
0x125: {  	v46 =	vmul.f32 v23, v34;
	v23 =	vld [tilespmem:$0x94D0];
	v1 =	vadd.f32 v37, v1;
	v6 =	vadd.f32 v39, v6  }
0x126: {  	v43 =	vmul.f32 v20, v34;
	v2 =	vadd.f32 v40, v2;
	v3 =	vadd.f32 v42, v3;
	v39 =	vld [tilespmem:$0x93D0]  }
0x127: {  	v4 =	vadd.f32 v44, v4;
	v40 =	vld [tilespmem:$0x93E0];
	v59 =	vmul.f32 v25, v56;
	v60 =	vmul.f32 v18, v56  }
0x128: {  	v5 =	vadd.f32 v47, v5;
	v37 =	vld [tilespmem:$0x93F0];
	v10 =	vmul.f32 v10, v56;
	v61 =	vmul.f32 v35, v56  }
0x129: {  	v7 =	vadd.f32 v49, v7;
	v42 =	vld [tilespmem:$0x9420];
	v62 =	vmul.f32 v15, v56;
	v63 =	vmul.f32 v17, v56  }
0x12a: {  	v0 =	vadd.f32 v50, v0;
	v25 =	vld [tilespmem:$0x9440];
	v35 =	vmul.f32 v13, v56;
	v38 =	vmul.f32 v14, v56  }
0x12b: {  	v18 =	vld [tilespmem:$0x9450];
	v44 =	vmul.f32 v22, v34;
	v47 =	vmul.f32 v27, v34;
	v1 =	vadd.f32 v51, v1  }
0x12c: {  	v17 =	vld [tilespmem:$0x9480];
	v49 =	vmul.f32 v11, v34;
	v6 =	vadd.f32 v52, v6;
	v2 =	vadd.f32 v53, v2  }
0x12d: {  	v14 =	vld [tilespmem:$0x9490];
	v50 =	vmul.f32 v26, v34;
	v3 =	vadd.f32 v54, v3;
	v4 =	vadd.f32 v16, v4  }
0x12e: {  	v22 =	vld [tilespmem:$0x94A0];
	v5 =	vadd.f32 v55, v5;
	v7 =	vadd.f32 v57, v7;
	v51 =	vmul.f32 v29, v34  }
0x12f: {  	v13 =	vld [tilespmem:$0x94C0];
	v0 =	vadd.f32 v58, v0;
	v52 =	vmul.f32 v31, v48;
	v53 =	vmul.f32 v33, v48  }
0x130: {  	v26 =	vld [tilespmem:$0x94E0];
	v55 =	vmul.f32 v32, v48;
	v58 =	vbroadcast v24, $0x9;
	v1 =	vadd.f32 v59, v1  }
0x131: {  	v27 =	vld [tilespmem:$0x94F0];
	v54 =	vmul.f32 v21, v48;
	v6 =	vadd.f32 v60, v6;
	v2 =	vadd.f32 v10, v2  }
0x132: {  	v11 =	vld [tilespmem:$0x9500];
	v56 =	vmul.f32 v36, v48;
	v3 =	vadd.f32 v61, v3;
	v4 =	vadd.f32 v62, v4  }
0x133: {  	v15 =	vld [tilespmem:$0x9510];
	v5 =	vadd.f32 v63, v5;
	v61 =	vmul.f32 v28, v58;
	v62 =	vmul.f32 v41, v58  }
0x134: {  	v16 =	vld [tilespmem:$0x9430];
	v7 =	vadd.f32 v35, v7;
	v57 =	vmul.f32 v39, v48;
	v59 =	vmul.f32 v40, v48  }
0x135: {  	v29 =	vld [tilespmem:$0x9520];
	v0 =	vadd.f32 v38, v0;
	v60 =	vmul.f32 v37, v48;
	v63 =	vmul.f32 v42, v58  }
0x136: {  	v31 =	vld [tilespmem:$0x9530];
	v37 =	vmul.f32 v25, v58;
	v39 =	vmul.f32 v18, v58;
	v1 =	vadd.f32 v43, v1  }
0x137: {  	v33 =	vld [tilespmem:$0x9560];
	v40 =	vbroadcast v24, $0xA;
	v6 =	vadd.f32 v44, v6;
	v2 =	vadd.f32 v45, v2  }
0x138: {  	v32 =	vld [tilespmem:$0x9640];
	v42 =	vmul.f32 v19, v58;
	v3 =	vadd.f32 v46, v3;
	v4 =	vadd.f32 v47, v4  }
0x139: {  	v34 =	vld [tilespmem:$0x9650];
	v5 =	vadd.f32 v49, v5;
	v0 =	vadd.f32 v51, v0;
	v51 =	vbroadcast v24, $0xB  }
0x13a: {  	v21 =	vld [tilespmem:$0x9540];
	v7 =	vadd.f32 v50, v7;
	v35 =	vmul.f32 v16, v58;
	v44 =	vmul.f32 v17, v40  }
0x13b: {  	v36 =	vld [tilespmem:$0x9570];
	v14 =	vmul.f32 v14, v40;
	v46 =	vmul.f32 v22, v40;
	v1 =	vadd.f32 v52, v1  }
0x13c: {  	v10 =	vld [tilespmem:$0x9470];
	v48 =	vmul.f32 v12, v40;
	v6 =	vadd.f32 v53, v6;
	v2 =	vadd.f32 v54, v2  }
0x13d: {  	v28 =	vld [tilespmem:$0x9550];
	v50 =	vmul.f32 v13, v40;
	v3 =	vadd.f32 v55, v3;
	v4 =	vadd.f32 v56, v4  }
0x13e: {  	v38 =	vld [tilespmem:$0x9580];
	v5 =	vadd.f32 v57, v5;
	v53 =	vmul.f32 v23, v40;
	v54 =	vmul.f32 v26, v40  }
0x13f: {  	v41 =	vld [tilespmem:$0x9590];
	v7 =	vadd.f32 v59, v7;
	v56 =	vmul.f32 v27, v40;
	v11 =	vmul.f32 v11, v51  }
0x140: {  	v25 =	vld [tilespmem:$0x9720];
	v0 =	vadd.f32 v60, v0;
	v60 =	vmul.f32 v29, v51;
	v21 =	vmul.f32 v21, v51  }
0x141: {  	v43 =	vld [tilespmem:$0x95A0];
	v33 =	vmul.f32 v33, v51;
	v27 =	vbroadcast v24, $0xF;
	v1 =	vadd.f32 v61, v1  }
0x142: {  	v45 =	vld [tilespmem:$0x95B0];
	v10 =	vmul.f32 v10, v58;
	v6 =	vadd.f32 v62, v6;
	v2 =	vadd.f32 v63, v2  }
0x143: {  	v47 =	vld [tilespmem:$0x95C0];
	v58 =	vmul.f32 v15, v51;
	v3 =	vadd.f32 v35, v3;
	v4 =	vadd.f32 v37, v4  }
0x144: {  	v49 =	vld [tilespmem:$0x95D0];
	v30 =	vmul.f32 v28, v51;
	v5 =	vadd.f32 v39, v5;
	v7 =	vadd.f32 v42, v7  }
0x145: {  	v52 =	vld [tilespmem:$0x95E0];
	v62 =	vmul.f32 v31, v51;
	v31 =	vbroadcast v24, $0xC;
	v0 =	vadd.f32 v10, v0  }
0x146: {  	v55 =	vld [tilespmem:$0x95F0];
	v35 =	vmul.f32 v36, v51;
	v1 =	vadd.f32 v44, v1;
	v6 =	vadd.f32 v14, v6  }
0x147: {  	v57 =	vld [tilespmem:$0x9600];
	v2 =	vadd.f32 v46, v2;
	v3 =	vadd.f32 v48, v3;
	v36 =	vmul.f32 v38, v31  }
0x148: {  	v59 =	vld [tilespmem:$0x9610];
	v4 =	vadd.f32 v50, v4;
	v38 =	vmul.f32 v41, v31;
	v19 =	vmul.f32 v43, v31  }
0x149: {  	v61 =	vld [tilespmem:$0x9620];
	v5 =	vadd.f32 v53, v5;
	v40 =	vmul.f32 v45, v31;
	v42 =	vmul.f32 v47, v31  }
0x14a: {  	v63 =	vld [tilespmem:$0x9630];
	v7 =	vadd.f32 v54, v7;
	v44 =	vmul.f32 v49, v31;
	v45 =	vbroadcast v24, $0xD  }
0x14b: {  	v37 =	vld [tilespmem:$0x9660];
	v0 =	vadd.f32 v56, v0;
	v47 =	vmul.f32 v52, v31;
	v1 =	vadd.f32 v11, v1  }
0x14c: {  	v39 =	vld [tilespmem:$0x9670];
	v48 =	vmul.f32 v55, v31;
	v6 =	vadd.f32 v58, v6;
	v2 =	vadd.f32 v60, v2  }
0x14d: {  	v28 =	vld [tilespmem:$0x9730];
	v3 =	vadd.f32 v62, v3;
	v4 =	vadd.f32 v21, v4;
	v50 =	vmul.f32 v57, v45  }
0x14e: {  	v51 =	vld [tilespmem:$0x96C0];
	v5 =	vadd.f32 v30, v5;
	v15 =	vmul.f32 v59, v45;
	v56 =	vmul.f32 v32, v45  }
0x14f: {  	v41 =	vld [tilespmem:$0x9680];
	v7 =	vadd.f32 v33, v7;
	v57 =	vmul.f32 v34, v45;
	v60 =	vbroadcast v24, $0xE  }
0x150: {  	v43 =	vld [tilespmem:$0x9690];
	v0 =	vadd.f32 v35, v0;
	v52 =	vmul.f32 v61, v45;
	v54 =	vmul.f32 v63, v45  }
0x151: {  	v46 =	vld [tilespmem:$0x96A0];
	v59 =	vmul.f32 v37, v45;
	v62 =	vmul.f32 v39, v45;
	v1 =	vadd.f32 v36, v1  }
0x152: {  	v49 =	vld [tilespmem:$0x96B0];
	v37 =	vmul.f32 v25, v27;
	v6 =	vadd.f32 v38, v6;
	v2 =	vadd.f32 v19, v2  }
0x153: {  	v53 =	vld [tilespmem:$0x96D0];
	v39 =	vmul.f32 v28, v27;
	v3 =	vadd.f32 v40, v3;
	v4 =	vadd.f32 v42, v4  }
0x154: {  	v61 =	vld [tilespmem:$0x9700];
	v5 =	vadd.f32 v44, v5;
	v7 =	vadd.f32 v47, v7;
	v31 =	vmul.f32 v51, v60  }
0x155: {  	v63 =	vld [tilespmem:$0x9710];
	v0 =	vadd.f32 v48, v0;
	v23 =	vmul.f32 v41, v60;
	v10 =	vmul.f32 v43, v60  }
0x156: {  	v55 =	vld [tilespmem:$0x96E0];
	v26 =	vmul.f32 v46, v60;
	v1 =	vadd.f32 v50, v1;
	v6 =	vadd.f32 v15, v6  }
0x157: {  	v30 =	vld [tilespmem:$0x9740];
	v29 =	vmul.f32 v49, v60;
	v2 =	vadd.f32 v52, v2;
	v3 =	vadd.f32 v54, v3  }
0x158: {  	v58 =	vld [tilespmem:$0x96F0];
	v34 =	vmul.f32 v53, v60;
	v4 =	vadd.f32 v56, v4;
	v5 =	vadd.f32 v57, v5  }
0x159: {  	v33 =	vld [tilespmem:$0x9750];
	v7 =	vadd.f32 v59, v7;
	v1 =	vadd.f32 v23, v1;
	v32 =	vmul.f32 v61, v27  }
0x15a: {  	v36 =	vld [tilespmem:$0x9760];
	v0 =	vadd.f32 v62, v0;
	v6 =	vadd.f32 v10, v6;
	v35 =	vmul.f32 v63, v27  }
0x15b: {  	v38 =	vld [tilespmem:$0x9770];
	v40 =	vmul.f32 v55, v60;
	v2 =	vadd.f32 v26, v2;
	v1 =	vadd.f32 v32, v1  }
0x15c: {  	v41 =	vmul.f32 v30, v27;
	v3 =	vadd.f32 v29, v3;
	v6 =	vadd.f32 v35, v6  }
0x15d: {  	v42 =	vmul.f32 v58, v60;
	v4 =	vadd.f32 v31, v4;
	v2 =	vadd.f32 v37, v2;
	[tilespmem:$0x8780] =	vst v1  }
0x15e: {  	v43 =	vmul.f32 v33, v27;
	v5 =	vadd.f32 v34, v5;
	v3 =	vadd.f32 v39, v3;
	[tilespmem:$0x8790] =	vst v6  }
0x15f: {  	v44 =	vadd.f32 v40, v7;
	v45 =	vmul.f32 v36, v27;
	v4 =	vadd.f32 v41, v4;
	[tilespmem:$0x87A0] =	vst v2  }
0x160: {  	v0 =	vadd.f32 v42, v0;
	v47 =	vmul.f32 v38, v27;
	v46 =	vadd.f32 v43, v5;
	[tilespmem:$0x87B0] =	vst v3  }
0x161: {  	v48 =	vadd.f32 v45, v44;
	[tilespmem:$0x87C0] =	vst v4  }
0x162: {  	v0 =	vadd.f32 v47, v0;
	[tilespmem:$0x87D0] =	vst v46  }
0x163: {  	[tilespmem:$0x87E0] =	vst v48  }
0x164: {  	s31 =	sadd.s32 $0xFFFFFD80, s19;
	[tilespmem:$0x87F0] =	vst v0  }
0x165: {  	[hbm4b:s31+s3] =	stream.linear.scatter [tilespmem:s12], [sflag:$0x3], $0x1080, $0x38;
	[tilespmem:$0x1F000] =	vst v63  }
0x166: {  	_ =	swait.ge [sflag:s15], $0x2000  }
0x167: {  	p1 =	seq.s32 s20, $0x13C00;
	[sflag:s15] =	ssyncset.done $0x0  }
0x168: {  	s22 =	simm.s32 @!p1 $0x3;
	[sflag:s15] =	ssyncadd.s32 $0xFFFFE000  }
0x169: {  	_ =	swait.ge @!p1 [sflag:s22], $0x1080  }
0x16a: {  	[sflag:s22] =	ssyncset.done @!p1 $0x0  }
0x16b: {  	[sflag:s22] =	ssyncadd.s32 @!p1 $0xFFFFEF80;
	s22 =	sshra.s32 @!p1 s20, $0x2  }
0x16c: {  	s23 =	simm.s32 @!p1 $0x40;
	s24 =	simm.s32 @!p1 $0x7780;
	s22 =	sadd.s32 @!p1 $0x100, s22  }
0x16d: {  	[tilespmem:s24], [sflag:$0x1] =	stream.indirect.gather @!p1 [spmem:s2], $0x80, s22, s23, $0xb8;
	[tilespmem:$0x1F000] =	vst v63  }
0x16e: {  	v49 =	vld [tilespmem:s21+$0xA0]  }
0x16f: {  	v50 =	vld [tilespmem:s21+$0xB0]  }
0x170: {  	v15 =	vld [tilespmem:$0xA780]  }
0x171: {  	v17 =	vld [tilespmem:$0xA790]  }
0x172: {  	v20 =	vld [tilespmem:$0xA7A0]  }
0x173: {  	v6 =	vld [tilespmem:$0xA7B0]  }
0x174: {  	v22 =	vld [tilespmem:$0xA7C0]  }
0x175: {  	v8 =	vld [tilespmem:$0xA7D0]  }
0x176: {  	v21 =	vld [tilespmem:$0xAB40]  }
0x177: {  	v7 =	vld [tilespmem:$0xA7E0]  }
0x178: {  	v13 =	vld [tilespmem:$0xA7F0]  }
0x179: {  	v5 =	vld [tilespmem:$0xA800]  }
0x17a: {  	v9 =	vld [tilespmem:$0xA810]  }
0x17b: {  	[tilespmem:$0x1FDF0] =	vst v21;
	v21 =	vld [tilespmem:$0xAB60]  }
0x17c: {  	v10 =	vld [tilespmem:$0xA820]  }
0x17d: {  	v11 =	vld [tilespmem:$0xA830]  }
0x17e: {  	v12 =	vld [tilespmem:$0xA840]  }
0x17f: {  	v14 =	vld [tilespmem:$0xA850]  }
0x180: {  	[tilespmem:$0x1FE10] =	vst v21;
	v21 =	vld [tilespmem:$0xAB80]  }
0x181: {  	v0 =	vld.idx.msk [tilespmem:v49+s10+$0x0], $0xffff  }
0x182: {  	v1 =	vld.idx.msk [tilespmem:v50+s10+$0x0], $0xffff  }
0x183: {  	v16 =	vld [tilespmem:$0xA860]  }
0x184: {  	v18 =	vld [tilespmem:$0xA870]  }
0x185: {  	[tilespmem:$0x1FE30] =	vst v21;
	v21 =	vld [tilespmem:$0xABA0]  }
0x186: {  	v24 =	vld [tilespmem:$0xA880]  }
0x187: {  	v25 =	vld [tilespmem:$0xA890];
	v51 =	vmax.f32 v0, v1  }
0x188: {  	v26 =	vld [tilespmem:$0xA8A0];
	(xrf0) =	vmax.scan.msk.f32 $0xffff, v51  }
0x189: {  	v28 =	vld [tilespmem:$0xA8B0]  }
0x18a: {  	[tilespmem:$0x1FE50] =	vst v21;
	v21 =	vld [tilespmem:$0xABC0]  }
0x18b: {  	v29 =	vld [tilespmem:$0xA8C0]  }
0x18c: {  	v31 =	vld [tilespmem:$0xA8D0]  }
0x18d: {  	v30 =	vld [tilespmem:$0xA8E0]  }
0x18e: {  	v33 =	vld [tilespmem:$0xA8F0];
	v52, _, _ =	vpop (xrf0)  }
0x18f: {  	v53 =	vbroadcast v52, $0xF;
	[tilespmem:$0x1FE70] =	vst v21;
	v21 =	vld [tilespmem:$0xABE0]  }
0x190: {  	v32 =	vld [tilespmem:$0xA900]  }
0x191: {  	v4 =	vld [tilespmem:$0xAB30];
	v0 =	vsub.f32 v0, v53  }
0x192: {  	v19 =	vld [tilespmem:$0xA910];
	v1 =	vsub.f32 v1, v53  }
0x193: {  	v34 =	vld [tilespmem:$0xA920];
	v0 =	vmul.f32 $1.442695020e+00, v0  }
0x194: {  	v1 =	vmul.f32 $1.442695020e+00, v1;
	[tilespmem:$0x1FE90] =	vst v21;
	v21 =	vld [tilespmem:$0xAC00]  }
0x195: {  	v35 =	vld [tilespmem:$0xA930];
	(erf) = vpow2.f32 v0  }
0x196: {  	[tilespmem:$0x1FDE0] =	vst v4;
	v4 =	vld [tilespmem:$0xAB50];
	(erf) = vpow2.f32 v1  }
0x197: {  	v36 =	vld [tilespmem:$0xA940]  }
0x198: {  	v38 =	vld [tilespmem:$0xA950]  }
0x199: {  	[tilespmem:$0x1FEB0] =	vst v21;
	v21 =	vld [tilespmem:$0xAC20]  }
0x19a: {  	v42 =	vld [tilespmem:$0xA960]  }
0x19b: {  	[tilespmem:$0x1FE00] =	vst v4;
	v4 =	vld [tilespmem:$0xAB70]  }
0x19c: {  	v39 =	vld [tilespmem:$0xA970]  }
0x19d: {  	v23 =	vld [tilespmem:$0xA980]  }
0x19e: {  	v2 =	vpop (erf);
	[tilespmem:$0x1FED0] =	vst v21;
	v21 =	vld [tilespmem:$0xAC30]  }
0x19f: {  	v43 =	vld [tilespmem:$0xA990];
	v3 =	vpop (erf)  }
0x1a0: {  	[tilespmem:$0x1FE20] =	vst v4;
	v4 =	vld [tilespmem:$0xAB90];
	v54 =	vadd.f32 v3, v2  }
0x1a1: {  	v37 =	vld [tilespmem:$0xA9A0]  }
0x1a2: {  	v46 =	vld [tilespmem:$0xA9B0];
	(xrf2) =	vadd.scan.msk.f32 $0xffff, v54  }
0x1a3: {  	[tilespmem:$0x1FEE0] =	vst v21;
	v21 =	vld [tilespmem:$0xAC40]  }
0x1a4: {  	v47 =	vld [tilespmem:$0xA9C0]  }
0x1a5: {  	[tilespmem:$0x1FE40] =	vst v4;
	v4 =	vld [tilespmem:$0xABB0]  }
0x1a6: {  	v27 =	vld [tilespmem:$0xA9F0]  }
0x1a7: {  	v40 =	vld [tilespmem:$0xAA10]  }
0x1a8: {  	[tilespmem:$0x1FEF0] =	vst v21;
	v21 =	vld [tilespmem:$0xAC50]  }
0x1a9: {  	v58 =	vld [tilespmem:$0xAA40]  }
0x1aa: {  	[tilespmem:$0x1FE60] =	vst v4;
	v4 =	vld [tilespmem:$0xABD0]  }
0x1ab: {  	v59 =	vld [tilespmem:$0xAA50]  }
0x1ac: {  	v41 =	vld [tilespmem:$0xAA60];
	v1, _, _ =	vpop (xrf2)  }
0x1ad: {  	v1 =	vbroadcast v1, $0xF;
	[tilespmem:$0x1FF00] =	vst v21;
	v21 =	vld [tilespmem:$0xAC60]  }
0x1ae: {  	v61 =	vld [tilespmem:$0xAA70]  }
0x1af: {  	[tilespmem:$0x1FE80] =	vst v4;
	v4 =	vld [tilespmem:$0xABF0];
	(erf) = vrcp.f32 v1  }
0x1b0: {  	v44 =	vld [tilespmem:$0xAA80]  }
0x1b1: {  	v62 =	vld [tilespmem:$0xAA90]  }
0x1b2: {  	[tilespmem:$0x1FF10] =	vst v21;
	v21 =	vld [tilespmem:$0xAC70]  }
0x1b3: {  	v63 =	vld [tilespmem:$0xAAA0]  }
0x1b4: {  	[tilespmem:$0x1FEA0] =	vst v4;
	v4 =	vld [tilespmem:$0xAC10]  }
0x1b5: {  	v45 =	vld [tilespmem:$0xAAB0]  }
0x1b6: {  	v48 =	vld [tilespmem:$0xAAC0]  }
0x1b7: {  	[tilespmem:$0x1FF20] =	vst v21;
	v21 =	vld [tilespmem:$0xAC80]  }
0x1b8: {  	v55 =	vld [tilespmem:$0xAB10];
	v1 =	vpop (erf)  }
0x1b9: {  	v60 =	vld [tilespmem:$0xAAE0];
	[tilespmem:$0x1FEC0] =	vst v4;
	v4 =	vmul.f32 v1, v2  }
0x1ba: {  	v56 =	vld [tilespmem:$0xAAF0]  }
0x1bb: {  	v57 =	vld [tilespmem:$0xAB00];
	v2 =	vbroadcast v4, $0x0  }
0x1bc: {  	v0 =	vbroadcast v4, $0x1;
	[tilespmem:$0x1FF30] =	vst v21;
	v21 =	vld [tilespmem:$0xAC90]  }
0x1bd: {  	[tilespmem:$0x1FDD0] =	vst v55;
	v55 =	vld [tilespmem:$0xAB20];
	v15 =	vmul.f32 v2, v15  }
0x1be: {  	v49 =	vld [tilespmem:$0xA9D0];
	v5 =	vmul.f32 v0, v5  }
0x1bf: {  	v50 =	vld [tilespmem:$0xA9E0];
	v17 =	vmul.f32 v2, v17;
	v8 =	vmul.f32 v2, v8;
	v15 =	vadd.f32 $0.0e+00, v15  }
0x1c0: {  	v51 =	vld [tilespmem:$0xAA00];
	v7 =	vmul.f32 v2, v7;
	v9 =	vmul.f32 v0, v9  }
0x1c1: {  	v52 =	vld [tilespmem:$0xAA20];
	v11 =	vmul.f32 v0, v11;
	[tilespmem:$0x1FF40] =	vst v21;
	v21 =	vmul.f32 v1, v3;
	v1 =	vadd.f32 v15, v5  }
0x1c2: {  	v53 =	vld [tilespmem:$0xAA30];
	v5 =	vmul.f32 v2, v20;
	v15 =	vadd.f32 $0.0e+00, v17;
	v17 =	vmul.f32 v2, v6  }
0x1c3: {  	v54 =	vld [tilespmem:$0xAAD0];
	v8 =	vadd.f32 $0.0e+00, v8;
	v20 =	vmul.f32 v2, v22;
	v6 =	vmul.f32 v0, v10  }
0x1c4: {  	v3 =	vld [tilespmem:$0xACA0];
	v10 =	vmul.f32 v0, v12;
	v2 =	vmul.f32 v2, v13;
	v5 =	vadd.f32 $0.0e+00, v5  }
0x1c5: {  	v22 =	vld [tilespmem:$0xACB0];
	v12 =	vmul.f32 v16, v0;
	v17 =	vadd.f32 $0.0e+00, v17;
	v20 =	vadd.f32 $0.0e+00, v20  }
0x1c6: {  	v13 =	vbroadcast v4, $0x2;
	v9 =	vadd.f32 v15, v9;
	v15 =	vld [tilespmem:$0xAD00];
	v5 =	vadd.f32 v5, v6  }
0x1c7: {  	v6 =	vadd.f32 v17, v11;
	v10 =	vadd.f32 v20, v10;
	v11 =	vmul.f32 v14, v0;
	v20 =	vld [tilespmem:$0xAD10]  }
0x1c8: {  	v7 =	vadd.f32 $0.0e+00, v7;
	v0 =	vmul.f32 v18, v0;
	v17 =	vld [tilespmem:$0xAD20];
	v18 =	vmul.f32 v26, v13  }
0x1c9: {  	v2 =	vadd.f32 $0.0e+00, v2;
	v26 =	vmul.f32 v29, v13;
	v29 =	vmul.f32 v30, v13;
	v30 =	vld [tilespmem:$0xAD70]  }
0x1ca: {  	v7 =	vadd.f32 v12, v7;
	v12 =	vbroadcast v4, $0x3;
	[tilespmem:$0x1FF50] =	vst v22;
	v22 =	vld [tilespmem:$0xACC0];
	v8 =	vadd.f32 v8, v11  }
0x1cb: {  	v11 =	vmul.f32 v24, v13;
	v24 =	vmul.f32 v25, v13;
	v25 =	vld [tilespmem:$0xAD30];
	v0 =	vadd.f32 v0, v2  }
0x1cc: {  	v14 =	vbroadcast v4, $0x4;
	v2 =	vadd.f32 v18, v5;
	v5 =	vadd.f32 v26, v10;
	v26 =	vld [tilespmem:$0xAD90]  }
0x1cd: {  	v16 =	vmul.f32 v36, v12;
	v7 =	vadd.f32 v29, v7;
	v29 =	vld [tilespmem:$0xADA0]  }
0x1ce: {  	v36 =	vmul.f32 v39, v12;
	v18 =	vld [tilespmem:$0xADB0];
	v39 =	vmul.f32 v43, v14  }
0x1cf: {  	v43 =	vld [tilespmem:$0xADF0];
	v9 =	vadd.f32 v24, v9;
	v24 =	vmul.f32 v28, v13;
	v28 =	vmul.f32 v31, v13  }
0x1d0: {  	v32 =	vmul.f32 v32, v12;
	v31 =	vmul.f32 v33, v13;
	[tilespmem:$0x1FF60] =	vst v22;
	v22 =	vld [tilespmem:$0xACD0]  }
0x1d1: {  	v34 =	vmul.f32 v34, v12;
	v1 =	vadd.f32 v11, v1;
	v8 =	vadd.f32 v28, v8;
	v28 =	vld [tilespmem:$0xADC0]  }
0x1d2: {  	v35 =	vmul.f32 v35, v12;
	v33 =	vmul.f32 v19, v12;
	v0 =	vadd.f32 v31, v0;
	v31 =	vld [tilespmem:$0xADD0]  }
0x1d3: {  	v2 =	vadd.f32 v34, v2;
	v13 =	vbroadcast v4, $0x6;
	v1 =	vadd.f32 v32, v1;
	v32 =	vld [tilespmem:$0xADE0]  }
0x1d4: {  	v19 =	vmul.f32 v38, v12;
	[tilespmem:$0x1FFD0] =	vst v30;
	v30 =	vbroadcast v4, $0x5;
	v9 =	vadd.f32 v33, v9;
	v33 =	vld [tilespmem:$0xAE00]  }
0x1d5: {  	v6 =	vadd.f32 v24, v6;
	v24 =	vmul.f32 v42, v12;
	v34 =	vmul.f32 v62, v13;
	v62 =	vld [tilespmem:$0xAEA0]  }
0x1d6: {  	v42 =	vmul.f32 v37, v14;
	v37 =	vmul.f32 v63, v13;
	v63 =	vld [tilespmem:$0xAEB0]  }
0x1d7: {  	v5 =	vadd.f32 v16, v5;
	v38 =	vmul.f32 v23, v14;
	v23 =	vmul.f32 v47, v14;
	[tilespmem:$0x1FFA0] =	vst v25;
	v25 =	vld [tilespmem:$0xAD50]  }
0x1d8: {  	[tilespmem:$0x1FFF0] =	vst v43;
	v43 =	vmul.f32 v27, v14;
	v16 =	vmul.f32 v52, v30;
	v52 =	vld [tilespmem:$0xAE50]  }
0x1d9: {  	v5 =	vadd.f32 v23, v5;
	[tilespmem:$0x1FFE0] =	vst v18;
	v47 =	vmul.f32 v40, v30;
	v18 =	vmul.f32 v53, v30;
	v53 =	vld [tilespmem:$0xAE60]  }
0x1da: {  	v23 =	vmul.f32 v59, v30;
	v59 =	vld [tilespmem:$0xAE80];
	v27 =	vmul.f32 v61, v30;
	v6 =	vadd.f32 v35, v6  }
0x1db: {  	v61 =	vld [tilespmem:$0xAE90];
	v40 =	vmul.f32 v45, v13;
	v8 =	vadd.f32 v19, v8;
	v7 =	vadd.f32 v24, v7  }
0x1dc: {  	v45 =	vld [tilespmem:$0xAF30];
	v2 =	vadd.f32 v42, v2;
	v24 =	vmul.f32 v49, v14;
	v42 =	vmul.f32 v50, v14  }
0x1dd: {  	v0 =	vadd.f32 v36, v0;
	v19 =	vmul.f32 v46, v14;
	v9 =	vadd.f32 v39, v9;
	v39 =	vld [tilespmem:$0xAE10]  }
0x1de: {  	v35 =	vld [tilespmem:$0xAE20];
	v8 =	vadd.f32 v24, v8;
	v7 =	vadd.f32 v42, v7;
	v24 =	vmul.f32 v41, v30  }
0x1df: {  	v1 =	vadd.f32 v38, v1;
	v38 =	vld [tilespmem:$0xAE30];
	v46 =	vmul.f32 v51, v30;
	v6 =	vadd.f32 v19, v6  }
0x1e0: {  	v51 =	vld [tilespmem:$0xAE40];
	v0 =	vadd.f32 v43, v0;
	v43 =	vmul.f32 v60, v13;
	v7 =	vadd.f32 v24, v7  }
0x1e1: {  	v50 =	vld [tilespmem:$0xAEC0];
	v6 =	vadd.f32 v18, v6;
	v18 =	vbroadcast v4, $0x7  }
0x1e2: {  	v19 =	vmul.f32 v58, v30;
	v30 =	vmul.f32 v44, v13;
	v7 =	vadd.f32 v43, v7;
	v43 =	vld [tilespmem:$0x1FE30]  }
0x1e3: {  	v1 =	vadd.f32 v46, v1;
	v41 =	vmul.f32 v48, v13;
	v48 =	vmul.f32 v57, v18;
	v57 =	vld [tilespmem:$0x1FDD0]  }
0x1e4: {  	v49 =	vld [tilespmem:$0xAED0]  }
0x1e5: {  	v11 =	vadd.f32 v16, v2;
	v58 =	vld [tilespmem:$0xAE70];
	v16 =	vbroadcast v4, $0x8;
	v12 =	vadd.f32 v30, v1  }
0x1e6: {  	v8 =	vadd.f32 v23, v8;
	v24 =	vld [tilespmem:$0x1FDE0]  }
0x1e7: {  	v30 =	vld [tilespmem:$0x1FDF0];
	v23 =	vmul.f32 v55, v18;
	v12 =	vadd.f32 v48, v12;
	v55 =	vmul.f32 v43, v16  }
0x1e8: {  	v9 =	vadd.f32 v47, v9;
	v60 =	vmul.f32 v57, v18;
	v57 =	vld [tilespmem:$0x1FE40]  }
0x1e9: {  	v42 =	vmul.f32 v54, v13;
	v5 =	vadd.f32 v19, v5;
	v12 =	vadd.f32 v55, v12;
	v55 =	vld [tilespmem:$0x1FE70]  }
0x1ea: {  	v47 =	vld [tilespmem:$0xAEE0];
	v13 =	vmul.f32 v56, v13;
	v36 =	vadd.f32 v27, v0;
	v9 =	vadd.f32 v34, v9  }
0x1eb: {  	v11 =	vadd.f32 v37, v11;
	v6 =	vadd.f32 v40, v6;
	v40 =	vld [tilespmem:$0x1FE10];
	v27 =	vmul.f32 v24, v18  }
0x1ec: {  	v5 =	vadd.f32 v41, v5;
	v13 =	vadd.f32 v13, v36;
	v36 =	vld [tilespmem:$0x1FE00];
	v34 =	vmul.f32 v30, v18  }
0x1ed: {  	v14 =	vadd.f32 v27, v6;
	v6 =	vld [tilespmem:$0x1FE90];
	v9 =	vadd.f32 v60, v9;
	v60 =	vmul.f32 v57, v16  }
0x1ee: {  	v10 =	vadd.f32 v23, v11;
	v11 =	vadd.f32 v34, v5;
	v34 =	vld [tilespmem:$0x1FE60];
	v57 =	vmul.f32 v55, v16  }
0x1ef: {  	v9 =	vadd.f32 v60, v9;
	v60 =	vld [tilespmem:$0x1FE80]  }
0x1f0: {  	v41 =	vmul.f32 v40, v18;
	v11 =	vadd.f32 v57, v11;
	v57 =	vld [tilespmem:$0x1FEB0]  }
0x1f1: {  	v8 =	vadd.f32 v42, v8;
	v27 =	vld [tilespmem:$0x1FE50]  }
0x1f2: {  	v42 =	vld [tilespmem:$0x1FE20];
	v37 =	vmul.f32 v36, v18;
	v7 =	vadd.f32 v41, v7;
	v23 =	vmul.f32 v6, v16  }
0x1f3: {  	v24 =	vbroadcast v4, $0x9;
	v55 =	vld [tilespmem:$0x1FEA0]  }
0x1f4: {  	v8 =	vadd.f32 v37, v8;
	v37 =	vmul.f32 v34, v16;
	v34 =	vadd.f32 v23, v7;
	v23 =	vld [tilespmem:$0x1FEC0]  }
0x1f5: {  	v5 =	vmul.f32 v60, v16;
	v60 =	vmul.f32 v57, v24;
	v57 =	vld [tilespmem:$0x1FED0]  }
0x1f6: {  	v56 =	vld [tilespmem:$0xAEF0];
	v30 =	vmul.f32 v27, v16  }
0x1f7: {  	v54 =	vld [tilespmem:$0xAF00]  }
0x1f8: {  	v46 =	vld [tilespmem:$0xAF20];
	v18 =	vmul.f32 v42, v18;
	v10 =	vadd.f32 v30, v10  }
0x1f9: {  	v19 =	vadd.f32 v37, v14;
	v37 =	vmul.f32 v55, v16;
	v41 =	vadd.f32 v5, v8;
	v5 =	vld [tilespmem:$0x1FEE0]  }
0x1fa: {  	[tilespmem:$0x1FF70] =	vst v22;
	v22 =	vld [tilespmem:$0xACE0];
	v55 =	vmul.f32 v23, v24;
	v12 =	vadd.f32 v60, v12;
	v60 =	vmul.f32 v57, v24  }
0x1fb: {  	v44 =	vld [tilespmem:$0xAF40];
	v13 =	vadd.f32 v18, v13  }
0x1fc: {  	v9 =	vadd.f32 v55, v9;
	v55 =	vadd.f32 v60, v10;
	v60 =	vld [tilespmem:$0x1FF00]  }
0x1fd: {  	v6 =	vld [tilespmem:$0x1FEF0]  }
0x1fe: {  	[tilespmem:$0x1FFC0] =	vst v25;
	v25 =	vld [tilespmem:$0xAD80];
	v37 =	vadd.f32 v37, v13;
	v13 =	vmul.f32 v5, v24  }
0x1ff: {  	[tilespmem:$0x1FF80] =	vst v22;
	v22 =	vld [tilespmem:$0xACF0]  }
0x200: {  	v1 =	vadd.f32 v13, v19;
	v13 =	vld [tilespmem:$0x1FF10]  }
0x201: {  	v48 =	vld [tilespmem:$0xAF10];
	v5 =	vmul.f32 v60, v24  }
0x202: {  	v7 =	vmul.f32 v6, v24;
	v6 =	vld [tilespmem:$0x1FF30]  }
0x203: {  	v41 =	vadd.f32 v5, v41;
	v5 =	vld [tilespmem:$0x1FF20]  }
0x204: {  	v36 =	vld [tilespmem:$0xAF50]  }
0x205: {  	v43 =	vld [tilespmem:$0xAF60];
	v60 =	vbroadcast v4, $0xA;
	v19 =	vmul.f32 v13, v24  }
0x206: {  	[tilespmem:$0x1FF90] =	vst v22;
	v22 =	vld [tilespmem:$0xAD40]  }
0x207: {  	v40 =	vadd.f32 v7, v11;
	v7 =	vmul.f32 v6, v60;
	v34 =	vadd.f32 v19, v34;
	v19 =	vld [tilespmem:$0x1FF40]  }
0x208: {  	v6 =	vld [tilespmem:$0x1FF50];
	v24 =	vmul.f32 v5, v24;
	v5 =	vmul.f32 v3, v60  }
0x209: {  	v42 =	vld [tilespmem:$0xAF70]  }
0x20a: {  	v3 =	vadd.f32 v5, v55;
	v5 =	vld [tilespmem:$0x1FF80]  }
0x20b: {  	v18 =	vld [tilespmem:$0xAFA0]  }
0x20c: {  	v27 =	vld [tilespmem:$0xAF90];
	v11 =	vmul.f32 v19, v60  }
0x20d: {  	[tilespmem:$0x1FFB0] =	vst v22;
	v22 =	vld [tilespmem:$0xAD60];
	v57 =	vadd.f32 v7, v12;
	v7 =	vmul.f32 v6, v60  }
0x20e: {  	v2 =	vadd.f32 v11, v9;
	v11 =	vld [tilespmem:$0x1FF60]  }
0x20f: {  	v6 =	vadd.f32 v7, v1;
	v7 =	vmul.f32 v5, v60;
	v5 =	vld [tilespmem:$0x1FF90]  }
0x210: {  	v30 =	vld [tilespmem:$0xAF80]  }
0x211: {  	v0 =	vbroadcast v4, $0xB;
	v12 =	vld [tilespmem:$0x1FF70]  }
0x212: {  	v14 =	vld [tilespmem:$0xAFD0]  }
0x213: {  	v20 =	vmul.f32 v20, v0;
	v16 =	vld [tilespmem:$0xAFB0];
	v55 =	vmul.f32 v11, v60  }
0x214: {  	v23 =	vld [tilespmem:$0xAFC0];
	v37 =	vadd.f32 v24, v37;
	v1 =	vmul.f32 v5, v60  }
0x215: {  	v40 =	vadd.f32 v55, v40;
	v55 =	vadd.f32 v20, v2;
	v20 =	vld [tilespmem:$0x1FFA0]  }
0x216: {  	v12 =	vmul.f32 v12, v60;
	v5 =	vadd.f32 v1, v37;
	v37 =	vld [tilespmem:$0x1FFB0]  }
0x217: {  	v8 =	vld [tilespmem:$0xAFF0]  }
0x218: {  	v10 =	vld [tilespmem:$0xAFE0];
	v12 =	vadd.f32 v12, v41;
	v41 =	vmul.f32 v15, v0  }
0x219: {  	v13 =	vld [tilespmem:$0xB000]  }
0x21a: {  	v19 =	vld [tilespmem:$0xB010];
	v41 =	vadd.f32 v41, v57;
	v57 =	vmul.f32 v20, v0  }
0x21b: {  	v24 =	vld [tilespmem:$0xB020];
	v37 =	vmul.f32 v37, v0  }
0x21c: {  	v6 =	vadd.f32 v57, v6;
	v57 =	vld [tilespmem:$0x1FFC0]  }
0x21d: {  	v37 =	vadd.f32 v37, v40;
	v40 =	vld [tilespmem:$0x1FFD0]  }
0x21e: {  	v9 =	vld [tilespmem:$0xB030]  }
0x21f: {  	v15 =	vld [tilespmem:$0xB060]  }
0x220: {  	v11 =	vld [tilespmem:$0xB040];
	v34 =	vadd.f32 v7, v34;
	v7 =	vmul.f32 v17, v0;
	v1 =	vbroadcast v4, $0xC  }
0x221: {  	v17 =	vld [tilespmem:$0xB070];
	v2 =	vmul.f32 v22, v0;
	v57 =	vmul.f32 v57, v0  }
0x222: {  	v22 =	vld [tilespmem:$0xB0A0];
	v0 =	vmul.f32 v40, v0;
	v40 =	vmul.f32 v25, v1  }
0x223: {  	v3 =	vadd.f32 v7, v3;
	v7 =	vld [tilespmem:$0xB090];
	v12 =	vadd.f32 v57, v12;
	v57 =	vmul.f32 v26, v1  }
0x224: {  	v60 =	vld [tilespmem:$0xB050];
	v0 =	vadd.f32 v0, v5;
	v5 =	vadd.f32 v40, v41;
	v40 =	vmul.f32 v29, v1  }
0x225: {  	v20 =	vld [tilespmem:$0xB080]  }
0x226: {  	v41 =	vadd.f32 v57, v55;
	v57 =	vld [tilespmem:$0x1FFE0];
	v3 =	vadd.f32 v40, v3;
	v40 =	vmul.f32 v31, v1  }
0x227: {  	v26 =	vld [tilespmem:$0xB0C0]  }
0x228: {  	v12 =	vadd.f32 v40, v12;
	v40 =	vld [tilespmem:$0x1FFF0]  }
0x229: {  	v25 =	vld [tilespmem:$0xB0B0]  }
0x22a: {  	v29 =	vld [tilespmem:$0xB0D0]  }
0x22b: {  	v2 =	vadd.f32 v2, v34;
	v55 =	vmul.f32 v28, v1;
	v28 =	vld [tilespmem:$0xB0E0];
	v34 =	vmul.f32 v57, v1  }
0x22c: {  	v31 =	vld [tilespmem:$0xB0F0];
	v57 =	vbroadcast v4, $0xD  }
0x22d: {  	v6 =	vadd.f32 v34, v6;
	v34 =	vmul.f32 v32, v1;
	v32 =	vld [tilespmem:$0xB100];
	v1 =	vmul.f32 v40, v1  }
0x22e: {  	v55 =	vadd.f32 v55, v37;
	v37 =	vmul.f32 v33, v57;
	v33 =	vld [tilespmem:$0xB110];
	v39 =	vmul.f32 v39, v57  }
0x22f: {  	v2 =	vadd.f32 v34, v2;
	v40 =	vmul.f32 v35, v57;
	v34 =	vld [tilespmem:$0xB120];
	v0 =	vadd.f32 v1, v0  }
0x230: {  	v35 =	vld [tilespmem:$0xB130];
	v1 =	vadd.f32 v37, v5;
	v5 =	vmul.f32 v38, v57;
	v37 =	vadd.f32 v39, v41  }
0x231: {  	v3 =	vadd.f32 v40, v3;
	v39 =	vmul.f32 v51, v57;
	v51 =	vld [tilespmem:$0xB140];
	v41 =	vmul.f32 v53, v57  }
0x232: {  	v38 =	vld [tilespmem:$0xB150];
	v5 =	vadd.f32 v5, v6;
	v6 =	vmul.f32 v52, v57;
	v52 =	vbroadcast v4, $0xE  }
0x233: {  	v53 =	vmul.f32 v58, v57;
	v40 =	vld [tilespmem:$0xB170];
	v55 =	vadd.f32 v39, v55;
	v4 =	vbroadcast v4, $0xF  }
0x234: {  	v39 =	vld [tilespmem:$0xB160];
	v6 =	vadd.f32 v6, v12;
	v12 =	vmul.f32 v59, v52;
	v61 =	vmul.f32 v61, v52  }
0x235: {  	v2 =	vadd.f32 v41, v2;
	v41 =	vld [tilespmem:$0xB180];
	v62 =	vmul.f32 v62, v52;
	v63 =	vmul.f32 v63, v52  }
0x236: {  	v57 =	vld [tilespmem:$0xB190];
	v50 =	vmul.f32 v50, v52;
	v47 =	vmul.f32 v47, v52  }
0x237: {  	v0 =	vadd.f32 v53, v0;
	v53 =	vld [tilespmem:$0xB1A0];
	v54 =	vmul.f32 v54, v4;
	v46 =	vmul.f32 v46, v4  }
0x238: {  	v1 =	vadd.f32 v12, v1;
	v12 =	vadd.f32 v61, v37;
	v61 =	vmul.f32 v49, v52;
	v49 =	vld [tilespmem:$0xB1B0]  }
0x239: {  	v44 =	vmul.f32 v44, v4;
	v36 =	vmul.f32 v36, v4;
	v50 =	vadd.f32 v50, v55;
	v55 =	vld [tilespmem:$0xB1C0]  }
0x23a: {  	v43 =	vmul.f32 v43, v4;
	v3 =	vadd.f32 v62, v3;
	v2 =	vadd.f32 v47, v2;
	v47 =	vld [tilespmem:$0xB1D0]  }
0x23b: {  	v5 =	vadd.f32 v63, v5;
	v52 =	vmul.f32 v56, v52;
	v62 =	vmul.f32 v48, v4;
	v48 =	vld [tilespmem:$0xB1E0]  }
0x23c: {  	v63 =	vmul.f32 v45, v4;
	v45 =	vld [tilespmem:$0xB1F0];
	v56 =	vbroadcast v21, $0x0;
	v6 =	vadd.f32 v61, v6  }
0x23d: {  	v4 =	vmul.f32 v42, v4;
	v42 =	vld [tilespmem:$0xB230];
	v0 =	vadd.f32 v52, v0;
	v1 =	vadd.f32 v54, v1  }
0x23e: {  	v12 =	vadd.f32 v62, v12;
	v3 =	vadd.f32 v46, v3;
	v52 =	vld [tilespmem:$0xB200];
	v30 =	vmul.f32 v30, v56  }
0x23f: {  	v58 =	vadd.f32 v44, v50;
	v44 =	vld [tilespmem:$0xB210];
	v27 =	vmul.f32 v27, v56;
	v18 =	vmul.f32 v18, v56  }
0x240: {  	v5 =	vadd.f32 v63, v5;
	v59 =	vmul.f32 v16, v56;
	v16 =	vld [tilespmem:$0xB240];
	v61 =	vmul.f32 v23, v56  }
0x241: {  	v2 =	vadd.f32 v43, v2;
	v23 =	vld [tilespmem:$0xB250];
	v62 =	vmul.f32 v14, v56;
	v63 =	vbroadcast v21, $0x1  }
0x242: {  	v10 =	vmul.f32 v10, v56;
	v6 =	vadd.f32 v36, v6;
	v36 =	vld [tilespmem:$0xB220];
	v0 =	vadd.f32 v4, v0  }
0x243: {  	v8 =	vmul.f32 v8, v56;
	v1 =	vadd.f32 v30, v1;
	v12 =	vadd.f32 v27, v12;
	v27 =	vld [tilespmem:$0xB260]  }
0x244: {  	v3 =	vadd.f32 v18, v3;
	v4 =	vadd.f32 v59, v5;
	v30 =	vld [tilespmem:$0xB270];
	v43 =	vmul.f32 v13, v63  }
0x245: {  	v18 =	vadd.f32 v61, v58;
	v46 =	vmul.f32 v19, v63;
	v19 =	vld [tilespmem:$0xB280];
	v50 =	vmul.f32 v24, v63  }
0x246: {  	v2 =	vadd.f32 v10, v2;
	v10 =	vld [tilespmem:$0xB290];
	v9 =	vmul.f32 v9, v63;
	v56 =	vmul.f32 v11, v63  }
0x247: {  	v58 =	vbroadcast v21, $0x2;
	v13 =	vld [tilespmem:$0xB2B0];
	v59 =	vmul.f32 v60, v63;
	v5 =	vadd.f32 v62, v6  }
0x248: {  	v15 =	vmul.f32 v15, v63;
	v24 =	vld [tilespmem:$0xB2C0];
	v0 =	vadd.f32 v8, v0;
	v1 =	vadd.f32 v43, v1  }
0x249: {  	v14 =	vmul.f32 v17, v63;
	v17 =	vld [tilespmem:$0xB320];
	v54 =	vadd.f32 v46, v12;
	v3 =	vadd.f32 v50, v3  }
0x24a: {  	v12 =	vld [tilespmem:$0xB2A0];
	v4 =	vadd.f32 v9, v4;
	v60 =	vmul.f32 v20, v58;
	v7 =	vmul.f32 v7, v58  }
0x24b: {  	v8 =	vadd.f32 v56, v18;
	v18 =	vld [tilespmem:$0xB2D0];
	v61 =	vmul.f32 v22, v58;
	v62 =	vmul.f32 v25, v58  }
0x24c: {  	v2 =	vadd.f32 v15, v2;
	v9 =	vld [tilespmem:$0xB2E0];
	v63 =	vmul.f32 v26, v58;
	v37 =	vmul.f32 v29, v58  }
0x24d: {  	v15 =	vld [tilespmem:$0xB2F0];
	v43 =	vbroadcast v21, $0x3;
	v5 =	vadd.f32 v59, v5;
	v0 =	vadd.f32 v14, v0  }
0x24e: {  	v20 =	vld [tilespmem:$0xB300];
	v11 =	vmul.f32 v31, v58;
	v1 =	vadd.f32 v60, v1;
	v6 =	vadd.f32 v7, v54  }
0x24f: {  	v25 =	vld [tilespmem:$0xB310];
	v3 =	vadd.f32 v61, v3;
	v54 =	vmul.f32 v28, v58;
	v56 =	vmul.f32 v32, v43  }
0x250: {  	v26 =	vld [tilespmem:$0xB330];
	v4 =	vadd.f32 v62, v4;
	v58 =	vmul.f32 v33, v43;
	v59 =	vmul.f32 v34, v43  }
0x251: {  	v29 =	vld [tilespmem:$0xB340];
	v50 =	vadd.f32 v63, v8;
	v60 =	vmul.f32 v35, v43;
	v61 =	vmul.f32 v51, v43  }
0x252: {  	v31 =	vld [tilespmem:$0xB400];
	v62 =	vmul.f32 v38, v43;
	v63 =	vbroadcast v21, $0x4;
	v5 =	vadd.f32 v37, v5  }
0x253: {  	v14 =	vld [tilespmem:$0xB350];
	v46 =	vmul.f32 v39, v43;
	v2 =	vadd.f32 v54, v2;
	v0 =	vadd.f32 v11, v0  }
0x254: {  	v28 =	vld [tilespmem:$0xB360];
	v22 =	vmul.f32 v40, v43;
	v1 =	vadd.f32 v56, v1;
	v6 =	vadd.f32 v58, v6  }
0x255: {  	v32 =	vld [tilespmem:$0xB370];
	v7 =	vadd.f32 v61, v50;
	v50 =	vmul.f32 v41, v63;
	v51 =	vmul.f32 v57, v63  }
0x256: {  	v33 =	vld [tilespmem:$0xB380];
	v3 =	vadd.f32 v59, v3;
	v53 =	vmul.f32 v53, v63;
	v54 =	vmul.f32 v49, v63  }
0x257: {  	v35 =	vld [tilespmem:$0xB390];
	v4 =	vadd.f32 v60, v4;
	v55 =	vmul.f32 v55, v63;
	v56 =	vbroadcast v21, $0x5  }
0x258: {  	v34 =	vld [tilespmem:$0xB3B0];
	v57 =	vmul.f32 v47, v63;
	v58 =	vmul.f32 v48, v63;
	v5 =	vadd.f32 v62, v5  }
0x259: {  	v38 =	vld [tilespmem:$0xB3C0];
	v59 =	vmul.f32 v45, v63;
	v2 =	vadd.f32 v46, v2;
	v0 =	vadd.f32 v22, v0  }
0x25a: {  	v40 =	vld [tilespmem:$0xB3D0];
	v1 =	vadd.f32 v50, v1;
	v60 =	vmul.f32 v52, v56;
	v61 =	vmul.f32 v44, v56  }
0x25b: {  	v39 =	vld [tilespmem:$0xB3F0];
	v6 =	vadd.f32 v51, v6;
	v62 =	vmul.f32 v36, v56;
	v63 =	vmul.f32 v42, v56  }
0x25c: {  	v41 =	vld [tilespmem:$0xB3E0];
	v3 =	vadd.f32 v53, v3;
	v16 =	vmul.f32 v16, v56;
	v45 =	vmul.f32 v23, v56  }
0x25d: {  	v47 =	vld [tilespmem:$0xB420];
	v4 =	vadd.f32 v54, v4;
	v46 =	vbroadcast v21, $0x6;
	v48 =	vmul.f32 v27, v56  }
0x25e: {  	v11 =	vld [tilespmem:$0xB470];
	v7 =	vadd.f32 v55, v7;
	v49 =	vmul.f32 v30, v56;
	v54 =	vbroadcast v21, $0x7  }
0x25f: {  	v22 =	vld [tilespmem:$0xB3A0];
	v5 =	vadd.f32 v57, v5;
	v19 =	vmul.f32 v19, v46;
	v10 =	vmul.f32 v10, v46  }
0x260: {  	v36 =	vld [tilespmem:$0xB410];
	v2 =	vadd.f32 v58, v2;
	v50 =	vmul.f32 v12, v46;
	v51 =	vmul.f32 v13, v46  }
0x261: {  	v27 =	vld [tilespmem:$0xB440];
	v0 =	vadd.f32 v59, v0;
	v52 =	vmul.f32 v24, v46;
	v53 =	vmul.f32 v18, v46  }
0x262: {  	v42 =	vld [tilespmem:$0xB620];
	v1 =	vadd.f32 v60, v1;
	v9 =	vmul.f32 v9, v46;
	v55 =	vmul.f32 v15, v46  }
0x263: {  	v7 =	vadd.f32 v16, v7;
	v16 =	vld [tilespmem:$0xB430];
	v56 =	vmul.f32 v20, v54;
	v57 =	vmul.f32 v25, v54  }
0x264: {  	v6 =	vadd.f32 v61, v6;
	v12 =	vld [tilespmem:$0xB450];
	v59 =	vmul.f32 v17, v54;
	v60 =	vmul.f32 v26, v54  }
0x265: {  	v3 =	vadd.f32 v62, v3;
	v13 =	vld [tilespmem:$0xB460];
	v61 =	vmul.f32 v29, v54;
	v62 =	vbroadcast v21, $0x8  }
0x266: {  	v4 =	vadd.f32 v63, v4;
	v15 =	vld [tilespmem:$0xB490];
	v63 =	vmul.f32 v14, v54;
	v28 =	vmul.f32 v28, v54  }
0x267: {  	v58 =	vld [tilespmem:$0xB4A0];
	v29 =	vmul.f32 v32, v54;
	v5 =	vadd.f32 v45, v5;
	v2 =	vadd.f32 v48, v2  }
0x268: {  	v17 =	vld [tilespmem:$0xB4C0];
	v0 =	vadd.f32 v49, v0;
	v1 =	vadd.f32 v19, v1;
	v30 =	vmul.f32 v33, v62  }
0x269: {  	v24 =	vld [tilespmem:$0xB4D0];
	v6 =	vadd.f32 v10, v6;
	v32 =	vmul.f32 v35, v62;
	v35 =	vmul.f32 v34, v62  }
0x26a: {  	v25 =	vld [tilespmem:$0xB4E0];
	v3 =	vadd.f32 v50, v3;
	v37 =	vmul.f32 v38, v62;
	v38 =	vmul.f32 v40, v62  }
0x26b: {  	v26 =	vld [tilespmem:$0xB4F0];
	v4 =	vadd.f32 v51, v4;
	v40 =	vbroadcast v21, $0x9;
	v41 =	vmul.f32 v41, v62  }
0x26c: {  	v14 =	vld [tilespmem:$0xB500];
	v7 =	vadd.f32 v52, v7;
	v43 =	vmul.f32 v39, v62;
	v52 =	vbroadcast v21, $0xA  }
0x26d: {  	v18 =	vld [tilespmem:$0xB510];
	v33 =	vmul.f32 v22, v62;
	v5 =	vadd.f32 v53, v5;
	v2 =	vadd.f32 v9, v2  }
0x26e: {  	v20 =	vld [tilespmem:$0xB580];
	v0 =	vadd.f32 v55, v0;
	v1 =	vadd.f32 v56, v1;
	v44 =	vmul.f32 v31, v40  }
0x26f: {  	v19 =	vld [tilespmem:$0xB480];
	v6 =	vadd.f32 v57, v6;
	v46 =	vmul.f32 v36, v40;
	v47 =	vmul.f32 v47, v40  }
0x270: {  	v10 =	vld [tilespmem:$0xB4B0];
	v3 =	vadd.f32 v59, v3;
	v50 =	vmul.f32 v27, v40;
	v11 =	vmul.f32 v11, v40  }
0x271: {  	v45 =	vld [tilespmem:$0xB550];
	v4 =	vadd.f32 v60, v4;
	v49 =	vmul.f32 v16, v40;
	v51 =	vmul.f32 v12, v40  }
0x272: {  	v48 =	vld [tilespmem:$0xB560];
	v7 =	vadd.f32 v61, v7;
	v54 =	vmul.f32 v13, v40;
	v15 =	vmul.f32 v15, v52  }
0x273: {  	v22 =	vld [tilespmem:$0xB540];
	v58 =	vmul.f32 v58, v52;
	v5 =	vadd.f32 v63, v5;
	v2 =	vadd.f32 v28, v2  }
0x274: {  	v53 =	vld [tilespmem:$0xB590];
	v62 =	vmul.f32 v17, v52;
	v0 =	vadd.f32 v29, v0;
	v1 =	vadd.f32 v30, v1  }
0x275: {  	v55 =	vld [tilespmem:$0xB5A0];
	v34 =	vmul.f32 v25, v52;
	v6 =	vadd.f32 v32, v6;
	v3 =	vadd.f32 v33, v3  }
0x276: {  	v57 =	vld [tilespmem:$0xB5B0];
	v36 =	vmul.f32 v26, v52;
	v4 =	vadd.f32 v35, v4;
	v7 =	vadd.f32 v37, v7  }
0x277: {  	v59 =	vld [tilespmem:$0xB5C0];
	v63 =	vbroadcast v21, $0xB;
	v32 =	vmul.f32 v24, v52;
	v5 =	vadd.f32 v38, v5  }
0x278: {  	v61 =	vld [tilespmem:$0xB5D0];
	v56 =	vmul.f32 v19, v52;
	v2 =	vadd.f32 v41, v2;
	v0 =	vadd.f32 v43, v0  }
0x279: {  	v16 =	vld [tilespmem:$0xB570];
	v60 =	vmul.f32 v10, v52;
	v1 =	vadd.f32 v44, v1;
	v6 =	vadd.f32 v46, v6  }
0x27a: {  	v40 =	vld [tilespmem:$0xB610];
	v3 =	vadd.f32 v47, v3;
	v4 =	vadd.f32 v49, v4;
	v37 =	vmul.f32 v14, v63  }
0x27b: {  	v28 =	vld [tilespmem:$0xB520];
	v7 =	vadd.f32 v50, v7;
	v39 =	vmul.f32 v18, v63;
	v22 =	vmul.f32 v22, v63  }
0x27c: {  	v30 =	vld [tilespmem:$0xB530];
	v45 =	vmul.f32 v45, v63;
	v46 =	vbroadcast v21, $0xC;
	v5 =	vadd.f32 v51, v5  }
0x27d: {  	v29 =	vld [tilespmem:$0xB5E0];
	v48 =	vmul.f32 v48, v63;
	v2 =	vadd.f32 v54, v2;
	v0 =	vadd.f32 v11, v0  }
0x27e: {  	v35 =	vld [tilespmem:$0xB5F0];
	v1 =	vadd.f32 v56, v1;
	v50 =	vmul.f32 v16, v63;
	v51 =	vmul.f32 v20, v46  }
0x27f: {  	v24 =	vld [tilespmem:$0xB6B0];
	v6 =	vadd.f32 v15, v6;
	v53 =	vmul.f32 v53, v46;
	v13 =	vmul.f32 v55, v46  }
0x280: {  	v52 =	vld [tilespmem:$0xB660];
	v3 =	vadd.f32 v58, v3;
	v55 =	vmul.f32 v57, v46;
	v57 =	vmul.f32 v59, v46  }
0x281: {  	v38 =	vld [tilespmem:$0xB600];
	v4 =	vadd.f32 v60, v4;
	v59 =	vmul.f32 v61, v46;
	v60 =	vbroadcast v21, $0xD  }
0x282: {  	v44 =	vld [tilespmem:$0xB630];
	v7 =	vadd.f32 v62, v7;
	v41 =	vmul.f32 v28, v63;
	v43 =	vmul.f32 v30, v63  }
0x283: {  	v47 =	vld [tilespmem:$0xB640];
	v62 =	vmul.f32 v29, v46;
	v5 =	vadd.f32 v32, v5;
	v2 =	vadd.f32 v34, v2  }
0x284: {  	v49 =	vld [tilespmem:$0xB650];
	v63 =	vmul.f32 v35, v46;
	v0 =	vadd.f32 v36, v0;
	v1 =	vadd.f32 v37, v1  }
0x285: {  	v54 =	vld [tilespmem:$0xB670];
	v6 =	vadd.f32 v39, v6;
	v27 =	vmul.f32 v40, v60;
	v29 =	vmul.f32 v42, v60  }
0x286: {  	v56 =	vld [tilespmem:$0xB680];
	v7 =	vadd.f32 v22, v7;
	v36 =	vmul.f32 v52, v60;
	v37 =	vbroadcast v21, $0xE  }
0x287: {  	v58 =	vld [tilespmem:$0xB690];
	v3 =	vadd.f32 v41, v3;
	v4 =	vadd.f32 v43, v4;
	v25 =	vmul.f32 v38, v60  }
0x288: {  	v61 =	vld [tilespmem:$0xB6A0];
	v31 =	vmul.f32 v44, v60;
	v33 =	vmul.f32 v47, v60;
	v5 =	vadd.f32 v45, v5  }
0x289: {  	v28 =	vld [tilespmem:$0xB6C0];
	v34 =	vmul.f32 v49, v60;
	v2 =	vadd.f32 v48, v2;
	v0 =	vadd.f32 v50, v0  }
0x28a: {  	v30 =	vld [tilespmem:$0xB6D0];
	v44 =	vbroadcast v21, $0xF;
	v1 =	vadd.f32 v51, v1;
	v6 =	vadd.f32 v53, v6  }
0x28b: {  	v35 =	vld [tilespmem:$0xB6F0];
	v7 =	vadd.f32 v57, v7;
	v46 =	vmul.f32 v24, v37;
	v3 =	vadd.f32 v13, v3  }
0x28c: {  	v40 =	vld [tilespmem:$0xB710];
	v4 =	vadd.f32 v55, v4;
	v39 =	vmul.f32 v54, v60;
	v41 =	vmul.f32 v56, v37  }
0x28d: {  	v38 =	vld [tilespmem:$0xB700];
	v11 =	vmul.f32 v58, v37;
	v5 =	vadd.f32 v59, v5;
	v2 =	vadd.f32 v62, v2  }
0x28e: {  	v42 =	vld [tilespmem:$0xB720];
	v43 =	vmul.f32 v61, v37;
	v0 =	vadd.f32 v63, v0;
	v1 =	vadd.f32 v25, v1  }
0x28f: {  	v47 =	vld [tilespmem:$0xB740];
	v6 =	vadd.f32 v27, v6;
	v7 =	vadd.f32 v33, v7;
	v48 =	vmul.f32 v28, v37  }
0x290: {  	v32 =	vld [tilespmem:$0xB6E0];
	v51 =	vmul.f32 v30, v37;
	v58 =	vmul.f32 v35, v37;
	v3 =	vadd.f32 v29, v3  }
0x291: {  	v45 =	vld [tilespmem:$0xB730];
	v4 =	vadd.f32 v31, v4;
	v10 =	vmul.f32 v40, v44;
	v5 =	vadd.f32 v34, v5  }
0x292: {  	v50 =	vld [tilespmem:$0xB750];
	v2 =	vadd.f32 v36, v2;
	v1 =	vadd.f32 v41, v1;
	v49 =	vmul.f32 v38, v44  }
0x293: {  	v54 =	vld [tilespmem:$0xB770];
	v53 =	vmul.f32 v42, v44;
	v0 =	vadd.f32 v39, v0;
	v6 =	vadd.f32 v11, v6  }
0x294: {  	v52 =	vld [tilespmem:$0xB760];
	v7 =	vadd.f32 v48, v7;
	v57 =	vmul.f32 v47, v44;
	v1 =	vadd.f32 v49, v1  }
0x295: {  	v56 =	vmul.f32 v32, v37;
	v3 =	vadd.f32 v43, v3;
	v6 =	vadd.f32 v10, v6  }
0x296: {  	v4 =	vadd.f32 v46, v4;
	v55 =	vmul.f32 v45, v44;
	v60 =	vadd.f32 v57, v7;
	[tilespmem:$0xA780] =	vst v1  }
0x297: {  	v59 =	vmul.f32 v50, v44;
	v5 =	vadd.f32 v51, v5;
	v3 =	vadd.f32 v53, v3;
	[tilespmem:$0xA790] =	vst v6  }
0x298: {  	v0 =	vadd.f32 v58, v0;
	v63 =	vmul.f32 v54, v44;
	v4 =	vadd.f32 v55, v4;
	[tilespmem:$0xA7C0] =	vst v60  }
0x299: {  	s20 =	sadd.s32 $0x400, s20;
	v61 =	vmul.f32 v52, v44;
	v1 =	vadd.f32 v56, v2;
	v62 =	vadd.f32 v59, v5;
	[tilespmem:$0xA7A0] =	vst v3  }
0x29a: {  	p1 =	sne.s32 s20, $0x14000;
	v0 =	vadd.f32 v63, v0;
	[tilespmem:$0xA7B0] =	vst v4  }
.Ltmp0:
0x29b: {  	v1 =	vadd.f32 v61, v1;
	[tilespmem:$0xA7D0] =	vst v62;
	(pc) =	sbr.rel @p1 .LBB2_2-.Ltmp0, $4  }
0x29c: {  	[tilespmem:$0xA7F0] =	vst v0  }
0x29d: {  	[tilespmem:$0xA7E0] =	vst v1  }
0x29e: {  	[hbm4b:s19+s3] =	stream.linear.scatter [tilespmem:s14], [sflag:$0x4], $0x1080, $0x38;
	[tilespmem:$0x1F000] =	vst v63  }
0x29f: {  	s19 =	sadd.s32 $0x500, s19  }
0x2a0: {  	s18 =	sadd.s32 $0x1, s18  }
0x2a1: {  	_ =	swait.ge [sflag:s16], $0x1080;
	p1 =	sne.s32 s18, s6  }
.Ltmp1:
0x2a2: {  	[sflag:s16] =	ssyncset.done $0x0;
	(pc) =	sbr.rel @p1 .LBB2_1-.Ltmp1, $4  }
0x2a3: {  	[sflag:s16] =	ssyncadd.s32 $0xFFFFEF80  }
0x2a4: {  	_ =	swait.ge [sflag:s17], $0x1080  }
0x2a5: {  	[sflag:s17] =	ssyncset.done $0x0  }
0x2a6: {  	[sflag:s17] =	ssyncadd.s32 $0xFFFFEF80  }
0x2a7: {  	_ =	sfence.sel $0x180000  }
0x2a8: {  	[bflag:$0x0] =	sbarrier.arrive $0xFFFF  }
0x2a9: {  	_ =	strace $0x90000047  }
0x2aa: {  	s0 =	sadd.s32 @!p0 $0x100000, s0;
	[bflag:$0x2] =	sbarrier.arrive $0xFFFF  }
0x2ab: {  	[sflag:s0] =	ssyncadd.tile.s32 @!p0 $0x1;
	_ =	shalt  }
.Lfunc_end2:
_tile_overlayer_lowered:
.L_overlay_start_2:
0x2ac: {  	(tag) =	ssettag $0x2  }
0x2ad: {  	s0 =	rddreg [dreg:$0x0];
	s2 =	stileid.u32  }
0x2ae: {  	s1 =	rddreg [dreg:$0x1];
	p0 =	sne.s32 s2, $0x0  }
0x2af: {  	s3 =	rddreg [dreg:$0x2];
	[bflag:$0x3] =	sbarrier.arrive $0xFFFF;
	s2 =	simm.s32 @!p0 $0x1C05  }
0x2b0: {  	[timem:s3], [sflag:s2] =	dma.local @!p0 [hbm:s0], s1  }
0x2b1: {  	s0 =	simm.s32 @!p0 $0x5  }
0x2b2: {  	_ =	swait.ge @!p0 [sflag:s0], s1  }
0x2b3: {  	s1 =	ssub.s32 @!p0 $0x0, s1;
	[sflag:s0] =	ssyncset.done @!p0 $0x0  }
0x2b4: {  	[sflag:s0] =	ssyncadd.s32 @!p0 s1  }
0x2b5: {  	[bflag:$0x3] =	sbarrier.arrive $0xFFFF  }
0x2b6: {  	_ =	shalt  }

</sc_bundles>
